<compile_context>
chip_gen: v7x
topology: tpu7x:2x2x1
jax: 0.10.2.dev20260603
libtpu: 0.0.44.dev20260713+nightly
codegen_flags: <defaults>
</compile_context>

<pallas_src>
import functools

import jax
import jax.numpy as jnp
from jax import lax
from jax.experimental import pallas as pl
from jax.experimental.pallas import tpu as pltpu
from jax.experimental.pallas import tpu_sc as plsc

_N_U = 25000
_N_I = 25000
_N_ALL = _N_U + _N_I
_D = 128
_B = 1024
_NT = 32
_CH1 = 2560
_CH23 = 1792
_E1P = 409600
_E23P = 114688
_CPT1 = _E1P // (_NT * _CH1)
_CPT23 = _E23P // (_NT * _CH23)
_CAP = _E1P // _NT + 96
_SM = 50048


def _tc1_body(ue_ref, ie_ref, wtui, wiui, bui, wtuu, wiuu, buu, wtii, wiii,
              bii, yui_ref, yown_ref):
    isu = pl.program_id(0) < 25
    x = jnp.where(isu, ue_ref[...], ie_ref[...])
    sq = x * x
    yui_ref[...] = (jnp.dot(x, wtui[...], preferred_element_type=jnp.float32)
                    + jnp.dot(sq, wiui[...], preferred_element_type=jnp.float32)
                    + bui[...])
    wt = jnp.where(isu, wtuu[...], wtii[...])
    wi = jnp.where(isu, wiuu[...], wiii[...])
    b = jnp.where(isu, buu[...], bii[...])
    yown_ref[...] = (jnp.dot(x, wt, preferred_element_type=jnp.float32)
                     + jnp.dot(sq, wi, preferred_element_type=jnp.float32)
                     + b)


def _run_tc1(ue, ie, wtui, wiui, bui, wtuu, wiuu, buu, wtii, wiii, bii):
    rows = 1000
    nb = _N_U // rows
    wspec = pl.BlockSpec((_D, _D), lambda i: (0, 0))
    bspec = pl.BlockSpec((1, _D), lambda i: (0, 0))
    uspec = pl.BlockSpec((rows, _D), lambda i: (jnp.minimum(i, nb - 1), 0))
    ispec = pl.BlockSpec((rows, _D),
                         lambda i: (jnp.maximum(i - nb, 0), 0))
    ospec = pl.BlockSpec((rows, _D), lambda i: (i, 0))
    return pl.pallas_call(
        _tc1_body,
        grid=(_N_ALL // rows,),
        in_specs=[uspec, ispec, wspec, wspec, bspec, wspec, wspec, bspec,
                  wspec, wspec, bspec],
        out_specs=[ospec, ospec],
        out_shape=[jax.ShapeDtypeStruct((_N_ALL, _D), jnp.float32),
                   jax.ShapeDtypeStruct((_N_ALL, _D), jnp.float32)],
    )(ue, ie, wtui, wiui, bui, wtuu, wiuu, buu, wtii, wiii, bii)


def _sc_body_impl(yui, yown, uidx_h, iidx_h, ue_h, ie_h,
                  d1, s1, v1, d2, s2, v2, d3, s3, v3,
                  sq_o, ueq_o, ieq_o,
                  slotmap, qidx, chd, chs, chv, cslot, csrc, cval, rows,
                  zrows, vbuf, acc):
    c = lax.axis_index("c")
    s = lax.axis_index("s")
    wid = s * 2 + c
    iota = lax.broadcasted_iota(jnp.int32, (16,), 0)
    zero16 = jnp.zeros((16,), jnp.int32)
    zero16f = jnp.zeros((16,), jnp.float32)

    pltpu.sync_copy(uidx_h, qidx.at[pl.ds(0, _B)])
    pltpu.sync_copy(iidx_h, qidx.at[pl.ds(_B, _B)])
    for i in range(16):
        for j in range(_D // 16):
            zrows[i, pl.ds(j * 16, 16)] = zero16f

    def gath_embed(src_h, out_h, qoff):
        def g(i, _):
            qb = wid * 32 + i * 16
            idx16 = qidx[pl.ds(qoff + qb, 16)]
            pltpu.sync_copy(src_h.at[idx16], rows)
            pltpu.sync_copy(rows, out_h.at[pl.ds(qb, 16)])
            return 0
        lax.fori_loop(0, 2, g, 0)
    gath_embed(ue_h, ueq_o, 0)
    gath_embed(ie_h, ieq_o, _B)

    def do_rel(dh, sh, vh, ch, cpt, y_h, soff, nn, scat_list, out_list):
        minus1 = jnp.full((16,), -1, jnp.int32)
        def fill(g, _):
            slotmap[pl.ds(g * 64, 16)] = minus1
            slotmap[pl.ds(g * 64 + 16, 16)] = minus1
            slotmap[pl.ds(g * 64 + 32, 16)] = minus1
            slotmap[pl.ds(g * 64 + 48, 16)] = minus1
            return 0
        lax.fori_loop(0, (nn + 63) // 64, fill, 0)
        for (qoff, noff, sbase) in scat_list:
            def scat(g, _):
                node16 = qidx[pl.ds(qoff + g * 16, 16)] + noff
                plsc.store_scatter(slotmap, [node16], iota + (g * 16 + sbase))
                return 0
            lax.fori_loop(0, _B // 16, scat, 0)
        plsc.subcore_barrier()
        def zero(i, _):
            pltpu.sync_copy(zrows, acc.at[pl.ds(s * 128 + i * 16, 16)])
            return 0
        lax.fori_loop(0, 8, zero, 0)
        plsc.subcore_barrier()
        def chunk(cidx, cnt):
            base = (wid * cpt + cidx) * ch
            pltpu.sync_copy(dh.at[pl.ds(base, ch)], chd.at[pl.ds(0, ch)])
            pltpu.sync_copy(sh.at[pl.ds(base, ch)], chs.at[pl.ds(0, ch)])
            pltpu.sync_copy(vh.at[pl.ds(base, ch)], chv.at[pl.ds(0, ch)])
            def sub16(off, cnt):
                d16 = chd[pl.ds(off, 16)]
                sl16 = plsc.load_gather(slotmap, [d16])
                m = sl16 >= 0
                n = jnp.sum(jnp.where(m, 1, 0))
                @pl.when(n > 0)
                def _():
                    plsc.store_compressed(cslot.at[pl.ds(cnt, 16)], sl16,
                                          mask=m)
                    plsc.store_compressed(csrc.at[pl.ds(cnt, 16)],
                                          chs[pl.ds(off, 16)] + soff,
                                          mask=m)
                    plsc.store_compressed(cval.at[pl.ds(cnt, 16)],
                                          chv[pl.ds(off, 16)], mask=m)
                return cnt + n
            def grp2(g, cnt):
                cnt = sub16(g * 32, cnt)
                return sub16(g * 32 + 16, cnt)
            return lax.fori_loop(0, ch // 32, grp2, cnt)
        cnt = lax.fori_loop(0, cpt, chunk, jnp.int32(0))
        cslot[pl.ds(cnt, 16)] = zero16
        csrc[pl.ds(cnt, 16)] = zero16
        cval[pl.ds(cnt, 16)] = zero16f
        def pg(g, _):
            sl16 = cslot[pl.ds(g * 16, 16)]
            sr16 = csrc[pl.ds(g * 16, 16)]
            vbuf[...] = cval[pl.ds(g * 16, 16)]
            pltpu.sync_copy(y_h.at[sr16], rows)
            def rr(r, _):
                vr = plsc.load_gather(vbuf, [jnp.broadcast_to(r, (16,))])
                def ccf(j, _):
                    rows[r, pl.ds(j * 16, 16)] = rows[r, pl.ds(j * 16, 16)] * vr
                    return 0
                lax.fori_loop(0, _D // 16, ccf, 0)
                return 0
            lax.fori_loop(0, 16, rr, 0)
            pltpu.sync_copy(rows, acc.at[sl16], add=True)
            return 0
        lax.fori_loop(0, (cnt + 15) // 16, pg, 0)
        plsc.subcore_barrier()
        for (plane, qoff, noff) in out_list:
            def og(i, _):
                qb = s * 64 + i * 16
                node16 = qidx[pl.ds(qoff + qb, 16)] + noff
                sl16 = plsc.load_gather(slotmap, [node16])
                pltpu.sync_copy(acc.at[sl16], rows)
                pltpu.sync_copy(rows, sq_o.at[plane * 2 + c, pl.ds(qb, 16)])
                return 0
            lax.fori_loop(0, 4, og, 0)

    do_rel(d2, s2, v2, _CH23, _CPT23, yown, 0, _N_U,
           [(0, 0, 0)], [(0, 0, 0)])
    do_rel(d3, s3, v3, _CH23, _CPT23, yown, _N_U, _N_I,
           [(_B, 0, 0)], [(2, _B, 0)])
    do_rel(d1, s1, v1, _CH1, _CPT1, yui, 0, _N_ALL,
           [(0, 0, 0), (_B, _N_U, _B)], [(1, 0, 0), (3, _B, _N_U)])


def _run_sc(yui, yown, uidx, iidx, ue, ie,
            d1, s1, v1, d2, s2, v2, d3, s3, v3):
    mesh = plsc.VectorSubcoreMesh(core_axis_name="c", subcore_axis_name="s")
    f = pl.kernel(
        _sc_body_impl,
        out_type=[jax.ShapeDtypeStruct((8, _B, _D), jnp.float32),
                  jax.ShapeDtypeStruct((_B, _D), jnp.float32),
                  jax.ShapeDtypeStruct((_B, _D), jnp.float32)],
        mesh=mesh,
        compiler_params=pltpu.CompilerParams(needs_layout_passes=False),
        scratch_types=[
            pltpu.VMEM((_SM,), jnp.int32),
            pltpu.VMEM((2 * _B,), jnp.int32),
            pltpu.VMEM((_CH1,), jnp.int32),
            pltpu.VMEM((_CH1,), jnp.int32),
            pltpu.VMEM((_CH1,), jnp.float32),
            pltpu.VMEM((_CAP,), jnp.int32),
            pltpu.VMEM((_CAP,), jnp.int32),
            pltpu.VMEM((_CAP,), jnp.float32),
            pltpu.VMEM((16, _D), jnp.float32),
            pltpu.VMEM((16, _D), jnp.float32),
            pltpu.VMEM((16,), jnp.float32),
            pltpu.VMEM_SHARED((2 * _B, _D), jnp.float32),
        ],
    )
    return f(yui, yown, uidx, iidx, ue, ie,
             d1, s1, v1, d2, s2, v2, d3, s3, v3)


def _tc2_body(sq_ref, ueq_ref, ieq_ref, wtuu, btuu, wtui, btui, wtii, btii,
              uW1, ub1, uw2, iW1, ib1, iw2, out_ref):
    ueq = ueq_ref[...]
    ieq = ieq_ref[...]
    dot = lambda a, b: jnp.dot(a, b, preferred_element_type=jnp.float32)
    t_uu = dot(ueq, wtuu[...]) + btuu[...]
    t_uiu = dot(ueq, wtui[...]) + btui[...]
    t_ii = dot(ieq, wtii[...]) + btii[...]
    t_uii = dot(ieq, wtui[...]) + btui[...]
    zu1 = sq_ref[0] + sq_ref[1] + t_uu
    zu2 = sq_ref[2] + sq_ref[3] + t_uiu
    zi1 = sq_ref[4] + sq_ref[5] + t_ii
    zi2 = sq_ref[6] + sq_ref[7] + t_uii

    def att(z1, z2, W1, b1, w2):
        w1s = jnp.sum(jnp.tanh(dot(z1, W1) + b1) * w2, axis=1, keepdims=True)
        w2s = jnp.sum(jnp.tanh(dot(z2, W1) + b1) * w2, axis=1, keepdims=True)
        m = jnp.maximum(w1s, w2s)
        e1 = jnp.exp(w1s - m)
        e2 = jnp.exp(w2s - m)
        beta = e1 / (e1 + e2)
        zn = beta * z1 + (1.0 - beta) * z2
        return jnp.where(zn >= 0, zn, 0.01 * zn)

    un = att(zu1, zu2, uW1[...], ub1[...], uw2[...])
    iw = att(zi1, zi2, iW1[...], ib1[...], iw2[...])
    pred = jnp.sum(ueq * ieq + un * iw, axis=1, keepdims=True)
    out_ref[...] = jnp.broadcast_to(pred, (_B, _D))


def _run_tc2(sq, ueq, ieq, wtuu, btuu, wtui, btui, wtii, btii,
             uW1, ub1, uw2, iW1, ib1, iw2):
    return pl.pallas_call(
        _tc2_body,
        out_shape=jax.ShapeDtypeStruct((_B, _D), jnp.float32),
    )(sq, ueq, ieq, wtuu, btuu, wtui, btui, wtii, btii,
      uW1, ub1, uw2, iW1, ib1, iw2)


def kernel(userIdx, itemIdx, ui_edge_index, ui_edge_val, uu_edge_index,
           uu_edge_val, ii_edge_index, ii_edge_val, uEmbd, iEmbd, Wt_ui,
           bt_ui, Wi_ui, bi_ui, Wt_uu, bt_uu, Wi_uu, bi_uu, Wt_ii, bt_ii,
           Wi_ii, bi_ii, uW1, ub1, uw2, iW1, ib1, iw2):
    f32 = jnp.float32
    i32 = jnp.int32

    def prep(ei, val, pad_to):
        e = val.shape[0]
        dst = jnp.concatenate([ei[0].astype(i32),
                               jnp.zeros((pad_to - e,), i32)])
        src = jnp.concatenate([ei[1].astype(i32),
                               jnp.zeros((pad_to - e,), i32)])
        v = jnp.concatenate([val.astype(f32), jnp.zeros((pad_to - e,), f32)])
        return dst, src, v

    d1, s1, v1 = prep(ui_edge_index, ui_edge_val, _E1P)
    d2, s2, v2 = prep(uu_edge_index, uu_edge_val, _E23P)
    d3, s3, v3 = prep(ii_edge_index, ii_edge_val, _E23P)

    ue = uEmbd.astype(f32)
    ie = iEmbd.astype(f32)
    r1 = lambda b: b.reshape(1, _D).astype(f32)
    yui, yown = _run_tc1(ue, ie, Wt_ui.astype(f32), Wi_ui.astype(f32),
                         r1(bt_ui + bi_ui), Wt_uu.astype(f32),
                         Wi_uu.astype(f32), r1(bt_uu + bi_uu),
                         Wt_ii.astype(f32), Wi_ii.astype(f32),
                         r1(bt_ii + bi_ii))

    sq, ueq, ieq = _run_sc(yui, yown, userIdx.astype(i32),
                           itemIdx.astype(i32), ue, ie, d1, s1, v1, d2, s2,
                           v2, d3, s3, v3)

    out = _run_tc2(sq, ueq, ieq, Wt_uu.astype(f32), r1(bt_uu),
                   Wt_ui.astype(f32), r1(bt_ui), Wt_ii.astype(f32),
                   r1(bt_ii), uW1.astype(f32), ub1.reshape(1, 32).astype(f32),
                   uw2.reshape(1, 32).astype(f32), iW1.astype(f32),
                   ib1.reshape(1, 32).astype(f32),
                   iw2.reshape(1, 32).astype(f32))
    return out[:, 0]

# --- scband reference (transcript-rebuilt; emitter-appended) ---
"""Pipeline reference for scband-nhgcf-65910568124541 (READ-ONLY COPY).

The authoritative reference and input builder live on the scoring server;
editing this copy changes nothing except your own understanding.
"""

import jax, jax.numpy as jnp
import numpy as np

N_U = 25000
N_I = 25000
D = 128
H = 32
E_UI = 400000
E_UU = 100000
E_II = 100000
B = 1024

def setup_inputs(seed: int = 0):
    key = jax.random.key(seed)
    ks = jax.random.split(key, 30)
    s = 1.0 / np.sqrt(D)
    inp = {}
    inp["userIdx"] = jax.random.randint(ks[0], (B,), 0, N_U)
    inp["itemIdx"] = jax.random.randint(ks[1], (B,), 0, N_I)
    inp["ui_edge_index"] = jax.random.randint(ks[2], (2, E_UI), 0, N_U + N_I)
    inp["ui_edge_val"] = jax.random.uniform(ks[3], (E_UI,)) / 16.0
    inp["uu_edge_index"] = jax.random.randint(ks[4], (2, E_UU), 0, N_U)
    inp["uu_edge_val"] = jax.random.uniform(ks[5], (E_UU,)) / 4.0
    inp["ii_edge_index"] = jax.random.randint(ks[6], (2, E_II), 0, N_I)
    inp["ii_edge_val"] = jax.random.uniform(ks[7], (E_II,)) / 4.0
    inp["uEmbd"] = jax.random.normal(ks[8], (N_U, D)) * 0.1
    inp["iEmbd"] = jax.random.normal(ks[9], (N_I, D)) * 0.1
    k = 10
    for nm in ["ui", "uu", "ii"]:
        inp["Wt_" + nm] = jax.random.uniform(ks[k], (D, D), minval=-s, maxval=s); k += 1
        inp["bt_" + nm] = jax.random.uniform(ks[k], (D,), minval=-s, maxval=s); k += 1
        inp["Wi_" + nm] = jax.random.uniform(ks[k], (D, D), minval=-s, maxval=s); k += 1
        inp["bi_" + nm] = jax.random.uniform(ks[k], (D,), minval=-s, maxval=s); k += 1
    sh = 1.0 / np.sqrt(H)
    for nm in ["u", "i"]:
        inp[nm + "W1"] = jax.random.uniform(ks[k], (D, H), minval=-s, maxval=s); k += 1
        inp[nm + "b1"] = jax.random.uniform(ks[k], (H,), minval=-s, maxval=s); k += 1
        inp[nm + "w2"] = jax.random.uniform(ks[k], (H, 1), minval=-sh, maxval=sh); k += 1
    return inp

def reference(userIdx, itemIdx, ui_edge_index, ui_edge_val, uu_edge_index, uu_edge_val, ii_edge_index, ii_edge_val, uEmbd, iEmbd, Wt_ui, bt_ui, Wi_ui, bi_ui, Wt_uu, bt_uu, Wi_uu, bi_uu, Wt_ii, bt_ii, Wi_ii, bi_ii, uW1, ub1, uw2, iW1, ib1, iw2):
    def spmm(ei, val, X, n):
        # sparse.mm(L, X): rows = ei[0] (dst), cols = ei[1] (src)
        return jax.ops.segment_sum(X[ei[1]] * val[:, None], ei[0], num_segments=n)

    def gcn_cell(ei, val, X, Wt, bt, Wi, bi, n):
        # inter_part1 = (L + I) @ Transform(X); inter_part2 = L @ InterAct(X*X)
        t = X @ Wt + bt
        p1 = spmm(ei, val, t, n) + t
        ia = (X * X) @ Wi + bi
        p2 = spmm(ei, val, ia, n)
        return p1 + p2

    def rel_att(z, W1, b1, w2):
        # z: [N, R, D]
        w = jnp.tanh(z @ W1 + b1) @ w2
        beta = jax.nn.softmax(w, axis=1)
        return (beta * z).sum(axis=1)

    u_feat = uEmbd
    i_feat = iEmbd
    # u2e relation (self-interact tag True -> operates on u_feat only)
    u_list = [gcn_cell(uu_edge_index, uu_edge_val, u_feat, Wt_uu, bt_uu, Wi_uu, bi_uu, N_U)]
    # i2e relation
    i_list = [gcn_cell(ii_edge_index, ii_edge_val, i_feat, Wt_ii, bt_ii, Wi_ii, bi_ii, N_I)]
    # u2i bipartite relation over concatenated features
    temp = gcn_cell(ui_edge_index, ui_edge_val, jnp.concatenate([u_feat, i_feat], axis=0), Wt_ui, bt_ui, Wi_ui, bi_ui, N_U + N_I)
    u_list.append(temp[:N_U])
    i_list.append(temp[N_U:])
    u_new = rel_att(jnp.stack(u_list, axis=1), uW1, ub1, uw2)
    i_new = rel_att(jnp.stack(i_list, axis=1), iW1, ib1, iw2)
    u_new = jax.nn.leaky_relu(u_new, negative_slope=0.01)
    i_new = jax.nn.leaky_relu(i_new, negative_slope=0.01)
    u_final = jnp.concatenate([uEmbd, u_new], axis=1)
    i_final = jnp.concatenate([iEmbd, i_new], axis=1)
    pred = jnp.sum(u_final[userIdx] * i_final[itemIdx], axis=-1)
    return pred

if __name__ == "__main__":
    import jax
    _d = setup_inputs()
    print(jax.jit(kernel)(*tuple(_d.values())))

</pallas_src>

<mosaic_0001>
#map = affine_map<(d0, d1) -> (0, 0)>
#map1 = affine_map<(d0, d1) -> (0)>
#map2 = affine_map<(d0, d1) -> (0, 0, 0)>
module attributes {stable_mosaic.version = 14 : i64} {
  func.func @_sc_body_impl(%arg0: i32, %arg1: i32, %arg2: memref<50000x128xf32, #tpu.memory_space<hbm>>, %arg3: memref<50000x128xf32, #tpu.memory_space<hbm>>, %arg4: memref<1024xi32, #tpu.memory_space<hbm>>, %arg5: memref<1024xi32, #tpu.memory_space<hbm>>, %arg6: memref<25000x128xf32, #tpu.memory_space<hbm>>, %arg7: memref<25000x128xf32, #tpu.memory_space<hbm>>, %arg8: memref<409600xi32, #tpu.memory_space<hbm>>, %arg9: memref<409600xi32, #tpu.memory_space<hbm>>, %arg10: memref<409600xf32, #tpu.memory_space<hbm>>, %arg11: memref<114688xi32, #tpu.memory_space<hbm>>, %arg12: memref<114688xi32, #tpu.memory_space<hbm>>, %arg13: memref<114688xf32, #tpu.memory_space<hbm>>, %arg14: memref<114688xi32, #tpu.memory_space<hbm>>, %arg15: memref<114688xi32, #tpu.memory_space<hbm>>, %arg16: memref<114688xf32, #tpu.memory_space<hbm>>, %arg17: memref<8x1024x128xf32, #tpu.memory_space<hbm>>, %arg18: memref<1024x128xf32, #tpu.memory_space<hbm>>, %arg19: memref<1024x128xf32, #tpu.memory_space<hbm>>, %arg20: memref<50048xi32, #tpu.memory_space<vmem>>, %arg21: memref<2048xi32, #tpu.memory_space<vmem>>, %arg22: memref<2560xi32, #tpu.memory_space<vmem>>, %arg23: memref<2560xi32, #tpu.memory_space<vmem>>, %arg24: memref<2560xf32, #tpu.memory_space<vmem>>, %arg25: memref<12896xi32, #tpu.memory_space<vmem>>, %arg26: memref<12896xi32, #tpu.memory_space<vmem>>, %arg27: memref<12896xf32, #tpu.memory_space<vmem>>, %arg28: memref<16x128xf32, #tpu.memory_space<vmem>>, %arg29: memref<16x128xf32, #tpu.memory_space<vmem>>, %arg30: memref<16xf32, #tpu.memory_space<vmem>>, %arg31: memref<2048x128xf32, #tpu.memory_space<vmem_shared>>) attributes {dimension_semantics = [#tpu.dimension_semantics<core_parallel>, #tpu.dimension_semantics<subcore_parallel>], iteration_bounds = array<i64: 2, 16>, scalar_prefetch = 0 : i64, scratch_operands = 12 : i64, tpu.core_type = #tpu.core_type<sc_vector_subcore>, window_params = [{transform_indices = #map}, {transform_indices = #map}, {transform_indices = #map1}, {transform_indices = #map1}, {transform_indices = #map}, {transform_indices = #map}, {transform_indices = #map1}, {transform_indices = #map1}, {transform_indices = #map1}, {transform_indices = #map1}, {transform_indices = #map1}, {transform_indices = #map1}, {transform_indices = #map1}, {transform_indices = #map1}, {transform_indices = #map1}, {transform_indices = #map2}, {transform_indices = #map}, {transform_indices = #map}]} {
    %mul3A = arith.constant 2 : i32
    %mul3A_0 = arith.muli %arg1, %mul3A : i32
    %add3A = arith.addi %mul3A_0, %arg0 : i32
    %iota3A = tpu.iota {dimensions = array<i32: 0>} : vector<16xi32>
    %broadcast_in_dim3A = arith.constant 0 : i32
    %broadcast_in_dim3A_1 = vector.broadcast %broadcast_in_dim3A : i32 to vector<16xi32>
    %broadcast_in_dim3A_2 = arith.constant 0.000000e+00 : f32
    %broadcast_in_dim3A_3 = vector.broadcast %broadcast_in_dim3A_2 : f32 to vector<16xf32>
    "tpu.region"() ({
      %run_scoped3A = tpu.sem_alloc : memref<!tpu.dma_semaphore, #tpu.memory_space<semaphore_mem>>
      %dma_start3A = arith.constant 0 : i32
      %dma_start3A_784 = tpu.memref_slice %arg21[%dma_start3A] : memref<2048xi32, #tpu.memory_space<vmem>> -> memref<1024xi32, #tpu.memory_space<vmem>>
      %dma_start3A_785 = arith.constant 0 : i32
      %dma_start3A_786 = tpu.memref_slice %arg21[%dma_start3A_785] : memref<2048xi32, #tpu.memory_space<vmem>> -> memref<1024xi32, #tpu.memory_space<vmem>>
      tpu.enqueue_dma source(%arg4 : memref<1024xi32, #tpu.memory_space<hbm>>) target(%dma_start3A_786 : memref<1024xi32, #tpu.memory_space<vmem>>) target_semaphore(%run_scoped3A : memref<!tpu.dma_semaphore, #tpu.memory_space<semaphore_mem>>)
      %dma_wait3A = arith.constant 0 : i32
      %dma_wait3A_787 = tpu.memref_slice %arg21[%dma_wait3A] : memref<2048xi32, #tpu.memory_space<vmem>> -> memref<1024xi32, #tpu.memory_space<vmem>>
      %dma_wait3A_788 = arith.constant 0 : i32
      %dma_wait3A_789 = tpu.memref_slice %arg21[%dma_wait3A_788] : memref<2048xi32, #tpu.memory_space<vmem>> -> memref<1024xi32, #tpu.memory_space<vmem>>
      tpu.wait_dma2 semaphore(%run_scoped3A : memref<!tpu.dma_semaphore, #tpu.memory_space<semaphore_mem>>) src(%arg4 : memref<1024xi32, #tpu.memory_space<hbm>>) dst(%dma_wait3A_789 : memref<1024xi32, #tpu.memory_space<vmem>>)
      tpu.yield
    }) : () -> ()
    "tpu.region"() ({
      %run_scoped3A = tpu.sem_alloc : memref<!tpu.dma_semaphore, #tpu.memory_space<semaphore_mem>>
      %dma_start3A = arith.constant 1024 : i32
      %dma_start3A_784 = tpu.memref_slice %arg21[%dma_start3A] : memref<2048xi32, #tpu.memory_space<vmem>> -> memref<1024xi32, #tpu.memory_space<vmem>>
      %dma_start3A_785 = arith.constant 1024 : i32
      %dma_start3A_786 = tpu.memref_slice %arg21[%dma_start3A_785] : memref<2048xi32, #tpu.memory_space<vmem>> -> memref<1024xi32, #tpu.memory_space<vmem>>
      tpu.enqueue_dma source(%arg5 : memref<1024xi32, #tpu.memory_space<hbm>>) target(%dma_start3A_786 : memref<1024xi32, #tpu.memory_space<vmem>>) target_semaphore(%run_scoped3A : memref<!tpu.dma_semaphore, #tpu.memory_space<semaphore_mem>>)
      %dma_wait3A = arith.constant 1024 : i32
      %dma_wait3A_787 = tpu.memref_slice %arg21[%dma_wait3A] : memref<2048xi32, #tpu.memory_space<vmem>> -> memref<1024xi32, #tpu.memory_space<vmem>>
      %dma_wait3A_788 = arith.constant 1024 : i32
      %dma_wait3A_789 = tpu.memref_slice %arg21[%dma_wait3A_788] : memref<2048xi32, #tpu.memory_space<vmem>> -> memref<1024xi32, #tpu.memory_space<vmem>>
      tpu.wait_dma2 semaphore(%run_scoped3A : memref<!tpu.dma_semaphore, #tpu.memory_space<semaphore_mem>>) src(%arg5 : memref<1024xi32, #tpu.memory_space<hbm>>) dst(%dma_wait3A_789 : memref<1024xi32, #tpu.memory_space<vmem>>)
      tpu.yield
    }) : () -> ()
    %swap3A = arith.constant 0 : i32
    %swap3A_4 = arith.index_cast %swap3A : i32 to index
    %swap3A_5 = arith.constant 0 : index
    %swap3A_6 = tpu.vector_load %arg29[%swap3A_4, %swap3A_5] {strides = array<i32>} : memref<16x128xf32, #tpu.memory_space<vmem>>, vector<16xf32>,
    tpu.vector_store %arg29[%swap3A_4, %swap3A_5], %broadcast_in_dim3A_3 {strides = array<i32>} : memref<16x128xf32, #tpu.memory_space<vmem>>, vector<16xf32>,
    %swap3A_7 = arith.constant 0 : i32
    %swap3A_8 = arith.index_cast %swap3A_7 : i32 to index
    %swap3A_9 = arith.constant 16 : index
    %swap3A_10 = tpu.vector_load %arg29[%swap3A_8, %swap3A_9] {strides = array<i32>} : memref<16x128xf32, #tpu.memory_space<vmem>>, vector<16xf32>,
    tpu.vector_store %arg29[%swap3A_8, %swap3A_9], %broadcast_in_dim3A_3 {strides = array<i32>} : memref<16x128xf32, #tpu.memory_space<vmem>>, vector<16xf32>,
    %swap3A_11 = arith.constant 0 : i32
    %swap3A_12 = arith.index_cast %swap3A_11 : i32 to index
    %swap3A_13 = arith.constant 32 : index
    %swap3A_14 = tpu.vector_load %arg29[%swap3A_12, %swap3A_13] {strides = array<i32>} : memref<16x128xf32, #tpu.memory_space<vmem>>, vector<16xf32>,
    tpu.vector_store %arg29[%swap3A_12, %swap3A_13], %broadcast_in_dim3A_3 {strides = array<i32>} : memref<16x128xf32, #tpu.memory_space<vmem>>, vector<16xf32>,
    %swap3A_15 = arith.constant 0 : i32
    %swap3A_16 = arith.index_cast %swap3A_15 : i32 to index
    %swap3A_17 = arith.constant 48 : index
    %swap3A_18 = tpu.vector_load %arg29[%swap3A_16, %swap3A_17] {strides = array<i32>} : memref<16x128xf32, #tpu.memory_space<vmem>>, vector<16xf32>,
    tpu.vector_store %arg29[%swap3A_16, %swap3A_17], %broadcast_in_dim3A_3 {strides = array<i32>} : memref<16x128xf32, #tpu.memory_space<vmem>>, vector<16xf32>,
    %swap3A_19 = arith.constant 0 : i32
    %swap3A_20 = arith.index_cast %swap3A_19 : i32 to index
    %swap3A_21 = arith.constant 64 : index
    %swap3A_22 = tpu.vector_load %arg29[%swap3A_20, %swap3A_21] {strides = array<i32>} : memref<16x128xf32, #tpu.memory_space<vmem>>, vector<16xf32>,
    tpu.vector_store %arg29[%swap3A_20, %swap3A_21], %broadcast_in_dim3A_3 {strides = array<i32>} : memref<16x128xf32, #tpu.memory_space<vmem>>, vector<16xf32>,
    %swap3A_23 = arith.constant 0 : i32
    %swap3A_24 = arith.index_cast %swap3A_23 : i32 to index
    %swap3A_25 = arith.constant 80 : index
    %swap3A_26 = tpu.vector_load %arg29[%swap3A_24, %swap3A_25] {strides = array<i32>} : memref<16x128xf32, #tpu.memory_space<vmem>>, vector<16xf32>,
    tpu.vector_store %arg29[%swap3A_24, %swap3A_25], %broadcast_in_dim3A_3 {strides = array<i32>} : memref<16x128xf32, #tpu.memory_space<vmem>>, vector<16xf32>,
    %swap3A_27 = arith.constant 0 : i32
    %swap3A_28 = arith.index_cast %swap3A_27 : i32 to index
    %swap3A_29 = arith.constant 96 : index
    %swap3A_30 = tpu.vector_load %arg29[%swap3A_28, %swap3A_29] {strides = array<i32>} : memref<16x128xf32, #tpu.memory_space<vmem>>, vector<16xf32>,
    tpu.vector_store %arg29[%swap3A_28, %swap3A_29], %broadcast_in_dim3A_3 {strides = array<i32>} : memref<16x128xf32, #tpu.memory_space<vmem>>, vector<16xf32>,
    %swap3A_31 = arith.constant 0 : i32
    %swap3A_32 = arith.index_cast %swap3A_31 : i32 to index
    %swap3A_33 = arith.constant 112 : index
    %swap3A_34 = tpu.vector_load %arg29[%swap3A_32, %swap3A_33] {strides = array<i32>} : memref<16x128xf32, #tpu.memory_space<vmem>>, vector<16xf32>,
    tpu.vector_store %arg29[%swap3A_32, %swap3A_33], %broadcast_in_dim3A_3 {strides = array<i32>} : memref<16x128xf32, #tpu.memory_space<vmem>>, vector<16xf32>,
    %swap3A_35 = arith.constant 1 : i32
    %swap3A_36 = arith.index_cast %swap3A_35 : i32 to index
    %swap3A_37 = arith.constant 0 : index
    %swap3A_38 = tpu.vector_load %arg29[%swap3A_36, %swap3A_37] {strides = array<i32>} : memref<16x128xf32, #tpu.memory_space<vmem>>, vector<16xf32>,
    tpu.vector_store %arg29[%swap3A_36, %swap3A_37], %broadcast_in_dim3A_3 {strides = array<i32>} : memref<16x128xf32, #tpu.memory_space<vmem>>, vector<16xf32>,
    %swap3A_39 = arith.constant 1 : i32
    %swap3A_40 = arith.index_cast %swap3A_39 : i32 to index
    %swap3A_41 = arith.constant 16 : index
    %swap3A_42 = tpu.vector_load %arg29[%swap3A_40, %swap3A_41] {strides = array<i32>} : memref<16x128xf32, #tpu.memory_space<vmem>>, vector<16xf32>,
    tpu.vector_store %arg29[%swap3A_40, %swap3A_41], %broadcast_in_dim3A_3 {strides = array<i32>} : memref<16x128xf32, #tpu.memory_space<vmem>>, vector<16xf32>,
    %swap3A_43 = arith.constant 1 : i32
    %swap3A_44 = arith.index_cast %swap3A_43 : i32 to index
    %swap3A_45 = arith.constant 32 : index
    %swap3A_46 = tpu.vector_load %arg29[%swap3A_44, %swap3A_45] {strides = array<i32>} : memref<16x128xf32, #tpu.memory_space<vmem>>, vector<16xf32>,
    tpu.vector_store %arg29[%swap3A_44, %swap3A_45], %broadcast_in_dim3A_3 {strides = array<i32>} : memref<16x128xf32, #tpu.memory_space<vmem>>, vector<16xf32>,
    %swap3A_47 = arith.constant 1 : i32
    %swap3A_48 = arith.index_cast %swap3A_47 : i32 to index
    %swap3A_49 = arith.constant 48 : index
    %swap3A_50 = tpu.vector_load %arg29[%swap3A_48, %swap3A_49] {strides = array<i32>} : memref<16x128xf32, #tpu.memory_space<vmem>>, vector<16xf32>,
    tpu.vector_store %arg29[%swap3A_48, %swap3A_49], %broadcast_in_dim3A_3 {strides = array<i32>} : memref<16x128xf32, #tpu.memory_space<vmem>>, vector<16xf32>,
    %swap3A_51 = arith.constant 1 : i32
    %swap3A_52 = arith.index_cast %swap3A_51 : i32 to index
    %swap3A_53 = arith.constant 64 : index
    %swap3A_54 = tpu.vector_load %arg29[%swap3A_52, %swap3A_53] {strides = array<i32>} : memref<16x128xf32, #tpu.memory_space<vmem>>, vector<16xf32>,
    tpu.vector_store %arg29[%swap3A_52, %swap3A_53], %broadcast_in_dim3A_3 {strides = array<i32>} : memref<16x128xf32, #tpu.memory_space<vmem>>, vector<16xf32>,
    %swap3A_55 = arith.constant 1 : i32
    %swap3A_56 = arith.index_cast %swap3A_55 : i32 to index
    %swap3A_57 = arith.constant 80 : index
    %swap3A_58 = tpu.vector_load %arg29[%swap3A_56, %swap3A_57] {strides = array<i32>} : memref<16x128xf32, #tpu.memory_space<vmem>>, vector<16xf32>,
    tpu.vector_store %arg29[%swap3A_56, %swap3A_57], %broadcast_in_dim3A_3 {strides = array<i32>} : memref<16x128xf32, #tpu.memory_space<vmem>>, vector<16xf32>,
    %swap3A_59 = arith.constant 1 : i32
    %swap3A_60 = arith.index_cast %swap3A_59 : i32 to index
    %swap3A_61 = arith.constant 96 : index
    %swap3A_62 = tpu.vector_load %arg29[%swap3A_60, %swap3A_61] {strides = array<i32>} : memref<16x128xf32, #tpu.memory_space<vmem>>, vector<16xf32>,
    tpu.vector_store %arg29[%swap3A_60, %swap3A_61], %broadcast_in_dim3A_3 {strides = array<i32>} : memref<16x128xf32, #tpu.memory_space<vmem>>, vector<16xf32>,
    %swap3A_63 = arith.constant 1 : i32
    %swap3A_64 = arith.index_cast %swap3A_63 : i32 to index
    %swap3A_65 = arith.constant 112 : index
    %swap3A_66 = tpu.vector_load %arg29[%swap3A_64, %swap3A_65] {strides = array<i32>} : memref<16x128xf32, #tpu.memory_space<vmem>>, vector<16xf32>,
    tpu.vector_store %arg29[%swap3A_64, %swap3A_65], %broadcast_in_dim3A_3 {strides = array<i32>} : memref<16x128xf32, #tpu.memory_space<vmem>>, vector<16xf32>,
    %swap3A_67 = arith.constant 2 : i32
    %swap3A_68 = arith.index_cast %swap3A_67 : i32 to index
    %swap3A_69 = arith.constant 0 : index
    %swap3A_70 = tpu.vector_load %arg29[%swap3A_68, %swap3A_69] {strides = array<i32>} : memref<16x128xf32, #tpu.memory_space<vmem>>, vector<16xf32>,
    tpu.vector_store %arg29[%swap3A_68, %swap3A_69], %broadcast_in_dim3A_3 {strides = array<i32>} : memref<16x128xf32, #tpu.memory_space<vmem>>, vector<16xf32>,
    %swap3A_71 = arith.constant 2 : i32
    %swap3A_72 = arith.index_cast %swap3A_71 : i32 to index
    %swap3A_73 = arith.constant 16 : index
    %swap3A_74 = tpu.vector_load %arg29[%swap3A_72, %swap3A_73] {strides = array<i32>} : memref<16x128xf32, #tpu.memory_space<vmem>>, vector<16xf32>,
    tpu.vector_store %arg29[%swap3A_72, %swap3A_73], %broadcast_in_dim3A_3 {strides = array<i32>} : memref<16x128xf32, #tpu.memory_space<vmem>>, vector<16xf32>,
    %swap3A_75 = arith.constant 2 : i32
    %swap3A_76 = arith.index_cast %swap3A_75 : i32 to index
    %swap3A_77 = arith.constant 32 : index
    %swap3A_78 = tpu.vector_load %arg29[%swap3A_76, %swap3A_77] {strides = array<i32>} : memref<16x128xf32, #tpu.memory_space<vmem>>, vector<16xf32>,
    tpu.vector_store %arg29[%swap3A_76, %swap3A_77], %broadcast_in_dim3A_3 {strides = array<i32>} : memref<16x128xf32, #tpu.memory_space<vmem>>, vector<16xf32>,
    %swap3A_79 = arith.constant 2 : i32
    %swap3A_80 = arith.index_cast %swap3A_79 : i32 to index
    %swap3A_81 = arith.constant 48 : index
    %swap3A_82 = tpu.vector_load %arg29[%swap3A_80, %swap3A_81] {strides = array<i32>} : memref<16x128xf32, #tpu.memory_space<vmem>>, vector<16xf32>,
    tpu.vector_store %arg29[%swap3A_80, %swap3A_81], %broadcast_in_dim3A_3 {strides = array<i32>} : memref<16x128xf32, #tpu.memory_space<vmem>>, vector<16xf32>,
    %swap3A_83 = arith.constant 2 : i32
    %swap3A_84 = arith.index_cast %swap3A_83 : i32 to index
    %swap3A_85 = arith.constant 64 : index
    %swap3A_86 = tpu.vector_load %arg29[%swap3A_84, %swap3A_85] {strides = array<i32>} : memref<16x128xf32, #tpu.memory_space<vmem>>, vector<16xf32>,
    tpu.vector_store %arg29[%swap3A_84, %swap3A_85], %broadcast_in_dim3A_3 {strides = array<i32>} : memref<16x128xf32, #tpu.memory_space<vmem>>, vector<16xf32>,
    %swap3A_87 = arith.constant 2 : i32
    %swap3A_88 = arith.index_cast %swap3A_87 : i32 to index
    %swap3A_89 = arith.constant 80 : index
    %swap3A_90 = tpu.vector_load %arg29[%swap3A_88, %swap3A_89] {strides = array<i32>} : memref<16x128xf32, #tpu.memory_space<vmem>>, vector<16xf32>,
    tpu.vector_store %arg29[%swap3A_88, %swap3A_89], %broadcast_in_dim3A_3 {strides = array<i32>} : memref<16x128xf32, #tpu.memory_space<vmem>>, vector<16xf32>,
    %swap3A_91 = arith.constant 2 : i32
    %swap3A_92 = arith.index_cast %swap3A_91 : i32 to index
    %swap3A_93 = arith.constant 96 : index
    %swap3A_94 = tpu.vector_load %arg29[%swap3A_92, %swap3A_93] {strides = array<i32>} : memref<16x128xf32, #tpu.memory_space<vmem>>, vector<16xf32>,
    tpu.vector_store %arg29[%swap3A_92, %swap3A_93], %broadcast_in_dim3A_3 {strides = array<i32>} : memref<16x128xf32, #tpu.memory_space<vmem>>, vector<16xf32>,
    %swap3A_95 = arith.constant 2 : i32
    %swap3A_96 = arith.index_cast %swap3A_95 : i32 to index
    %swap3A_97 = arith.constant 112 : index
    %swap3A_98 = tpu.vector_load %arg29[%swap3A_96, %swap3A_97] {strides = array<i32>} : memref<16x128xf32, #tpu.memory_space<vmem>>, vector<16xf32>,
    tpu.vector_store %arg29[%swap3A_96, %swap3A_97], %broadcast_in_dim3A_3 {strides = array<i32>} : memref<16x128xf32, #tpu.memory_space<vmem>>, vector<16xf32>,
    %swap3A_99 = arith.constant 3 : i32
    %swap3A_100 = arith.index_cast %swap3A_99 : i32 to index
    %swap3A_101 = arith.constant 0 : index
    %swap3A_102 = tpu.vector_load %arg29[%swap3A_100, %swap3A_101] {strides = array<i32>} : memref<16x128xf32, #tpu.memory_space<vmem>>, vector<16xf32>,
    tpu.vector_store %arg29[%swap3A_100, %swap3A_101], %broadcast_in_dim3A_3 {strides = array<i32>} : memref<16x128xf32, #tpu.memory_space<vmem>>, vector<16xf32>,
    %swap3A_103 = arith.constant 3 : i32
    %swap3A_104 = arith.index_cast %swap3A_103 : i32 to index
    %swap3A_105 = arith.constant 16 : index
    %swap3A_106 = tpu.vector_load %arg29[%swap3A_104, %swap3A_105] {strides = array<i32>} : memref<16x128xf32, #tpu.memory_space<vmem>>, vector<16xf32>,
    tpu.vector_store %arg29[%swap3A_104, %swap3A_105], %broadcast_in_dim3A_3 {strides = array<i32>} : memref<16x128xf32, #tpu.memory_space<vmem>>, vector<16xf32>,
    %swap3A_107 = arith.constant 3 : i32
    %swap3A_108 = arith.index_cast %swap3A_107 : i32 to index
    %swap3A_109 = arith.constant 32 : index
    %swap3A_110 = tpu.vector_load %arg29[%swap3A_108, %swap3A_109] {strides = array<i32>} : memref<16x128xf32, #tpu.memory_space<vmem>>, vector<16xf32>,
    tpu.vector_store %arg29[%swap3A_108, %swap3A_109], %broadcast_in_dim3A_3 {strides = array<i32>} : memref<16x128xf32, #tpu.memory_space<vmem>>, vector<16xf32>,
    %swap3A_111 = arith.constant 3 : i32
    %swap3A_112 = arith.index_cast %swap3A_111 : i32 to index
    %swap3A_113 = arith.constant 48 : index
    %swap3A_114 = tpu.vector_load %arg29[%swap3A_112, %swap3A_113] {strides = array<i32>} : memref<16x128xf32, #tpu.memory_space<vmem>>, vector<16xf32>,
    tpu.vector_store %arg29[%swap3A_112, %swap3A_113], %broadcast_in_dim3A_3 {strides = array<i32>} : memref<16x128xf32, #tpu.memory_space<vmem>>, vector<16xf32>,
    %swap3A_115 = arith.constant 3 : i32
    %swap3A_116 = arith.index_cast %swap3A_115 : i32 to index
    %swap3A_117 = arith.constant 64 : index
    %swap3A_118 = tpu.vector_load %arg29[%swap3A_116, %swap3A_117] {strides = array<i32>} : memref<16x128xf32, #tpu.memory_space<vmem>>, vector<16xf32>,
    tpu.vector_store %arg29[%swap3A_116, %swap3A_117], %broadcast_in_dim3A_3 {strides = array<i32>} : memref<16x128xf32, #tpu.memory_space<vmem>>, vector<16xf32>,
    %swap3A_119 = arith.constant 3 : i32
    %swap3A_120 = arith.index_cast %swap3A_119 : i32 to index
    %swap3A_121 = arith.constant 80 : index
    %swap3A_122 = tpu.vector_load %arg29[%swap3A_120, %swap3A_121] {strides = array<i32>} : memref<16x128xf32, #tpu.memory_space<vmem>>, vector<16xf32>,
    tpu.vector_store %arg29[%swap3A_120, %swap3A_121], %broadcast_in_dim3A_3 {strides = array<i32>} : memref<16x128xf32, #tpu.memory_space<vmem>>, vector<16xf32>,
    %swap3A_123 = arith.constant 3 : i32
    %swap3A_124 = arith.index_cast %swap3A_123 : i32 to index
    %swap3A_125 = arith.constant 96 : index
    %swap3A_126 = tpu.vector_load %arg29[%swap3A_124, %swap3A_125] {strides = array<i32>} : memref<16x128xf32, #tpu.memory_space<vmem>>, vector<16xf32>,
    tpu.vector_store %arg29[%swap3A_124, %swap3A_125], %broadcast_in_dim3A_3 {strides = array<i32>} : memref<16x128xf32, #tpu.memory_space<vmem>>, vector<16xf32>,
    %swap3A_127 = arith.constant 3 : i32
    %swap3A_128 = arith.index_cast %swap3A_127 : i32 to index
    %swap3A_129 = arith.constant 112 : index
    %swap3A_130 = tpu.vector_load %arg29[%swap3A_128, %swap3A_129] {strides = array<i32>} : memref<16x128xf32, #tpu.memory_space<vmem>>, vector<16xf32>,
    tpu.vector_store %arg29[%swap3A_128, %swap3A_129], %broadcast_in_dim3A_3 {strides = array<i32>} : memref<16x128xf32, #tpu.memory_space<vmem>>, vector<16xf32>,
    %swap3A_131 = arith.constant 4 : i32
    %swap3A_132 = arith.index_cast %swap3A_131 : i32 to index
    %swap3A_133 = arith.constant 0 : index
    %swap3A_134 = tpu.vector_load %arg29[%swap3A_132, %swap3A_133] {strides = array<i32>} : memref<16x128xf32, #tpu.memory_space<vmem>>, vector<16xf32>,
    tpu.vector_store %arg29[%swap3A_132, %swap3A_133], %broadcast_in_dim3A_3 {strides = array<i32>} : memref<16x128xf32, #tpu.memory_space<vmem>>, vector<16xf32>,
    %swap3A_135 = arith.constant 4 : i32
    %swap3A_136 = arith.index_cast %swap3A_135 : i32 to index
    %swap3A_137 = arith.constant 16 : index
    %swap3A_138 = tpu.vector_load %arg29[%swap3A_136, %swap3A_137] {strides = array<i32>} : memref<16x128xf32, #tpu.memory_space<vmem>>, vector<16xf32>,
    tpu.vector_store %arg29[%swap3A_136, %swap3A_137], %broadcast_in_dim3A_3 {strides = array<i32>} : memref<16x128xf32, #tpu.memory_space<vmem>>, vector<16xf32>,
    %swap3A_139 = arith.constant 4 : i32
    %swap3A_140 = arith.index_cast %swap3A_139 : i32 to index
    %swap3A_141 = arith.constant 32 : index
    %swap3A_142 = tpu.vector_load %arg29[%swap3A_140, %swap3A_141] {strides = array<i32>} : memref<16x128xf32, #tpu.memory_space<vmem>>, vector<16xf32>,
    tpu.vector_store %arg29[%swap3A_140, %swap3A_141], %broadcast_in_dim3A_3 {strides = array<i32>} : memref<16x128xf32, #tpu.memory_space<vmem>>, vector<16xf32>,
    %swap3A_143 = arith.constant 4 : i32
    %swap3A_144 = arith.index_cast %swap3A_143 : i32 to index
    %swap3A_145 = arith.constant 48 : index
    %swap3A_146 = tpu.vector_load %arg29[%swap3A_144, %swap3A_145] {strides = array<i32>} : memref<16x128xf32, #tpu.memory_space<vmem>>, vector<16xf32>,
    tpu.vector_store %arg29[%swap3A_144, %swap3A_145], %broadcast_in_dim3A_3 {strides = array<i32>} : memref<16x128xf32, #tpu.memory_space<vmem>>, vector<16xf32>,
    %swap3A_147 = arith.constant 4 : i32
    %swap3A_148 = arith.index_cast %swap3A_147 : i32 to index
    %swap3A_149 = arith.constant 64 : index
    %swap3A_150 = tpu.vector_load %arg29[%swap3A_148, %swap3A_149] {strides = array<i32>} : memref<16x128xf32, #tpu.memory_space<vmem>>, vector<16xf32>,
    tpu.vector_store %arg29[%swap3A_148, %swap3A_149], %broadcast_in_dim3A_3 {strides = array<i32>} : memref<16x128xf32, #tpu.memory_space<vmem>>, vector<16xf32>,
    %swap3A_151 = arith.constant 4 : i32
    %swap3A_152 = arith.index_cast %swap3A_151 : i32 to index
    %swap3A_153 = arith.constant 80 : index
    %swap3A_154 = tpu.vector_load %arg29[%swap3A_152, %swap3A_153] {strides = array<i32>} : memref<16x128xf32, #tpu.memory_space<vmem>>, vector<16xf32>,
    tpu.vector_store %arg29[%swap3A_152, %swap3A_153], %broadcast_in_dim3A_3 {strides = array<i32>} : memref<16x128xf32, #tpu.memory_space<vmem>>, vector<16xf32>,
    %swap3A_155 = arith.constant 4 : i32
    %swap3A_156 = arith.index_cast %swap3A_155 : i32 to index
    %swap3A_157 = arith.constant 96 : index
    %swap3A_158 = tpu.vector_load %arg29[%swap3A_156, %swap3A_157] {strides = array<i32>} : memref<16x128xf32, #tpu.memory_space<vmem>>, vector<16xf32>,
    tpu.vector_store %arg29[%swap3A_156, %swap3A_157], %broadcast_in_dim3A_3 {strides = array<i32>} : memref<16x128xf32, #tpu.memory_space<vmem>>, vector<16xf32>,
    %swap3A_159 = arith.constant 4 : i32
    %swap3A_160 = arith.index_cast %swap3A_159 : i32 to index
    %swap3A_161 = arith.constant 112 : index
    %swap3A_162 = tpu.vector_load %arg29[%swap3A_160, %swap3A_161] {strides = array<i32>} : memref<16x128xf32, #tpu.memory_space<vmem>>, vector<16xf32>,
    tpu.vector_store %arg29[%swap3A_160, %swap3A_161], %broadcast_in_dim3A_3 {strides = array<i32>} : memref<16x128xf32, #tpu.memory_space<vmem>>, vector<16xf32>,
    %swap3A_163 = arith.constant 5 : i32
    %swap3A_164 = arith.index_cast %swap3A_163 : i32 to index
    %swap3A_165 = arith.constant 0 : index
    %swap3A_166 = tpu.vector_load %arg29[%swap3A_164, %swap3A_165] {strides = array<i32>} : memref<16x128xf32, #tpu.memory_space<vmem>>, vector<16xf32>,
    tpu.vector_store %arg29[%swap3A_164, %swap3A_165], %broadcast_in_dim3A_3 {strides = array<i32>} : memref<16x128xf32, #tpu.memory_space<vmem>>, vector<16xf32>,
    %swap3A_167 = arith.constant 5 : i32
    %swap3A_168 = arith.index_cast %swap3A_167 : i32 to index
    %swap3A_169 = arith.constant 16 : index
    %swap3A_170 = tpu.vector_load %arg29[%swap3A_168, %swap3A_169] {strides = array<i32>} : memref<16x128xf32, #tpu.memory_space<vmem>>, vector<16xf32>,
    tpu.vector_store %arg29[%swap3A_168, %swap3A_169], %broadcast_in_dim3A_3 {strides = array<i32>} : memref<16x128xf32, #tpu.memory_space<vmem>>, vector<16xf32>,
    %swap3A_171 = arith.constant 5 : i32
    %swap3A_172 = arith.index_cast %swap3A_171 : i32 to index
    %swap3A_173 = arith.constant 32 : index
    %swap3A_174 = tpu.vector_load %arg29[%swap3A_172, %swap3A_173] {strides = array<i32>} : memref<16x128xf32, #tpu.memory_space<vmem>>, vector<16xf32>,
    tpu.vector_store %arg29[%swap3A_172, %swap3A_173], %broadcast_in_dim3A_3 {strides = array<i32>} : memref<16x128xf32, #tpu.memory_space<vmem>>, vector<16xf32>,
    %swap3A_175 = arith.constant 5 : i32
    %swap3A_176 = arith.index_cast %swap3A_175 : i32 to index
    %swap3A_177 = arith.constant 48 : index
    %swap3A_178 = tpu.vector_load %arg29[%swap3A_176, %swap3A_177] {strides = array<i32>} : memref<16x128xf32, #tpu.memory_space<vmem>>, vector<16xf32>,
    tpu.vector_store %arg29[%swap3A_176, %swap3A_177], %broadcast_in_dim3A_3 {strides = array<i32>} : memref<16x128xf32, #tpu.memory_space<vmem>>, vector<16xf32>,
    %swap3A_179 = arith.constant 5 : i32
    %swap3A_180 = arith.index_cast %swap3A_179 : i32 to index
    %swap3A_181 = arith.constant 64 : index
    %swap3A_182 = tpu.vector_load %arg29[%swap3A_180, %swap3A_181] {strides = array<i32>} : memref<16x128xf32, #tpu.memory_space<vmem>>, vector<16xf32>,
    tpu.vector_store %arg29[%swap3A_180, %swap3A_181], %broadcast_in_dim3A_3 {strides = array<i32>} : memref<16x128xf32, #tpu.memory_space<vmem>>, vector<16xf32>,
    %swap3A_183 = arith.constant 5 : i32
    %swap3A_184 = arith.index_cast %swap3A_183 : i32 to index
    %swap3A_185 = arith.constant 80 : index
    %swap3A_186 = tpu.vector_load %arg29[%swap3A_184, %swap3A_185] {strides = array<i32>} : memref<16x128xf32, #tpu.memory_space<vmem>>, vector<16xf32>,
    tpu.vector_store %arg29[%swap3A_184, %swap3A_185], %broadcast_in_dim3A_3 {strides = array<i32>} : memref<16x128xf32, #tpu.memory_space<vmem>>, vector<16xf32>,
    %swap3A_187 = arith.constant 5 : i32
    %swap3A_188 = arith.index_cast %swap3A_187 : i32 to index
    %swap3A_189 = arith.constant 96 : index
    %swap3A_190 = tpu.vector_load %arg29[%swap3A_188, %swap3A_189] {strides = array<i32>} : memref<16x128xf32, #tpu.memory_space<vmem>>, vector<16xf32>,
    tpu.vector_store %arg29[%swap3A_188, %swap3A_189], %broadcast_in_dim3A_3 {strides = array<i32>} : memref<16x128xf32, #tpu.memory_space<vmem>>, vector<16xf32>,
    %swap3A_191 = arith.constant 5 : i32
    %swap3A_192 = arith.index_cast %swap3A_191 : i32 to index
    %swap3A_193 = arith.constant 112 : index
    %swap3A_194 = tpu.vector_load %arg29[%swap3A_192, %swap3A_193] {strides = array<i32>} : memref<16x128xf32, #tpu.memory_space<vmem>>, vector<16xf32>,
    tpu.vector_store %arg29[%swap3A_192, %swap3A_193], %broadcast_in_dim3A_3 {strides = array<i32>} : memref<16x128xf32, #tpu.memory_space<vmem>>, vector<16xf32>,
    %swap3A_195 = arith.constant 6 : i32
    %swap3A_196 = arith.index_cast %swap3A_195 : i32 to index
    %swap3A_197 = arith.constant 0 : index
    %swap3A_198 = tpu.vector_load %arg29[%swap3A_196, %swap3A_197] {strides = array<i32>} : memref<16x128xf32, #tpu.memory_space<vmem>>, vector<16xf32>,
    tpu.vector_store %arg29[%swap3A_196, %swap3A_197], %broadcast_in_dim3A_3 {strides = array<i32>} : memref<16x128xf32, #tpu.memory_space<vmem>>, vector<16xf32>,
    %swap3A_199 = arith.constant 6 : i32
    %swap3A_200 = arith.index_cast %swap3A_199 : i32 to index
    %swap3A_201 = arith.constant 16 : index
    %swap3A_202 = tpu.vector_load %arg29[%swap3A_200, %swap3A_201] {strides = array<i32>} : memref<16x128xf32, #tpu.memory_space<vmem>>, vector<16xf32>,
    tpu.vector_store %arg29[%swap3A_200, %swap3A_201], %broadcast_in_dim3A_3 {strides = array<i32>} : memref<16x128xf32, #tpu.memory_space<vmem>>, vector<16xf32>,
    %swap3A_203 = arith.constant 6 : i32
    %swap3A_204 = arith.index_cast %swap3A_203 : i32 to index
    %swap3A_205 = arith.constant 32 : index
    %swap3A_206 = tpu.vector_load %arg29[%swap3A_204, %swap3A_205] {strides = array<i32>} : memref<16x128xf32, #tpu.memory_space<vmem>>, vector<16xf32>,
    tpu.vector_store %arg29[%swap3A_204, %swap3A_205], %broadcast_in_dim3A_3 {strides = array<i32>} : memref<16x128xf32, #tpu.memory_space<vmem>>, vector<16xf32>,
    %swap3A_207 = arith.constant 6 : i32
    %swap3A_208 = arith.index_cast %swap3A_207 : i32 to index
    %swap3A_209 = arith.constant 48 : index
    %swap3A_210 = tpu.vector_load %arg29[%swap3A_208, %swap3A_209] {strides = array<i32>} : memref<16x128xf32, #tpu.memory_space<vmem>>, vector<16xf32>,
    tpu.vector_store %arg29[%swap3A_208, %swap3A_209], %broadcast_in_dim3A_3 {strides = array<i32>} : memref<16x128xf32, #tpu.memory_space<vmem>>, vector<16xf32>,
    %swap3A_211 = arith.constant 6 : i32
    %swap3A_212 = arith.index_cast %swap3A_211 : i32 to index
    %swap3A_213 = arith.constant 64 : index
    %swap3A_214 = tpu.vector_load %arg29[%swap3A_212, %swap3A_213] {strides = array<i32>} : memref<16x128xf32, #tpu.memory_space<vmem>>, vector<16xf32>,
    tpu.vector_store %arg29[%swap3A_212, %swap3A_213], %broadcast_in_dim3A_3 {strides = array<i32>} : memref<16x128xf32, #tpu.memory_space<vmem>>, vector<16xf32>,
    %swap3A_215 = arith.constant 6 : i32
    %swap3A_216 = arith.index_cast %swap3A_215 : i32 to index
    %swap3A_217 = arith.constant 80 : index
    %swap3A_218 = tpu.vector_load %arg29[%swap3A_216, %swap3A_217] {strides = array<i32>} : memref<16x128xf32, #tpu.memory_space<vmem>>, vector<16xf32>,
    tpu.vector_store %arg29[%swap3A_216, %swap3A_217], %broadcast_in_dim3A_3 {strides = array<i32>} : memref<16x128xf32, #tpu.memory_space<vmem>>, vector<16xf32>,
    %swap3A_219 = arith.constant 6 : i32
    %swap3A_220 = arith.index_cast %swap3A_219 : i32 to index
    %swap3A_221 = arith.constant 96 : index
    %swap3A_222 = tpu.vector_load %arg29[%swap3A_220, %swap3A_221] {strides = array<i32>} : memref<16x128xf32, #tpu.memory_space<vmem>>, vector<16xf32>,
    tpu.vector_store %arg29[%swap3A_220, %swap3A_221], %broadcast_in_dim3A_3 {strides = array<i32>} : memref<16x128xf32, #tpu.memory_space<vmem>>, vector<16xf32>,
    %swap3A_223 = arith.constant 6 : i32
    %swap3A_224 = arith.index_cast %swap3A_223 : i32 to index
    %swap3A_225 = arith.constant 112 : index
    %swap3A_226 = tpu.vector_load %arg29[%swap3A_224, %swap3A_225] {strides = array<i32>} : memref<16x128xf32, #tpu.memory_space<vmem>>, vector<16xf32>,
    tpu.vector_store %arg29[%swap3A_224, %swap3A_225], %broadcast_in_dim3A_3 {strides = array<i32>} : memref<16x128xf32, #tpu.memory_space<vmem>>, vector<16xf32>,
    %swap3A_227 = arith.constant 7 : i32
    %swap3A_228 = arith.index_cast %swap3A_227 : i32 to index
    %swap3A_229 = arith.constant 0 : index
    %swap3A_230 = tpu.vector_load %arg29[%swap3A_228, %swap3A_229] {strides = array<i32>} : memref<16x128xf32, #tpu.memory_space<vmem>>, vector<16xf32>,
    tpu.vector_store %arg29[%swap3A_228, %swap3A_229], %broadcast_in_dim3A_3 {strides = array<i32>} : memref<16x128xf32, #tpu.memory_space<vmem>>, vector<16xf32>,
    %swap3A_231 = arith.constant 7 : i32
    %swap3A_232 = arith.index_cast %swap3A_231 : i32 to index
    %swap3A_233 = arith.constant 16 : index
    %swap3A_234 = tpu.vector_load %arg29[%swap3A_232, %swap3A_233] {strides = array<i32>} : memref<16x128xf32, #tpu.memory_space<vmem>>, vector<16xf32>,
    tpu.vector_store %arg29[%swap3A_232, %swap3A_233], %broadcast_in_dim3A_3 {strides = array<i32>} : memref<16x128xf32, #tpu.memory_space<vmem>>, vector<16xf32>,
    %swap3A_235 = arith.constant 7 : i32
    %swap3A_236 = arith.index_cast %swap3A_235 : i32 to index
    %swap3A_237 = arith.constant 32 : index
    %swap3A_238 = tpu.vector_load %arg29[%swap3A_236, %swap3A_237] {strides = array<i32>} : memref<16x128xf32, #tpu.memory_space<vmem>>, vector<16xf32>,
    tpu.vector_store %arg29[%swap3A_236, %swap3A_237], %broadcast_in_dim3A_3 {strides = array<i32>} : memref<16x128xf32, #tpu.memory_space<vmem>>, vector<16xf32>,
    %swap3A_239 = arith.constant 7 : i32
    %swap3A_240 = arith.index_cast %swap3A_239 : i32 to index
    %swap3A_241 = arith.constant 48 : index
    %swap3A_242 = tpu.vector_load %arg29[%swap3A_240, %swap3A_241] {strides = array<i32>} : memref<16x128xf32, #tpu.memory_space<vmem>>, vector<16xf32>,
    tpu.vector_store %arg29[%swap3A_240, %swap3A_241], %broadcast_in_dim3A_3 {strides = array<i32>} : memref<16x128xf32, #tpu.memory_space<vmem>>, vector<16xf32>,
    %swap3A_243 = arith.constant 7 : i32
    %swap3A_244 = arith.index_cast %swap3A_243 : i32 to index
    %swap3A_245 = arith.constant 64 : index
    %swap3A_246 = tpu.vector_load %arg29[%swap3A_244, %swap3A_245] {strides = array<i32>} : memref<16x128xf32, #tpu.memory_space<vmem>>, vector<16xf32>,
    tpu.vector_store %arg29[%swap3A_244, %swap3A_245], %broadcast_in_dim3A_3 {strides = array<i32>} : memref<16x128xf32, #tpu.memory_space<vmem>>, vector<16xf32>,
    %swap3A_247 = arith.constant 7 : i32
    %swap3A_248 = arith.index_cast %swap3A_247 : i32 to index
    %swap3A_249 = arith.constant 80 : index
    %swap3A_250 = tpu.vector_load %arg29[%swap3A_248, %swap3A_249] {strides = array<i32>} : memref<16x128xf32, #tpu.memory_space<vmem>>, vector<16xf32>,
    tpu.vector_store %arg29[%swap3A_248, %swap3A_249], %broadcast_in_dim3A_3 {strides = array<i32>} : memref<16x128xf32, #tpu.memory_space<vmem>>, vector<16xf32>,
    %swap3A_251 = arith.constant 7 : i32
    %swap3A_252 = arith.index_cast %swap3A_251 : i32 to index
    %swap3A_253 = arith.constant 96 : index
    %swap3A_254 = tpu.vector_load %arg29[%swap3A_252, %swap3A_253] {strides = array<i32>} : memref<16x128xf32, #tpu.memory_space<vmem>>, vector<16xf32>,
    tpu.vector_store %arg29[%swap3A_252, %swap3A_253], %broadcast_in_dim3A_3 {strides = array<i32>} : memref<16x128xf32, #tpu.memory_space<vmem>>, vector<16xf32>,
    %swap3A_255 = arith.constant 7 : i32
    %swap3A_256 = arith.index_cast %swap3A_255 : i32 to index
    %swap3A_257 = arith.constant 112 : index
    %swap3A_258 = tpu.vector_load %arg29[%swap3A_256, %swap3A_257] {strides = array<i32>} : memref<16x128xf32, #tpu.memory_space<vmem>>, vector<16xf32>,
    tpu.vector_store %arg29[%swap3A_256, %swap3A_257], %broadcast_in_dim3A_3 {strides = array<i32>} : memref<16x128xf32, #tpu.memory_space<vmem>>, vector<16xf32>,
    %swap3A_259 = arith.constant 8 : i32
    %swap3A_260 = arith.index_cast %swap3A_259 : i32 to index
    %swap3A_261 = arith.constant 0 : index
    %swap3A_262 = tpu.vector_load %arg29[%swap3A_260, %swap3A_261] {strides = array<i32>} : memref<16x128xf32, #tpu.memory_space<vmem>>, vector<16xf32>,
    tpu.vector_store %arg29[%swap3A_260, %swap3A_261], %broadcast_in_dim3A_3 {strides = array<i32>} : memref<16x128xf32, #tpu.memory_space<vmem>>, vector<16xf32>,
    %swap3A_263 = arith.constant 8 : i32
    %swap3A_264 = arith.index_cast %swap3A_263 : i32 to index
    %swap3A_265 = arith.constant 16 : index
    %swap3A_266 = tpu.vector_load %arg29[%swap3A_264, %swap3A_265] {strides = array<i32>} : memref<16x128xf32, #tpu.memory_space<vmem>>, vector<16xf32>,
    tpu.vector_store %arg29[%swap3A_264, %swap3A_265], %broadcast_in_dim3A_3 {strides = array<i32>} : memref<16x128xf32, #tpu.memory_space<vmem>>, vector<16xf32>,
    %swap3A_267 = arith.constant 8 : i32
    %swap3A_268 = arith.index_cast %swap3A_267 : i32 to index
    %swap3A_269 = arith.constant 32 : index
    %swap3A_270 = tpu.vector_load %arg29[%swap3A_268, %swap3A_269] {strides = array<i32>} : memref<16x128xf32, #tpu.memory_space<vmem>>, vector<16xf32>,
    tpu.vector_store %arg29[%swap3A_268, %swap3A_269], %broadcast_in_dim3A_3 {strides = array<i32>} : memref<16x128xf32, #tpu.memory_space<vmem>>, vector<16xf32>,
    %swap3A_271 = arith.constant 8 : i32
    %swap3A_272 = arith.index_cast %swap3A_271 : i32 to index
    %swap3A_273 = arith.constant 48 : index
    %swap3A_274 = tpu.vector_load %arg29[%swap3A_272, %swap3A_273] {strides = array<i32>} : memref<16x128xf32, #tpu.memory_space<vmem>>, vector<16xf32>,
    tpu.vector_store %arg29[%swap3A_272, %swap3A_273], %broadcast_in_dim3A_3 {strides = array<i32>} : memref<16x128xf32, #tpu.memory_space<vmem>>, vector<16xf32>,
    %swap3A_275 = arith.constant 8 : i32
    %swap3A_276 = arith.index_cast %swap3A_275 : i32 to index
    %swap3A_277 = arith.constant 64 : index
    %swap3A_278 = tpu.vector_load %arg29[%swap3A_276, %swap3A_277] {strides = array<i32>} : memref<16x128xf32, #tpu.memory_space<vmem>>, vector<16xf32>,
    tpu.vector_store %arg29[%swap3A_276, %swap3A_277], %broadcast_in_dim3A_3 {strides = array<i32>} : memref<16x128xf32, #tpu.memory_space<vmem>>, vector<16xf32>,
    %swap3A_279 = arith.constant 8 : i32
    %swap3A_280 = arith.index_cast %swap3A_279 : i32 to index
    %swap3A_281 = arith.constant 80 : index
    %swap3A_282 = tpu.vector_load %arg29[%swap3A_280, %swap3A_281] {strides = array<i32>} : memref<16x128xf32, #tpu.memory_space<vmem>>, vector<16xf32>,
    tpu.vector_store %arg29[%swap3A_280, %swap3A_281], %broadcast_in_dim3A_3 {strides = array<i32>} : memref<16x128xf32, #tpu.memory_space<vmem>>, vector<16xf32>,
    %swap3A_283 = arith.constant 8 : i32
    %swap3A_284 = arith.index_cast %swap3A_283 : i32 to index
    %swap3A_285 = arith.constant 96 : index
    %swap3A_286 = tpu.vector_load %arg29[%swap3A_284, %swap3A_285] {strides = array<i32>} : memref<16x128xf32, #tpu.memory_space<vmem>>, vector<16xf32>,
    tpu.vector_store %arg29[%swap3A_284, %swap3A_285], %broadcast_in_dim3A_3 {strides = array<i32>} : memref<16x128xf32, #tpu.memory_space<vmem>>, vector<16xf32>,
    %swap3A_287 = arith.constant 8 : i32
    %swap3A_288 = arith.index_cast %swap3A_287 : i32 to index
    %swap3A_289 = arith.constant 112 : index
    %swap3A_290 = tpu.vector_load %arg29[%swap3A_288, %swap3A_289] {strides = array<i32>} : memref<16x128xf32, #tpu.memory_space<vmem>>, vector<16xf32>,
    tpu.vector_store %arg29[%swap3A_288, %swap3A_289], %broadcast_in_dim3A_3 {strides = array<i32>} : memref<16x128xf32, #tpu.memory_space<vmem>>, vector<16xf32>,
    %swap3A_291 = arith.constant 9 : i32
    %swap3A_292 = arith.index_cast %swap3A_291 : i32 to index
    %swap3A_293 = arith.constant 0 : index
    %swap3A_294 = tpu.vector_load %arg29[%swap3A_292, %swap3A_293] {strides = array<i32>} : memref<16x128xf32, #tpu.memory_space<vmem>>, vector<16xf32>,
    tpu.vector_store %arg29[%swap3A_292, %swap3A_293], %broadcast_in_dim3A_3 {strides = array<i32>} : memref<16x128xf32, #tpu.memory_space<vmem>>, vector<16xf32>,
    %swap3A_295 = arith.constant 9 : i32
    %swap3A_296 = arith.index_cast %swap3A_295 : i32 to index
    %swap3A_297 = arith.constant 16 : index
    %swap3A_298 = tpu.vector_load %arg29[%swap3A_296, %swap3A_297] {strides = array<i32>} : memref<16x128xf32, #tpu.memory_space<vmem>>, vector<16xf32>,
    tpu.vector_store %arg29[%swap3A_296, %swap3A_297], %broadcast_in_dim3A_3 {strides = array<i32>} : memref<16x128xf32, #tpu.memory_space<vmem>>, vector<16xf32>,
    %swap3A_299 = arith.constant 9 : i32
    %swap3A_300 = arith.index_cast %swap3A_299 : i32 to index
    %swap3A_301 = arith.constant 32 : index
    %swap3A_302 = tpu.vector_load %arg29[%swap3A_300, %swap3A_301] {strides = array<i32>} : memref<16x128xf32, #tpu.memory_space<vmem>>, vector<16xf32>,
    tpu.vector_store %arg29[%swap3A_300, %swap3A_301], %broadcast_in_dim3A_3 {strides = array<i32>} : memref<16x128xf32, #tpu.memory_space<vmem>>, vector<16xf32>,
    %swap3A_303 = arith.constant 9 : i32
    %swap3A_304 = arith.index_cast %swap3A_303 : i32 to index
    %swap3A_305 = arith.constant 48 : index
    %swap3A_306 = tpu.vector_load %arg29[%swap3A_304, %swap3A_305] {strides = array<i32>} : memref<16x128xf32, #tpu.memory_space<vmem>>, vector<16xf32>,
    tpu.vector_store %arg29[%swap3A_304, %swap3A_305], %broadcast_in_dim3A_3 {strides = array<i32>} : memref<16x128xf32, #tpu.memory_space<vmem>>, vector<16xf32>,
    %swap3A_307 = arith.constant 9 : i32
    %swap3A_308 = arith.index_cast %swap3A_307 : i32 to index
    %swap3A_309 = arith.constant 64 : index
    %swap3A_310 = tpu.vector_load %arg29[%swap3A_308, %swap3A_309] {strides = array<i32>} : memref<16x128xf32, #tpu.memory_space<vmem>>, vector<16xf32>,
    tpu.vector_store %arg29[%swap3A_308, %swap3A_309], %broadcast_in_dim3A_3 {strides = array<i32>} : memref<16x128xf32, #tpu.memory_space<vmem>>, vector<16xf32>,
    %swap3A_311 = arith.constant 9 : i32
    %swap3A_312 = arith.index_cast %swap3A_311 : i32 to index
    %swap3A_313 = arith.constant 80 : index
    %swap3A_314 = tpu.vector_load %arg29[%swap3A_312, %swap3A_313] {strides = array<i32>} : memref<16x128xf32, #tpu.memory_space<vmem>>, vector<16xf32>,
    tpu.vector_store %arg29[%swap3A_312, %swap3A_313], %broadcast_in_dim3A_3 {strides = array<i32>} : memref<16x128xf32, #tpu.memory_space<vmem>>, vector<16xf32>,
    %swap3A_315 = arith.constant 9 : i32
    %swap3A_316 = arith.index_cast %swap3A_315 : i32 to index
    %swap3A_317 = arith.constant 96 : index
    %swap3A_318 = tpu.vector_load %arg29[%swap3A_316, %swap3A_317] {strides = array<i32>} : memref<16x128xf32, #tpu.memory_space<vmem>>, vector<16xf32>,
    tpu.vector_store %arg29[%swap3A_316, %swap3A_317], %broadcast_in_dim3A_3 {strides = array<i32>} : memref<16x128xf32, #tpu.memory_space<vmem>>, vector<16xf32>,
    %swap3A_319 = arith.constant 9 : i32
    %swap3A_320 = arith.index_cast %swap3A_319 : i32 to index
    %swap3A_321 = arith.constant 112 : index
    %swap3A_322 = tpu.vector_load %arg29[%swap3A_320, %swap3A_321] {strides = array<i32>} : memref<16x128xf32, #tpu.memory_space<vmem>>, vector<16xf32>,
    tpu.vector_store %arg29[%swap3A_320, %swap3A_321], %broadcast_in_dim3A_3 {strides = array<i32>} : memref<16x128xf32, #tpu.memory_space<vmem>>, vector<16xf32>,
    %swap3A_323 = arith.constant 10 : i32
    %swap3A_324 = arith.index_cast %swap3A_323 : i32 to index
    %swap3A_325 = arith.constant 0 : index
    %swap3A_326 = tpu.vector_load %arg29[%swap3A_324, %swap3A_325] {strides = array<i32>} : memref<16x128xf32, #tpu.memory_space<vmem>>, vector<16xf32>,
    tpu.vector_store %arg29[%swap3A_324, %swap3A_325], %broadcast_in_dim3A_3 {strides = array<i32>} : memref<16x128xf32, #tpu.memory_space<vmem>>, vector<16xf32>,
    %swap3A_327 = arith.constant 10 : i32
    %swap3A_328 = arith.index_cast %swap3A_327 : i32 to index
    %swap3A_329 = arith.constant 16 : index
    %swap3A_330 = tpu.vector_load %arg29[%swap3A_328, %swap3A_329] {strides = array<i32>} : memref<16x128xf32, #tpu.memory_space<vmem>>, vector<16xf32>,
    tpu.vector_store %arg29[%swap3A_328, %swap3A_329], %broadcast_in_dim3A_3 {strides = array<i32>} : memref<16x128xf32, #tpu.memory_space<vmem>>, vector<16xf32>,
    %swap3A_331 = arith.constant 10 : i32
    %swap3A_332 = arith.index_cast %swap3A_331 : i32 to index
    %swap3A_333 = arith.constant 32 : index
    %swap3A_334 = tpu.vector_load %arg29[%swap3A_332, %swap3A_333] {strides = array<i32>} : memref<16x128xf32, #tpu.memory_space<vmem>>, vector<16xf32>,
    tpu.vector_store %arg29[%swap3A_332, %swap3A_333], %broadcast_in_dim3A_3 {strides = array<i32>} : memref<16x128xf32, #tpu.memory_space<vmem>>, vector<16xf32>,
    %swap3A_335 = arith.constant 10 : i32
    %swap3A_336 = arith.index_cast %swap3A_335 : i32 to index
    %swap3A_337 = arith.constant 48 : index
    %swap3A_338 = tpu.vector_load %arg29[%swap3A_336, %swap3A_337] {strides = array<i32>} : memref<16x128xf32, #tpu.memory_space<vmem>>, vector<16xf32>,
    tpu.vector_store %arg29[%swap3A_336, %swap3A_337], %broadcast_in_dim3A_3 {strides = array<i32>} : memref<16x128xf32, #tpu.memory_space<vmem>>, vector<16xf32>,
    %swap3A_339 = arith.constant 10 : i32
    %swap3A_340 = arith.index_cast %swap3A_339 : i32 to index
    %swap3A_341 = arith.constant 64 : index
    %swap3A_342 = tpu.vector_load %arg29[%swap3A_340, %swap3A_341] {strides = array<i32>} : memref<16x128xf32, #tpu.memory_space<vmem>>, vector<16xf32>,
    tpu.vector_store %arg29[%swap3A_340, %swap3A_341], %broadcast_in_dim3A_3 {strides = array<i32>} : memref<16x128xf32, #tpu.memory_space<vmem>>, vector<16xf32>,
    %swap3A_343 = arith.constant 10 : i32
    %swap3A_344 = arith.index_cast %swap3A_343 : i32 to index
    %swap3A_345 = arith.constant 80 : index
    %swap3A_346 = tpu.vector_load %arg29[%swap3A_344, %swap3A_345] {strides = array<i32>} : memref<16x128xf32, #tpu.memory_space<vmem>>, vector<16xf32>,
    tpu.vector_store %arg29[%swap3A_344, %swap3A_345], %broadcast_in_dim3A_3 {strides = array<i32>} : memref<16x128xf32, #tpu.memory_space<vmem>>, vector<16xf32>,
    %swap3A_347 = arith.constant 10 : i32
    %swap3A_348 = arith.index_cast %swap3A_347 : i32 to index
    %swap3A_349 = arith.constant 96 : index
    %swap3A_350 = tpu.vector_load %arg29[%swap3A_348, %swap3A_349] {strides = array<i32>} : memref<16x128xf32, #tpu.memory_space<vmem>>, vector<16xf32>,
    tpu.vector_store %arg29[%swap3A_348, %swap3A_349], %broadcast_in_dim3A_3 {strides = array<i32>} : memref<16x128xf32, #tpu.memory_space<vmem>>, vector<16xf32>,
    %swap3A_351 = arith.constant 10 : i32
    %swap3A_352 = arith.index_cast %swap3A_351 : i32 to index
    %swap3A_353 = arith.constant 112 : index
    %swap3A_354 = tpu.vector_load %arg29[%swap3A_352, %swap3A_353] {strides = array<i32>} : memref<16x128xf32, #tpu.memory_space<vmem>>, vector<16xf32>,
    tpu.vector_store %arg29[%swap3A_352, %swap3A_353], %broadcast_in_dim3A_3 {strides = array<i32>} : memref<16x128xf32, #tpu.memory_space<vmem>>, vector<16xf32>,
    %swap3A_355 = arith.constant 11 : i32
    %swap3A_356 = arith.index_cast %swap3A_355 : i32 to index
    %swap3A_357 = arith.constant 0 : index
    %swap3A_358 = tpu.vector_load %arg29[%swap3A_356, %swap3A_357] {strides = array<i32>} : memref<16x128xf32, #tpu.memory_space<vmem>>, vector<16xf32>,
    tpu.vector_store %arg29[%swap3A_356, %swap3A_357], %broadcast_in_dim3A_3 {strides = array<i32>} : memref<16x128xf32, #tpu.memory_space<vmem>>, vector<16xf32>,
    %swap3A_359 = arith.constant 11 : i32
    %swap3A_360 = arith.index_cast %swap3A_359 : i32 to index
    %swap3A_361 = arith.constant 16 : index
    %swap3A_362 = tpu.vector_load %arg29[%swap3A_360, %swap3A_361] {strides = array<i32>} : memref<16x128xf32, #tpu.memory_space<vmem>>, vector<16xf32>,
    tpu.vector_store %arg29[%swap3A_360, %swap3A_361], %broadcast_in_dim3A_3 {strides = array<i32>} : memref<16x128xf32, #tpu.memory_space<vmem>>, vector<16xf32>,
    %swap3A_363 = arith.constant 11 : i32
    %swap3A_364 = arith.index_cast %swap3A_363 : i32 to index
    %swap3A_365 = arith.constant 32 : index
    %swap3A_366 = tpu.vector_load %arg29[%swap3A_364, %swap3A_365] {strides = array<i32>} : memref<16x128xf32, #tpu.memory_space<vmem>>, vector<16xf32>,
    tpu.vector_store %arg29[%swap3A_364, %swap3A_365], %broadcast_in_dim3A_3 {strides = array<i32>} : memref<16x128xf32, #tpu.memory_space<vmem>>, vector<16xf32>,
    %swap3A_367 = arith.constant 11 : i32
    %swap3A_368 = arith.index_cast %swap3A_367 : i32 to index
    %swap3A_369 = arith.constant 48 : index
    %swap3A_370 = tpu.vector_load %arg29[%swap3A_368, %swap3A_369] {strides = array<i32>} : memref<16x128xf32, #tpu.memory_space<vmem>>, vector<16xf32>,
    tpu.vector_store %arg29[%swap3A_368, %swap3A_369], %broadcast_in_dim3A_3 {strides = array<i32>} : memref<16x128xf32, #tpu.memory_space<vmem>>, vector<16xf32>,
    %swap3A_371 = arith.constant 11 : i32
    %swap3A_372 = arith.index_cast %swap3A_371 : i32 to index
    %swap3A_373 = arith.constant 64 : index
    %swap3A_374 = tpu.vector_load %arg29[%swap3A_372, %swap3A_373] {strides = array<i32>} : memref<16x128xf32, #tpu.memory_space<vmem>>, vector<16xf32>,
    tpu.vector_store %arg29[%swap3A_372, %swap3A_373], %broadcast_in_dim3A_3 {strides = array<i32>} : memref<16x128xf32, #tpu.memory_space<vmem>>, vector<16xf32>,
    %swap3A_375 = arith.constant 11 : i32
    %swap3A_376 = arith.index_cast %swap3A_375 : i32 to index
    %swap3A_377 = arith.constant 80 : index
    %swap3A_378 = tpu.vector_load %arg29[%swap3A_376, %swap3A_377] {strides = array<i32>} : memref<16x128xf32, #tpu.memory_space<vmem>>, vector<16xf32>,
    tpu.vector_store %arg29[%swap3A_376, %swap3A_377], %broadcast_in_dim3A_3 {strides = array<i32>} : memref<16x128xf32, #tpu.memory_space<vmem>>, vector<16xf32>,
    %swap3A_379 = arith.constant 11 : i32
    %swap3A_380 = arith.index_cast %swap3A_379 : i32 to index
    %swap3A_381 = arith.constant 96 : index
    %swap3A_382 = tpu.vector_load %arg29[%swap3A_380, %swap3A_381] {strides = array<i32>} : memref<16x128xf32, #tpu.memory_space<vmem>>, vector<16xf32>,
    tpu.vector_store %arg29[%swap3A_380, %swap3A_381], %broadcast_in_dim3A_3 {strides = array<i32>} : memref<16x128xf32, #tpu.memory_space<vmem>>, vector<16xf32>,
    %swap3A_383 = arith.constant 11 : i32
    %swap3A_384 = arith.index_cast %swap3A_383 : i32 to index
    %swap3A_385 = arith.constant 112 : index
    %swap3A_386 = tpu.vector_load %arg29[%swap3A_384, %swap3A_385] {strides = array<i32>} : memref<16x128xf32, #tpu.memory_space<vmem>>, vector<16xf32>,
    tpu.vector_store %arg29[%swap3A_384, %swap3A_385], %broadcast_in_dim3A_3 {strides = array<i32>} : memref<16x128xf32, #tpu.memory_space<vmem>>, vector<16xf32>,
    %swap3A_387 = arith.constant 12 : i32
    %swap3A_388 = arith.index_cast %swap3A_387 : i32 to index
    %swap3A_389 = arith.constant 0 : index
    %swap3A_390 = tpu.vector_load %arg29[%swap3A_388, %swap3A_389] {strides = array<i32>} : memref<16x128xf32, #tpu.memory_space<vmem>>, vector<16xf32>,
    tpu.vector_store %arg29[%swap3A_388, %swap3A_389], %broadcast_in_dim3A_3 {strides = array<i32>} : memref<16x128xf32, #tpu.memory_space<vmem>>, vector<16xf32>,
    %swap3A_391 = arith.constant 12 : i32
    %swap3A_392 = arith.index_cast %swap3A_391 : i32 to index
    %swap3A_393 = arith.constant 16 : index
    %swap3A_394 = tpu.vector_load %arg29[%swap3A_392, %swap3A_393] {strides = array<i32>} : memref<16x128xf32, #tpu.memory_space<vmem>>, vector<16xf32>,
    tpu.vector_store %arg29[%swap3A_392, %swap3A_393], %broadcast_in_dim3A_3 {strides = array<i32>} : memref<16x128xf32, #tpu.memory_space<vmem>>, vector<16xf32>,
    %swap3A_395 = arith.constant 12 : i32
    %swap3A_396 = arith.index_cast %swap3A_395 : i32 to index
    %swap3A_397 = arith.constant 32 : index
    %swap3A_398 = tpu.vector_load %arg29[%swap3A_396, %swap3A_397] {strides = array<i32>} : memref<16x128xf32, #tpu.memory_space<vmem>>, vector<16xf32>,
    tpu.vector_store %arg29[%swap3A_396, %swap3A_397], %broadcast_in_dim3A_3 {strides = array<i32>} : memref<16x128xf32, #tpu.memory_space<vmem>>, vector<16xf32>,
    %swap3A_399 = arith.constant 12 : i32
    %swap3A_400 = arith.index_cast %swap3A_399 : i32 to index
    %swap3A_401 = arith.constant 48 : index
    %swap3A_402 = tpu.vector_load %arg29[%swap3A_400, %swap3A_401] {strides = array<i32>} : memref<16x128xf32, #tpu.memory_space<vmem>>, vector<16xf32>,
    tpu.vector_store %arg29[%swap3A_400, %swap3A_401], %broadcast_in_dim3A_3 {strides = array<i32>} : memref<16x128xf32, #tpu.memory_space<vmem>>, vector<16xf32>,
    %swap3A_403 = arith.constant 12 : i32
    %swap3A_404 = arith.index_cast %swap3A_403 : i32 to index
    %swap3A_405 = arith.constant 64 : index
    %swap3A_406 = tpu.vector_load %arg29[%swap3A_404, %swap3A_405] {strides = array<i32>} : memref<16x128xf32, #tpu.memory_space<vmem>>, vector<16xf32>,
    tpu.vector_store %arg29[%swap3A_404, %swap3A_405], %broadcast_in_dim3A_3 {strides = array<i32>} : memref<16x128xf32, #tpu.memory_space<vmem>>, vector<16xf32>,
    %swap3A_407 = arith.constant 12 : i32
    %swap3A_408 = arith.index_cast %swap3A_407 : i32 to index
    %swap3A_409 = arith.constant 80 : index
    %swap3A_410 = tpu.vector_load %arg29[%swap3A_408, %swap3A_409] {strides = array<i32>} : memref<16x128xf32, #tpu.memory_space<vmem>>, vector<16xf32>,
    tpu.vector_store %arg29[%swap3A_408, %swap3A_409], %broadcast_in_dim3A_3 {strides = array<i32>} : memref<16x128xf32, #tpu.memory_space<vmem>>, vector<16xf32>,
    %swap3A_411 = arith.constant 12 : i32
    %swap3A_412 = arith.index_cast %swap3A_411 : i32 to index
    %swap3A_413 = arith.constant 96 : index
    %swap3A_414 = tpu.vector_load %arg29[%swap3A_412, %swap3A_413] {strides = array<i32>} : memref<16x128xf32, #tpu.memory_space<vmem>>, vector<16xf32>,
    tpu.vector_store %arg29[%swap3A_412, %swap3A_413], %broadcast_in_dim3A_3 {strides = array<i32>} : memref<16x128xf32, #tpu.memory_space<vmem>>, vector<16xf32>,
    %swap3A_415 = arith.constant 12 : i32
    %swap3A_416 = arith.index_cast %swap3A_415 : i32 to index
    %swap3A_417 = arith.constant 112 : index
    %swap3A_418 = tpu.vector_load %arg29[%swap3A_416, %swap3A_417] {strides = array<i32>} : memref<16x128xf32, #tpu.memory_space<vmem>>, vector<16xf32>,
    tpu.vector_store %arg29[%swap3A_416, %swap3A_417], %broadcast_in_dim3A_3 {strides = array<i32>} : memref<16x128xf32, #tpu.memory_space<vmem>>, vector<16xf32>,
    %swap3A_419 = arith.constant 13 : i32
    %swap3A_420 = arith.index_cast %swap3A_419 : i32 to index
    %swap3A_421 = arith.constant 0 : index
    %swap3A_422 = tpu.vector_load %arg29[%swap3A_420, %swap3A_421] {strides = array<i32>} : memref<16x128xf32, #tpu.memory_space<vmem>>, vector<16xf32>,
    tpu.vector_store %arg29[%swap3A_420, %swap3A_421], %broadcast_in_dim3A_3 {strides = array<i32>} : memref<16x128xf32, #tpu.memory_space<vmem>>, vector<16xf32>,
    %swap3A_423 = arith.constant 13 : i32
    %swap3A_424 = arith.index_cast %swap3A_423 : i32 to index
    %swap3A_425 = arith.constant 16 : index
    %swap3A_426 = tpu.vector_load %arg29[%swap3A_424, %swap3A_425] {strides = array<i32>} : memref<16x128xf32, #tpu.memory_space<vmem>>, vector<16xf32>,
    tpu.vector_store %arg29[%swap3A_424, %swap3A_425], %broadcast_in_dim3A_3 {strides = array<i32>} : memref<16x128xf32, #tpu.memory_space<vmem>>, vector<16xf32>,
    %swap3A_427 = arith.constant 13 : i32
    %swap3A_428 = arith.index_cast %swap3A_427 : i32 to index
    %swap3A_429 = arith.constant 32 : index
    %swap3A_430 = tpu.vector_load %arg29[%swap3A_428, %swap3A_429] {strides = array<i32>} : memref<16x128xf32, #tpu.memory_space<vmem>>, vector<16xf32>,
    tpu.vector_store %arg29[%swap3A_428, %swap3A_429], %broadcast_in_dim3A_3 {strides = array<i32>} : memref<16x128xf32, #tpu.memory_space<vmem>>, vector<16xf32>,
    %swap3A_431 = arith.constant 13 : i32
    %swap3A_432 = arith.index_cast %swap3A_431 : i32 to index
    %swap3A_433 = arith.constant 48 : index
    %swap3A_434 = tpu.vector_load %arg29[%swap3A_432, %swap3A_433] {strides = array<i32>} : memref<16x128xf32, #tpu.memory_space<vmem>>, vector<16xf32>,
    tpu.vector_store %arg29[%swap3A_432, %swap3A_433], %broadcast_in_dim3A_3 {strides = array<i32>} : memref<16x128xf32, #tpu.memory_space<vmem>>, vector<16xf32>,
    %swap3A_435 = arith.constant 13 : i32
    %swap3A_436 = arith.index_cast %swap3A_435 : i32 to index
    %swap3A_437 = arith.constant 64 : index
    %swap3A_438 = tpu.vector_load %arg29[%swap3A_436, %swap3A_437] {strides = array<i32>} : memref<16x128xf32, #tpu.memory_space<vmem>>, vector<16xf32>,
    tpu.vector_store %arg29[%swap3A_436, %swap3A_437], %broadcast_in_dim3A_3 {strides = array<i32>} : memref<16x128xf32, #tpu.memory_space<vmem>>, vector<16xf32>,
    %swap3A_439 = arith.constant 13 : i32
    %swap3A_440 = arith.index_cast %swap3A_439 : i32 to index
    %swap3A_441 = arith.constant 80 : index
    %swap3A_442 = tpu.vector_load %arg29[%swap3A_440, %swap3A_441] {strides = array<i32>} : memref<16x128xf32, #tpu.memory_space<vmem>>, vector<16xf32>,
    tpu.vector_store %arg29[%swap3A_440, %swap3A_441], %broadcast_in_dim3A_3 {strides = array<i32>} : memref<16x128xf32, #tpu.memory_space<vmem>>, vector<16xf32>,
    %swap3A_443 = arith.constant 13 : i32
    %swap3A_444 = arith.index_cast %swap3A_443 : i32 to index
    %swap3A_445 = arith.constant 96 : index
    %swap3A_446 = tpu.vector_load %arg29[%swap3A_444, %swap3A_445] {strides = array<i32>} : memref<16x128xf32, #tpu.memory_space<vmem>>, vector<16xf32>,
    tpu.vector_store %arg29[%swap3A_444, %swap3A_445], %broadcast_in_dim3A_3 {strides = array<i32>} : memref<16x128xf32, #tpu.memory_space<vmem>>, vector<16xf32>,
    %swap3A_447 = arith.constant 13 : i32
    %swap3A_448 = arith.index_cast %swap3A_447 : i32 to index
    %swap3A_449 = arith.constant 112 : index
    %swap3A_450 = tpu.vector_load %arg29[%swap3A_448, %swap3A_449] {strides = array<i32>} : memref<16x128xf32, #tpu.memory_space<vmem>>, vector<16xf32>,
    tpu.vector_store %arg29[%swap3A_448, %swap3A_449], %broadcast_in_dim3A_3 {strides = array<i32>} : memref<16x128xf32, #tpu.memory_space<vmem>>, vector<16xf32>,
    %swap3A_451 = arith.constant 14 : i32
    %swap3A_452 = arith.index_cast %swap3A_451 : i32 to index
    %swap3A_453 = arith.constant 0 : index
    %swap3A_454 = tpu.vector_load %arg29[%swap3A_452, %swap3A_453] {strides = array<i32>} : memref<16x128xf32, #tpu.memory_space<vmem>>, vector<16xf32>,
    tpu.vector_store %arg29[%swap3A_452, %swap3A_453], %broadcast_in_dim3A_3 {strides = array<i32>} : memref<16x128xf32, #tpu.memory_space<vmem>>, vector<16xf32>,
    %swap3A_455 = arith.constant 14 : i32
    %swap3A_456 = arith.index_cast %swap3A_455 : i32 to index
    %swap3A_457 = arith.constant 16 : index
    %swap3A_458 = tpu.vector_load %arg29[%swap3A_456, %swap3A_457] {strides = array<i32>} : memref<16x128xf32, #tpu.memory_space<vmem>>, vector<16xf32>,
    tpu.vector_store %arg29[%swap3A_456, %swap3A_457], %broadcast_in_dim3A_3 {strides = array<i32>} : memref<16x128xf32, #tpu.memory_space<vmem>>, vector<16xf32>,
    %swap3A_459 = arith.constant 14 : i32
    %swap3A_460 = arith.index_cast %swap3A_459 : i32 to index
    %swap3A_461 = arith.constant 32 : index
    %swap3A_462 = tpu.vector_load %arg29[%swap3A_460, %swap3A_461] {strides = array<i32>} : memref<16x128xf32, #tpu.memory_space<vmem>>, vector<16xf32>,
    tpu.vector_store %arg29[%swap3A_460, %swap3A_461], %broadcast_in_dim3A_3 {strides = array<i32>} : memref<16x128xf32, #tpu.memory_space<vmem>>, vector<16xf32>,
    %swap3A_463 = arith.constant 14 : i32
    %swap3A_464 = arith.index_cast %swap3A_463 : i32 to index
    %swap3A_465 = arith.constant 48 : index
    %swap3A_466 = tpu.vector_load %arg29[%swap3A_464, %swap3A_465] {strides = array<i32>} : memref<16x128xf32, #tpu.memory_space<vmem>>, vector<16xf32>,
    tpu.vector_store %arg29[%swap3A_464, %swap3A_465], %broadcast_in_dim3A_3 {strides = array<i32>} : memref<16x128xf32, #tpu.memory_space<vmem>>, vector<16xf32>,
    %swap3A_467 = arith.constant 14 : i32
    %swap3A_468 = arith.index_cast %swap3A_467 : i32 to index
    %swap3A_469 = arith.constant 64 : index
    %swap3A_470 = tpu.vector_load %arg29[%swap3A_468, %swap3A_469] {strides = array<i32>} : memref<16x128xf32, #tpu.memory_space<vmem>>, vector<16xf32>,
    tpu.vector_store %arg29[%swap3A_468, %swap3A_469], %broadcast_in_dim3A_3 {strides = array<i32>} : memref<16x128xf32, #tpu.memory_space<vmem>>, vector<16xf32>,
    %swap3A_471 = arith.constant 14 : i32
    %swap3A_472 = arith.index_cast %swap3A_471 : i32 to index
    %swap3A_473 = arith.constant 80 : index
    %swap3A_474 = tpu.vector_load %arg29[%swap3A_472, %swap3A_473] {strides = array<i32>} : memref<16x128xf32, #tpu.memory_space<vmem>>, vector<16xf32>,
    tpu.vector_store %arg29[%swap3A_472, %swap3A_473], %broadcast_in_dim3A_3 {strides = array<i32>} : memref<16x128xf32, #tpu.memory_space<vmem>>, vector<16xf32>,
    %swap3A_475 = arith.constant 14 : i32
    %swap3A_476 = arith.index_cast %swap3A_475 : i32 to index
    %swap3A_477 = arith.constant 96 : index
    %swap3A_478 = tpu.vector_load %arg29[%swap3A_476, %swap3A_477] {strides = array<i32>} : memref<16x128xf32, #tpu.memory_space<vmem>>, vector<16xf32>,
    tpu.vector_store %arg29[%swap3A_476, %swap3A_477], %broadcast_in_dim3A_3 {strides = array<i32>} : memref<16x128xf32, #tpu.memory_space<vmem>>, vector<16xf32>,
    %swap3A_479 = arith.constant 14 : i32
    %swap3A_480 = arith.index_cast %swap3A_479 : i32 to index
    %swap3A_481 = arith.constant 112 : index
    %swap3A_482 = tpu.vector_load %arg29[%swap3A_480, %swap3A_481] {strides = array<i32>} : memref<16x128xf32, #tpu.memory_space<vmem>>, vector<16xf32>,
    tpu.vector_store %arg29[%swap3A_480, %swap3A_481], %broadcast_in_dim3A_3 {strides = array<i32>} : memref<16x128xf32, #tpu.memory_space<vmem>>, vector<16xf32>,
    %swap3A_483 = arith.constant 15 : i32
    %swap3A_484 = arith.index_cast %swap3A_483 : i32 to index
    %swap3A_485 = arith.constant 0 : index
    %swap3A_486 = tpu.vector_load %arg29[%swap3A_484, %swap3A_485] {strides = array<i32>} : memref<16x128xf32, #tpu.memory_space<vmem>>, vector<16xf32>,
    tpu.vector_store %arg29[%swap3A_484, %swap3A_485], %broadcast_in_dim3A_3 {strides = array<i32>} : memref<16x128xf32, #tpu.memory_space<vmem>>, vector<16xf32>,
    %swap3A_487 = arith.constant 15 : i32
    %swap3A_488 = arith.index_cast %swap3A_487 : i32 to index
    %swap3A_489 = arith.constant 16 : index
    %swap3A_490 = tpu.vector_load %arg29[%swap3A_488, %swap3A_489] {strides = array<i32>} : memref<16x128xf32, #tpu.memory_space<vmem>>, vector<16xf32>,
    tpu.vector_store %arg29[%swap3A_488, %swap3A_489], %broadcast_in_dim3A_3 {strides = array<i32>} : memref<16x128xf32, #tpu.memory_space<vmem>>, vector<16xf32>,
    %swap3A_491 = arith.constant 15 : i32
    %swap3A_492 = arith.index_cast %swap3A_491 : i32 to index
    %swap3A_493 = arith.constant 32 : index
    %swap3A_494 = tpu.vector_load %arg29[%swap3A_492, %swap3A_493] {strides = array<i32>} : memref<16x128xf32, #tpu.memory_space<vmem>>, vector<16xf32>,
    tpu.vector_store %arg29[%swap3A_492, %swap3A_493], %broadcast_in_dim3A_3 {strides = array<i32>} : memref<16x128xf32, #tpu.memory_space<vmem>>, vector<16xf32>,
    %swap3A_495 = arith.constant 15 : i32
    %swap3A_496 = arith.index_cast %swap3A_495 : i32 to index
    %swap3A_497 = arith.constant 48 : index
    %swap3A_498 = tpu.vector_load %arg29[%swap3A_496, %swap3A_497] {strides = array<i32>} : memref<16x128xf32, #tpu.memory_space<vmem>>, vector<16xf32>,
    tpu.vector_store %arg29[%swap3A_496, %swap3A_497], %broadcast_in_dim3A_3 {strides = array<i32>} : memref<16x128xf32, #tpu.memory_space<vmem>>, vector<16xf32>,
    %swap3A_499 = arith.constant 15 : i32
    %swap3A_500 = arith.index_cast %swap3A_499 : i32 to index
    %swap3A_501 = arith.constant 64 : index
    %swap3A_502 = tpu.vector_load %arg29[%swap3A_500, %swap3A_501] {strides = array<i32>} : memref<16x128xf32, #tpu.memory_space<vmem>>, vector<16xf32>,
    tpu.vector_store %arg29[%swap3A_500, %swap3A_501], %broadcast_in_dim3A_3 {strides = array<i32>} : memref<16x128xf32, #tpu.memory_space<vmem>>, vector<16xf32>,
    %swap3A_503 = arith.constant 15 : i32
    %swap3A_504 = arith.index_cast %swap3A_503 : i32 to index
    %swap3A_505 = arith.constant 80 : index
    %swap3A_506 = tpu.vector_load %arg29[%swap3A_504, %swap3A_505] {strides = array<i32>} : memref<16x128xf32, #tpu.memory_space<vmem>>, vector<16xf32>,
    tpu.vector_store %arg29[%swap3A_504, %swap3A_505], %broadcast_in_dim3A_3 {strides = array<i32>} : memref<16x128xf32, #tpu.memory_space<vmem>>, vector<16xf32>,
    %swap3A_507 = arith.constant 15 : i32
    %swap3A_508 = arith.index_cast %swap3A_507 : i32 to index
    %swap3A_509 = arith.constant 96 : index
    %swap3A_510 = tpu.vector_load %arg29[%swap3A_508, %swap3A_509] {strides = array<i32>} : memref<16x128xf32, #tpu.memory_space<vmem>>, vector<16xf32>,
    tpu.vector_store %arg29[%swap3A_508, %swap3A_509], %broadcast_in_dim3A_3 {strides = array<i32>} : memref<16x128xf32, #tpu.memory_space<vmem>>, vector<16xf32>,
    %swap3A_511 = arith.constant 15 : i32
    %swap3A_512 = arith.index_cast %swap3A_511 : i32 to index
    %swap3A_513 = arith.constant 112 : index
    %swap3A_514 = tpu.vector_load %arg29[%swap3A_512, %swap3A_513] {strides = array<i32>} : memref<16x128xf32, #tpu.memory_space<vmem>>, vector<16xf32>,
    tpu.vector_store %arg29[%swap3A_512, %swap3A_513], %broadcast_in_dim3A_3 {strides = array<i32>} : memref<16x128xf32, #tpu.memory_space<vmem>>, vector<16xf32>,
    %scan3A = arith.constant 0 : i32
    %scan3A_515 = arith.constant 0 : i32
    %scan3A_516 = arith.constant 2 : i32
    %scan3A_517 = arith.addi %scan3A_515, %scan3A_516 : i32
    %scan3A_518 = arith.constant 1 : i32
    %scan3A_519 = scf.for %scan3A_784 = %scan3A_515 to %scan3A_517 step %scan3A_518 iter_args(%scan3A_785 = %scan3A) -> (i32)  : i32 {
      %mul3A_786 = arith.constant 32 : i32
      %mul3A_787 = arith.muli %add3A, %mul3A_786 : i32
      %mul3A_788 = arith.constant 16 : i32
      %mul3A_789 = arith.muli %scan3A_784, %mul3A_788 : i32
      %add3A_790 = arith.addi %mul3A_787, %mul3A_789 : i32
      %add3A_791 = arith.constant 0 : i32
      %add3A_792 = arith.addi %add3A_791, %add3A_790 : i32
      %get3A = arith.index_cast %add3A_792 : i32 to index
      %get3A_793 = tpu.vector_load %arg21[%get3A] {strides = array<i32>} : memref<2048xi32, #tpu.memory_space<vmem>>, vector<16xi32>,
      "tpu.region"() ({
        %run_scoped3A = tpu.sem_alloc : memref<!tpu.dma_semaphore, #tpu.memory_space<semaphore_mem>>
        %dma_start3A = arith.constant 0 : i32
        %dma_start3A_795 = arith.constant 0 : i32
        %dma_start3A_796 = tpu.memref_slice %arg6[%dma_start3A, %dma_start3A_795] : memref<25000x128xf32, #tpu.memory_space<hbm>> -> memref<25000x128xf32, #tpu.memory_space<hbm>>
        tpu.enqueue_indirect_dma source(%dma_start3A_796 : memref<25000x128xf32, #tpu.memory_space<hbm>>) target(%arg28 : memref<16x128xf32, #tpu.memory_space<vmem>>) offsets(%get3A_793 : vector<16xi32>) semaphore(%run_scoped3A : memref<!tpu.dma_semaphore, #tpu.memory_space<semaphore_mem>>)
        %dma_wait3A = arith.constant 0 : i32
        %dma_wait3A_797 = arith.constant 0 : i32
        %dma_wait3A_798 = tpu.memref_slice %arg6[%dma_wait3A, %dma_wait3A_797] : memref<25000x128xf32, #tpu.memory_space<hbm>> -> memref<25000x128xf32, #tpu.memory_space<hbm>>
        tpu.wait_indirect_dma semaphore(%run_scoped3A : memref<!tpu.dma_semaphore, #tpu.memory_space<semaphore_mem>>) src(%dma_wait3A_798 : memref<25000x128xf32, #tpu.memory_space<hbm>>) dst(%arg28 : memref<16x128xf32, #tpu.memory_space<vmem>>)
        tpu.yield
      }) : () -> ()
      "tpu.region"() ({
        %run_scoped3A = tpu.sem_alloc : memref<!tpu.dma_semaphore, #tpu.memory_space<semaphore_mem>>
        %dma_start3A = arith.constant 0 : i32
        %dma_start3A_795 = tpu.memref_slice %arg18[%add3A_790, %dma_start3A] : memref<1024x128xf32, #tpu.memory_space<hbm>> -> memref<16x128xf32, #tpu.memory_space<hbm>>
        %dma_start3A_796 = arith.constant 0 : i32
        %dma_start3A_797 = tpu.memref_slice %arg18[%add3A_790, %dma_start3A_796] : memref<1024x128xf32, #tpu.memory_space<hbm>> -> memref<16x128xf32, #tpu.memory_space<hbm>>
        tpu.enqueue_dma source(%arg28 : memref<16x128xf32, #tpu.memory_space<vmem>>) target(%dma_start3A_797 : memref<16x128xf32, #tpu.memory_space<hbm>>) target_semaphore(%run_scoped3A : memref<!tpu.dma_semaphore, #tpu.memory_space<semaphore_mem>>)
        %dma_wait3A = arith.constant 0 : i32
        %dma_wait3A_798 = tpu.memref_slice %arg18[%add3A_790, %dma_wait3A] : memref<1024x128xf32, #tpu.memory_space<hbm>> -> memref<16x128xf32, #tpu.memory_space<hbm>>
        %dma_wait3A_799 = arith.constant 0 : i32
        %dma_wait3A_800 = tpu.memref_slice %arg18[%add3A_790, %dma_wait3A_799] : memref<1024x128xf32, #tpu.memory_space<hbm>> -> memref<16x128xf32, #tpu.memory_space<hbm>>
        tpu.wait_dma2 semaphore(%run_scoped3A : memref<!tpu.dma_semaphore, #tpu.memory_space<semaphore_mem>>) src(%arg28 : memref<16x128xf32, #tpu.memory_space<vmem>>) dst(%dma_wait3A_800 : memref<16x128xf32, #tpu.memory_space<hbm>>)
        tpu.yield
      }) : () -> ()
      %scan3A_794 = arith.constant 0 : i32
      scf.yield %scan3A_794 : i32
    }
    %scan3A_520 = arith.constant 2 : i32
    %scan3A_521 = arith.constant 0 : i32
    %scan3A_522 = arith.constant 0 : i32
    %scan3A_523 = arith.constant 2 : i32
    %scan3A_524 = arith.addi %scan3A_522, %scan3A_523 : i32
    %scan3A_525 = arith.constant 1 : i32
    %scan3A_526 = scf.for %scan3A_784 = %scan3A_522 to %scan3A_524 step %scan3A_525 iter_args(%scan3A_785 = %scan3A_521) -> (i32)  : i32 {
      %mul3A_786 = arith.constant 32 : i32
      %mul3A_787 = arith.muli %add3A, %mul3A_786 : i32
      %mul3A_788 = arith.constant 16 : i32
      %mul3A_789 = arith.muli %scan3A_784, %mul3A_788 : i32
      %add3A_790 = arith.addi %mul3A_787, %mul3A_789 : i32
      %add3A_791 = arith.constant 1024 : i32
      %add3A_792 = arith.addi %add3A_791, %add3A_790 : i32
      %get3A = arith.index_cast %add3A_792 : i32 to index
      %get3A_793 = tpu.vector_load %arg21[%get3A] {strides = array<i32>} : memref<2048xi32, #tpu.memory_space<vmem>>, vector<16xi32>,
      "tpu.region"() ({
        %run_scoped3A = tpu.sem_alloc : memref<!tpu.dma_semaphore, #tpu.memory_space<semaphore_mem>>
        %dma_start3A = arith.constant 0 : i32
        %dma_start3A_795 = arith.constant 0 : i32
        %dma_start3A_796 = tpu.memref_slice %arg7[%dma_start3A, %dma_start3A_795] : memref<25000x128xf32, #tpu.memory_space<hbm>> -> memref<25000x128xf32, #tpu.memory_space<hbm>>
        tpu.enqueue_indirect_dma source(%dma_start3A_796 : memref<25000x128xf32, #tpu.memory_space<hbm>>) target(%arg28 : memref<16x128xf32, #tpu.memory_space<vmem>>) offsets(%get3A_793 : vector<16xi32>) semaphore(%run_scoped3A : memref<!tpu.dma_semaphore, #tpu.memory_space<semaphore_mem>>)
        %dma_wait3A = arith.constant 0 : i32
        %dma_wait3A_797 = arith.constant 0 : i32
        %dma_wait3A_798 = tpu.memref_slice %arg7[%dma_wait3A, %dma_wait3A_797] : memref<25000x128xf32, #tpu.memory_space<hbm>> -> memref<25000x128xf32, #tpu.memory_space<hbm>>
        tpu.wait_indirect_dma semaphore(%run_scoped3A : memref<!tpu.dma_semaphore, #tpu.memory_space<semaphore_mem>>) src(%dma_wait3A_798 : memref<25000x128xf32, #tpu.memory_space<hbm>>) dst(%arg28 : memref<16x128xf32, #tpu.memory_space<vmem>>)
        tpu.yield
      }) : () -> ()
      "tpu.region"() ({
        %run_scoped3A = tpu.sem_alloc : memref<!tpu.dma_semaphore, #tpu.memory_space<semaphore_mem>>
        %dma_start3A = arith.constant 0 : i32
        %dma_start3A_795 = tpu.memref_slice %arg19[%add3A_790, %dma_start3A] : memref<1024x128xf32, #tpu.memory_space<hbm>> -> memref<16x128xf32, #tpu.memory_space<hbm>>
        %dma_start3A_796 = arith.constant 0 : i32
        %dma_start3A_797 = tpu.memref_slice %arg19[%add3A_790, %dma_start3A_796] : memref<1024x128xf32, #tpu.memory_space<hbm>> -> memref<16x128xf32, #tpu.memory_space<hbm>>
        tpu.enqueue_dma source(%arg28 : memref<16x128xf32, #tpu.memory_space<vmem>>) target(%dma_start3A_797 : memref<16x128xf32, #tpu.memory_space<hbm>>) target_semaphore(%run_scoped3A : memref<!tpu.dma_semaphore, #tpu.memory_space<semaphore_mem>>)
        %dma_wait3A = arith.constant 0 : i32
        %dma_wait3A_798 = tpu.memref_slice %arg19[%add3A_790, %dma_wait3A] : memref<1024x128xf32, #tpu.memory_space<hbm>> -> memref<16x128xf32, #tpu.memory_space<hbm>>
        %dma_wait3A_799 = arith.constant 0 : i32
        %dma_wait3A_800 = tpu.memref_slice %arg19[%add3A_790, %dma_wait3A_799] : memref<1024x128xf32, #tpu.memory_space<hbm>> -> memref<16x128xf32, #tpu.memory_space<hbm>>
        tpu.wait_dma2 semaphore(%run_scoped3A : memref<!tpu.dma_semaphore, #tpu.memory_space<semaphore_mem>>) src(%arg28 : memref<16x128xf32, #tpu.memory_space<vmem>>) dst(%dma_wait3A_800 : memref<16x128xf32, #tpu.memory_space<hbm>>)
        tpu.yield
      }) : () -> ()
      %scan3A_794 = arith.constant 0 : i32
      scf.yield %scan3A_794 : i32
    }
    %scan3A_527 = arith.constant 2 : i32
    %broadcast_in_dim3A_528 = arith.constant -1 : i32
    %broadcast_in_dim3A_529 = vector.broadcast %broadcast_in_dim3A_528 : i32 to vector<16xi32>
    %scan3A_530 = arith.constant 0 : i32
    %scan3A_531 = arith.constant 0 : i32
    %scan3A_532 = arith.constant 391 : i32
    %scan3A_533 = arith.addi %scan3A_531, %scan3A_532 : i32
    %scan3A_534 = arith.constant 1 : i32
    %scan3A_535 = scf.for %scan3A_784 = %scan3A_531 to %scan3A_533 step %scan3A_534 iter_args(%scan3A_785 = %scan3A_530) -> (i32)  : i32 {
      %mul3A_786 = arith.constant 64 : i32
      %mul3A_787 = arith.muli %scan3A_784, %mul3A_786 : i32
      %swap3A_788 = arith.index_cast %mul3A_787 : i32 to index
      %swap3A_789 = tpu.vector_load %arg20[%swap3A_788] {strides = array<i32>} : memref<50048xi32, #tpu.memory_space<vmem>>, vector<16xi32>,
      tpu.vector_store %arg20[%swap3A_788], %broadcast_in_dim3A_529 {strides = array<i32>} : memref<50048xi32, #tpu.memory_space<vmem>>, vector<16xi32>,
      %mul3A_790 = arith.constant 64 : i32
      %mul3A_791 = arith.muli %scan3A_784, %mul3A_790 : i32
      %add3A_792 = arith.constant 16 : i32
      %add3A_793 = arith.addi %mul3A_791, %add3A_792 : i32
      %swap3A_794 = arith.index_cast %add3A_793 : i32 to index
      %swap3A_795 = tpu.vector_load %arg20[%swap3A_794] {strides = array<i32>} : memref<50048xi32, #tpu.memory_space<vmem>>, vector<16xi32>,
      tpu.vector_store %arg20[%swap3A_794], %broadcast_in_dim3A_529 {strides = array<i32>} : memref<50048xi32, #tpu.memory_space<vmem>>, vector<16xi32>,
      %mul3A_796 = arith.constant 64 : i32
      %mul3A_797 = arith.muli %scan3A_784, %mul3A_796 : i32
      %add3A_798 = arith.constant 32 : i32
      %add3A_799 = arith.addi %mul3A_797, %add3A_798 : i32
      %swap3A_800 = arith.index_cast %add3A_799 : i32 to index
      %swap3A_801 = tpu.vector_load %arg20[%swap3A_800] {strides = array<i32>} : memref<50048xi32, #tpu.memory_space<vmem>>, vector<16xi32>,
      tpu.vector_store %arg20[%swap3A_800], %broadcast_in_dim3A_529 {strides = array<i32>} : memref<50048xi32, #tpu.memory_space<vmem>>, vector<16xi32>,
      %mul3A_802 = arith.constant 64 : i32
      %mul3A_803 = arith.muli %scan3A_784, %mul3A_802 : i32
      %add3A_804 = arith.constant 48 : i32
      %add3A_805 = arith.addi %mul3A_803, %add3A_804 : i32
      %swap3A_806 = arith.index_cast %add3A_805 : i32 to index
      %swap3A_807 = tpu.vector_load %arg20[%swap3A_806] {strides = array<i32>} : memref<50048xi32, #tpu.memory_space<vmem>>, vector<16xi32>,
      tpu.vector_store %arg20[%swap3A_806], %broadcast_in_dim3A_529 {strides = array<i32>} : memref<50048xi32, #tpu.memory_space<vmem>>, vector<16xi32>,
      %scan3A_808 = arith.constant 0 : i32
      scf.yield %scan3A_808 : i32
    }
    %scan3A_536 = arith.constant 391 : i32
    %scan3A_537 = arith.constant 0 : i32
    %scan3A_538 = arith.constant 0 : i32
    %scan3A_539 = arith.constant 64 : i32
    %scan3A_540 = arith.addi %scan3A_538, %scan3A_539 : i32
    %scan3A_541 = arith.constant 1 : i32
    %scan3A_542 = scf.for %scan3A_784 = %scan3A_538 to %scan3A_540 step %scan3A_541 iter_args(%scan3A_785 = %scan3A_537) -> (i32)  : i32 {
      %mul3A_786 = arith.constant 16 : i32
      %mul3A_787 = arith.muli %scan3A_784, %mul3A_786 : i32
      %add3A_788 = arith.constant 0 : i32
      %add3A_789 = arith.addi %add3A_788, %mul3A_787 : i32
      %get3A = arith.index_cast %add3A_789 : i32 to index
      %get3A_790 = tpu.vector_load %arg21[%get3A] {strides = array<i32>} : memref<2048xi32, #tpu.memory_space<vmem>>, vector<16xi32>,
      %add3A_791 = arith.constant 0 : i32
      %add3A_792 = vector.broadcast %add3A_791 : i32 to vector<16xi32>
      %add3A_793 = arith.addi %get3A_790, %add3A_792 : vector<16xi32>
      %mul3A_794 = arith.constant 16 : i32
      %mul3A_795 = arith.muli %scan3A_784, %mul3A_794 : i32
      %add3A_796 = arith.constant 0 : i32
      %add3A_797 = arith.addi %mul3A_795, %add3A_796 : i32
      %add3A_798 = vector.broadcast %add3A_797 : i32 to vector<16xi32>
      %add3A_799 = arith.addi %iota3A, %add3A_798 : vector<16xi32>
      tpu.vector_store_idx %arg20[%add3A_793], %add3A_799 : memref<50048xi32, #tpu.memory_space<vmem>>[vector<16xi32>], vector<16xi32>,
      %scan3A_800 = arith.constant 0 : i32
      scf.yield %scan3A_800 : i32
    }
    %scan3A_543 = arith.constant 64 : i32
    %barrier3A = arith.constant 0 : index
    tpu.barrier barrier_id(%barrier3A)
    %scan3A_544 = arith.constant 0 : i32
    %scan3A_545 = arith.constant 0 : i32
    %scan3A_546 = arith.constant 8 : i32
    %scan3A_547 = arith.addi %scan3A_545, %scan3A_546 : i32
    %scan3A_548 = arith.constant 1 : i32
    %scan3A_549 = scf.for %scan3A_784 = %scan3A_545 to %scan3A_547 step %scan3A_548 iter_args(%scan3A_785 = %scan3A_544) -> (i32)  : i32 {
      %mul3A_786 = arith.constant 128 : i32
      %mul3A_787 = arith.muli %arg1, %mul3A_786 : i32
      %mul3A_788 = arith.constant 16 : i32
      %mul3A_789 = arith.muli %scan3A_784, %mul3A_788 : i32
      %add3A_790 = arith.addi %mul3A_787, %mul3A_789 : i32
      "tpu.region"() ({
        %run_scoped3A = tpu.sem_alloc : memref<!tpu.dma_semaphore, #tpu.memory_space<semaphore_mem>>
        %dma_start3A = arith.constant 0 : i32
        %dma_start3A_792 = tpu.memref_slice %arg31[%add3A_790, %dma_start3A] : memref<2048x128xf32, #tpu.memory_space<vmem_shared>> -> memref<16x128xf32, #tpu.memory_space<vmem_shared>>
        %dma_start3A_793 = arith.constant 0 : i32
        %dma_start3A_794 = tpu.memref_slice %arg31[%add3A_790, %dma_start3A_793] : memref<2048x128xf32, #tpu.memory_space<vmem_shared>> -> memref<16x128xf32, #tpu.memory_space<vmem_shared>>
        tpu.enqueue_dma source(%arg29 : memref<16x128xf32, #tpu.memory_space<vmem>>) target(%dma_start3A_794 : memref<16x128xf32, #tpu.memory_space<vmem_shared>>) target_semaphore(%run_scoped3A : memref<!tpu.dma_semaphore, #tpu.memory_space<semaphore_mem>>)
        %dma_wait3A = arith.constant 0 : i32
        %dma_wait3A_795 = tpu.memref_slice %arg31[%add3A_790, %dma_wait3A] : memref<2048x128xf32, #tpu.memory_space<vmem_shared>> -> memref<16x128xf32, #tpu.memory_space<vmem_shared>>
        %dma_wait3A_796 = arith.constant 0 : i32
        %dma_wait3A_797 = tpu.memref_slice %arg31[%add3A_790, %dma_wait3A_796] : memref<2048x128xf32, #tpu.memory_space<vmem_shared>> -> memref<16x128xf32, #tpu.memory_space<vmem_shared>>
        tpu.wait_dma2 semaphore(%run_scoped3A : memref<!tpu.dma_semaphore, #tpu.memory_space<semaphore_mem>>) src(%arg29 : memref<16x128xf32, #tpu.memory_space<vmem>>) dst(%dma_wait3A_797 : memref<16x128xf32, #tpu.memory_space<vmem_shared>>)
        tpu.yield
      }) : () -> ()
      %scan3A_791 = arith.constant 0 : i32
      scf.yield %scan3A_791 : i32
    }
    %scan3A_550 = arith.constant 8 : i32
    %barrier3A_551 = arith.constant 0 : index
    tpu.barrier barrier_id(%barrier3A_551)
    %scan3A_552 = arith.constant 0 : i32
    %scan3A_553 = arith.constant 0 : i32
    %scan3A_554 = arith.constant 2 : i32
    %scan3A_555 = arith.addi %scan3A_553, %scan3A_554 : i32
    %scan3A_556 = arith.constant 1 : i32
    %scan3A_557 = scf.for %scan3A_784 = %scan3A_553 to %scan3A_555 step %scan3A_556 iter_args(%scan3A_785 = %scan3A_552) -> (i32)  : i32 {
      %mul3A_786 = arith.constant 2 : i32
      %mul3A_787 = arith.muli %add3A, %mul3A_786 : i32
      %add3A_788 = arith.addi %mul3A_787, %scan3A_784 : i32
      %mul3A_789 = arith.constant 1792 : i32
      %mul3A_790 = arith.muli %add3A_788, %mul3A_789 : i32
      "tpu.region"() ({
        %run_scoped3A = tpu.sem_alloc : memref<!tpu.dma_semaphore, #tpu.memory_space<semaphore_mem>>
        %dma_start3A = arith.constant 0 : i32
        %dma_start3A_797 = tpu.memref_slice %arg22[%dma_start3A] : memref<2560xi32, #tpu.memory_space<vmem>> -> memref<1792xi32, #tpu.memory_space<vmem>>
        %dma_start3A_798 = tpu.memref_slice %arg11[%mul3A_790] : memref<114688xi32, #tpu.memory_space<hbm>> -> memref<1792xi32, #tpu.memory_space<hbm>>
        %dma_start3A_799 = arith.constant 0 : i32
        %dma_start3A_800 = tpu.memref_slice %arg22[%dma_start3A_799] : memref<2560xi32, #tpu.memory_space<vmem>> -> memref<1792xi32, #tpu.memory_space<vmem>>
        %dma_start3A_801 = tpu.memref_slice %arg11[%mul3A_790] : memref<114688xi32, #tpu.memory_space<hbm>> -> memref<1792xi32, #tpu.memory_space<hbm>>
        tpu.enqueue_dma source(%dma_start3A_801 : memref<1792xi32, #tpu.memory_space<hbm>>) target(%dma_start3A_800 : memref<1792xi32, #tpu.memory_space<vmem>>) target_semaphore(%run_scoped3A : memref<!tpu.dma_semaphore, #tpu.memory_space<semaphore_mem>>)
        %dma_wait3A = arith.constant 0 : i32
        %dma_wait3A_802 = tpu.memref_slice %arg22[%dma_wait3A] : memref<2560xi32, #tpu.memory_space<vmem>> -> memref<1792xi32, #tpu.memory_space<vmem>>
        %dma_wait3A_803 = tpu.memref_slice %arg11[%mul3A_790] : memref<114688xi32, #tpu.memory_space<hbm>> -> memref<1792xi32, #tpu.memory_space<hbm>>
        %dma_wait3A_804 = arith.constant 0 : i32
        %dma_wait3A_805 = tpu.memref_slice %arg22[%dma_wait3A_804] : memref<2560xi32, #tpu.memory_space<vmem>> -> memref<1792xi32, #tpu.memory_space<vmem>>
        %dma_wait3A_806 = tpu.memref_slice %arg11[%mul3A_790] : memref<114688xi32, #tpu.memory_space<hbm>> -> memref<1792xi32, #tpu.memory_space<hbm>>
        tpu.wait_dma2 semaphore(%run_scoped3A : memref<!tpu.dma_semaphore, #tpu.memory_space<semaphore_mem>>) src(%dma_wait3A_806 : memref<1792xi32, #tpu.memory_space<hbm>>) dst(%dma_wait3A_805 : memref<1792xi32, #tpu.memory_space<vmem>>)
        tpu.yield
      }) : () -> ()
      "tpu.region"() ({
        %run_scoped3A = tpu.sem_alloc : memref<!tpu.dma_semaphore, #tpu.memory_space<semaphore_mem>>
        %dma_start3A = arith.constant 0 : i32
        %dma_start3A_797 = tpu.memref_slice %arg23[%dma_start3A] : memref<2560xi32, #tpu.memory_space<vmem>> -> memref<1792xi32, #tpu.memory_space<vmem>>
        %dma_start3A_798 = tpu.memref_slice %arg12[%mul3A_790] : memref<114688xi32, #tpu.memory_space<hbm>> -> memref<1792xi32, #tpu.memory_space<hbm>>
        %dma_start3A_799 = arith.constant 0 : i32
        %dma_start3A_800 = tpu.memref_slice %arg23[%dma_start3A_799] : memref<2560xi32, #tpu.memory_space<vmem>> -> memref<1792xi32, #tpu.memory_space<vmem>>
        %dma_start3A_801 = tpu.memref_slice %arg12[%mul3A_790] : memref<114688xi32, #tpu.memory_space<hbm>> -> memref<1792xi32, #tpu.memory_space<hbm>>
        tpu.enqueue_dma source(%dma_start3A_801 : memref<1792xi32, #tpu.memory_space<hbm>>) target(%dma_start3A_800 : memref<1792xi32, #tpu.memory_space<vmem>>) target_semaphore(%run_scoped3A : memref<!tpu.dma_semaphore, #tpu.memory_space<semaphore_mem>>)
        %dma_wait3A = arith.constant 0 : i32
        %dma_wait3A_802 = tpu.memref_slice %arg23[%dma_wait3A] : memref<2560xi32, #tpu.memory_space<vmem>> -> memref<1792xi32, #tpu.memory_space<vmem>>
        %dma_wait3A_803 = tpu.memref_slice %arg12[%mul3A_790] : memref<114688xi32, #tpu.memory_space<hbm>> -> memref<1792xi32, #tpu.memory_space<hbm>>
        %dma_wait3A_804 = arith.constant 0 : i32
        %dma_wait3A_805 = tpu.memref_slice %arg23[%dma_wait3A_804] : memref<2560xi32, #tpu.memory_space<vmem>> -> memref<1792xi32, #tpu.memory_space<vmem>>
        %dma_wait3A_806 = tpu.memref_slice %arg12[%mul3A_790] : memref<114688xi32, #tpu.memory_space<hbm>> -> memref<1792xi32, #tpu.memory_space<hbm>>
        tpu.wait_dma2 semaphore(%run_scoped3A : memref<!tpu.dma_semaphore, #tpu.memory_space<semaphore_mem>>) src(%dma_wait3A_806 : memref<1792xi32, #tpu.memory_space<hbm>>) dst(%dma_wait3A_805 : memref<1792xi32, #tpu.memory_space<vmem>>)
        tpu.yield
      }) : () -> ()
      "tpu.region"() ({
        %run_scoped3A = tpu.sem_alloc : memref<!tpu.dma_semaphore, #tpu.memory_space<semaphore_mem>>
        %dma_start3A = arith.constant 0 : i32
        %dma_start3A_797 = tpu.memref_slice %arg24[%dma_start3A] : memref<2560xf32, #tpu.memory_space<vmem>> -> memref<1792xf32, #tpu.memory_space<vmem>>
        %dma_start3A_798 = tpu.memref_slice %arg13[%mul3A_790] : memref<114688xf32, #tpu.memory_space<hbm>> -> memref<1792xf32, #tpu.memory_space<hbm>>
        %dma_start3A_799 = arith.constant 0 : i32
        %dma_start3A_800 = tpu.memref_slice %arg24[%dma_start3A_799] : memref<2560xf32, #tpu.memory_space<vmem>> -> memref<1792xf32, #tpu.memory_space<vmem>>
        %dma_start3A_801 = tpu.memref_slice %arg13[%mul3A_790] : memref<114688xf32, #tpu.memory_space<hbm>> -> memref<1792xf32, #tpu.memory_space<hbm>>
        tpu.enqueue_dma source(%dma_start3A_801 : memref<1792xf32, #tpu.memory_space<hbm>>) target(%dma_start3A_800 : memref<1792xf32, #tpu.memory_space<vmem>>) target_semaphore(%run_scoped3A : memref<!tpu.dma_semaphore, #tpu.memory_space<semaphore_mem>>)
        %dma_wait3A = arith.constant 0 : i32
        %dma_wait3A_802 = tpu.memref_slice %arg24[%dma_wait3A] : memref<2560xf32, #tpu.memory_space<vmem>> -> memref<1792xf32, #tpu.memory_space<vmem>>
        %dma_wait3A_803 = tpu.memref_slice %arg13[%mul3A_790] : memref<114688xf32, #tpu.memory_space<hbm>> -> memref<1792xf32, #tpu.memory_space<hbm>>
        %dma_wait3A_804 = arith.constant 0 : i32
        %dma_wait3A_805 = tpu.memref_slice %arg24[%dma_wait3A_804] : memref<2560xf32, #tpu.memory_space<vmem>> -> memref<1792xf32, #tpu.memory_space<vmem>>
        %dma_wait3A_806 = tpu.memref_slice %arg13[%mul3A_790] : memref<114688xf32, #tpu.memory_space<hbm>> -> memref<1792xf32, #tpu.memory_space<hbm>>
        tpu.wait_dma2 semaphore(%run_scoped3A : memref<!tpu.dma_semaphore, #tpu.memory_space<semaphore_mem>>) src(%dma_wait3A_806 : memref<1792xf32, #tpu.memory_space<hbm>>) dst(%dma_wait3A_805 : memref<1792xf32, #tpu.memory_space<vmem>>)
        tpu.yield
      }) : () -> ()
      %scan3A_791 = arith.constant 0 : i32
      %scan3A_792 = arith.constant 56 : i32
      %scan3A_793 = arith.addi %scan3A_791, %scan3A_792 : i32
      %scan3A_794 = arith.constant 1 : i32
      %scan3A_795 = scf.for %scan3A_797 = %scan3A_791 to %scan3A_793 step %scan3A_794 iter_args(%scan3A_798 = %scan3A_785) -> (i32)  : i32 {
        %mul3A_799 = arith.constant 32 : i32
        %mul3A_800 = arith.muli %scan3A_797, %mul3A_799 : i32
        %get3A = arith.index_cast %mul3A_800 : i32 to index
        %get3A_801 = tpu.vector_load %arg22[%get3A] {strides = array<i32>} : memref<2560xi32, #tpu.memory_space<vmem>>, vector<16xi32>,
        %gather3A = tpu.vector_load_idx %arg20[%get3A_801] : memref<50048xi32, #tpu.memory_space<vmem>>[vector<16xi32>], vector<16xi32>,
        %ge3A = arith.constant 0 : i32
        %ge3A_802 = vector.broadcast %ge3A : i32 to vector<16xi32>
        %ge3A_803 = arith.cmpi sge, %gather3A, %ge3A_802 : vector<16xi32>
        %jit3A_804 = arith.constant 1 : i32
        %jit3A_805 = arith.constant 0 : i32
        %broadcast_in_dim3A_806 = vector.broadcast %jit3A_804 : i32 to vector<16xi32>
        %broadcast_in_dim3A_807 = vector.broadcast %jit3A_805 : i32 to vector<16xi32>
        %select_n3A_808 = arith.select %ge3A_803, %broadcast_in_dim3A_806, %broadcast_in_dim3A_807 : vector<16xi1>, vector<16xi32>
        %reduce_sum3A = arith.constant true
        %reduce_sum3A_809 = vector.broadcast %reduce_sum3A : i1 to vector<16xi1>
        %reduce_sum3A_810 = tpu.scan <sum>, %select_n3A_808 masked %reduce_sum3A_809 : vector<16xi32>, vector<16xi1> -> vector<16xi32>
        %reduce_sum3A_811 = vector.extract %reduce_sum3A_810[15] : i32 from vector<16xi32>
        %gt3A = arith.constant 0 : i32
        %gt3A_812 = arith.cmpi sgt, %reduce_sum3A_811, %gt3A : i32
        %convert_element_type3A = arith.extui %gt3A_812 : i1 to i32
        %cond3A = arith.constant 0 : i32
        %cond3A_813 = arith.cmpi ne, %convert_element_type3A, %cond3A : i32
        scf.if %cond3A_813 {
          %swap3A_840 = arith.index_cast %scan3A_798 : i32 to index
          %swap3A_841 = tpu.vector_load %arg25[%swap3A_840] masked %ge3A_803 {strides = array<i32>} : memref<12896xi32, #tpu.memory_space<vmem>>, vector<16xi32>, vector<16xi1>
          tpu.vector_store %arg25[%swap3A_840], %gather3A masked %ge3A_803 {strides = array<i32>} : memref<12896xi32, #tpu.memory_space<vmem>>, vector<16xi32>, vector<16xi1>
          %get3A_842 = arith.index_cast %mul3A_800 : i32 to index
          %get3A_843 = tpu.vector_load %arg23[%get3A_842] {strides = array<i32>} : memref<2560xi32, #tpu.memory_space<vmem>>, vector<16xi32>,
          %add3A_844 = arith.constant 0 : i32
          %add3A_845 = vector.broadcast %add3A_844 : i32 to vector<16xi32>
          %add3A_846 = arith.addi %get3A_843, %add3A_845 : vector<16xi32>
          %swap3A_847 = arith.index_cast %scan3A_798 : i32 to index
          %swap3A_848 = tpu.vector_load %arg26[%swap3A_847] masked %ge3A_803 {strides = array<i32>} : memref<12896xi32, #tpu.memory_space<vmem>>, vector<16xi32>, vector<16xi1>
          tpu.vector_store %arg26[%swap3A_847], %add3A_846 masked %ge3A_803 {strides = array<i32>} : memref<12896xi32, #tpu.memory_space<vmem>>, vector<16xi32>, vector<16xi1>
          %get3A_849 = arith.index_cast %mul3A_800 : i32 to index
          %get3A_850 = tpu.vector_load %arg24[%get3A_849] {strides = array<i32>} : memref<2560xf32, #tpu.memory_space<vmem>>, vector<16xf32>,
          %swap3A_851 = arith.index_cast %scan3A_798 : i32 to index
          %swap3A_852 = tpu.vector_load %arg27[%swap3A_851] masked %ge3A_803 {strides = array<i32>} : memref<12896xf32, #tpu.memory_space<vmem>>, vector<16xf32>, vector<16xi1>
          tpu.vector_store %arg27[%swap3A_851], %get3A_850 masked %ge3A_803 {strides = array<i32>} : memref<12896xf32, #tpu.memory_space<vmem>>, vector<16xf32>, vector<16xi1>
        } else {
        }
        %add3A_814 = arith.addi %scan3A_798, %reduce_sum3A_811 : i32
        %mul3A_815 = arith.constant 32 : i32
        %mul3A_816 = arith.muli %scan3A_797, %mul3A_815 : i32
        %add3A_817 = arith.constant 16 : i32
        %add3A_818 = arith.addi %mul3A_816, %add3A_817 : i32
        %get3A_819 = arith.index_cast %add3A_818 : i32 to index
        %get3A_820 = tpu.vector_load %arg22[%get3A_819] {strides = array<i32>} : memref<2560xi32, #tpu.memory_space<vmem>>, vector<16xi32>,
        %gather3A_821 = tpu.vector_load_idx %arg20[%get3A_820] : memref<50048xi32, #tpu.memory_space<vmem>>[vector<16xi32>], vector<16xi32>,
        %ge3A_822 = arith.constant 0 : i32
        %ge3A_823 = vector.broadcast %ge3A_822 : i32 to vector<16xi32>
        %ge3A_824 = arith.cmpi sge, %gather3A_821, %ge3A_823 : vector<16xi32>
        %jit3A_825 = arith.constant 1 : i32
        %jit3A_826 = arith.constant 0 : i32
        %broadcast_in_dim3A_827 = vector.broadcast %jit3A_825 : i32 to vector<16xi32>
        %broadcast_in_dim3A_828 = vector.broadcast %jit3A_826 : i32 to vector<16xi32>
        %select_n3A_829 = arith.select %ge3A_824, %broadcast_in_dim3A_827, %broadcast_in_dim3A_828 : vector<16xi1>, vector<16xi32>
        %reduce_sum3A_830 = arith.constant true
        %reduce_sum3A_831 = vector.broadcast %reduce_sum3A_830 : i1 to vector<16xi1>
        %reduce_sum3A_832 = tpu.scan <sum>, %select_n3A_829 masked %reduce_sum3A_831 : vector<16xi32>, vector<16xi1> -> vector<16xi32>
        %reduce_sum3A_833 = vector.extract %reduce_sum3A_832[15] : i32 from vector<16xi32>
        %gt3A_834 = arith.constant 0 : i32
        %gt3A_835 = arith.cmpi sgt, %reduce_sum3A_833, %gt3A_834 : i32
        %convert_element_type3A_836 = arith.extui %gt3A_835 : i1 to i32
        %cond3A_837 = arith.constant 0 : i32
        %cond3A_838 = arith.cmpi ne, %convert_element_type3A_836, %cond3A_837 : i32
        scf.if %cond3A_838 {
          %swap3A_840 = arith.index_cast %add3A_814 : i32 to index
          %swap3A_841 = tpu.vector_load %arg25[%swap3A_840] masked %ge3A_824 {strides = array<i32>} : memref<12896xi32, #tpu.memory_space<vmem>>, vector<16xi32>, vector<16xi1>
          tpu.vector_store %arg25[%swap3A_840], %gather3A_821 masked %ge3A_824 {strides = array<i32>} : memref<12896xi32, #tpu.memory_space<vmem>>, vector<16xi32>, vector<16xi1>
          %get3A_842 = arith.index_cast %add3A_818 : i32 to index
          %get3A_843 = tpu.vector_load %arg23[%get3A_842] {strides = array<i32>} : memref<2560xi32, #tpu.memory_space<vmem>>, vector<16xi32>,
          %add3A_844 = arith.constant 0 : i32
          %add3A_845 = vector.broadcast %add3A_844 : i32 to vector<16xi32>
          %add3A_846 = arith.addi %get3A_843, %add3A_845 : vector<16xi32>
          %swap3A_847 = arith.index_cast %add3A_814 : i32 to index
          %swap3A_848 = tpu.vector_load %arg26[%swap3A_847] masked %ge3A_824 {strides = array<i32>} : memref<12896xi32, #tpu.memory_space<vmem>>, vector<16xi32>, vector<16xi1>
          tpu.vector_store %arg26[%swap3A_847], %add3A_846 masked %ge3A_824 {strides = array<i32>} : memref<12896xi32, #tpu.memory_space<vmem>>, vector<16xi32>, vector<16xi1>
          %get3A_849 = arith.index_cast %add3A_818 : i32 to index
          %get3A_850 = tpu.vector_load %arg24[%get3A_849] {strides = array<i32>} : memref<2560xf32, #tpu.memory_space<vmem>>, vector<16xf32>,
          %swap3A_851 = arith.index_cast %add3A_814 : i32 to index
          %swap3A_852 = tpu.vector_load %arg27[%swap3A_851] masked %ge3A_824 {strides = array<i32>} : memref<12896xf32, #tpu.memory_space<vmem>>, vector<16xf32>, vector<16xi1>
          tpu.vector_store %arg27[%swap3A_851], %get3A_850 masked %ge3A_824 {strides = array<i32>} : memref<12896xf32, #tpu.memory_space<vmem>>, vector<16xf32>, vector<16xi1>
        } else {
        }
        %add3A_839 = arith.addi %add3A_814, %reduce_sum3A_833 : i32
        scf.yield %add3A_839 : i32
      }
      %scan3A_796 = arith.constant 56 : i32
      scf.yield %scan3A_795 : i32
    }
    %scan3A_558 = arith.constant 2 : i32
    %swap3A_559 = arith.index_cast %scan3A_557 : i32 to index
    %swap3A_560 = tpu.vector_load %arg25[%swap3A_559] {strides = array<i32>} : memref<12896xi32, #tpu.memory_space<vmem>>, vector<16xi32>,
    tpu.vector_store %arg25[%swap3A_559], %broadcast_in_dim3A_1 {strides = array<i32>} : memref<12896xi32, #tpu.memory_space<vmem>>, vector<16xi32>,
    %swap3A_561 = arith.index_cast %scan3A_557 : i32 to index
    %swap3A_562 = tpu.vector_load %arg26[%swap3A_561] {strides = array<i32>} : memref<12896xi32, #tpu.memory_space<vmem>>, vector<16xi32>,
    tpu.vector_store %arg26[%swap3A_561], %broadcast_in_dim3A_1 {strides = array<i32>} : memref<12896xi32, #tpu.memory_space<vmem>>, vector<16xi32>,
    %swap3A_563 = arith.index_cast %scan3A_557 : i32 to index
    %swap3A_564 = tpu.vector_load %arg27[%swap3A_563] {strides = array<i32>} : memref<12896xf32, #tpu.memory_space<vmem>>, vector<16xf32>,
    tpu.vector_store %arg27[%swap3A_563], %broadcast_in_dim3A_3 {strides = array<i32>} : memref<12896xf32, #tpu.memory_space<vmem>>, vector<16xf32>,
    %add3A_565 = arith.constant 15 : i32
    %add3A_566 = arith.addi %scan3A_557, %add3A_565 : i32
    %jit3A = arith.constant 16 : i32
    %div3A = arith.divsi %add3A_566, %jit3A : i32
    %sign3A = arith.constant 0 : i32
    %sign3A_567 = arith.cmpi sgt, %add3A_566, %sign3A : i32
    %sign3A_568 = arith.extui %sign3A_567 : i1 to i32
    %sign3A_569 = arith.constant 0 : i32
    %sign3A_570 = arith.cmpi slt, %add3A_566, %sign3A_569 : i32
    %sign3A_571 = arith.extui %sign3A_570 : i1 to i32
    %sign3A_572 = arith.subi %sign3A_568, %sign3A_571 : i32
    %sign3A_573 = arith.constant 0 : i32
    %sign3A_574 = arith.cmpi sgt, %jit3A, %sign3A_573 : i32
    %sign3A_575 = arith.extui %sign3A_574 : i1 to i32
    %sign3A_576 = arith.constant 0 : i32
    %sign3A_577 = arith.cmpi slt, %jit3A, %sign3A_576 : i32
    %sign3A_578 = arith.extui %sign3A_577 : i1 to i32
    %sign3A_579 = arith.subi %sign3A_575, %sign3A_578 : i32
    %ne3A = arith.cmpi ne, %sign3A_572, %sign3A_579 : i32
    %rem3A = arith.remsi %add3A_566, %jit3A : i32
    %ne3A_580 = arith.constant 0 : i32
    %ne3A_581 = arith.cmpi ne, %rem3A, %ne3A_580 : i32
    %and3A = arith.andi %ne3A, %ne3A_581 : i1
    %sub3A = arith.constant 1 : i32
    %sub3A_582 = arith.subi %div3A, %sub3A : i32
    %select_n3A = arith.select %and3A, %sub3A_582, %div3A : i32
    %while3A = arith.constant 0 : i32
    %while3A_583 = arith.constant 0 : i32
    %while3A_584 = arith.subi %select_n3A, %while3A : i32
    %while3A_585 = arith.addi %while3A, %while3A_584 : i32
    %while3A_586 = arith.constant 1 : i32
    %while3A_587 = arith.divsi %while3A_584, %while3A_586 : i32
    %while3A_588 = arith.muli %while3A_587, %while3A_586 : i32
    %while3A_589 = arith.addi %while3A, %while3A_588 : i32
    %while3A_590 = arith.constant 1 : i32
    %while3A_591 = scf.for %while3A_784 = %while3A to %while3A_589 step %while3A_590 iter_args(%while3A_785 = %while3A_583) -> (i32)  : i32 {
      %mul3A_786 = arith.constant 16 : i32
      %mul3A_787 = arith.muli %while3A_784, %mul3A_786 : i32
      %get3A = arith.index_cast %mul3A_787 : i32 to index
      %get3A_788 = tpu.vector_load %arg25[%get3A] {strides = array<i32>} : memref<12896xi32, #tpu.memory_space<vmem>>, vector<16xi32>,
      %mul3A_789 = arith.constant 16 : i32
      %mul3A_790 = arith.muli %while3A_784, %mul3A_789 : i32
      %get3A_791 = arith.index_cast %mul3A_790 : i32 to index
      %get3A_792 = tpu.vector_load %arg26[%get3A_791] {strides = array<i32>} : memref<12896xi32, #tpu.memory_space<vmem>>, vector<16xi32>,
      %mul3A_793 = arith.constant 16 : i32
      %mul3A_794 = arith.muli %while3A_784, %mul3A_793 : i32
      %get3A_795 = arith.index_cast %mul3A_794 : i32 to index
      %get3A_796 = tpu.vector_load %arg27[%get3A_795] {strides = array<i32>} : memref<12896xf32, #tpu.memory_space<vmem>>, vector<16xf32>,
      %swap3A_797 = arith.constant 0 : index
      %swap3A_798 = tpu.vector_load %arg30[%swap3A_797] {strides = array<i32>} : memref<16xf32, #tpu.memory_space<vmem>>, vector<16xf32>,
      tpu.vector_store %arg30[%swap3A_797], %get3A_796 {strides = array<i32>} : memref<16xf32, #tpu.memory_space<vmem>>, vector<16xf32>,
      "tpu.region"() ({
        %run_scoped3A = tpu.sem_alloc : memref<!tpu.dma_semaphore, #tpu.memory_space<semaphore_mem>>
        %dma_start3A = arith.constant 0 : i32
        %dma_start3A_807 = arith.constant 0 : i32
        %dma_start3A_808 = tpu.memref_slice %arg3[%dma_start3A, %dma_start3A_807] : memref<50000x128xf32, #tpu.memory_space<hbm>> -> memref<50000x128xf32, #tpu.memory_space<hbm>>
        tpu.enqueue_indirect_dma source(%dma_start3A_808 : memref<50000x128xf32, #tpu.memory_space<hbm>>) target(%arg28 : memref<16x128xf32, #tpu.memory_space<vmem>>) offsets(%get3A_792 : vector<16xi32>) semaphore(%run_scoped3A : memref<!tpu.dma_semaphore, #tpu.memory_space<semaphore_mem>>)
        %dma_wait3A = arith.constant 0 : i32
        %dma_wait3A_809 = arith.constant 0 : i32
        %dma_wait3A_810 = tpu.memref_slice %arg3[%dma_wait3A, %dma_wait3A_809] : memref<50000x128xf32, #tpu.memory_space<hbm>> -> memref<50000x128xf32, #tpu.memory_space<hbm>>
        tpu.wait_indirect_dma semaphore(%run_scoped3A : memref<!tpu.dma_semaphore, #tpu.memory_space<semaphore_mem>>) src(%dma_wait3A_810 : memref<50000x128xf32, #tpu.memory_space<hbm>>) dst(%arg28 : memref<16x128xf32, #tpu.memory_space<vmem>>)
        tpu.yield
      }) : () -> ()
      %scan3A_799 = arith.constant 0 : i32
      %scan3A_800 = arith.constant 0 : i32
      %scan3A_801 = arith.constant 16 : i32
      %scan3A_802 = arith.addi %scan3A_800, %scan3A_801 : i32
      %scan3A_803 = arith.constant 1 : i32
      %scan3A_804 = scf.for %scan3A_807 = %scan3A_800 to %scan3A_802 step %scan3A_803 iter_args(%scan3A_808 = %scan3A_799) -> (i32)  : i32 {
        %broadcast_in_dim3A_809 = vector.broadcast %scan3A_807 : i32 to vector<16xi32>
        %gather3A = tpu.vector_load_idx %arg30[%broadcast_in_dim3A_809] : memref<16xf32, #tpu.memory_space<vmem>>[vector<16xi32>], vector<16xf32>,
        %scan3A_810 = arith.constant 0 : i32
        %scan3A_811 = arith.constant 0 : i32
        %scan3A_812 = arith.constant 8 : i32
        %scan3A_813 = arith.addi %scan3A_811, %scan3A_812 : i32
        %scan3A_814 = arith.constant 1 : i32
        %scan3A_815 = scf.for %scan3A_818 = %scan3A_811 to %scan3A_813 step %scan3A_814 iter_args(%scan3A_819 = %scan3A_810) -> (i32)  : i32 {
          %mul3A_820 = arith.constant 16 : i32
          %mul3A_821 = arith.muli %scan3A_818, %mul3A_820 : i32
          %get3A_822 = arith.index_cast %scan3A_807 : i32 to index
          %get3A_823 = arith.index_cast %mul3A_821 : i32 to index
          %get3A_824 = tpu.vector_load %arg28[%get3A_822, %get3A_823] {strides = array<i32>} : memref<16x128xf32, #tpu.memory_space<vmem>>, vector<16xf32>,
          %mul3A_825 = arith.mulf %get3A_824, %gather3A : vector<16xf32>
          %mul3A_826 = arith.constant 16 : i32
          %mul3A_827 = arith.muli %scan3A_818, %mul3A_826 : i32
          %swap3A_828 = arith.index_cast %scan3A_807 : i32 to index
          %swap3A_829 = arith.index_cast %mul3A_827 : i32 to index
          %swap3A_830 = tpu.vector_load %arg28[%swap3A_828, %swap3A_829] {strides = array<i32>} : memref<16x128xf32, #tpu.memory_space<vmem>>, vector<16xf32>,
          tpu.vector_store %arg28[%swap3A_828, %swap3A_829], %mul3A_825 {strides = array<i32>} : memref<16x128xf32, #tpu.memory_space<vmem>>, vector<16xf32>,
          %scan3A_831 = arith.constant 0 : i32
          scf.yield %scan3A_831 : i32
        }
        %scan3A_816 = arith.constant 8 : i32
        %scan3A_817 = arith.constant 0 : i32
        scf.yield %scan3A_817 : i32
      }
      %scan3A_805 = arith.constant 16 : i32
      "tpu.region"() ({
        %run_scoped3A = tpu.sem_alloc : memref<!tpu.dma_semaphore, #tpu.memory_space<semaphore_mem>>
        %dma_start3A = arith.constant 0 : i32
        %dma_start3A_807 = arith.constant 0 : i32
        %dma_start3A_808 = tpu.memref_slice %arg31[%dma_start3A, %dma_start3A_807] : memref<2048x128xf32, #tpu.memory_space<vmem_shared>> -> memref<2048x128xf32, #tpu.memory_space<vmem_shared>>
        tpu.enqueue_indirect_dma source(%arg28 : memref<16x128xf32, #tpu.memory_space<vmem>>) target(%dma_start3A_808 : memref<2048x128xf32, #tpu.memory_space<vmem_shared>>) offsets(%get3A_788 : vector<16xi32>) semaphore(%run_scoped3A : memref<!tpu.dma_semaphore, #tpu.memory_space<semaphore_mem>>) {add = true}
        %dma_wait3A = arith.constant 0 : i32
        %dma_wait3A_809 = arith.constant 0 : i32
        %dma_wait3A_810 = tpu.memref_slice %arg31[%dma_wait3A, %dma_wait3A_809] : memref<2048x128xf32, #tpu.memory_space<vmem_shared>> -> memref<2048x128xf32, #tpu.memory_space<vmem_shared>>
        tpu.wait_indirect_dma semaphore(%run_scoped3A : memref<!tpu.dma_semaphore, #tpu.memory_space<semaphore_mem>>) src(%arg28 : memref<16x128xf32, #tpu.memory_space<vmem>>) dst(%dma_wait3A_810 : memref<2048x128xf32, #tpu.memory_space<vmem_shared>>)
        tpu.yield
      }) : () -> ()
      %while3A_806 = arith.constant 0 : i32
      scf.yield %while3A_806 : i32
    }
    %while3A_592 = arith.constant 1 : i32
    %while3A_593 = scf.for %while3A_784 = %while3A_589 to %while3A_585 step %while3A_592 iter_args(%while3A_785 = %while3A_591) -> (i32)  : i32 {
      %mul3A_786 = arith.constant 16 : i32
      %mul3A_787 = arith.muli %while3A_784, %mul3A_786 : i32
      %get3A = arith.index_cast %mul3A_787 : i32 to index
      %get3A_788 = tpu.vector_load %arg25[%get3A] {strides = array<i32>} : memref<12896xi32, #tpu.memory_space<vmem>>, vector<16xi32>,
      %mul3A_789 = arith.constant 16 : i32
      %mul3A_790 = arith.muli %while3A_784, %mul3A_789 : i32
      %get3A_791 = arith.index_cast %mul3A_790 : i32 to index
      %get3A_792 = tpu.vector_load %arg26[%get3A_791] {strides = array<i32>} : memref<12896xi32, #tpu.memory_space<vmem>>, vector<16xi32>,
      %mul3A_793 = arith.constant 16 : i32
      %mul3A_794 = arith.muli %while3A_784, %mul3A_793 : i32
      %get3A_795 = arith.index_cast %mul3A_794 : i32 to index
      %get3A_796 = tpu.vector_load %arg27[%get3A_795] {strides = array<i32>} : memref<12896xf32, #tpu.memory_space<vmem>>, vector<16xf32>,
      %swap3A_797 = arith.constant 0 : index
      %swap3A_798 = tpu.vector_load %arg30[%swap3A_797] {strides = array<i32>} : memref<16xf32, #tpu.memory_space<vmem>>, vector<16xf32>,
      tpu.vector_store %arg30[%swap3A_797], %get3A_796 {strides = array<i32>} : memref<16xf32, #tpu.memory_space<vmem>>, vector<16xf32>,
      "tpu.region"() ({
        %run_scoped3A = tpu.sem_alloc : memref<!tpu.dma_semaphore, #tpu.memory_space<semaphore_mem>>
        %dma_start3A = arith.constant 0 : i32
        %dma_start3A_807 = arith.constant 0 : i32
        %dma_start3A_808 = tpu.memref_slice %arg3[%dma_start3A, %dma_start3A_807] : memref<50000x128xf32, #tpu.memory_space<hbm>> -> memref<50000x128xf32, #tpu.memory_space<hbm>>
        tpu.enqueue_indirect_dma source(%dma_start3A_808 : memref<50000x128xf32, #tpu.memory_space<hbm>>) target(%arg28 : memref<16x128xf32, #tpu.memory_space<vmem>>) offsets(%get3A_792 : vector<16xi32>) semaphore(%run_scoped3A : memref<!tpu.dma_semaphore, #tpu.memory_space<semaphore_mem>>)
        %dma_wait3A = arith.constant 0 : i32
        %dma_wait3A_809 = arith.constant 0 : i32
        %dma_wait3A_810 = tpu.memref_slice %arg3[%dma_wait3A, %dma_wait3A_809] : memref<50000x128xf32, #tpu.memory_space<hbm>> -> memref<50000x128xf32, #tpu.memory_space<hbm>>
        tpu.wait_indirect_dma semaphore(%run_scoped3A : memref<!tpu.dma_semaphore, #tpu.memory_space<semaphore_mem>>) src(%dma_wait3A_810 : memref<50000x128xf32, #tpu.memory_space<hbm>>) dst(%arg28 : memref<16x128xf32, #tpu.memory_space<vmem>>)
        tpu.yield
      }) : () -> ()
      %scan3A_799 = arith.constant 0 : i32
      %scan3A_800 = arith.constant 0 : i32
      %scan3A_801 = arith.constant 16 : i32
      %scan3A_802 = arith.addi %scan3A_800, %scan3A_801 : i32
      %scan3A_803 = arith.constant 1 : i32
      %scan3A_804 = scf.for %scan3A_807 = %scan3A_800 to %scan3A_802 step %scan3A_803 iter_args(%scan3A_808 = %scan3A_799) -> (i32)  : i32 {
        %broadcast_in_dim3A_809 = vector.broadcast %scan3A_807 : i32 to vector<16xi32>
        %gather3A = tpu.vector_load_idx %arg30[%broadcast_in_dim3A_809] : memref<16xf32, #tpu.memory_space<vmem>>[vector<16xi32>], vector<16xf32>,
        %scan3A_810 = arith.constant 0 : i32
        %scan3A_811 = arith.constant 0 : i32
        %scan3A_812 = arith.constant 8 : i32
        %scan3A_813 = arith.addi %scan3A_811, %scan3A_812 : i32
        %scan3A_814 = arith.constant 1 : i32
        %scan3A_815 = scf.for %scan3A_818 = %scan3A_811 to %scan3A_813 step %scan3A_814 iter_args(%scan3A_819 = %scan3A_810) -> (i32)  : i32 {
          %mul3A_820 = arith.constant 16 : i32
          %mul3A_821 = arith.muli %scan3A_818, %mul3A_820 : i32
          %get3A_822 = arith.index_cast %scan3A_807 : i32 to index
          %get3A_823 = arith.index_cast %mul3A_821 : i32 to index
          %get3A_824 = tpu.vector_load %arg28[%get3A_822, %get3A_823] {strides = array<i32>} : memref<16x128xf32, #tpu.memory_space<vmem>>, vector<16xf32>,
          %mul3A_825 = arith.mulf %get3A_824, %gather3A : vector<16xf32>
          %mul3A_826 = arith.constant 16 : i32
          %mul3A_827 = arith.muli %scan3A_818, %mul3A_826 : i32
          %swap3A_828 = arith.index_cast %scan3A_807 : i32 to index
          %swap3A_829 = arith.index_cast %mul3A_827 : i32 to index
          %swap3A_830 = tpu.vector_load %arg28[%swap3A_828, %swap3A_829] {strides = array<i32>} : memref<16x128xf32, #tpu.memory_space<vmem>>, vector<16xf32>,
          tpu.vector_store %arg28[%swap3A_828, %swap3A_829], %mul3A_825 {strides = array<i32>} : memref<16x128xf32, #tpu.memory_space<vmem>>, vector<16xf32>,
          %scan3A_831 = arith.constant 0 : i32
          scf.yield %scan3A_831 : i32
        }
        %scan3A_816 = arith.constant 8 : i32
        %scan3A_817 = arith.constant 0 : i32
        scf.yield %scan3A_817 : i32
      }
      %scan3A_805 = arith.constant 16 : i32
      "tpu.region"() ({
        %run_scoped3A = tpu.sem_alloc : memref<!tpu.dma_semaphore, #tpu.memory_space<semaphore_mem>>
        %dma_start3A = arith.constant 0 : i32
        %dma_start3A_807 = arith.constant 0 : i32
        %dma_start3A_808 = tpu.memref_slice %arg31[%dma_start3A, %dma_start3A_807] : memref<2048x128xf32, #tpu.memory_space<vmem_shared>> -> memref<2048x128xf32, #tpu.memory_space<vmem_shared>>
        tpu.enqueue_indirect_dma source(%arg28 : memref<16x128xf32, #tpu.memory_space<vmem>>) target(%dma_start3A_808 : memref<2048x128xf32, #tpu.memory_space<vmem_shared>>) offsets(%get3A_788 : vector<16xi32>) semaphore(%run_scoped3A : memref<!tpu.dma_semaphore, #tpu.memory_space<semaphore_mem>>) {add = true}
        %dma_wait3A = arith.constant 0 : i32
        %dma_wait3A_809 = arith.constant 0 : i32
        %dma_wait3A_810 = tpu.memref_slice %arg31[%dma_wait3A, %dma_wait3A_809] : memref<2048x128xf32, #tpu.memory_space<vmem_shared>> -> memref<2048x128xf32, #tpu.memory_space<vmem_shared>>
        tpu.wait_indirect_dma semaphore(%run_scoped3A : memref<!tpu.dma_semaphore, #tpu.memory_space<semaphore_mem>>) src(%arg28 : memref<16x128xf32, #tpu.memory_space<vmem>>) dst(%dma_wait3A_810 : memref<2048x128xf32, #tpu.memory_space<vmem_shared>>)
        tpu.yield
      }) : () -> ()
      %while3A_806 = arith.constant 0 : i32
      scf.yield %while3A_806 : i32
    }
    %barrier3A_594 = arith.constant 0 : index
    tpu.barrier barrier_id(%barrier3A_594)
    %scan3A_595 = arith.constant 0 : i32
    %scan3A_596 = arith.constant 0 : i32
    %scan3A_597 = arith.constant 4 : i32
    %scan3A_598 = arith.addi %scan3A_596, %scan3A_597 : i32
    %scan3A_599 = arith.constant 1 : i32
    %scan3A_600 = scf.for %scan3A_784 = %scan3A_596 to %scan3A_598 step %scan3A_599 iter_args(%scan3A_785 = %scan3A_595) -> (i32)  : i32 {
      %mul3A_786 = arith.constant 64 : i32
      %mul3A_787 = arith.muli %arg1, %mul3A_786 : i32
      %mul3A_788 = arith.constant 16 : i32
      %mul3A_789 = arith.muli %scan3A_784, %mul3A_788 : i32
      %add3A_790 = arith.addi %mul3A_787, %mul3A_789 : i32
      %add3A_791 = arith.constant 0 : i32
      %add3A_792 = arith.addi %add3A_791, %add3A_790 : i32
      %get3A = arith.index_cast %add3A_792 : i32 to index
      %get3A_793 = tpu.vector_load %arg21[%get3A] {strides = array<i32>} : memref<2048xi32, #tpu.memory_space<vmem>>, vector<16xi32>,
      %add3A_794 = arith.constant 0 : i32
      %add3A_795 = vector.broadcast %add3A_794 : i32 to vector<16xi32>
      %add3A_796 = arith.addi %get3A_793, %add3A_795 : vector<16xi32>
      %gather3A = tpu.vector_load_idx %arg20[%add3A_796] : memref<50048xi32, #tpu.memory_space<vmem>>[vector<16xi32>], vector<16xi32>,
      "tpu.region"() ({
        %run_scoped3A = tpu.sem_alloc : memref<!tpu.dma_semaphore, #tpu.memory_space<semaphore_mem>>
        %dma_start3A = arith.constant 0 : i32
        %dma_start3A_800 = arith.constant 0 : i32
        %dma_start3A_801 = tpu.memref_slice %arg31[%dma_start3A, %dma_start3A_800] : memref<2048x128xf32, #tpu.memory_space<vmem_shared>> -> memref<2048x128xf32, #tpu.memory_space<vmem_shared>>
        tpu.enqueue_indirect_dma source(%dma_start3A_801 : memref<2048x128xf32, #tpu.memory_space<vmem_shared>>) target(%arg28 : memref<16x128xf32, #tpu.memory_space<vmem>>) offsets(%gather3A : vector<16xi32>) semaphore(%run_scoped3A : memref<!tpu.dma_semaphore, #tpu.memory_space<semaphore_mem>>)
        %dma_wait3A = arith.constant 0 : i32
        %dma_wait3A_802 = arith.constant 0 : i32
        %dma_wait3A_803 = tpu.memref_slice %arg31[%dma_wait3A, %dma_wait3A_802] : memref<2048x128xf32, #tpu.memory_space<vmem_shared>> -> memref<2048x128xf32, #tpu.memory_space<vmem_shared>>
        tpu.wait_indirect_dma semaphore(%run_scoped3A : memref<!tpu.dma_semaphore, #tpu.memory_space<semaphore_mem>>) src(%dma_wait3A_803 : memref<2048x128xf32, #tpu.memory_space<vmem_shared>>) dst(%arg28 : memref<16x128xf32, #tpu.memory_space<vmem>>)
        tpu.yield
      }) : () -> ()
      %add3A_797 = arith.constant 0 : i32
      %add3A_798 = arith.addi %add3A_797, %arg0 : i32
      "tpu.region"() ({
        %run_scoped3A = tpu.sem_alloc : memref<!tpu.dma_semaphore, #tpu.memory_space<semaphore_mem>>
        %dma_start3A = arith.constant 0 : i32
        %dma_start3A_800 = tpu.memref_slice %arg17[%add3A_798, %add3A_790, %dma_start3A] : memref<8x1024x128xf32, #tpu.memory_space<hbm>> -> memref<1x16x128xf32, #tpu.memory_space<hbm>>
        %dma_start3A_801 = tpu.memref_squeeze %dma_start3A_800 : memref<1x16x128xf32, #tpu.memory_space<hbm>> -> memref<16x128xf32, #tpu.memory_space<hbm>>
        %dma_start3A_802 = arith.constant 0 : i32
        %dma_start3A_803 = tpu.memref_slice %arg17[%add3A_798, %add3A_790, %dma_start3A_802] : memref<8x1024x128xf32, #tpu.memory_space<hbm>> -> memref<1x16x128xf32, #tpu.memory_space<hbm>>
        %dma_start3A_804 = tpu.memref_squeeze %dma_start3A_803 : memref<1x16x128xf32, #tpu.memory_space<hbm>> -> memref<16x128xf32, #tpu.memory_space<hbm>>
        tpu.enqueue_dma source(%arg28 : memref<16x128xf32, #tpu.memory_space<vmem>>) target(%dma_start3A_804 : memref<16x128xf32, #tpu.memory_space<hbm>>) target_semaphore(%run_scoped3A : memref<!tpu.dma_semaphore, #tpu.memory_space<semaphore_mem>>)
        %dma_wait3A = arith.constant 0 : i32
        %dma_wait3A_805 = tpu.memref_slice %arg17[%add3A_798, %add3A_790, %dma_wait3A] : memref<8x1024x128xf32, #tpu.memory_space<hbm>> -> memref<1x16x128xf32, #tpu.memory_space<hbm>>
        %dma_wait3A_806 = tpu.memref_squeeze %dma_wait3A_805 : memref<1x16x128xf32, #tpu.memory_space<hbm>> -> memref<16x128xf32, #tpu.memory_space<hbm>>
        %dma_wait3A_807 = arith.constant 0 : i32
        %dma_wait3A_808 = tpu.memref_slice %arg17[%add3A_798, %add3A_790, %dma_wait3A_807] : memref<8x1024x128xf32, #tpu.memory_space<hbm>> -> memref<1x16x128xf32, #tpu.memory_space<hbm>>
        %dma_wait3A_809 = tpu.memref_squeeze %dma_wait3A_808 : memref<1x16x128xf32, #tpu.memory_space<hbm>> -> memref<16x128xf32, #tpu.memory_space<hbm>>
        tpu.wait_dma2 semaphore(%run_scoped3A : memref<!tpu.dma_semaphore, #tpu.memory_space<semaphore_mem>>) src(%arg28 : memref<16x128xf32, #tpu.memory_space<vmem>>) dst(%dma_wait3A_809 : memref<16x128xf32, #tpu.memory_space<hbm>>)
        tpu.yield
      }) : () -> ()
      %scan3A_799 = arith.constant 0 : i32
      scf.yield %scan3A_799 : i32
    }
    %scan3A_601 = arith.constant 4 : i32
    %broadcast_in_dim3A_602 = arith.constant -1 : i32
    %broadcast_in_dim3A_603 = vector.broadcast %broadcast_in_dim3A_602 : i32 to vector<16xi32>
    %scan3A_604 = arith.constant 0 : i32
    %scan3A_605 = arith.constant 0 : i32
    %scan3A_606 = arith.constant 391 : i32
    %scan3A_607 = arith.addi %scan3A_605, %scan3A_606 : i32
    %scan3A_608 = arith.constant 1 : i32
    %scan3A_609 = scf.for %scan3A_784 = %scan3A_605 to %scan3A_607 step %scan3A_608 iter_args(%scan3A_785 = %scan3A_604) -> (i32)  : i32 {
      %mul3A_786 = arith.constant 64 : i32
      %mul3A_787 = arith.muli %scan3A_784, %mul3A_786 : i32
      %swap3A_788 = arith.index_cast %mul3A_787 : i32 to index
      %swap3A_789 = tpu.vector_load %arg20[%swap3A_788] {strides = array<i32>} : memref<50048xi32, #tpu.memory_space<vmem>>, vector<16xi32>,
      tpu.vector_store %arg20[%swap3A_788], %broadcast_in_dim3A_603 {strides = array<i32>} : memref<50048xi32, #tpu.memory_space<vmem>>, vector<16xi32>,
      %mul3A_790 = arith.constant 64 : i32
      %mul3A_791 = arith.muli %scan3A_784, %mul3A_790 : i32
      %add3A_792 = arith.constant 16 : i32
      %add3A_793 = arith.addi %mul3A_791, %add3A_792 : i32
      %swap3A_794 = arith.index_cast %add3A_793 : i32 to index
      %swap3A_795 = tpu.vector_load %arg20[%swap3A_794] {strides = array<i32>} : memref<50048xi32, #tpu.memory_space<vmem>>, vector<16xi32>,
      tpu.vector_store %arg20[%swap3A_794], %broadcast_in_dim3A_603 {strides = array<i32>} : memref<50048xi32, #tpu.memory_space<vmem>>, vector<16xi32>,
      %mul3A_796 = arith.constant 64 : i32
      %mul3A_797 = arith.muli %scan3A_784, %mul3A_796 : i32
      %add3A_798 = arith.constant 32 : i32
      %add3A_799 = arith.addi %mul3A_797, %add3A_798 : i32
      %swap3A_800 = arith.index_cast %add3A_799 : i32 to index
      %swap3A_801 = tpu.vector_load %arg20[%swap3A_800] {strides = array<i32>} : memref<50048xi32, #tpu.memory_space<vmem>>, vector<16xi32>,
      tpu.vector_store %arg20[%swap3A_800], %broadcast_in_dim3A_603 {strides = array<i32>} : memref<50048xi32, #tpu.memory_space<vmem>>, vector<16xi32>,
      %mul3A_802 = arith.constant 64 : i32
      %mul3A_803 = arith.muli %scan3A_784, %mul3A_802 : i32
      %add3A_804 = arith.constant 48 : i32
      %add3A_805 = arith.addi %mul3A_803, %add3A_804 : i32
      %swap3A_806 = arith.index_cast %add3A_805 : i32 to index
      %swap3A_807 = tpu.vector_load %arg20[%swap3A_806] {strides = array<i32>} : memref<50048xi32, #tpu.memory_space<vmem>>, vector<16xi32>,
      tpu.vector_store %arg20[%swap3A_806], %broadcast_in_dim3A_603 {strides = array<i32>} : memref<50048xi32, #tpu.memory_space<vmem>>, vector<16xi32>,
      %scan3A_808 = arith.constant 0 : i32
      scf.yield %scan3A_808 : i32
    }
    %scan3A_610 = arith.constant 391 : i32
    %scan3A_611 = arith.constant 0 : i32
    %scan3A_612 = arith.constant 0 : i32
    %scan3A_613 = arith.constant 64 : i32
    %scan3A_614 = arith.addi %scan3A_612, %scan3A_613 : i32
    %scan3A_615 = arith.constant 1 : i32
    %scan3A_616 = scf.for %scan3A_784 = %scan3A_612 to %scan3A_614 step %scan3A_615 iter_args(%scan3A_785 = %scan3A_611) -> (i32)  : i32 {
      %mul3A_786 = arith.constant 16 : i32
      %mul3A_787 = arith.muli %scan3A_784, %mul3A_786 : i32
      %add3A_788 = arith.constant 1024 : i32
      %add3A_789 = arith.addi %add3A_788, %mul3A_787 : i32
      %get3A = arith.index_cast %add3A_789 : i32 to index
      %get3A_790 = tpu.vector_load %arg21[%get3A] {strides = array<i32>} : memref<2048xi32, #tpu.memory_space<vmem>>, vector<16xi32>,
      %add3A_791 = arith.constant 0 : i32
      %add3A_792 = vector.broadcast %add3A_791 : i32 to vector<16xi32>
      %add3A_793 = arith.addi %get3A_790, %add3A_792 : vector<16xi32>
      %mul3A_794 = arith.constant 16 : i32
      %mul3A_795 = arith.muli %scan3A_784, %mul3A_794 : i32
      %add3A_796 = arith.constant 0 : i32
      %add3A_797 = arith.addi %mul3A_795, %add3A_796 : i32
      %add3A_798 = vector.broadcast %add3A_797 : i32 to vector<16xi32>
      %add3A_799 = arith.addi %iota3A, %add3A_798 : vector<16xi32>
      tpu.vector_store_idx %arg20[%add3A_793], %add3A_799 : memref<50048xi32, #tpu.memory_space<vmem>>[vector<16xi32>], vector<16xi32>,
      %scan3A_800 = arith.constant 0 : i32
      scf.yield %scan3A_800 : i32
    }
    %scan3A_617 = arith.constant 64 : i32
    %barrier3A_618 = arith.constant 0 : index
    tpu.barrier barrier_id(%barrier3A_618)
    %scan3A_619 = arith.constant 0 : i32
    %scan3A_620 = arith.constant 0 : i32
    %scan3A_621 = arith.constant 8 : i32
    %scan3A_622 = arith.addi %scan3A_620, %scan3A_621 : i32
    %scan3A_623 = arith.constant 1 : i32
    %scan3A_624 = scf.for %scan3A_784 = %scan3A_620 to %scan3A_622 step %scan3A_623 iter_args(%scan3A_785 = %scan3A_619) -> (i32)  : i32 {
      %mul3A_786 = arith.constant 128 : i32
      %mul3A_787 = arith.muli %arg1, %mul3A_786 : i32
      %mul3A_788 = arith.constant 16 : i32
      %mul3A_789 = arith.muli %scan3A_784, %mul3A_788 : i32
      %add3A_790 = arith.addi %mul3A_787, %mul3A_789 : i32
      "tpu.region"() ({
        %run_scoped3A = tpu.sem_alloc : memref<!tpu.dma_semaphore, #tpu.memory_space<semaphore_mem>>
        %dma_start3A = arith.constant 0 : i32
        %dma_start3A_792 = tpu.memref_slice %arg31[%add3A_790, %dma_start3A] : memref<2048x128xf32, #tpu.memory_space<vmem_shared>> -> memref<16x128xf32, #tpu.memory_space<vmem_shared>>
        %dma_start3A_793 = arith.constant 0 : i32
        %dma_start3A_794 = tpu.memref_slice %arg31[%add3A_790, %dma_start3A_793] : memref<2048x128xf32, #tpu.memory_space<vmem_shared>> -> memref<16x128xf32, #tpu.memory_space<vmem_shared>>
        tpu.enqueue_dma source(%arg29 : memref<16x128xf32, #tpu.memory_space<vmem>>) target(%dma_start3A_794 : memref<16x128xf32, #tpu.memory_space<vmem_shared>>) target_semaphore(%run_scoped3A : memref<!tpu.dma_semaphore, #tpu.memory_space<semaphore_mem>>)
        %dma_wait3A = arith.constant 0 : i32
        %dma_wait3A_795 = tpu.memref_slice %arg31[%add3A_790, %dma_wait3A] : memref<2048x128xf32, #tpu.memory_space<vmem_shared>> -> memref<16x128xf32, #tpu.memory_space<vmem_shared>>
        %dma_wait3A_796 = arith.constant 0 : i32
        %dma_wait3A_797 = tpu.memref_slice %arg31[%add3A_790, %dma_wait3A_796] : memref<2048x128xf32, #tpu.memory_space<vmem_shared>> -> memref<16x128xf32, #tpu.memory_space<vmem_shared>>
        tpu.wait_dma2 semaphore(%run_scoped3A : memref<!tpu.dma_semaphore, #tpu.memory_space<semaphore_mem>>) src(%arg29 : memref<16x128xf32, #tpu.memory_space<vmem>>) dst(%dma_wait3A_797 : memref<16x128xf32, #tpu.memory_space<vmem_shared>>)
        tpu.yield
      }) : () -> ()
      %scan3A_791 = arith.constant 0 : i32
      scf.yield %scan3A_791 : i32
    }
    %scan3A_625 = arith.constant 8 : i32
    %barrier3A_626 = arith.constant 0 : index
    tpu.barrier barrier_id(%barrier3A_626)
    %scan3A_627 = arith.constant 0 : i32
    %scan3A_628 = arith.constant 0 : i32
    %scan3A_629 = arith.constant 2 : i32
    %scan3A_630 = arith.addi %scan3A_628, %scan3A_629 : i32
    %scan3A_631 = arith.constant 1 : i32
    %scan3A_632 = scf.for %scan3A_784 = %scan3A_628 to %scan3A_630 step %scan3A_631 iter_args(%scan3A_785 = %scan3A_627) -> (i32)  : i32 {
      %mul3A_786 = arith.constant 2 : i32
      %mul3A_787 = arith.muli %add3A, %mul3A_786 : i32
      %add3A_788 = arith.addi %mul3A_787, %scan3A_784 : i32
      %mul3A_789 = arith.constant 1792 : i32
      %mul3A_790 = arith.muli %add3A_788, %mul3A_789 : i32
      "tpu.region"() ({
        %run_scoped3A = tpu.sem_alloc : memref<!tpu.dma_semaphore, #tpu.memory_space<semaphore_mem>>
        %dma_start3A = arith.constant 0 : i32
        %dma_start3A_797 = tpu.memref_slice %arg22[%dma_start3A] : memref<2560xi32, #tpu.memory_space<vmem>> -> memref<1792xi32, #tpu.memory_space<vmem>>
        %dma_start3A_798 = tpu.memref_slice %arg14[%mul3A_790] : memref<114688xi32, #tpu.memory_space<hbm>> -> memref<1792xi32, #tpu.memory_space<hbm>>
        %dma_start3A_799 = arith.constant 0 : i32
        %dma_start3A_800 = tpu.memref_slice %arg22[%dma_start3A_799] : memref<2560xi32, #tpu.memory_space<vmem>> -> memref<1792xi32, #tpu.memory_space<vmem>>
        %dma_start3A_801 = tpu.memref_slice %arg14[%mul3A_790] : memref<114688xi32, #tpu.memory_space<hbm>> -> memref<1792xi32, #tpu.memory_space<hbm>>
        tpu.enqueue_dma source(%dma_start3A_801 : memref<1792xi32, #tpu.memory_space<hbm>>) target(%dma_start3A_800 : memref<1792xi32, #tpu.memory_space<vmem>>) target_semaphore(%run_scoped3A : memref<!tpu.dma_semaphore, #tpu.memory_space<semaphore_mem>>)
        %dma_wait3A = arith.constant 0 : i32
        %dma_wait3A_802 = tpu.memref_slice %arg22[%dma_wait3A] : memref<2560xi32, #tpu.memory_space<vmem>> -> memref<1792xi32, #tpu.memory_space<vmem>>
        %dma_wait3A_803 = tpu.memref_slice %arg14[%mul3A_790] : memref<114688xi32, #tpu.memory_space<hbm>> -> memref<1792xi32, #tpu.memory_space<hbm>>
        %dma_wait3A_804 = arith.constant 0 : i32
        %dma_wait3A_805 = tpu.memref_slice %arg22[%dma_wait3A_804] : memref<2560xi32, #tpu.memory_space<vmem>> -> memref<1792xi32, #tpu.memory_space<vmem>>
        %dma_wait3A_806 = tpu.memref_slice %arg14[%mul3A_790] : memref<114688xi32, #tpu.memory_space<hbm>> -> memref<1792xi32, #tpu.memory_space<hbm>>
        tpu.wait_dma2 semaphore(%run_scoped3A : memref<!tpu.dma_semaphore, #tpu.memory_space<semaphore_mem>>) src(%dma_wait3A_806 : memref<1792xi32, #tpu.memory_space<hbm>>) dst(%dma_wait3A_805 : memref<1792xi32, #tpu.memory_space<vmem>>)
        tpu.yield
      }) : () -> ()
      "tpu.region"() ({
        %run_scoped3A = tpu.sem_alloc : memref<!tpu.dma_semaphore, #tpu.memory_space<semaphore_mem>>
        %dma_start3A = arith.constant 0 : i32
        %dma_start3A_797 = tpu.memref_slice %arg23[%dma_start3A] : memref<2560xi32, #tpu.memory_space<vmem>> -> memref<1792xi32, #tpu.memory_space<vmem>>
        %dma_start3A_798 = tpu.memref_slice %arg15[%mul3A_790] : memref<114688xi32, #tpu.memory_space<hbm>> -> memref<1792xi32, #tpu.memory_space<hbm>>
        %dma_start3A_799 = arith.constant 0 : i32
        %dma_start3A_800 = tpu.memref_slice %arg23[%dma_start3A_799] : memref<2560xi32, #tpu.memory_space<vmem>> -> memref<1792xi32, #tpu.memory_space<vmem>>
        %dma_start3A_801 = tpu.memref_slice %arg15[%mul3A_790] : memref<114688xi32, #tpu.memory_space<hbm>> -> memref<1792xi32, #tpu.memory_space<hbm>>
        tpu.enqueue_dma source(%dma_start3A_801 : memref<1792xi32, #tpu.memory_space<hbm>>) target(%dma_start3A_800 : memref<1792xi32, #tpu.memory_space<vmem>>) target_semaphore(%run_scoped3A : memref<!tpu.dma_semaphore, #tpu.memory_space<semaphore_mem>>)
        %dma_wait3A = arith.constant 0 : i32
        %dma_wait3A_802 = tpu.memref_slice %arg23[%dma_wait3A] : memref<2560xi32, #tpu.memory_space<vmem>> -> memref<1792xi32, #tpu.memory_space<vmem>>
        %dma_wait3A_803 = tpu.memref_slice %arg15[%mul3A_790] : memref<114688xi32, #tpu.memory_space<hbm>> -> memref<1792xi32, #tpu.memory_space<hbm>>
        %dma_wait3A_804 = arith.constant 0 : i32
        %dma_wait3A_805 = tpu.memref_slice %arg23[%dma_wait3A_804] : memref<2560xi32, #tpu.memory_space<vmem>> -> memref<1792xi32, #tpu.memory_space<vmem>>
        %dma_wait3A_806 = tpu.memref_slice %arg15[%mul3A_790] : memref<114688xi32, #tpu.memory_space<hbm>> -> memref<1792xi32, #tpu.memory_space<hbm>>
        tpu.wait_dma2 semaphore(%run_scoped3A : memref<!tpu.dma_semaphore, #tpu.memory_space<semaphore_mem>>) src(%dma_wait3A_806 : memref<1792xi32, #tpu.memory_space<hbm>>) dst(%dma_wait3A_805 : memref<1792xi32, #tpu.memory_space<vmem>>)
        tpu.yield
      }) : () -> ()
      "tpu.region"() ({
        %run_scoped3A = tpu.sem_alloc : memref<!tpu.dma_semaphore, #tpu.memory_space<semaphore_mem>>
        %dma_start3A = arith.constant 0 : i32
        %dma_start3A_797 = tpu.memref_slice %arg24[%dma_start3A] : memref<2560xf32, #tpu.memory_space<vmem>> -> memref<1792xf32, #tpu.memory_space<vmem>>
        %dma_start3A_798 = tpu.memref_slice %arg16[%mul3A_790] : memref<114688xf32, #tpu.memory_space<hbm>> -> memref<1792xf32, #tpu.memory_space<hbm>>
        %dma_start3A_799 = arith.constant 0 : i32
        %dma_start3A_800 = tpu.memref_slice %arg24[%dma_start3A_799] : memref<2560xf32, #tpu.memory_space<vmem>> -> memref<1792xf32, #tpu.memory_space<vmem>>
        %dma_start3A_801 = tpu.memref_slice %arg16[%mul3A_790] : memref<114688xf32, #tpu.memory_space<hbm>> -> memref<1792xf32, #tpu.memory_space<hbm>>
        tpu.enqueue_dma source(%dma_start3A_801 : memref<1792xf32, #tpu.memory_space<hbm>>) target(%dma_start3A_800 : memref<1792xf32, #tpu.memory_space<vmem>>) target_semaphore(%run_scoped3A : memref<!tpu.dma_semaphore, #tpu.memory_space<semaphore_mem>>)
        %dma_wait3A = arith.constant 0 : i32
        %dma_wait3A_802 = tpu.memref_slice %arg24[%dma_wait3A] : memref<2560xf32, #tpu.memory_space<vmem>> -> memref<1792xf32, #tpu.memory_space<vmem>>
        %dma_wait3A_803 = tpu.memref_slice %arg16[%mul3A_790] : memref<114688xf32, #tpu.memory_space<hbm>> -> memref<1792xf32, #tpu.memory_space<hbm>>
        %dma_wait3A_804 = arith.constant 0 : i32
        %dma_wait3A_805 = tpu.memref_slice %arg24[%dma_wait3A_804] : memref<2560xf32, #tpu.memory_space<vmem>> -> memref<1792xf32, #tpu.memory_space<vmem>>
        %dma_wait3A_806 = tpu.memref_slice %arg16[%mul3A_790] : memref<114688xf32, #tpu.memory_space<hbm>> -> memref<1792xf32, #tpu.memory_space<hbm>>
        tpu.wait_dma2 semaphore(%run_scoped3A : memref<!tpu.dma_semaphore, #tpu.memory_space<semaphore_mem>>) src(%dma_wait3A_806 : memref<1792xf32, #tpu.memory_space<hbm>>) dst(%dma_wait3A_805 : memref<1792xf32, #tpu.memory_space<vmem>>)
        tpu.yield
      }) : () -> ()
      %scan3A_791 = arith.constant 0 : i32
      %scan3A_792 = arith.constant 56 : i32
      %scan3A_793 = arith.addi %scan3A_791, %scan3A_792 : i32
      %scan3A_794 = arith.constant 1 : i32
      %scan3A_795 = scf.for %scan3A_797 = %scan3A_791 to %scan3A_793 step %scan3A_794 iter_args(%scan3A_798 = %scan3A_785) -> (i32)  : i32 {
        %mul3A_799 = arith.constant 32 : i32
        %mul3A_800 = arith.muli %scan3A_797, %mul3A_799 : i32
        %get3A = arith.index_cast %mul3A_800 : i32 to index
        %get3A_801 = tpu.vector_load %arg22[%get3A] {strides = array<i32>} : memref<2560xi32, #tpu.memory_space<vmem>>, vector<16xi32>,
        %gather3A = tpu.vector_load_idx %arg20[%get3A_801] : memref<50048xi32, #tpu.memory_space<vmem>>[vector<16xi32>], vector<16xi32>,
        %ge3A = arith.constant 0 : i32
        %ge3A_802 = vector.broadcast %ge3A : i32 to vector<16xi32>
        %ge3A_803 = arith.cmpi sge, %gather3A, %ge3A_802 : vector<16xi32>
        %jit3A_804 = arith.constant 1 : i32
        %jit3A_805 = arith.constant 0 : i32
        %broadcast_in_dim3A_806 = vector.broadcast %jit3A_804 : i32 to vector<16xi32>
        %broadcast_in_dim3A_807 = vector.broadcast %jit3A_805 : i32 to vector<16xi32>
        %select_n3A_808 = arith.select %ge3A_803, %broadcast_in_dim3A_806, %broadcast_in_dim3A_807 : vector<16xi1>, vector<16xi32>
        %reduce_sum3A = arith.constant true
        %reduce_sum3A_809 = vector.broadcast %reduce_sum3A : i1 to vector<16xi1>
        %reduce_sum3A_810 = tpu.scan <sum>, %select_n3A_808 masked %reduce_sum3A_809 : vector<16xi32>, vector<16xi1> -> vector<16xi32>
        %reduce_sum3A_811 = vector.extract %reduce_sum3A_810[15] : i32 from vector<16xi32>
        %gt3A = arith.constant 0 : i32
        %gt3A_812 = arith.cmpi sgt, %reduce_sum3A_811, %gt3A : i32
        %convert_element_type3A = arith.extui %gt3A_812 : i1 to i32
        %cond3A = arith.constant 0 : i32
        %cond3A_813 = arith.cmpi ne, %convert_element_type3A, %cond3A : i32
        scf.if %cond3A_813 {
          %swap3A_840 = arith.index_cast %scan3A_798 : i32 to index
          %swap3A_841 = tpu.vector_load %arg25[%swap3A_840] masked %ge3A_803 {strides = array<i32>} : memref<12896xi32, #tpu.memory_space<vmem>>, vector<16xi32>, vector<16xi1>
          tpu.vector_store %arg25[%swap3A_840], %gather3A masked %ge3A_803 {strides = array<i32>} : memref<12896xi32, #tpu.memory_space<vmem>>, vector<16xi32>, vector<16xi1>
          %get3A_842 = arith.index_cast %mul3A_800 : i32 to index
          %get3A_843 = tpu.vector_load %arg23[%get3A_842] {strides = array<i32>} : memref<2560xi32, #tpu.memory_space<vmem>>, vector<16xi32>,
          %add3A_844 = arith.constant 25000 : i32
          %add3A_845 = vector.broadcast %add3A_844 : i32 to vector<16xi32>
          %add3A_846 = arith.addi %get3A_843, %add3A_845 : vector<16xi32>
          %swap3A_847 = arith.index_cast %scan3A_798 : i32 to index
          %swap3A_848 = tpu.vector_load %arg26[%swap3A_847] masked %ge3A_803 {strides = array<i32>} : memref<12896xi32, #tpu.memory_space<vmem>>, vector<16xi32>, vector<16xi1>
          tpu.vector_store %arg26[%swap3A_847], %add3A_846 masked %ge3A_803 {strides = array<i32>} : memref<12896xi32, #tpu.memory_space<vmem>>, vector<16xi32>, vector<16xi1>
          %get3A_849 = arith.index_cast %mul3A_800 : i32 to index
          %get3A_850 = tpu.vector_load %arg24[%get3A_849] {strides = array<i32>} : memref<2560xf32, #tpu.memory_space<vmem>>, vector<16xf32>,
          %swap3A_851 = arith.index_cast %scan3A_798 : i32 to index
          %swap3A_852 = tpu.vector_load %arg27[%swap3A_851] masked %ge3A_803 {strides = array<i32>} : memref<12896xf32, #tpu.memory_space<vmem>>, vector<16xf32>, vector<16xi1>
          tpu.vector_store %arg27[%swap3A_851], %get3A_850 masked %ge3A_803 {strides = array<i32>} : memref<12896xf32, #tpu.memory_space<vmem>>, vector<16xf32>, vector<16xi1>
        } else {
        }
        %add3A_814 = arith.addi %scan3A_798, %reduce_sum3A_811 : i32
        %mul3A_815 = arith.constant 32 : i32
        %mul3A_816 = arith.muli %scan3A_797, %mul3A_815 : i32
        %add3A_817 = arith.constant 16 : i32
        %add3A_818 = arith.addi %mul3A_816, %add3A_817 : i32
        %get3A_819 = arith.index_cast %add3A_818 : i32 to index
        %get3A_820 = tpu.vector_load %arg22[%get3A_819] {strides = array<i32>} : memref<2560xi32, #tpu.memory_space<vmem>>, vector<16xi32>,
        %gather3A_821 = tpu.vector_load_idx %arg20[%get3A_820] : memref<50048xi32, #tpu.memory_space<vmem>>[vector<16xi32>], vector<16xi32>,
        %ge3A_822 = arith.constant 0 : i32
        %ge3A_823 = vector.broadcast %ge3A_822 : i32 to vector<16xi32>
        %ge3A_824 = arith.cmpi sge, %gather3A_821, %ge3A_823 : vector<16xi32>
        %jit3A_825 = arith.constant 1 : i32
        %jit3A_826 = arith.constant 0 : i32
        %broadcast_in_dim3A_827 = vector.broadcast %jit3A_825 : i32 to vector<16xi32>
        %broadcast_in_dim3A_828 = vector.broadcast %jit3A_826 : i32 to vector<16xi32>
        %select_n3A_829 = arith.select %ge3A_824, %broadcast_in_dim3A_827, %broadcast_in_dim3A_828 : vector<16xi1>, vector<16xi32>
        %reduce_sum3A_830 = arith.constant true
        %reduce_sum3A_831 = vector.broadcast %reduce_sum3A_830 : i1 to vector<16xi1>
        %reduce_sum3A_832 = tpu.scan <sum>, %select_n3A_829 masked %reduce_sum3A_831 : vector<16xi32>, vector<16xi1> -> vector<16xi32>
        %reduce_sum3A_833 = vector.extract %reduce_sum3A_832[15] : i32 from vector<16xi32>
        %gt3A_834 = arith.constant 0 : i32
        %gt3A_835 = arith.cmpi sgt, %reduce_sum3A_833, %gt3A_834 : i32
        %convert_element_type3A_836 = arith.extui %gt3A_835 : i1 to i32
        %cond3A_837 = arith.constant 0 : i32
        %cond3A_838 = arith.cmpi ne, %convert_element_type3A_836, %cond3A_837 : i32
        scf.if %cond3A_838 {
          %swap3A_840 = arith.index_cast %add3A_814 : i32 to index
          %swap3A_841 = tpu.vector_load %arg25[%swap3A_840] masked %ge3A_824 {strides = array<i32>} : memref<12896xi32, #tpu.memory_space<vmem>>, vector<16xi32>, vector<16xi1>
          tpu.vector_store %arg25[%swap3A_840], %gather3A_821 masked %ge3A_824 {strides = array<i32>} : memref<12896xi32, #tpu.memory_space<vmem>>, vector<16xi32>, vector<16xi1>
          %get3A_842 = arith.index_cast %add3A_818 : i32 to index
          %get3A_843 = tpu.vector_load %arg23[%get3A_842] {strides = array<i32>} : memref<2560xi32, #tpu.memory_space<vmem>>, vector<16xi32>,
          %add3A_844 = arith.constant 25000 : i32
          %add3A_845 = vector.broadcast %add3A_844 : i32 to vector<16xi32>
          %add3A_846 = arith.addi %get3A_843, %add3A_845 : vector<16xi32>
          %swap3A_847 = arith.index_cast %add3A_814 : i32 to index
          %swap3A_848 = tpu.vector_load %arg26[%swap3A_847] masked %ge3A_824 {strides = array<i32>} : memref<12896xi32, #tpu.memory_space<vmem>>, vector<16xi32>, vector<16xi1>
          tpu.vector_store %arg26[%swap3A_847], %add3A_846 masked %ge3A_824 {strides = array<i32>} : memref<12896xi32, #tpu.memory_space<vmem>>, vector<16xi32>, vector<16xi1>
          %get3A_849 = arith.index_cast %add3A_818 : i32 to index
          %get3A_850 = tpu.vector_load %arg24[%get3A_849] {strides = array<i32>} : memref<2560xf32, #tpu.memory_space<vmem>>, vector<16xf32>,
          %swap3A_851 = arith.index_cast %add3A_814 : i32 to index
          %swap3A_852 = tpu.vector_load %arg27[%swap3A_851] masked %ge3A_824 {strides = array<i32>} : memref<12896xf32, #tpu.memory_space<vmem>>, vector<16xf32>, vector<16xi1>
          tpu.vector_store %arg27[%swap3A_851], %get3A_850 masked %ge3A_824 {strides = array<i32>} : memref<12896xf32, #tpu.memory_space<vmem>>, vector<16xf32>, vector<16xi1>
        } else {
        }
        %add3A_839 = arith.addi %add3A_814, %reduce_sum3A_833 : i32
        scf.yield %add3A_839 : i32
      }
      %scan3A_796 = arith.constant 56 : i32
      scf.yield %scan3A_795 : i32
    }
    %scan3A_633 = arith.constant 2 : i32
    %swap3A_634 = arith.index_cast %scan3A_632 : i32 to index
    %swap3A_635 = tpu.vector_load %arg25[%swap3A_634] {strides = array<i32>} : memref<12896xi32, #tpu.memory_space<vmem>>, vector<16xi32>,
    tpu.vector_store %arg25[%swap3A_634], %broadcast_in_dim3A_1 {strides = array<i32>} : memref<12896xi32, #tpu.memory_space<vmem>>, vector<16xi32>,
    %swap3A_636 = arith.index_cast %scan3A_632 : i32 to index
    %swap3A_637 = tpu.vector_load %arg26[%swap3A_636] {strides = array<i32>} : memref<12896xi32, #tpu.memory_space<vmem>>, vector<16xi32>,
    tpu.vector_store %arg26[%swap3A_636], %broadcast_in_dim3A_1 {strides = array<i32>} : memref<12896xi32, #tpu.memory_space<vmem>>, vector<16xi32>,
    %swap3A_638 = arith.index_cast %scan3A_632 : i32 to index
    %swap3A_639 = tpu.vector_load %arg27[%swap3A_638] {strides = array<i32>} : memref<12896xf32, #tpu.memory_space<vmem>>, vector<16xf32>,
    tpu.vector_store %arg27[%swap3A_638], %broadcast_in_dim3A_3 {strides = array<i32>} : memref<12896xf32, #tpu.memory_space<vmem>>, vector<16xf32>,
    %add3A_640 = arith.constant 15 : i32
    %add3A_641 = arith.addi %scan3A_632, %add3A_640 : i32
    %jit3A_642 = arith.constant 16 : i32
    %div3A_643 = arith.divsi %add3A_641, %jit3A_642 : i32
    %sign3A_644 = arith.constant 0 : i32
    %sign3A_645 = arith.cmpi sgt, %add3A_641, %sign3A_644 : i32
    %sign3A_646 = arith.extui %sign3A_645 : i1 to i32
    %sign3A_647 = arith.constant 0 : i32
    %sign3A_648 = arith.cmpi slt, %add3A_641, %sign3A_647 : i32
    %sign3A_649 = arith.extui %sign3A_648 : i1 to i32
    %sign3A_650 = arith.subi %sign3A_646, %sign3A_649 : i32
    %sign3A_651 = arith.constant 0 : i32
    %sign3A_652 = arith.cmpi sgt, %jit3A_642, %sign3A_651 : i32
    %sign3A_653 = arith.extui %sign3A_652 : i1 to i32
    %sign3A_654 = arith.constant 0 : i32
    %sign3A_655 = arith.cmpi slt, %jit3A_642, %sign3A_654 : i32
    %sign3A_656 = arith.extui %sign3A_655 : i1 to i32
    %sign3A_657 = arith.subi %sign3A_653, %sign3A_656 : i32
    %ne3A_658 = arith.cmpi ne, %sign3A_650, %sign3A_657 : i32
    %rem3A_659 = arith.remsi %add3A_641, %jit3A_642 : i32
    %ne3A_660 = arith.constant 0 : i32
    %ne3A_661 = arith.cmpi ne, %rem3A_659, %ne3A_660 : i32
    %and3A_662 = arith.andi %ne3A_658, %ne3A_661 : i1
    %sub3A_663 = arith.constant 1 : i32
    %sub3A_664 = arith.subi %div3A_643, %sub3A_663 : i32
    %select_n3A_665 = arith.select %and3A_662, %sub3A_664, %div3A_643 : i32
    %while3A_666 = arith.constant 0 : i32
    %while3A_667 = arith.constant 0 : i32
    %while3A_668 = arith.subi %select_n3A_665, %while3A_666 : i32
    %while3A_669 = arith.addi %while3A_666, %while3A_668 : i32
    %while3A_670 = arith.constant 1 : i32
    %while3A_671 = arith.divsi %while3A_668, %while3A_670 : i32
    %while3A_672 = arith.muli %while3A_671, %while3A_670 : i32
    %while3A_673 = arith.addi %while3A_666, %while3A_672 : i32
    %while3A_674 = arith.constant 1 : i32
    %while3A_675 = scf.for %while3A_784 = %while3A_666 to %while3A_673 step %while3A_674 iter_args(%while3A_785 = %while3A_667) -> (i32)  : i32 {
      %mul3A_786 = arith.constant 16 : i32
      %mul3A_787 = arith.muli %while3A_784, %mul3A_786 : i32
      %get3A = arith.index_cast %mul3A_787 : i32 to index
      %get3A_788 = tpu.vector_load %arg25[%get3A] {strides = array<i32>} : memref<12896xi32, #tpu.memory_space<vmem>>, vector<16xi32>,
      %mul3A_789 = arith.constant 16 : i32
      %mul3A_790 = arith.muli %while3A_784, %mul3A_789 : i32
      %get3A_791 = arith.index_cast %mul3A_790 : i32 to index
      %get3A_792 = tpu.vector_load %arg26[%get3A_791] {strides = array<i32>} : memref<12896xi32, #tpu.memory_space<vmem>>, vector<16xi32>,
      %mul3A_793 = arith.constant 16 : i32
      %mul3A_794 = arith.muli %while3A_784, %mul3A_793 : i32
      %get3A_795 = arith.index_cast %mul3A_794 : i32 to index
      %get3A_796 = tpu.vector_load %arg27[%get3A_795] {strides = array<i32>} : memref<12896xf32, #tpu.memory_space<vmem>>, vector<16xf32>,
      %swap3A_797 = arith.constant 0 : index
      %swap3A_798 = tpu.vector_load %arg30[%swap3A_797] {strides = array<i32>} : memref<16xf32, #tpu.memory_space<vmem>>, vector<16xf32>,
      tpu.vector_store %arg30[%swap3A_797], %get3A_796 {strides = array<i32>} : memref<16xf32, #tpu.memory_space<vmem>>, vector<16xf32>,
      "tpu.region"() ({
        %run_scoped3A = tpu.sem_alloc : memref<!tpu.dma_semaphore, #tpu.memory_space<semaphore_mem>>
        %dma_start3A = arith.constant 0 : i32
        %dma_start3A_807 = arith.constant 0 : i32
        %dma_start3A_808 = tpu.memref_slice %arg3[%dma_start3A, %dma_start3A_807] : memref<50000x128xf32, #tpu.memory_space<hbm>> -> memref<50000x128xf32, #tpu.memory_space<hbm>>
        tpu.enqueue_indirect_dma source(%dma_start3A_808 : memref<50000x128xf32, #tpu.memory_space<hbm>>) target(%arg28 : memref<16x128xf32, #tpu.memory_space<vmem>>) offsets(%get3A_792 : vector<16xi32>) semaphore(%run_scoped3A : memref<!tpu.dma_semaphore, #tpu.memory_space<semaphore_mem>>)
        %dma_wait3A = arith.constant 0 : i32
        %dma_wait3A_809 = arith.constant 0 : i32
        %dma_wait3A_810 = tpu.memref_slice %arg3[%dma_wait3A, %dma_wait3A_809] : memref<50000x128xf32, #tpu.memory_space<hbm>> -> memref<50000x128xf32, #tpu.memory_space<hbm>>
        tpu.wait_indirect_dma semaphore(%run_scoped3A : memref<!tpu.dma_semaphore, #tpu.memory_space<semaphore_mem>>) src(%dma_wait3A_810 : memref<50000x128xf32, #tpu.memory_space<hbm>>) dst(%arg28 : memref<16x128xf32, #tpu.memory_space<vmem>>)
        tpu.yield
      }) : () -> ()
      %scan3A_799 = arith.constant 0 : i32
      %scan3A_800 = arith.constant 0 : i32
      %scan3A_801 = arith.constant 16 : i32
      %scan3A_802 = arith.addi %scan3A_800, %scan3A_801 : i32
      %scan3A_803 = arith.constant 1 : i32
      %scan3A_804 = scf.for %scan3A_807 = %scan3A_800 to %scan3A_802 step %scan3A_803 iter_args(%scan3A_808 = %scan3A_799) -> (i32)  : i32 {
        %broadcast_in_dim3A_809 = vector.broadcast %scan3A_807 : i32 to vector<16xi32>
        %gather3A = tpu.vector_load_idx %arg30[%broadcast_in_dim3A_809] : memref<16xf32, #tpu.memory_space<vmem>>[vector<16xi32>], vector<16xf32>,
        %scan3A_810 = arith.constant 0 : i32
        %scan3A_811 = arith.constant 0 : i32
        %scan3A_812 = arith.constant 8 : i32
        %scan3A_813 = arith.addi %scan3A_811, %scan3A_812 : i32
        %scan3A_814 = arith.constant 1 : i32
        %scan3A_815 = scf.for %scan3A_818 = %scan3A_811 to %scan3A_813 step %scan3A_814 iter_args(%scan3A_819 = %scan3A_810) -> (i32)  : i32 {
          %mul3A_820 = arith.constant 16 : i32
          %mul3A_821 = arith.muli %scan3A_818, %mul3A_820 : i32
          %get3A_822 = arith.index_cast %scan3A_807 : i32 to index
          %get3A_823 = arith.index_cast %mul3A_821 : i32 to index
          %get3A_824 = tpu.vector_load %arg28[%get3A_822, %get3A_823] {strides = array<i32>} : memref<16x128xf32, #tpu.memory_space<vmem>>, vector<16xf32>,
          %mul3A_825 = arith.mulf %get3A_824, %gather3A : vector<16xf32>
          %mul3A_826 = arith.constant 16 : i32
          %mul3A_827 = arith.muli %scan3A_818, %mul3A_826 : i32
          %swap3A_828 = arith.index_cast %scan3A_807 : i32 to index
          %swap3A_829 = arith.index_cast %mul3A_827 : i32 to index
          %swap3A_830 = tpu.vector_load %arg28[%swap3A_828, %swap3A_829] {strides = array<i32>} : memref<16x128xf32, #tpu.memory_space<vmem>>, vector<16xf32>,
          tpu.vector_store %arg28[%swap3A_828, %swap3A_829], %mul3A_825 {strides = array<i32>} : memref<16x128xf32, #tpu.memory_space<vmem>>, vector<16xf32>,
          %scan3A_831 = arith.constant 0 : i32
          scf.yield %scan3A_831 : i32
        }
        %scan3A_816 = arith.constant 8 : i32
        %scan3A_817 = arith.constant 0 : i32
        scf.yield %scan3A_817 : i32
      }
      %scan3A_805 = arith.constant 16 : i32
      "tpu.region"() ({
        %run_scoped3A = tpu.sem_alloc : memref<!tpu.dma_semaphore, #tpu.memory_space<semaphore_mem>>
        %dma_start3A = arith.constant 0 : i32
        %dma_start3A_807 = arith.constant 0 : i32
        %dma_start3A_808 = tpu.memref_slice %arg31[%dma_start3A, %dma_start3A_807] : memref<2048x128xf32, #tpu.memory_space<vmem_shared>> -> memref<2048x128xf32, #tpu.memory_space<vmem_shared>>
        tpu.enqueue_indirect_dma source(%arg28 : memref<16x128xf32, #tpu.memory_space<vmem>>) target(%dma_start3A_808 : memref<2048x128xf32, #tpu.memory_space<vmem_shared>>) offsets(%get3A_788 : vector<16xi32>) semaphore(%run_scoped3A : memref<!tpu.dma_semaphore, #tpu.memory_space<semaphore_mem>>) {add = true}
        %dma_wait3A = arith.constant 0 : i32
        %dma_wait3A_809 = arith.constant 0 : i32
        %dma_wait3A_810 = tpu.memref_slice %arg31[%dma_wait3A, %dma_wait3A_809] : memref<2048x128xf32, #tpu.memory_space<vmem_shared>> -> memref<2048x128xf32, #tpu.memory_space<vmem_shared>>
        tpu.wait_indirect_dma semaphore(%run_scoped3A : memref<!tpu.dma_semaphore, #tpu.memory_space<semaphore_mem>>) src(%arg28 : memref<16x128xf32, #tpu.memory_space<vmem>>) dst(%dma_wait3A_810 : memref<2048x128xf32, #tpu.memory_space<vmem_shared>>)
        tpu.yield
      }) : () -> ()
      %while3A_806 = arith.constant 0 : i32
      scf.yield %while3A_806 : i32
    }
    %while3A_676 = arith.constant 1 : i32
    %while3A_677 = scf.for %while3A_784 = %while3A_673 to %while3A_669 step %while3A_676 iter_args(%while3A_785 = %while3A_675) -> (i32)  : i32 {
      %mul3A_786 = arith.constant 16 : i32
      %mul3A_787 = arith.muli %while3A_784, %mul3A_786 : i32
      %get3A = arith.index_cast %mul3A_787 : i32 to index
      %get3A_788 = tpu.vector_load %arg25[%get3A] {strides = array<i32>} : memref<12896xi32, #tpu.memory_space<vmem>>, vector<16xi32>,
      %mul3A_789 = arith.constant 16 : i32
      %mul3A_790 = arith.muli %while3A_784, %mul3A_789 : i32
      %get3A_791 = arith.index_cast %mul3A_790 : i32 to index
      %get3A_792 = tpu.vector_load %arg26[%get3A_791] {strides = array<i32>} : memref<12896xi32, #tpu.memory_space<vmem>>, vector<16xi32>,
      %mul3A_793 = arith.constant 16 : i32
      %mul3A_794 = arith.muli %while3A_784, %mul3A_793 : i32
      %get3A_795 = arith.index_cast %mul3A_794 : i32 to index
      %get3A_796 = tpu.vector_load %arg27[%get3A_795] {strides = array<i32>} : memref<12896xf32, #tpu.memory_space<vmem>>, vector<16xf32>,
      %swap3A_797 = arith.constant 0 : index
      %swap3A_798 = tpu.vector_load %arg30[%swap3A_797] {strides = array<i32>} : memref<16xf32, #tpu.memory_space<vmem>>, vector<16xf32>,
      tpu.vector_store %arg30[%swap3A_797], %get3A_796 {strides = array<i32>} : memref<16xf32, #tpu.memory_space<vmem>>, vector<16xf32>,
      "tpu.region"() ({
        %run_scoped3A = tpu.sem_alloc : memref<!tpu.dma_semaphore, #tpu.memory_space<semaphore_mem>>
        %dma_start3A = arith.constant 0 : i32
        %dma_start3A_807 = arith.constant 0 : i32
        %dma_start3A_808 = tpu.memref_slice %arg3[%dma_start3A, %dma_start3A_807] : memref<50000x128xf32, #tpu.memory_space<hbm>> -> memref<50000x128xf32, #tpu.memory_space<hbm>>
        tpu.enqueue_indirect_dma source(%dma_start3A_808 : memref<50000x128xf32, #tpu.memory_space<hbm>>) target(%arg28 : memref<16x128xf32, #tpu.memory_space<vmem>>) offsets(%get3A_792 : vector<16xi32>) semaphore(%run_scoped3A : memref<!tpu.dma_semaphore, #tpu.memory_space<semaphore_mem>>)
        %dma_wait3A = arith.constant 0 : i32
        %dma_wait3A_809 = arith.constant 0 : i32
        %dma_wait3A_810 = tpu.memref_slice %arg3[%dma_wait3A, %dma_wait3A_809] : memref<50000x128xf32, #tpu.memory_space<hbm>> -> memref<50000x128xf32, #tpu.memory_space<hbm>>
        tpu.wait_indirect_dma semaphore(%run_scoped3A : memref<!tpu.dma_semaphore, #tpu.memory_space<semaphore_mem>>) src(%dma_wait3A_810 : memref<50000x128xf32, #tpu.memory_space<hbm>>) dst(%arg28 : memref<16x128xf32, #tpu.memory_space<vmem>>)
        tpu.yield
      }) : () -> ()
      %scan3A_799 = arith.constant 0 : i32
      %scan3A_800 = arith.constant 0 : i32
      %scan3A_801 = arith.constant 16 : i32
      %scan3A_802 = arith.addi %scan3A_800, %scan3A_801 : i32
      %scan3A_803 = arith.constant 1 : i32
      %scan3A_804 = scf.for %scan3A_807 = %scan3A_800 to %scan3A_802 step %scan3A_803 iter_args(%scan3A_808 = %scan3A_799) -> (i32)  : i32 {
        %broadcast_in_dim3A_809 = vector.broadcast %scan3A_807 : i32 to vector<16xi32>
        %gather3A = tpu.vector_load_idx %arg30[%broadcast_in_dim3A_809] : memref<16xf32, #tpu.memory_space<vmem>>[vector<16xi32>], vector<16xf32>,
        %scan3A_810 = arith.constant 0 : i32
        %scan3A_811 = arith.constant 0 : i32
        %scan3A_812 = arith.constant 8 : i32
        %scan3A_813 = arith.addi %scan3A_811, %scan3A_812 : i32
        %scan3A_814 = arith.constant 1 : i32
        %scan3A_815 = scf.for %scan3A_818 = %scan3A_811 to %scan3A_813 step %scan3A_814 iter_args(%scan3A_819 = %scan3A_810) -> (i32)  : i32 {
          %mul3A_820 = arith.constant 16 : i32
          %mul3A_821 = arith.muli %scan3A_818, %mul3A_820 : i32
          %get3A_822 = arith.index_cast %scan3A_807 : i32 to index
          %get3A_823 = arith.index_cast %mul3A_821 : i32 to index
          %get3A_824 = tpu.vector_load %arg28[%get3A_822, %get3A_823] {strides = array<i32>} : memref<16x128xf32, #tpu.memory_space<vmem>>, vector<16xf32>,
          %mul3A_825 = arith.mulf %get3A_824, %gather3A : vector<16xf32>
          %mul3A_826 = arith.constant 16 : i32
          %mul3A_827 = arith.muli %scan3A_818, %mul3A_826 : i32
          %swap3A_828 = arith.index_cast %scan3A_807 : i32 to index
          %swap3A_829 = arith.index_cast %mul3A_827 : i32 to index
          %swap3A_830 = tpu.vector_load %arg28[%swap3A_828, %swap3A_829] {strides = array<i32>} : memref<16x128xf32, #tpu.memory_space<vmem>>, vector<16xf32>,
          tpu.vector_store %arg28[%swap3A_828, %swap3A_829], %mul3A_825 {strides = array<i32>} : memref<16x128xf32, #tpu.memory_space<vmem>>, vector<16xf32>,
          %scan3A_831 = arith.constant 0 : i32
          scf.yield %scan3A_831 : i32
        }
        %scan3A_816 = arith.constant 8 : i32
        %scan3A_817 = arith.constant 0 : i32
        scf.yield %scan3A_817 : i32
      }
      %scan3A_805 = arith.constant 16 : i32
      "tpu.region"() ({
        %run_scoped3A = tpu.sem_alloc : memref<!tpu.dma_semaphore, #tpu.memory_space<semaphore_mem>>
        %dma_start3A = arith.constant 0 : i32
        %dma_start3A_807 = arith.constant 0 : i32
        %dma_start3A_808 = tpu.memref_slice %arg31[%dma_start3A, %dma_start3A_807] : memref<2048x128xf32, #tpu.memory_space<vmem_shared>> -> memref<2048x128xf32, #tpu.memory_space<vmem_shared>>
        tpu.enqueue_indirect_dma source(%arg28 : memref<16x128xf32, #tpu.memory_space<vmem>>) target(%dma_start3A_808 : memref<2048x128xf32, #tpu.memory_space<vmem_shared>>) offsets(%get3A_788 : vector<16xi32>) semaphore(%run_scoped3A : memref<!tpu.dma_semaphore, #tpu.memory_space<semaphore_mem>>) {add = true}
        %dma_wait3A = arith.constant 0 : i32
        %dma_wait3A_809 = arith.constant 0 : i32
        %dma_wait3A_810 = tpu.memref_slice %arg31[%dma_wait3A, %dma_wait3A_809] : memref<2048x128xf32, #tpu.memory_space<vmem_shared>> -> memref<2048x128xf32, #tpu.memory_space<vmem_shared>>
        tpu.wait_indirect_dma semaphore(%run_scoped3A : memref<!tpu.dma_semaphore, #tpu.memory_space<semaphore_mem>>) src(%arg28 : memref<16x128xf32, #tpu.memory_space<vmem>>) dst(%dma_wait3A_810 : memref<2048x128xf32, #tpu.memory_space<vmem_shared>>)
        tpu.yield
      }) : () -> ()
      %while3A_806 = arith.constant 0 : i32
      scf.yield %while3A_806 : i32
    }
    %barrier3A_678 = arith.constant 0 : index
    tpu.barrier barrier_id(%barrier3A_678)
    %scan3A_679 = arith.constant 0 : i32
    %scan3A_680 = arith.constant 0 : i32
    %scan3A_681 = arith.constant 4 : i32
    %scan3A_682 = arith.addi %scan3A_680, %scan3A_681 : i32
    %scan3A_683 = arith.constant 1 : i32
    %scan3A_684 = scf.for %scan3A_784 = %scan3A_680 to %scan3A_682 step %scan3A_683 iter_args(%scan3A_785 = %scan3A_679) -> (i32)  : i32 {
      %mul3A_786 = arith.constant 64 : i32
      %mul3A_787 = arith.muli %arg1, %mul3A_786 : i32
      %mul3A_788 = arith.constant 16 : i32
      %mul3A_789 = arith.muli %scan3A_784, %mul3A_788 : i32
      %add3A_790 = arith.addi %mul3A_787, %mul3A_789 : i32
      %add3A_791 = arith.constant 1024 : i32
      %add3A_792 = arith.addi %add3A_791, %add3A_790 : i32
      %get3A = arith.index_cast %add3A_792 : i32 to index
      %get3A_793 = tpu.vector_load %arg21[%get3A] {strides = array<i32>} : memref<2048xi32, #tpu.memory_space<vmem>>, vector<16xi32>,
      %add3A_794 = arith.constant 0 : i32
      %add3A_795 = vector.broadcast %add3A_794 : i32 to vector<16xi32>
      %add3A_796 = arith.addi %get3A_793, %add3A_795 : vector<16xi32>
      %gather3A = tpu.vector_load_idx %arg20[%add3A_796] : memref<50048xi32, #tpu.memory_space<vmem>>[vector<16xi32>], vector<16xi32>,
      "tpu.region"() ({
        %run_scoped3A = tpu.sem_alloc : memref<!tpu.dma_semaphore, #tpu.memory_space<semaphore_mem>>
        %dma_start3A = arith.constant 0 : i32
        %dma_start3A_800 = arith.constant 0 : i32
        %dma_start3A_801 = tpu.memref_slice %arg31[%dma_start3A, %dma_start3A_800] : memref<2048x128xf32, #tpu.memory_space<vmem_shared>> -> memref<2048x128xf32, #tpu.memory_space<vmem_shared>>
        tpu.enqueue_indirect_dma source(%dma_start3A_801 : memref<2048x128xf32, #tpu.memory_space<vmem_shared>>) target(%arg28 : memref<16x128xf32, #tpu.memory_space<vmem>>) offsets(%gather3A : vector<16xi32>) semaphore(%run_scoped3A : memref<!tpu.dma_semaphore, #tpu.memory_space<semaphore_mem>>)
        %dma_wait3A = arith.constant 0 : i32
        %dma_wait3A_802 = arith.constant 0 : i32
        %dma_wait3A_803 = tpu.memref_slice %arg31[%dma_wait3A, %dma_wait3A_802] : memref<2048x128xf32, #tpu.memory_space<vmem_shared>> -> memref<2048x128xf32, #tpu.memory_space<vmem_shared>>
        tpu.wait_indirect_dma semaphore(%run_scoped3A : memref<!tpu.dma_semaphore, #tpu.memory_space<semaphore_mem>>) src(%dma_wait3A_803 : memref<2048x128xf32, #tpu.memory_space<vmem_shared>>) dst(%arg28 : memref<16x128xf32, #tpu.memory_space<vmem>>)
        tpu.yield
      }) : () -> ()
      %add3A_797 = arith.constant 4 : i32
      %add3A_798 = arith.addi %add3A_797, %arg0 : i32
      "tpu.region"() ({
        %run_scoped3A = tpu.sem_alloc : memref<!tpu.dma_semaphore, #tpu.memory_space<semaphore_mem>>
        %dma_start3A = arith.constant 0 : i32
        %dma_start3A_800 = tpu.memref_slice %arg17[%add3A_798, %add3A_790, %dma_start3A] : memref<8x1024x128xf32, #tpu.memory_space<hbm>> -> memref<1x16x128xf32, #tpu.memory_space<hbm>>
        %dma_start3A_801 = tpu.memref_squeeze %dma_start3A_800 : memref<1x16x128xf32, #tpu.memory_space<hbm>> -> memref<16x128xf32, #tpu.memory_space<hbm>>
        %dma_start3A_802 = arith.constant 0 : i32
        %dma_start3A_803 = tpu.memref_slice %arg17[%add3A_798, %add3A_790, %dma_start3A_802] : memref<8x1024x128xf32, #tpu.memory_space<hbm>> -> memref<1x16x128xf32, #tpu.memory_space<hbm>>
        %dma_start3A_804 = tpu.memref_squeeze %dma_start3A_803 : memref<1x16x128xf32, #tpu.memory_space<hbm>> -> memref<16x128xf32, #tpu.memory_space<hbm>>
        tpu.enqueue_dma source(%arg28 : memref<16x128xf32, #tpu.memory_space<vmem>>) target(%dma_start3A_804 : memref<16x128xf32, #tpu.memory_space<hbm>>) target_semaphore(%run_scoped3A : memref<!tpu.dma_semaphore, #tpu.memory_space<semaphore_mem>>)
        %dma_wait3A = arith.constant 0 : i32
        %dma_wait3A_805 = tpu.memref_slice %arg17[%add3A_798, %add3A_790, %dma_wait3A] : memref<8x1024x128xf32, #tpu.memory_space<hbm>> -> memref<1x16x128xf32, #tpu.memory_space<hbm>>
        %dma_wait3A_806 = tpu.memref_squeeze %dma_wait3A_805 : memref<1x16x128xf32, #tpu.memory_space<hbm>> -> memref<16x128xf32, #tpu.memory_space<hbm>>
        %dma_wait3A_807 = arith.constant 0 : i32
        %dma_wait3A_808 = tpu.memref_slice %arg17[%add3A_798, %add3A_790, %dma_wait3A_807] : memref<8x1024x128xf32, #tpu.memory_space<hbm>> -> memref<1x16x128xf32, #tpu.memory_space<hbm>>
        %dma_wait3A_809 = tpu.memref_squeeze %dma_wait3A_808 : memref<1x16x128xf32, #tpu.memory_space<hbm>> -> memref<16x128xf32, #tpu.memory_space<hbm>>
        tpu.wait_dma2 semaphore(%run_scoped3A : memref<!tpu.dma_semaphore, #tpu.memory_space<semaphore_mem>>) src(%arg28 : memref<16x128xf32, #tpu.memory_space<vmem>>) dst(%dma_wait3A_809 : memref<16x128xf32, #tpu.memory_space<hbm>>)
        tpu.yield
      }) : () -> ()
      %scan3A_799 = arith.constant 0 : i32
      scf.yield %scan3A_799 : i32
    }
    %scan3A_685 = arith.constant 4 : i32
    %broadcast_in_dim3A_686 = arith.constant -1 : i32
    %broadcast_in_dim3A_687 = vector.broadcast %broadcast_in_dim3A_686 : i32 to vector<16xi32>
    %scan3A_688 = arith.constant 0 : i32
    %scan3A_689 = arith.constant 0 : i32
    %scan3A_690 = arith.constant 782 : i32
    %scan3A_691 = arith.addi %scan3A_689, %scan3A_690 : i32
    %scan3A_692 = arith.constant 1 : i32
    %scan3A_693 = scf.for %scan3A_784 = %scan3A_689 to %scan3A_691 step %scan3A_692 iter_args(%scan3A_785 = %scan3A_688) -> (i32)  : i32 {
      %mul3A_786 = arith.constant 64 : i32
      %mul3A_787 = arith.muli %scan3A_784, %mul3A_786 : i32
      %swap3A_788 = arith.index_cast %mul3A_787 : i32 to index
      %swap3A_789 = tpu.vector_load %arg20[%swap3A_788] {strides = array<i32>} : memref<50048xi32, #tpu.memory_space<vmem>>, vector<16xi32>,
      tpu.vector_store %arg20[%swap3A_788], %broadcast_in_dim3A_687 {strides = array<i32>} : memref<50048xi32, #tpu.memory_space<vmem>>, vector<16xi32>,
      %mul3A_790 = arith.constant 64 : i32
      %mul3A_791 = arith.muli %scan3A_784, %mul3A_790 : i32
      %add3A_792 = arith.constant 16 : i32
      %add3A_793 = arith.addi %mul3A_791, %add3A_792 : i32
      %swap3A_794 = arith.index_cast %add3A_793 : i32 to index
      %swap3A_795 = tpu.vector_load %arg20[%swap3A_794] {strides = array<i32>} : memref<50048xi32, #tpu.memory_space<vmem>>, vector<16xi32>,
      tpu.vector_store %arg20[%swap3A_794], %broadcast_in_dim3A_687 {strides = array<i32>} : memref<50048xi32, #tpu.memory_space<vmem>>, vector<16xi32>,
      %mul3A_796 = arith.constant 64 : i32
      %mul3A_797 = arith.muli %scan3A_784, %mul3A_796 : i32
      %add3A_798 = arith.constant 32 : i32
      %add3A_799 = arith.addi %mul3A_797, %add3A_798 : i32
      %swap3A_800 = arith.index_cast %add3A_799 : i32 to index
      %swap3A_801 = tpu.vector_load %arg20[%swap3A_800] {strides = array<i32>} : memref<50048xi32, #tpu.memory_space<vmem>>, vector<16xi32>,
      tpu.vector_store %arg20[%swap3A_800], %broadcast_in_dim3A_687 {strides = array<i32>} : memref<50048xi32, #tpu.memory_space<vmem>>, vector<16xi32>,
      %mul3A_802 = arith.constant 64 : i32
      %mul3A_803 = arith.muli %scan3A_784, %mul3A_802 : i32
      %add3A_804 = arith.constant 48 : i32
      %add3A_805 = arith.addi %mul3A_803, %add3A_804 : i32
      %swap3A_806 = arith.index_cast %add3A_805 : i32 to index
      %swap3A_807 = tpu.vector_load %arg20[%swap3A_806] {strides = array<i32>} : memref<50048xi32, #tpu.memory_space<vmem>>, vector<16xi32>,
      tpu.vector_store %arg20[%swap3A_806], %broadcast_in_dim3A_687 {strides = array<i32>} : memref<50048xi32, #tpu.memory_space<vmem>>, vector<16xi32>,
      %scan3A_808 = arith.constant 0 : i32
      scf.yield %scan3A_808 : i32
    }
    %scan3A_694 = arith.constant 782 : i32
    %scan3A_695 = arith.constant 0 : i32
    %scan3A_696 = arith.constant 0 : i32
    %scan3A_697 = arith.constant 64 : i32
    %scan3A_698 = arith.addi %scan3A_696, %scan3A_697 : i32
    %scan3A_699 = arith.constant 1 : i32
    %scan3A_700 = scf.for %scan3A_784 = %scan3A_696 to %scan3A_698 step %scan3A_699 iter_args(%scan3A_785 = %scan3A_695) -> (i32)  : i32 {
      %mul3A_786 = arith.constant 16 : i32
      %mul3A_787 = arith.muli %scan3A_784, %mul3A_786 : i32
      %add3A_788 = arith.constant 0 : i32
      %add3A_789 = arith.addi %add3A_788, %mul3A_787 : i32
      %get3A = arith.index_cast %add3A_789 : i32 to index
      %get3A_790 = tpu.vector_load %arg21[%get3A] {strides = array<i32>} : memref<2048xi32, #tpu.memory_space<vmem>>, vector<16xi32>,
      %add3A_791 = arith.constant 0 : i32
      %add3A_792 = vector.broadcast %add3A_791 : i32 to vector<16xi32>
      %add3A_793 = arith.addi %get3A_790, %add3A_792 : vector<16xi32>
      %mul3A_794 = arith.constant 16 : i32
      %mul3A_795 = arith.muli %scan3A_784, %mul3A_794 : i32
      %add3A_796 = arith.constant 0 : i32
      %add3A_797 = arith.addi %mul3A_795, %add3A_796 : i32
      %add3A_798 = vector.broadcast %add3A_797 : i32 to vector<16xi32>
      %add3A_799 = arith.addi %iota3A, %add3A_798 : vector<16xi32>
      tpu.vector_store_idx %arg20[%add3A_793], %add3A_799 : memref<50048xi32, #tpu.memory_space<vmem>>[vector<16xi32>], vector<16xi32>,
      %scan3A_800 = arith.constant 0 : i32
      scf.yield %scan3A_800 : i32
    }
    %scan3A_701 = arith.constant 64 : i32
    %scan3A_702 = arith.constant 0 : i32
    %scan3A_703 = arith.constant 0 : i32
    %scan3A_704 = arith.constant 64 : i32
    %scan3A_705 = arith.addi %scan3A_703, %scan3A_704 : i32
    %scan3A_706 = arith.constant 1 : i32
    %scan3A_707 = scf.for %scan3A_784 = %scan3A_703 to %scan3A_705 step %scan3A_706 iter_args(%scan3A_785 = %scan3A_702) -> (i32)  : i32 {
      %mul3A_786 = arith.constant 16 : i32
      %mul3A_787 = arith.muli %scan3A_784, %mul3A_786 : i32
      %add3A_788 = arith.constant 1024 : i32
      %add3A_789 = arith.addi %add3A_788, %mul3A_787 : i32
      %get3A = arith.index_cast %add3A_789 : i32 to index
      %get3A_790 = tpu.vector_load %arg21[%get3A] {strides = array<i32>} : memref<2048xi32, #tpu.memory_space<vmem>>, vector<16xi32>,
      %add3A_791 = arith.constant 25000 : i32
      %add3A_792 = vector.broadcast %add3A_791 : i32 to vector<16xi32>
      %add3A_793 = arith.addi %get3A_790, %add3A_792 : vector<16xi32>
      %mul3A_794 = arith.constant 16 : i32
      %mul3A_795 = arith.muli %scan3A_784, %mul3A_794 : i32
      %add3A_796 = arith.constant 1024 : i32
      %add3A_797 = arith.addi %mul3A_795, %add3A_796 : i32
      %add3A_798 = vector.broadcast %add3A_797 : i32 to vector<16xi32>
      %add3A_799 = arith.addi %iota3A, %add3A_798 : vector<16xi32>
      tpu.vector_store_idx %arg20[%add3A_793], %add3A_799 : memref<50048xi32, #tpu.memory_space<vmem>>[vector<16xi32>], vector<16xi32>,
      %scan3A_800 = arith.constant 0 : i32
      scf.yield %scan3A_800 : i32
    }
    %scan3A_708 = arith.constant 64 : i32
    %barrier3A_709 = arith.constant 0 : index
    tpu.barrier barrier_id(%barrier3A_709)
    %scan3A_710 = arith.constant 0 : i32
    %scan3A_711 = arith.constant 0 : i32
    %scan3A_712 = arith.constant 8 : i32
    %scan3A_713 = arith.addi %scan3A_711, %scan3A_712 : i32
    %scan3A_714 = arith.constant 1 : i32
    %scan3A_715 = scf.for %scan3A_784 = %scan3A_711 to %scan3A_713 step %scan3A_714 iter_args(%scan3A_785 = %scan3A_710) -> (i32)  : i32 {
      %mul3A_786 = arith.constant 128 : i32
      %mul3A_787 = arith.muli %arg1, %mul3A_786 : i32
      %mul3A_788 = arith.constant 16 : i32
      %mul3A_789 = arith.muli %scan3A_784, %mul3A_788 : i32
      %add3A_790 = arith.addi %mul3A_787, %mul3A_789 : i32
      "tpu.region"() ({
        %run_scoped3A = tpu.sem_alloc : memref<!tpu.dma_semaphore, #tpu.memory_space<semaphore_mem>>
        %dma_start3A = arith.constant 0 : i32
        %dma_start3A_792 = tpu.memref_slice %arg31[%add3A_790, %dma_start3A] : memref<2048x128xf32, #tpu.memory_space<vmem_shared>> -> memref<16x128xf32, #tpu.memory_space<vmem_shared>>
        %dma_start3A_793 = arith.constant 0 : i32
        %dma_start3A_794 = tpu.memref_slice %arg31[%add3A_790, %dma_start3A_793] : memref<2048x128xf32, #tpu.memory_space<vmem_shared>> -> memref<16x128xf32, #tpu.memory_space<vmem_shared>>
        tpu.enqueue_dma source(%arg29 : memref<16x128xf32, #tpu.memory_space<vmem>>) target(%dma_start3A_794 : memref<16x128xf32, #tpu.memory_space<vmem_shared>>) target_semaphore(%run_scoped3A : memref<!tpu.dma_semaphore, #tpu.memory_space<semaphore_mem>>)
        %dma_wait3A = arith.constant 0 : i32
        %dma_wait3A_795 = tpu.memref_slice %arg31[%add3A_790, %dma_wait3A] : memref<2048x128xf32, #tpu.memory_space<vmem_shared>> -> memref<16x128xf32, #tpu.memory_space<vmem_shared>>
        %dma_wait3A_796 = arith.constant 0 : i32
        %dma_wait3A_797 = tpu.memref_slice %arg31[%add3A_790, %dma_wait3A_796] : memref<2048x128xf32, #tpu.memory_space<vmem_shared>> -> memref<16x128xf32, #tpu.memory_space<vmem_shared>>
        tpu.wait_dma2 semaphore(%run_scoped3A : memref<!tpu.dma_semaphore, #tpu.memory_space<semaphore_mem>>) src(%arg29 : memref<16x128xf32, #tpu.memory_space<vmem>>) dst(%dma_wait3A_797 : memref<16x128xf32, #tpu.memory_space<vmem_shared>>)
        tpu.yield
      }) : () -> ()
      %scan3A_791 = arith.constant 0 : i32
      scf.yield %scan3A_791 : i32
    }
    %scan3A_716 = arith.constant 8 : i32
    %barrier3A_717 = arith.constant 0 : index
    tpu.barrier barrier_id(%barrier3A_717)
    %scan3A_718 = arith.constant 0 : i32
    %scan3A_719 = arith.constant 0 : i32
    %scan3A_720 = arith.constant 5 : i32
    %scan3A_721 = arith.addi %scan3A_719, %scan3A_720 : i32
    %scan3A_722 = arith.constant 1 : i32
    %scan3A_723 = scf.for %scan3A_784 = %scan3A_719 to %scan3A_721 step %scan3A_722 iter_args(%scan3A_785 = %scan3A_718) -> (i32)  : i32 {
      %mul3A_786 = arith.constant 5 : i32
      %mul3A_787 = arith.muli %add3A, %mul3A_786 : i32
      %add3A_788 = arith.addi %mul3A_787, %scan3A_784 : i32
      %mul3A_789 = arith.constant 2560 : i32
      %mul3A_790 = arith.muli %add3A_788, %mul3A_789 : i32
      "tpu.region"() ({
        %run_scoped3A = tpu.sem_alloc : memref<!tpu.dma_semaphore, #tpu.memory_space<semaphore_mem>>
        %dma_start3A = arith.constant 0 : i32
        %dma_start3A_797 = tpu.memref_slice %arg22[%dma_start3A] : memref<2560xi32, #tpu.memory_space<vmem>> -> memref<2560xi32, #tpu.memory_space<vmem>>
        %dma_start3A_798 = tpu.memref_slice %arg8[%mul3A_790] : memref<409600xi32, #tpu.memory_space<hbm>> -> memref<2560xi32, #tpu.memory_space<hbm>>
        %dma_start3A_799 = arith.constant 0 : i32
        %dma_start3A_800 = tpu.memref_slice %arg22[%dma_start3A_799] : memref<2560xi32, #tpu.memory_space<vmem>> -> memref<2560xi32, #tpu.memory_space<vmem>>
        %dma_start3A_801 = tpu.memref_slice %arg8[%mul3A_790] : memref<409600xi32, #tpu.memory_space<hbm>> -> memref<2560xi32, #tpu.memory_space<hbm>>
        tpu.enqueue_dma source(%dma_start3A_801 : memref<2560xi32, #tpu.memory_space<hbm>>) target(%dma_start3A_800 : memref<2560xi32, #tpu.memory_space<vmem>>) target_semaphore(%run_scoped3A : memref<!tpu.dma_semaphore, #tpu.memory_space<semaphore_mem>>)
        %dma_wait3A = arith.constant 0 : i32
        %dma_wait3A_802 = tpu.memref_slice %arg22[%dma_wait3A] : memref<2560xi32, #tpu.memory_space<vmem>> -> memref<2560xi32, #tpu.memory_space<vmem>>
        %dma_wait3A_803 = tpu.memref_slice %arg8[%mul3A_790] : memref<409600xi32, #tpu.memory_space<hbm>> -> memref<2560xi32, #tpu.memory_space<hbm>>
        %dma_wait3A_804 = arith.constant 0 : i32
        %dma_wait3A_805 = tpu.memref_slice %arg22[%dma_wait3A_804] : memref<2560xi32, #tpu.memory_space<vmem>> -> memref<2560xi32, #tpu.memory_space<vmem>>
        %dma_wait3A_806 = tpu.memref_slice %arg8[%mul3A_790] : memref<409600xi32, #tpu.memory_space<hbm>> -> memref<2560xi32, #tpu.memory_space<hbm>>
        tpu.wait_dma2 semaphore(%run_scoped3A : memref<!tpu.dma_semaphore, #tpu.memory_space<semaphore_mem>>) src(%dma_wait3A_806 : memref<2560xi32, #tpu.memory_space<hbm>>) dst(%dma_wait3A_805 : memref<2560xi32, #tpu.memory_space<vmem>>)
        tpu.yield
      }) : () -> ()
      "tpu.region"() ({
        %run_scoped3A = tpu.sem_alloc : memref<!tpu.dma_semaphore, #tpu.memory_space<semaphore_mem>>
        %dma_start3A = arith.constant 0 : i32
        %dma_start3A_797 = tpu.memref_slice %arg23[%dma_start3A] : memref<2560xi32, #tpu.memory_space<vmem>> -> memref<2560xi32, #tpu.memory_space<vmem>>
        %dma_start3A_798 = tpu.memref_slice %arg9[%mul3A_790] : memref<409600xi32, #tpu.memory_space<hbm>> -> memref<2560xi32, #tpu.memory_space<hbm>>
        %dma_start3A_799 = arith.constant 0 : i32
        %dma_start3A_800 = tpu.memref_slice %arg23[%dma_start3A_799] : memref<2560xi32, #tpu.memory_space<vmem>> -> memref<2560xi32, #tpu.memory_space<vmem>>
        %dma_start3A_801 = tpu.memref_slice %arg9[%mul3A_790] : memref<409600xi32, #tpu.memory_space<hbm>> -> memref<2560xi32, #tpu.memory_space<hbm>>
        tpu.enqueue_dma source(%dma_start3A_801 : memref<2560xi32, #tpu.memory_space<hbm>>) target(%dma_start3A_800 : memref<2560xi32, #tpu.memory_space<vmem>>) target_semaphore(%run_scoped3A : memref<!tpu.dma_semaphore, #tpu.memory_space<semaphore_mem>>)
        %dma_wait3A = arith.constant 0 : i32
        %dma_wait3A_802 = tpu.memref_slice %arg23[%dma_wait3A] : memref<2560xi32, #tpu.memory_space<vmem>> -> memref<2560xi32, #tpu.memory_space<vmem>>
        %dma_wait3A_803 = tpu.memref_slice %arg9[%mul3A_790] : memref<409600xi32, #tpu.memory_space<hbm>> -> memref<2560xi32, #tpu.memory_space<hbm>>
        %dma_wait3A_804 = arith.constant 0 : i32
        %dma_wait3A_805 = tpu.memref_slice %arg23[%dma_wait3A_804] : memref<2560xi32, #tpu.memory_space<vmem>> -> memref<2560xi32, #tpu.memory_space<vmem>>
        %dma_wait3A_806 = tpu.memref_slice %arg9[%mul3A_790] : memref<409600xi32, #tpu.memory_space<hbm>> -> memref<2560xi32, #tpu.memory_space<hbm>>
        tpu.wait_dma2 semaphore(%run_scoped3A : memref<!tpu.dma_semaphore, #tpu.memory_space<semaphore_mem>>) src(%dma_wait3A_806 : memref<2560xi32, #tpu.memory_space<hbm>>) dst(%dma_wait3A_805 : memref<2560xi32, #tpu.memory_space<vmem>>)
        tpu.yield
      }) : () -> ()
      "tpu.region"() ({
        %run_scoped3A = tpu.sem_alloc : memref<!tpu.dma_semaphore, #tpu.memory_space<semaphore_mem>>
        %dma_start3A = arith.constant 0 : i32
        %dma_start3A_797 = tpu.memref_slice %arg24[%dma_start3A] : memref<2560xf32, #tpu.memory_space<vmem>> -> memref<2560xf32, #tpu.memory_space<vmem>>
        %dma_start3A_798 = tpu.memref_slice %arg10[%mul3A_790] : memref<409600xf32, #tpu.memory_space<hbm>> -> memref<2560xf32, #tpu.memory_space<hbm>>
        %dma_start3A_799 = arith.constant 0 : i32
        %dma_start3A_800 = tpu.memref_slice %arg24[%dma_start3A_799] : memref<2560xf32, #tpu.memory_space<vmem>> -> memref<2560xf32, #tpu.memory_space<vmem>>
        %dma_start3A_801 = tpu.memref_slice %arg10[%mul3A_790] : memref<409600xf32, #tpu.memory_space<hbm>> -> memref<2560xf32, #tpu.memory_space<hbm>>
        tpu.enqueue_dma source(%dma_start3A_801 : memref<2560xf32, #tpu.memory_space<hbm>>) target(%dma_start3A_800 : memref<2560xf32, #tpu.memory_space<vmem>>) target_semaphore(%run_scoped3A : memref<!tpu.dma_semaphore, #tpu.memory_space<semaphore_mem>>)
        %dma_wait3A = arith.constant 0 : i32
        %dma_wait3A_802 = tpu.memref_slice %arg24[%dma_wait3A] : memref<2560xf32, #tpu.memory_space<vmem>> -> memref<2560xf32, #tpu.memory_space<vmem>>
        %dma_wait3A_803 = tpu.memref_slice %arg10[%mul3A_790] : memref<409600xf32, #tpu.memory_space<hbm>> -> memref<2560xf32, #tpu.memory_space<hbm>>
        %dma_wait3A_804 = arith.constant 0 : i32
        %dma_wait3A_805 = tpu.memref_slice %arg24[%dma_wait3A_804] : memref<2560xf32, #tpu.memory_space<vmem>> -> memref<2560xf32, #tpu.memory_space<vmem>>
        %dma_wait3A_806 = tpu.memref_slice %arg10[%mul3A_790] : memref<409600xf32, #tpu.memory_space<hbm>> -> memref<2560xf32, #tpu.memory_space<hbm>>
        tpu.wait_dma2 semaphore(%run_scoped3A : memref<!tpu.dma_semaphore, #tpu.memory_space<semaphore_mem>>) src(%dma_wait3A_806 : memref<2560xf32, #tpu.memory_space<hbm>>) dst(%dma_wait3A_805 : memref<2560xf32, #tpu.memory_space<vmem>>)
        tpu.yield
      }) : () -> ()
      %scan3A_791 = arith.constant 0 : i32
      %scan3A_792 = arith.constant 80 : i32
      %scan3A_793 = arith.addi %scan3A_791, %scan3A_792 : i32
      %scan3A_794 = arith.constant 1 : i32
      %scan3A_795 = scf.for %scan3A_797 = %scan3A_791 to %scan3A_793 step %scan3A_794 iter_args(%scan3A_798 = %scan3A_785) -> (i32)  : i32 {
        %mul3A_799 = arith.constant 32 : i32
        %mul3A_800 = arith.muli %scan3A_797, %mul3A_799 : i32
        %get3A = arith.index_cast %mul3A_800 : i32 to index
        %get3A_801 = tpu.vector_load %arg22[%get3A] {strides = array<i32>} : memref<2560xi32, #tpu.memory_space<vmem>>, vector<16xi32>,
        %gather3A = tpu.vector_load_idx %arg20[%get3A_801] : memref<50048xi32, #tpu.memory_space<vmem>>[vector<16xi32>], vector<16xi32>,
        %ge3A = arith.constant 0 : i32
        %ge3A_802 = vector.broadcast %ge3A : i32 to vector<16xi32>
        %ge3A_803 = arith.cmpi sge, %gather3A, %ge3A_802 : vector<16xi32>
        %jit3A_804 = arith.constant 1 : i32
        %jit3A_805 = arith.constant 0 : i32
        %broadcast_in_dim3A_806 = vector.broadcast %jit3A_804 : i32 to vector<16xi32>
        %broadcast_in_dim3A_807 = vector.broadcast %jit3A_805 : i32 to vector<16xi32>
        %select_n3A_808 = arith.select %ge3A_803, %broadcast_in_dim3A_806, %broadcast_in_dim3A_807 : vector<16xi1>, vector<16xi32>
        %reduce_sum3A = arith.constant true
        %reduce_sum3A_809 = vector.broadcast %reduce_sum3A : i1 to vector<16xi1>
        %reduce_sum3A_810 = tpu.scan <sum>, %select_n3A_808 masked %reduce_sum3A_809 : vector<16xi32>, vector<16xi1> -> vector<16xi32>
        %reduce_sum3A_811 = vector.extract %reduce_sum3A_810[15] : i32 from vector<16xi32>
        %gt3A = arith.constant 0 : i32
        %gt3A_812 = arith.cmpi sgt, %reduce_sum3A_811, %gt3A : i32
        %convert_element_type3A = arith.extui %gt3A_812 : i1 to i32
        %cond3A = arith.constant 0 : i32
        %cond3A_813 = arith.cmpi ne, %convert_element_type3A, %cond3A : i32
        scf.if %cond3A_813 {
          %swap3A_840 = arith.index_cast %scan3A_798 : i32 to index
          %swap3A_841 = tpu.vector_load %arg25[%swap3A_840] masked %ge3A_803 {strides = array<i32>} : memref<12896xi32, #tpu.memory_space<vmem>>, vector<16xi32>, vector<16xi1>
          tpu.vector_store %arg25[%swap3A_840], %gather3A masked %ge3A_803 {strides = array<i32>} : memref<12896xi32, #tpu.memory_space<vmem>>, vector<16xi32>, vector<16xi1>
          %get3A_842 = arith.index_cast %mul3A_800 : i32 to index
          %get3A_843 = tpu.vector_load %arg23[%get3A_842] {strides = array<i32>} : memref<2560xi32, #tpu.memory_space<vmem>>, vector<16xi32>,
          %add3A_844 = arith.constant 0 : i32
          %add3A_845 = vector.broadcast %add3A_844 : i32 to vector<16xi32>
          %add3A_846 = arith.addi %get3A_843, %add3A_845 : vector<16xi32>
          %swap3A_847 = arith.index_cast %scan3A_798 : i32 to index
          %swap3A_848 = tpu.vector_load %arg26[%swap3A_847] masked %ge3A_803 {strides = array<i32>} : memref<12896xi32, #tpu.memory_space<vmem>>, vector<16xi32>, vector<16xi1>
          tpu.vector_store %arg26[%swap3A_847], %add3A_846 masked %ge3A_803 {strides = array<i32>} : memref<12896xi32, #tpu.memory_space<vmem>>, vector<16xi32>, vector<16xi1>
          %get3A_849 = arith.index_cast %mul3A_800 : i32 to index
          %get3A_850 = tpu.vector_load %arg24[%get3A_849] {strides = array<i32>} : memref<2560xf32, #tpu.memory_space<vmem>>, vector<16xf32>,
          %swap3A_851 = arith.index_cast %scan3A_798 : i32 to index
          %swap3A_852 = tpu.vector_load %arg27[%swap3A_851] masked %ge3A_803 {strides = array<i32>} : memref<12896xf32, #tpu.memory_space<vmem>>, vector<16xf32>, vector<16xi1>
          tpu.vector_store %arg27[%swap3A_851], %get3A_850 masked %ge3A_803 {strides = array<i32>} : memref<12896xf32, #tpu.memory_space<vmem>>, vector<16xf32>, vector<16xi1>
        } else {
        }
        %add3A_814 = arith.addi %scan3A_798, %reduce_sum3A_811 : i32
        %mul3A_815 = arith.constant 32 : i32
        %mul3A_816 = arith.muli %scan3A_797, %mul3A_815 : i32
        %add3A_817 = arith.constant 16 : i32
        %add3A_818 = arith.addi %mul3A_816, %add3A_817 : i32
        %get3A_819 = arith.index_cast %add3A_818 : i32 to index
        %get3A_820 = tpu.vector_load %arg22[%get3A_819] {strides = array<i32>} : memref<2560xi32, #tpu.memory_space<vmem>>, vector<16xi32>,
        %gather3A_821 = tpu.vector_load_idx %arg20[%get3A_820] : memref<50048xi32, #tpu.memory_space<vmem>>[vector<16xi32>], vector<16xi32>,
        %ge3A_822 = arith.constant 0 : i32
        %ge3A_823 = vector.broadcast %ge3A_822 : i32 to vector<16xi32>
        %ge3A_824 = arith.cmpi sge, %gather3A_821, %ge3A_823 : vector<16xi32>
        %jit3A_825 = arith.constant 1 : i32
        %jit3A_826 = arith.constant 0 : i32
        %broadcast_in_dim3A_827 = vector.broadcast %jit3A_825 : i32 to vector<16xi32>
        %broadcast_in_dim3A_828 = vector.broadcast %jit3A_826 : i32 to vector<16xi32>
        %select_n3A_829 = arith.select %ge3A_824, %broadcast_in_dim3A_827, %broadcast_in_dim3A_828 : vector<16xi1>, vector<16xi32>
        %reduce_sum3A_830 = arith.constant true
        %reduce_sum3A_831 = vector.broadcast %reduce_sum3A_830 : i1 to vector<16xi1>
        %reduce_sum3A_832 = tpu.scan <sum>, %select_n3A_829 masked %reduce_sum3A_831 : vector<16xi32>, vector<16xi1> -> vector<16xi32>
        %reduce_sum3A_833 = vector.extract %reduce_sum3A_832[15] : i32 from vector<16xi32>
        %gt3A_834 = arith.constant 0 : i32
        %gt3A_835 = arith.cmpi sgt, %reduce_sum3A_833, %gt3A_834 : i32
        %convert_element_type3A_836 = arith.extui %gt3A_835 : i1 to i32
        %cond3A_837 = arith.constant 0 : i32
        %cond3A_838 = arith.cmpi ne, %convert_element_type3A_836, %cond3A_837 : i32
        scf.if %cond3A_838 {
          %swap3A_840 = arith.index_cast %add3A_814 : i32 to index
          %swap3A_841 = tpu.vector_load %arg25[%swap3A_840] masked %ge3A_824 {strides = array<i32>} : memref<12896xi32, #tpu.memory_space<vmem>>, vector<16xi32>, vector<16xi1>
          tpu.vector_store %arg25[%swap3A_840], %gather3A_821 masked %ge3A_824 {strides = array<i32>} : memref<12896xi32, #tpu.memory_space<vmem>>, vector<16xi32>, vector<16xi1>
          %get3A_842 = arith.index_cast %add3A_818 : i32 to index
          %get3A_843 = tpu.vector_load %arg23[%get3A_842] {strides = array<i32>} : memref<2560xi32, #tpu.memory_space<vmem>>, vector<16xi32>,
          %add3A_844 = arith.constant 0 : i32
          %add3A_845 = vector.broadcast %add3A_844 : i32 to vector<16xi32>
          %add3A_846 = arith.addi %get3A_843, %add3A_845 : vector<16xi32>
          %swap3A_847 = arith.index_cast %add3A_814 : i32 to index
          %swap3A_848 = tpu.vector_load %arg26[%swap3A_847] masked %ge3A_824 {strides = array<i32>} : memref<12896xi32, #tpu.memory_space<vmem>>, vector<16xi32>, vector<16xi1>
          tpu.vector_store %arg26[%swap3A_847], %add3A_846 masked %ge3A_824 {strides = array<i32>} : memref<12896xi32, #tpu.memory_space<vmem>>, vector<16xi32>, vector<16xi1>
          %get3A_849 = arith.index_cast %add3A_818 : i32 to index
          %get3A_850 = tpu.vector_load %arg24[%get3A_849] {strides = array<i32>} : memref<2560xf32, #tpu.memory_space<vmem>>, vector<16xf32>,
          %swap3A_851 = arith.index_cast %add3A_814 : i32 to index
          %swap3A_852 = tpu.vector_load %arg27[%swap3A_851] masked %ge3A_824 {strides = array<i32>} : memref<12896xf32, #tpu.memory_space<vmem>>, vector<16xf32>, vector<16xi1>
          tpu.vector_store %arg27[%swap3A_851], %get3A_850 masked %ge3A_824 {strides = array<i32>} : memref<12896xf32, #tpu.memory_space<vmem>>, vector<16xf32>, vector<16xi1>
        } else {
        }
        %add3A_839 = arith.addi %add3A_814, %reduce_sum3A_833 : i32
        scf.yield %add3A_839 : i32
      }
      %scan3A_796 = arith.constant 80 : i32
      scf.yield %scan3A_795 : i32
    }
    %scan3A_724 = arith.constant 5 : i32
    %swap3A_725 = arith.index_cast %scan3A_723 : i32 to index
    %swap3A_726 = tpu.vector_load %arg25[%swap3A_725] {strides = array<i32>} : memref<12896xi32, #tpu.memory_space<vmem>>, vector<16xi32>,
    tpu.vector_store %arg25[%swap3A_725], %broadcast_in_dim3A_1 {strides = array<i32>} : memref<12896xi32, #tpu.memory_space<vmem>>, vector<16xi32>,
    %swap3A_727 = arith.index_cast %scan3A_723 : i32 to index
    %swap3A_728 = tpu.vector_load %arg26[%swap3A_727] {strides = array<i32>} : memref<12896xi32, #tpu.memory_space<vmem>>, vector<16xi32>,
    tpu.vector_store %arg26[%swap3A_727], %broadcast_in_dim3A_1 {strides = array<i32>} : memref<12896xi32, #tpu.memory_space<vmem>>, vector<16xi32>,
    %swap3A_729 = arith.index_cast %scan3A_723 : i32 to index
    %swap3A_730 = tpu.vector_load %arg27[%swap3A_729] {strides = array<i32>} : memref<12896xf32, #tpu.memory_space<vmem>>, vector<16xf32>,
    tpu.vector_store %arg27[%swap3A_729], %broadcast_in_dim3A_3 {strides = array<i32>} : memref<12896xf32, #tpu.memory_space<vmem>>, vector<16xf32>,
    %add3A_731 = arith.constant 15 : i32
    %add3A_732 = arith.addi %scan3A_723, %add3A_731 : i32
    %jit3A_733 = arith.constant 16 : i32
    %div3A_734 = arith.divsi %add3A_732, %jit3A_733 : i32
    %sign3A_735 = arith.constant 0 : i32
    %sign3A_736 = arith.cmpi sgt, %add3A_732, %sign3A_735 : i32
    %sign3A_737 = arith.extui %sign3A_736 : i1 to i32
    %sign3A_738 = arith.constant 0 : i32
    %sign3A_739 = arith.cmpi slt, %add3A_732, %sign3A_738 : i32
    %sign3A_740 = arith.extui %sign3A_739 : i1 to i32
    %sign3A_741 = arith.subi %sign3A_737, %sign3A_740 : i32
    %sign3A_742 = arith.constant 0 : i32
    %sign3A_743 = arith.cmpi sgt, %jit3A_733, %sign3A_742 : i32
    %sign3A_744 = arith.extui %sign3A_743 : i1 to i32
    %sign3A_745 = arith.constant 0 : i32
    %sign3A_746 = arith.cmpi slt, %jit3A_733, %sign3A_745 : i32
    %sign3A_747 = arith.extui %sign3A_746 : i1 to i32
    %sign3A_748 = arith.subi %sign3A_744, %sign3A_747 : i32
    %ne3A_749 = arith.cmpi ne, %sign3A_741, %sign3A_748 : i32
    %rem3A_750 = arith.remsi %add3A_732, %jit3A_733 : i32
    %ne3A_751 = arith.constant 0 : i32
    %ne3A_752 = arith.cmpi ne, %rem3A_750, %ne3A_751 : i32
    %and3A_753 = arith.andi %ne3A_749, %ne3A_752 : i1
    %sub3A_754 = arith.constant 1 : i32
    %sub3A_755 = arith.subi %div3A_734, %sub3A_754 : i32
    %select_n3A_756 = arith.select %and3A_753, %sub3A_755, %div3A_734 : i32
    %while3A_757 = arith.constant 0 : i32
    %while3A_758 = arith.constant 0 : i32
    %while3A_759 = arith.subi %select_n3A_756, %while3A_757 : i32
    %while3A_760 = arith.addi %while3A_757, %while3A_759 : i32
    %while3A_761 = arith.constant 1 : i32
    %while3A_762 = arith.divsi %while3A_759, %while3A_761 : i32
    %while3A_763 = arith.muli %while3A_762, %while3A_761 : i32
    %while3A_764 = arith.addi %while3A_757, %while3A_763 : i32
    %while3A_765 = arith.constant 1 : i32
    %while3A_766 = scf.for %while3A_784 = %while3A_757 to %while3A_764 step %while3A_765 iter_args(%while3A_785 = %while3A_758) -> (i32)  : i32 {
      %mul3A_786 = arith.constant 16 : i32
      %mul3A_787 = arith.muli %while3A_784, %mul3A_786 : i32
      %get3A = arith.index_cast %mul3A_787 : i32 to index
      %get3A_788 = tpu.vector_load %arg25[%get3A] {strides = array<i32>} : memref<12896xi32, #tpu.memory_space<vmem>>, vector<16xi32>,
      %mul3A_789 = arith.constant 16 : i32
      %mul3A_790 = arith.muli %while3A_784, %mul3A_789 : i32
      %get3A_791 = arith.index_cast %mul3A_790 : i32 to index
      %get3A_792 = tpu.vector_load %arg26[%get3A_791] {strides = array<i32>} : memref<12896xi32, #tpu.memory_space<vmem>>, vector<16xi32>,
      %mul3A_793 = arith.constant 16 : i32
      %mul3A_794 = arith.muli %while3A_784, %mul3A_793 : i32
      %get3A_795 = arith.index_cast %mul3A_794 : i32 to index
      %get3A_796 = tpu.vector_load %arg27[%get3A_795] {strides = array<i32>} : memref<12896xf32, #tpu.memory_space<vmem>>, vector<16xf32>,
      %swap3A_797 = arith.constant 0 : index
      %swap3A_798 = tpu.vector_load %arg30[%swap3A_797] {strides = array<i32>} : memref<16xf32, #tpu.memory_space<vmem>>, vector<16xf32>,
      tpu.vector_store %arg30[%swap3A_797], %get3A_796 {strides = array<i32>} : memref<16xf32, #tpu.memory_space<vmem>>, vector<16xf32>,
      "tpu.region"() ({
        %run_scoped3A = tpu.sem_alloc : memref<!tpu.dma_semaphore, #tpu.memory_space<semaphore_mem>>
        %dma_start3A = arith.constant 0 : i32
        %dma_start3A_807 = arith.constant 0 : i32
        %dma_start3A_808 = tpu.memref_slice %arg2[%dma_start3A, %dma_start3A_807] : memref<50000x128xf32, #tpu.memory_space<hbm>> -> memref<50000x128xf32, #tpu.memory_space<hbm>>
        tpu.enqueue_indirect_dma source(%dma_start3A_808 : memref<50000x128xf32, #tpu.memory_space<hbm>>) target(%arg28 : memref<16x128xf32, #tpu.memory_space<vmem>>) offsets(%get3A_792 : vector<16xi32>) semaphore(%run_scoped3A : memref<!tpu.dma_semaphore, #tpu.memory_space<semaphore_mem>>)
        %dma_wait3A = arith.constant 0 : i32
        %dma_wait3A_809 = arith.constant 0 : i32
        %dma_wait3A_810 = tpu.memref_slice %arg2[%dma_wait3A, %dma_wait3A_809] : memref<50000x128xf32, #tpu.memory_space<hbm>> -> memref<50000x128xf32, #tpu.memory_space<hbm>>
        tpu.wait_indirect_dma semaphore(%run_scoped3A : memref<!tpu.dma_semaphore, #tpu.memory_space<semaphore_mem>>) src(%dma_wait3A_810 : memref<50000x128xf32, #tpu.memory_space<hbm>>) dst(%arg28 : memref<16x128xf32, #tpu.memory_space<vmem>>)
        tpu.yield
      }) : () -> ()
      %scan3A_799 = arith.constant 0 : i32
      %scan3A_800 = arith.constant 0 : i32
      %scan3A_801 = arith.constant 16 : i32
      %scan3A_802 = arith.addi %scan3A_800, %scan3A_801 : i32
      %scan3A_803 = arith.constant 1 : i32
      %scan3A_804 = scf.for %scan3A_807 = %scan3A_800 to %scan3A_802 step %scan3A_803 iter_args(%scan3A_808 = %scan3A_799) -> (i32)  : i32 {
        %broadcast_in_dim3A_809 = vector.broadcast %scan3A_807 : i32 to vector<16xi32>
        %gather3A = tpu.vector_load_idx %arg30[%broadcast_in_dim3A_809] : memref<16xf32, #tpu.memory_space<vmem>>[vector<16xi32>], vector<16xf32>,
        %scan3A_810 = arith.constant 0 : i32
        %scan3A_811 = arith.constant 0 : i32
        %scan3A_812 = arith.constant 8 : i32
        %scan3A_813 = arith.addi %scan3A_811, %scan3A_812 : i32
        %scan3A_814 = arith.constant 1 : i32
        %scan3A_815 = scf.for %scan3A_818 = %scan3A_811 to %scan3A_813 step %scan3A_814 iter_args(%scan3A_819 = %scan3A_810) -> (i32)  : i32 {
          %mul3A_820 = arith.constant 16 : i32
          %mul3A_821 = arith.muli %scan3A_818, %mul3A_820 : i32
          %get3A_822 = arith.index_cast %scan3A_807 : i32 to index
          %get3A_823 = arith.index_cast %mul3A_821 : i32 to index
          %get3A_824 = tpu.vector_load %arg28[%get3A_822, %get3A_823] {strides = array<i32>} : memref<16x128xf32, #tpu.memory_space<vmem>>, vector<16xf32>,
          %mul3A_825 = arith.mulf %get3A_824, %gather3A : vector<16xf32>
          %mul3A_826 = arith.constant 16 : i32
          %mul3A_827 = arith.muli %scan3A_818, %mul3A_826 : i32
          %swap3A_828 = arith.index_cast %scan3A_807 : i32 to index
          %swap3A_829 = arith.index_cast %mul3A_827 : i32 to index
          %swap3A_830 = tpu.vector_load %arg28[%swap3A_828, %swap3A_829] {strides = array<i32>} : memref<16x128xf32, #tpu.memory_space<vmem>>, vector<16xf32>,
          tpu.vector_store %arg28[%swap3A_828, %swap3A_829], %mul3A_825 {strides = array<i32>} : memref<16x128xf32, #tpu.memory_space<vmem>>, vector<16xf32>,
          %scan3A_831 = arith.constant 0 : i32
          scf.yield %scan3A_831 : i32
        }
        %scan3A_816 = arith.constant 8 : i32
        %scan3A_817 = arith.constant 0 : i32
        scf.yield %scan3A_817 : i32
      }
      %scan3A_805 = arith.constant 16 : i32
      "tpu.region"() ({
        %run_scoped3A = tpu.sem_alloc : memref<!tpu.dma_semaphore, #tpu.memory_space<semaphore_mem>>
        %dma_start3A = arith.constant 0 : i32
        %dma_start3A_807 = arith.constant 0 : i32
        %dma_start3A_808 = tpu.memref_slice %arg31[%dma_start3A, %dma_start3A_807] : memref<2048x128xf32, #tpu.memory_space<vmem_shared>> -> memref<2048x128xf32, #tpu.memory_space<vmem_shared>>
        tpu.enqueue_indirect_dma source(%arg28 : memref<16x128xf32, #tpu.memory_space<vmem>>) target(%dma_start3A_808 : memref<2048x128xf32, #tpu.memory_space<vmem_shared>>) offsets(%get3A_788 : vector<16xi32>) semaphore(%run_scoped3A : memref<!tpu.dma_semaphore, #tpu.memory_space<semaphore_mem>>) {add = true}
        %dma_wait3A = arith.constant 0 : i32
        %dma_wait3A_809 = arith.constant 0 : i32
        %dma_wait3A_810 = tpu.memref_slice %arg31[%dma_wait3A, %dma_wait3A_809] : memref<2048x128xf32, #tpu.memory_space<vmem_shared>> -> memref<2048x128xf32, #tpu.memory_space<vmem_shared>>
        tpu.wait_indirect_dma semaphore(%run_scoped3A : memref<!tpu.dma_semaphore, #tpu.memory_space<semaphore_mem>>) src(%arg28 : memref<16x128xf32, #tpu.memory_space<vmem>>) dst(%dma_wait3A_810 : memref<2048x128xf32, #tpu.memory_space<vmem_shared>>)
        tpu.yield
      }) : () -> ()
      %while3A_806 = arith.constant 0 : i32
      scf.yield %while3A_806 : i32
    }
    %while3A_767 = arith.constant 1 : i32
    %while3A_768 = scf.for %while3A_784 = %while3A_764 to %while3A_760 step %while3A_767 iter_args(%while3A_785 = %while3A_766) -> (i32)  : i32 {
      %mul3A_786 = arith.constant 16 : i32
      %mul3A_787 = arith.muli %while3A_784, %mul3A_786 : i32
      %get3A = arith.index_cast %mul3A_787 : i32 to index
      %get3A_788 = tpu.vector_load %arg25[%get3A] {strides = array<i32>} : memref<12896xi32, #tpu.memory_space<vmem>>, vector<16xi32>,
      %mul3A_789 = arith.constant 16 : i32
      %mul3A_790 = arith.muli %while3A_784, %mul3A_789 : i32
      %get3A_791 = arith.index_cast %mul3A_790 : i32 to index
      %get3A_792 = tpu.vector_load %arg26[%get3A_791] {strides = array<i32>} : memref<12896xi32, #tpu.memory_space<vmem>>, vector<16xi32>,
      %mul3A_793 = arith.constant 16 : i32
      %mul3A_794 = arith.muli %while3A_784, %mul3A_793 : i32
      %get3A_795 = arith.index_cast %mul3A_794 : i32 to index
      %get3A_796 = tpu.vector_load %arg27[%get3A_795] {strides = array<i32>} : memref<12896xf32, #tpu.memory_space<vmem>>, vector<16xf32>,
      %swap3A_797 = arith.constant 0 : index
      %swap3A_798 = tpu.vector_load %arg30[%swap3A_797] {strides = array<i32>} : memref<16xf32, #tpu.memory_space<vmem>>, vector<16xf32>,
      tpu.vector_store %arg30[%swap3A_797], %get3A_796 {strides = array<i32>} : memref<16xf32, #tpu.memory_space<vmem>>, vector<16xf32>,
      "tpu.region"() ({
        %run_scoped3A = tpu.sem_alloc : memref<!tpu.dma_semaphore, #tpu.memory_space<semaphore_mem>>
        %dma_start3A = arith.constant 0 : i32
        %dma_start3A_807 = arith.constant 0 : i32
        %dma_start3A_808 = tpu.memref_slice %arg2[%dma_start3A, %dma_start3A_807] : memref<50000x128xf32, #tpu.memory_space<hbm>> -> memref<50000x128xf32, #tpu.memory_space<hbm>>
        tpu.enqueue_indirect_dma source(%dma_start3A_808 : memref<50000x128xf32, #tpu.memory_space<hbm>>) target(%arg28 : memref<16x128xf32, #tpu.memory_space<vmem>>) offsets(%get3A_792 : vector<16xi32>) semaphore(%run_scoped3A : memref<!tpu.dma_semaphore, #tpu.memory_space<semaphore_mem>>)
        %dma_wait3A = arith.constant 0 : i32
        %dma_wait3A_809 = arith.constant 0 : i32
        %dma_wait3A_810 = tpu.memref_slice %arg2[%dma_wait3A, %dma_wait3A_809] : memref<50000x128xf32, #tpu.memory_space<hbm>> -> memref<50000x128xf32, #tpu.memory_space<hbm>>
        tpu.wait_indirect_dma semaphore(%run_scoped3A : memref<!tpu.dma_semaphore, #tpu.memory_space<semaphore_mem>>) src(%dma_wait3A_810 : memref<50000x128xf32, #tpu.memory_space<hbm>>) dst(%arg28 : memref<16x128xf32, #tpu.memory_space<vmem>>)
        tpu.yield
      }) : () -> ()
      %scan3A_799 = arith.constant 0 : i32
      %scan3A_800 = arith.constant 0 : i32
      %scan3A_801 = arith.constant 16 : i32
      %scan3A_802 = arith.addi %scan3A_800, %scan3A_801 : i32
      %scan3A_803 = arith.constant 1 : i32
      %scan3A_804 = scf.for %scan3A_807 = %scan3A_800 to %scan3A_802 step %scan3A_803 iter_args(%scan3A_808 = %scan3A_799) -> (i32)  : i32 {
        %broadcast_in_dim3A_809 = vector.broadcast %scan3A_807 : i32 to vector<16xi32>
        %gather3A = tpu.vector_load_idx %arg30[%broadcast_in_dim3A_809] : memref<16xf32, #tpu.memory_space<vmem>>[vector<16xi32>], vector<16xf32>,
        %scan3A_810 = arith.constant 0 : i32
        %scan3A_811 = arith.constant 0 : i32
        %scan3A_812 = arith.constant 8 : i32
        %scan3A_813 = arith.addi %scan3A_811, %scan3A_812 : i32
        %scan3A_814 = arith.constant 1 : i32
        %scan3A_815 = scf.for %scan3A_818 = %scan3A_811 to %scan3A_813 step %scan3A_814 iter_args(%scan3A_819 = %scan3A_810) -> (i32)  : i32 {
          %mul3A_820 = arith.constant 16 : i32
          %mul3A_821 = arith.muli %scan3A_818, %mul3A_820 : i32
          %get3A_822 = arith.index_cast %scan3A_807 : i32 to index
          %get3A_823 = arith.index_cast %mul3A_821 : i32 to index
          %get3A_824 = tpu.vector_load %arg28[%get3A_822, %get3A_823] {strides = array<i32>} : memref<16x128xf32, #tpu.memory_space<vmem>>, vector<16xf32>,
          %mul3A_825 = arith.mulf %get3A_824, %gather3A : vector<16xf32>
          %mul3A_826 = arith.constant 16 : i32
          %mul3A_827 = arith.muli %scan3A_818, %mul3A_826 : i32
          %swap3A_828 = arith.index_cast %scan3A_807 : i32 to index
          %swap3A_829 = arith.index_cast %mul3A_827 : i32 to index
          %swap3A_830 = tpu.vector_load %arg28[%swap3A_828, %swap3A_829] {strides = array<i32>} : memref<16x128xf32, #tpu.memory_space<vmem>>, vector<16xf32>,
          tpu.vector_store %arg28[%swap3A_828, %swap3A_829], %mul3A_825 {strides = array<i32>} : memref<16x128xf32, #tpu.memory_space<vmem>>, vector<16xf32>,
          %scan3A_831 = arith.constant 0 : i32
          scf.yield %scan3A_831 : i32
        }
        %scan3A_816 = arith.constant 8 : i32
        %scan3A_817 = arith.constant 0 : i32
        scf.yield %scan3A_817 : i32
      }
      %scan3A_805 = arith.constant 16 : i32
      "tpu.region"() ({
        %run_scoped3A = tpu.sem_alloc : memref<!tpu.dma_semaphore, #tpu.memory_space<semaphore_mem>>
        %dma_start3A = arith.constant 0 : i32
        %dma_start3A_807 = arith.constant 0 : i32
        %dma_start3A_808 = tpu.memref_slice %arg31[%dma_start3A, %dma_start3A_807] : memref<2048x128xf32, #tpu.memory_space<vmem_shared>> -> memref<2048x128xf32, #tpu.memory_space<vmem_shared>>
        tpu.enqueue_indirect_dma source(%arg28 : memref<16x128xf32, #tpu.memory_space<vmem>>) target(%dma_start3A_808 : memref<2048x128xf32, #tpu.memory_space<vmem_shared>>) offsets(%get3A_788 : vector<16xi32>) semaphore(%run_scoped3A : memref<!tpu.dma_semaphore, #tpu.memory_space<semaphore_mem>>) {add = true}
        %dma_wait3A = arith.constant 0 : i32
        %dma_wait3A_809 = arith.constant 0 : i32
        %dma_wait3A_810 = tpu.memref_slice %arg31[%dma_wait3A, %dma_wait3A_809] : memref<2048x128xf32, #tpu.memory_space<vmem_shared>> -> memref<2048x128xf32, #tpu.memory_space<vmem_shared>>
        tpu.wait_indirect_dma semaphore(%run_scoped3A : memref<!tpu.dma_semaphore, #tpu.memory_space<semaphore_mem>>) src(%arg28 : memref<16x128xf32, #tpu.memory_space<vmem>>) dst(%dma_wait3A_810 : memref<2048x128xf32, #tpu.memory_space<vmem_shared>>)
        tpu.yield
      }) : () -> ()
      %while3A_806 = arith.constant 0 : i32
      scf.yield %while3A_806 : i32
    }
    %barrier3A_769 = arith.constant 0 : index
    tpu.barrier barrier_id(%barrier3A_769)
    %scan3A_770 = arith.constant 0 : i32
    %scan3A_771 = arith.constant 0 : i32
    %scan3A_772 = arith.constant 4 : i32
    %scan3A_773 = arith.addi %scan3A_771, %scan3A_772 : i32
    %scan3A_774 = arith.constant 1 : i32
    %scan3A_775 = scf.for %scan3A_784 = %scan3A_771 to %scan3A_773 step %scan3A_774 iter_args(%scan3A_785 = %scan3A_770) -> (i32)  : i32 {
      %mul3A_786 = arith.constant 64 : i32
      %mul3A_787 = arith.muli %arg1, %mul3A_786 : i32
      %mul3A_788 = arith.constant 16 : i32
      %mul3A_789 = arith.muli %scan3A_784, %mul3A_788 : i32
      %add3A_790 = arith.addi %mul3A_787, %mul3A_789 : i32
      %add3A_791 = arith.constant 0 : i32
      %add3A_792 = arith.addi %add3A_791, %add3A_790 : i32
      %get3A = arith.index_cast %add3A_792 : i32 to index
      %get3A_793 = tpu.vector_load %arg21[%get3A] {strides = array<i32>} : memref<2048xi32, #tpu.memory_space<vmem>>, vector<16xi32>,
      %add3A_794 = arith.constant 0 : i32
      %add3A_795 = vector.broadcast %add3A_794 : i32 to vector<16xi32>
      %add3A_796 = arith.addi %get3A_793, %add3A_795 : vector<16xi32>
      %gather3A = tpu.vector_load_idx %arg20[%add3A_796] : memref<50048xi32, #tpu.memory_space<vmem>>[vector<16xi32>], vector<16xi32>,
      "tpu.region"() ({
        %run_scoped3A = tpu.sem_alloc : memref<!tpu.dma_semaphore, #tpu.memory_space<semaphore_mem>>
        %dma_start3A = arith.constant 0 : i32
        %dma_start3A_800 = arith.constant 0 : i32
        %dma_start3A_801 = tpu.memref_slice %arg31[%dma_start3A, %dma_start3A_800] : memref<2048x128xf32, #tpu.memory_space<vmem_shared>> -> memref<2048x128xf32, #tpu.memory_space<vmem_shared>>
        tpu.enqueue_indirect_dma source(%dma_start3A_801 : memref<2048x128xf32, #tpu.memory_space<vmem_shared>>) target(%arg28 : memref<16x128xf32, #tpu.memory_space<vmem>>) offsets(%gather3A : vector<16xi32>) semaphore(%run_scoped3A : memref<!tpu.dma_semaphore, #tpu.memory_space<semaphore_mem>>)
        %dma_wait3A = arith.constant 0 : i32
        %dma_wait3A_802 = arith.constant 0 : i32
        %dma_wait3A_803 = tpu.memref_slice %arg31[%dma_wait3A, %dma_wait3A_802] : memref<2048x128xf32, #tpu.memory_space<vmem_shared>> -> memref<2048x128xf32, #tpu.memory_space<vmem_shared>>
        tpu.wait_indirect_dma semaphore(%run_scoped3A : memref<!tpu.dma_semaphore, #tpu.memory_space<semaphore_mem>>) src(%dma_wait3A_803 : memref<2048x128xf32, #tpu.memory_space<vmem_shared>>) dst(%arg28 : memref<16x128xf32, #tpu.memory_space<vmem>>)
        tpu.yield
      }) : () -> ()
      %add3A_797 = arith.constant 2 : i32
      %add3A_798 = arith.addi %add3A_797, %arg0 : i32
      "tpu.region"() ({
        %run_scoped3A = tpu.sem_alloc : memref<!tpu.dma_semaphore, #tpu.memory_space<semaphore_mem>>
        %dma_start3A = arith.constant 0 : i32
        %dma_start3A_800 = tpu.memref_slice %arg17[%add3A_798, %add3A_790, %dma_start3A] : memref<8x1024x128xf32, #tpu.memory_space<hbm>> -> memref<1x16x128xf32, #tpu.memory_space<hbm>>
        %dma_start3A_801 = tpu.memref_squeeze %dma_start3A_800 : memref<1x16x128xf32, #tpu.memory_space<hbm>> -> memref<16x128xf32, #tpu.memory_space<hbm>>
        %dma_start3A_802 = arith.constant 0 : i32
        %dma_start3A_803 = tpu.memref_slice %arg17[%add3A_798, %add3A_790, %dma_start3A_802] : memref<8x1024x128xf32, #tpu.memory_space<hbm>> -> memref<1x16x128xf32, #tpu.memory_space<hbm>>
        %dma_start3A_804 = tpu.memref_squeeze %dma_start3A_803 : memref<1x16x128xf32, #tpu.memory_space<hbm>> -> memref<16x128xf32, #tpu.memory_space<hbm>>
        tpu.enqueue_dma source(%arg28 : memref<16x128xf32, #tpu.memory_space<vmem>>) target(%dma_start3A_804 : memref<16x128xf32, #tpu.memory_space<hbm>>) target_semaphore(%run_scoped3A : memref<!tpu.dma_semaphore, #tpu.memory_space<semaphore_mem>>)
        %dma_wait3A = arith.constant 0 : i32
        %dma_wait3A_805 = tpu.memref_slice %arg17[%add3A_798, %add3A_790, %dma_wait3A] : memref<8x1024x128xf32, #tpu.memory_space<hbm>> -> memref<1x16x128xf32, #tpu.memory_space<hbm>>
        %dma_wait3A_806 = tpu.memref_squeeze %dma_wait3A_805 : memref<1x16x128xf32, #tpu.memory_space<hbm>> -> memref<16x128xf32, #tpu.memory_space<hbm>>
        %dma_wait3A_807 = arith.constant 0 : i32
        %dma_wait3A_808 = tpu.memref_slice %arg17[%add3A_798, %add3A_790, %dma_wait3A_807] : memref<8x1024x128xf32, #tpu.memory_space<hbm>> -> memref<1x16x128xf32, #tpu.memory_space<hbm>>
        %dma_wait3A_809 = tpu.memref_squeeze %dma_wait3A_808 : memref<1x16x128xf32, #tpu.memory_space<hbm>> -> memref<16x128xf32, #tpu.memory_space<hbm>>
        tpu.wait_dma2 semaphore(%run_scoped3A : memref<!tpu.dma_semaphore, #tpu.memory_space<semaphore_mem>>) src(%arg28 : memref<16x128xf32, #tpu.memory_space<vmem>>) dst(%dma_wait3A_809 : memref<16x128xf32, #tpu.memory_space<hbm>>)
        tpu.yield
      }) : () -> ()
      %scan3A_799 = arith.constant 0 : i32
      scf.yield %scan3A_799 : i32
    }
    %scan3A_776 = arith.constant 4 : i32
    %scan3A_777 = arith.constant 0 : i32
    %scan3A_778 = arith.constant 0 : i32
    %scan3A_779 = arith.constant 4 : i32
    %scan3A_780 = arith.addi %scan3A_778, %scan3A_779 : i32
    %scan3A_781 = arith.constant 1 : i32
    %scan3A_782 = scf.for %scan3A_784 = %scan3A_778 to %scan3A_780 step %scan3A_781 iter_args(%scan3A_785 = %scan3A_777) -> (i32)  : i32 {
      %mul3A_786 = arith.constant 64 : i32
      %mul3A_787 = arith.muli %arg1, %mul3A_786 : i32
      %mul3A_788 = arith.constant 16 : i32
      %mul3A_789 = arith.muli %scan3A_784, %mul3A_788 : i32
      %add3A_790 = arith.addi %mul3A_787, %mul3A_789 : i32
      %add3A_791 = arith.constant 1024 : i32
      %add3A_792 = arith.addi %add3A_791, %add3A_790 : i32
      %get3A = arith.index_cast %add3A_792 : i32 to index
      %get3A_793 = tpu.vector_load %arg21[%get3A] {strides = array<i32>} : memref<2048xi32, #tpu.memory_space<vmem>>, vector<16xi32>,
      %add3A_794 = arith.constant 25000 : i32
      %add3A_795 = vector.broadcast %add3A_794 : i32 to vector<16xi32>
      %add3A_796 = arith.addi %get3A_793, %add3A_795 : vector<16xi32>
      %gather3A = tpu.vector_load_idx %arg20[%add3A_796] : memref<50048xi32, #tpu.memory_space<vmem>>[vector<16xi32>], vector<16xi32>,
      "tpu.region"() ({
        %run_scoped3A = tpu.sem_alloc : memref<!tpu.dma_semaphore, #tpu.memory_space<semaphore_mem>>
        %dma_start3A = arith.constant 0 : i32
        %dma_start3A_800 = arith.constant 0 : i32
        %dma_start3A_801 = tpu.memref_slice %arg31[%dma_start3A, %dma_start3A_800] : memref<2048x128xf32, #tpu.memory_space<vmem_shared>> -> memref<2048x128xf32, #tpu.memory_space<vmem_shared>>
        tpu.enqueue_indirect_dma source(%dma_start3A_801 : memref<2048x128xf32, #tpu.memory_space<vmem_shared>>) target(%arg28 : memref<16x128xf32, #tpu.memory_space<vmem>>) offsets(%gather3A : vector<16xi32>) semaphore(%run_scoped3A : memref<!tpu.dma_semaphore, #tpu.memory_space<semaphore_mem>>)
        %dma_wait3A = arith.constant 0 : i32
        %dma_wait3A_802 = arith.constant 0 : i32
        %dma_wait3A_803 = tpu.memref_slice %arg31[%dma_wait3A, %dma_wait3A_802] : memref<2048x128xf32, #tpu.memory_space<vmem_shared>> -> memref<2048x128xf32, #tpu.memory_space<vmem_shared>>
        tpu.wait_indirect_dma semaphore(%run_scoped3A : memref<!tpu.dma_semaphore, #tpu.memory_space<semaphore_mem>>) src(%dma_wait3A_803 : memref<2048x128xf32, #tpu.memory_space<vmem_shared>>) dst(%arg28 : memref<16x128xf32, #tpu.memory_space<vmem>>)
        tpu.yield
      }) : () -> ()
      %add3A_797 = arith.constant 6 : i32
      %add3A_798 = arith.addi %add3A_797, %arg0 : i32
      "tpu.region"() ({
        %run_scoped3A = tpu.sem_alloc : memref<!tpu.dma_semaphore, #tpu.memory_space<semaphore_mem>>
        %dma_start3A = arith.constant 0 : i32
        %dma_start3A_800 = tpu.memref_slice %arg17[%add3A_798, %add3A_790, %dma_start3A] : memref<8x1024x128xf32, #tpu.memory_space<hbm>> -> memref<1x16x128xf32, #tpu.memory_space<hbm>>
        %dma_start3A_801 = tpu.memref_squeeze %dma_start3A_800 : memref<1x16x128xf32, #tpu.memory_space<hbm>> -> memref<16x128xf32, #tpu.memory_space<hbm>>
        %dma_start3A_802 = arith.constant 0 : i32
        %dma_start3A_803 = tpu.memref_slice %arg17[%add3A_798, %add3A_790, %dma_start3A_802] : memref<8x1024x128xf32, #tpu.memory_space<hbm>> -> memref<1x16x128xf32, #tpu.memory_space<hbm>>
        %dma_start3A_804 = tpu.memref_squeeze %dma_start3A_803 : memref<1x16x128xf32, #tpu.memory_space<hbm>> -> memref<16x128xf32, #tpu.memory_space<hbm>>
        tpu.enqueue_dma source(%arg28 : memref<16x128xf32, #tpu.memory_space<vmem>>) target(%dma_start3A_804 : memref<16x128xf32, #tpu.memory_space<hbm>>) target_semaphore(%run_scoped3A : memref<!tpu.dma_semaphore, #tpu.memory_space<semaphore_mem>>)
        %dma_wait3A = arith.constant 0 : i32
        %dma_wait3A_805 = tpu.memref_slice %arg17[%add3A_798, %add3A_790, %dma_wait3A] : memref<8x1024x128xf32, #tpu.memory_space<hbm>> -> memref<1x16x128xf32, #tpu.memory_space<hbm>>
        %dma_wait3A_806 = tpu.memref_squeeze %dma_wait3A_805 : memref<1x16x128xf32, #tpu.memory_space<hbm>> -> memref<16x128xf32, #tpu.memory_space<hbm>>
        %dma_wait3A_807 = arith.constant 0 : i32
        %dma_wait3A_808 = tpu.memref_slice %arg17[%add3A_798, %add3A_790, %dma_wait3A_807] : memref<8x1024x128xf32, #tpu.memory_space<hbm>> -> memref<1x16x128xf32, #tpu.memory_space<hbm>>
        %dma_wait3A_809 = tpu.memref_squeeze %dma_wait3A_808 : memref<1x16x128xf32, #tpu.memory_space<hbm>> -> memref<16x128xf32, #tpu.memory_space<hbm>>
        tpu.wait_dma2 semaphore(%run_scoped3A : memref<!tpu.dma_semaphore, #tpu.memory_space<semaphore_mem>>) src(%arg28 : memref<16x128xf32, #tpu.memory_space<vmem>>) dst(%dma_wait3A_809 : memref<16x128xf32, #tpu.memory_space<hbm>>)
        tpu.yield
      }) : () -> ()
      %scan3A_799 = arith.constant 0 : i32
      scf.yield %scan3A_799 : i32
    }
    %scan3A_783 = arith.constant 4 : i32
    return
  }
}

module attributes {stable_mosaic.version = 14 : i64} {
  func.func @_tc1_body(%arg0: i32, %arg1: memref<1000x128xf32, #tpu.memory_space<vmem>>, %arg2: memref<1000x128xf32, #tpu.memory_space<vmem>>, %arg3: memref<128x128xf32, #tpu.memory_space<vmem>>, %arg4: memref<128x128xf32, #tpu.memory_space<vmem>>, %arg5: memref<1x128xf32, #tpu.memory_space<vmem>>, %arg6: memref<128x128xf32, #tpu.memory_space<vmem>>, %arg7: memref<128x128xf32, #tpu.memory_space<vmem>>, %arg8: memref<1x128xf32, #tpu.memory_space<vmem>>, %arg9: memref<128x128xf32, #tpu.memory_space<vmem>>, %arg10: memref<128x128xf32, #tpu.memory_space<vmem>>, %arg11: memref<1x128xf32, #tpu.memory_space<vmem>>, %arg12: memref<1000x128xf32, #tpu.memory_space<vmem>>, %arg13: memref<1000x128xf32, #tpu.memory_space<vmem>>) attributes {dimension_semantics = [#tpu.dimension_semantics<arbitrary>], iteration_bounds = array<i64: 50>, scalar_prefetch = 0 : i64, scratch_operands = 0 : i64, tpu.core_type = #tpu.core_type<tc>, window_params = [{transform_indices = @transform_0, window_bounds = array<i64: 1000, 128>}, {transform_indices = @transform_1, window_bounds = array<i64: 1000, 128>}, {pipeline_mode = #tpu.pipeline_mode<synchronous>, transform_indices = @transform_2, window_bounds = array<i64: 128, 128>}, {pipeline_mode = #tpu.pipeline_mode<synchronous>, transform_indices = @transform_3, window_bounds = array<i64: 128, 128>}, {pipeline_mode = #tpu.pipeline_mode<synchronous>, transform_indices = @transform_4, window_bounds = array<i64: 1, 128>}, {pipeline_mode = #tpu.pipeline_mode<synchronous>, transform_indices = @transform_5, window_bounds = array<i64: 128, 128>}, {pipeline_mode = #tpu.pipeline_mode<synchronous>, transform_indices = @transform_6, window_bounds = array<i64: 128, 128>}, {pipeline_mode = #tpu.pipeline_mode<synchronous>, transform_indices = @transform_7, window_bounds = array<i64: 1, 128>}, {pipeline_mode = #tpu.pipeline_mode<synchronous>, transform_indices = @transform_8, window_bounds = array<i64: 128, 128>}, {pipeline_mode = #tpu.pipeline_mode<synchronous>, transform_indices = @transform_9, window_bounds = array<i64: 128, 128>}, {pipeline_mode = #tpu.pipeline_mode<synchronous>, transform_indices = @transform_10, window_bounds = array<i64: 1, 128>}, {transform_indices = @transform_11, window_bounds = array<i64: 1000, 128>}, {transform_indices = @transform_12, window_bounds = array<i64: 1000, 128>}]} {
    %lt3A = arith.constant 25 : i32
    %lt3A_0 = arith.cmpi slt, %arg0, %lt3A : i32
    %get3A = arith.constant 0 : index
    %get3A_1 = arith.constant 0 : index
    %get3A_2 = vector.load %arg1[%get3A, %get3A_1] : memref<1000x128xf32, #tpu.memory_space<vmem>>, vector<1000x128xf32>
    %get3A_3 = arith.constant 0 : index
    %get3A_4 = arith.constant 0 : index
    %get3A_5 = vector.load %arg2[%get3A_3, %get3A_4] : memref<1000x128xf32, #tpu.memory_space<vmem>>, vector<1000x128xf32>
    %select_n3A = arith.select %lt3A_0, %get3A_2, %get3A_5 : vector<1000x128xf32>
    %mul3A = arith.mulf %select_n3A, %select_n3A : vector<1000x128xf32>
    %get3A_6 = arith.constant 0 : index
    %get3A_7 = arith.constant 0 : index
    %get3A_8 = vector.load %arg3[%get3A_6, %get3A_7] : memref<128x128xf32, #tpu.memory_space<vmem>>, vector<128x128xf32>
    %dot_general3A = arith.constant dense<0.000000e+00> : vector<1000x128xf32>
    %dot_general3A_9 = tpu.matmul %select_n3A, %get3A_8, %dot_general3A {dimension_numbers = #tpu.dot_dimension_numbers<[1], [0], [0], [1], [0, 0, 1, 1], [], []>, transpose_lhs_hint = false} : vector<1000x128xf32>, vector<128x128xf32>, vector<1000x128xf32> -> vector<1000x128xf32>
    %get3A_10 = arith.constant 0 : index
    %get3A_11 = arith.constant 0 : index
    %get3A_12 = vector.load %arg4[%get3A_10, %get3A_11] : memref<128x128xf32, #tpu.memory_space<vmem>>, vector<128x128xf32>
    %dot_general3A_13 = arith.constant dense<0.000000e+00> : vector<1000x128xf32>
    %dot_general3A_14 = tpu.matmul %mul3A, %get3A_12, %dot_general3A_13 {dimension_numbers = #tpu.dot_dimension_numbers<[1], [0], [0], [1], [0, 0, 1, 1], [], []>, transpose_lhs_hint = false} : vector<1000x128xf32>, vector<128x128xf32>, vector<1000x128xf32> -> vector<1000x128xf32>
    %add3A = arith.addf %dot_general3A_9, %dot_general3A_14 : vector<1000x128xf32>
    %get3A_15 = arith.constant 0 : index
    %get3A_16 = arith.constant 0 : index
    %get3A_17 = vector.load %arg5[%get3A_15, %get3A_16] : memref<1x128xf32, #tpu.memory_space<vmem>>, vector<1x128xf32>
    %add3A_18 = vector.broadcast %get3A_17 : vector<1x128xf32> to vector<1000x128xf32>
    %add3A_19 = arith.addf %add3A, %add3A_18 : vector<1000x128xf32>
    %swap3A = arith.constant 0 : index
    %swap3A_20 = arith.constant 0 : index
    %swap3A_21 = vector.load %arg12[%swap3A, %swap3A_20] : memref<1000x128xf32, #tpu.memory_space<vmem>>, vector<1000x128xf32>
    tpu.vector_store %arg12[%swap3A, %swap3A_20], %add3A_19 {strides = array<i32>} : memref<1000x128xf32, #tpu.memory_space<vmem>>, vector<1000x128xf32>,
    %get3A_22 = arith.constant 0 : index
    %get3A_23 = arith.constant 0 : index
    %get3A_24 = vector.load %arg6[%get3A_22, %get3A_23] : memref<128x128xf32, #tpu.memory_space<vmem>>, vector<128x128xf32>
    %get3A_25 = arith.constant 0 : index
    %get3A_26 = arith.constant 0 : index
    %get3A_27 = vector.load %arg9[%get3A_25, %get3A_26] : memref<128x128xf32, #tpu.memory_space<vmem>>, vector<128x128xf32>
    %select_n3A_28 = arith.select %lt3A_0, %get3A_24, %get3A_27 : vector<128x128xf32>
    %get3A_29 = arith.constant 0 : index
    %get3A_30 = arith.constant 0 : index
    %get3A_31 = vector.load %arg7[%get3A_29, %get3A_30] : memref<128x128xf32, #tpu.memory_space<vmem>>, vector<128x128xf32>
    %get3A_32 = arith.constant 0 : index
    %get3A_33 = arith.constant 0 : index
    %get3A_34 = vector.load %arg10[%get3A_32, %get3A_33] : memref<128x128xf32, #tpu.memory_space<vmem>>, vector<128x128xf32>
    %select_n3A_35 = arith.select %lt3A_0, %get3A_31, %get3A_34 : vector<128x128xf32>
    %get3A_36 = arith.constant 0 : index
    %get3A_37 = arith.constant 0 : index
    %get3A_38 = vector.load %arg8[%get3A_36, %get3A_37] : memref<1x128xf32, #tpu.memory_space<vmem>>, vector<1x128xf32>
    %get3A_39 = arith.constant 0 : index
    %get3A_40 = arith.constant 0 : index
    %get3A_41 = vector.load %arg11[%get3A_39, %get3A_40] : memref<1x128xf32, #tpu.memory_space<vmem>>, vector<1x128xf32>
    %select_n3A_42 = arith.select %lt3A_0, %get3A_38, %get3A_41 : vector<1x128xf32>
    %dot_general3A_43 = arith.constant dense<0.000000e+00> : vector<1000x128xf32>
    %dot_general3A_44 = tpu.matmul %select_n3A, %select_n3A_28, %dot_general3A_43 {dimension_numbers = #tpu.dot_dimension_numbers<[1], [0], [0], [1], [0, 0, 1, 1], [], []>, transpose_lhs_hint = false} : vector<1000x128xf32>, vector<128x128xf32>, vector<1000x128xf32> -> vector<1000x128xf32>
    %dot_general3A_45 = arith.constant dense<0.000000e+00> : vector<1000x128xf32>
    %dot_general3A_46 = tpu.matmul %mul3A, %select_n3A_35, %dot_general3A_45 {dimension_numbers = #tpu.dot_dimension_numbers<[1], [0], [0], [1], [0, 0, 1, 1], [], []>, transpose_lhs_hint = false} : vector<1000x128xf32>, vector<128x128xf32>, vector<1000x128xf32> -> vector<1000x128xf32>
    %add3A_47 = arith.addf %dot_general3A_44, %dot_general3A_46 : vector<1000x128xf32>
    %add3A_48 = vector.broadcast %select_n3A_42 : vector<1x128xf32> to vector<1000x128xf32>
    %add3A_49 = arith.addf %add3A_47, %add3A_48 : vector<1000x128xf32>
    %swap3A_50 = arith.constant 0 : index
    %swap3A_51 = arith.constant 0 : index
    %swap3A_52 = vector.load %arg13[%swap3A_50, %swap3A_51] : memref<1000x128xf32, #tpu.memory_space<vmem>>, vector<1000x128xf32>
    tpu.vector_store %arg13[%swap3A_50, %swap3A_51], %add3A_49 {strides = array<i32>} : memref<1000x128xf32, #tpu.memory_space<vmem>>, vector<1000x128xf32>,
    return
  }
  func.func @transform_0(%arg0: i32) -> (i32, i32) {
    %min3A = arith.constant 24 : i32
    %min3A_0 = arith.minsi %arg0, %min3A : i32
    %c0_i32 = arith.constant 0 : i32
    %c0_i32_1 = arith.constant 0 : i32
    return %min3A_0, %c0_i32 : i32, i32
  }
  func.func @transform_1(%arg0: i32) -> (i32, i32) {
    %sub3A = arith.constant 25 : i32
    %sub3A_0 = arith.subi %arg0, %sub3A : i32
    %max3A = arith.constant 0 : i32
    %max3A_1 = arith.maxsi %sub3A_0, %max3A : i32
    %c0_i32 = arith.constant 0 : i32
    %c0_i32_2 = arith.constant 0 : i32
    return %max3A_1, %c0_i32 : i32, i32
  }
  func.func @transform_2(%arg0: i32) -> (i32, i32) {
    %c0_i32 = arith.constant 0 : i32
    %c0_i32_0 = arith.constant 0 : i32
    %c0_i32_1 = arith.constant 0 : i32
    return %c0_i32, %c0_i32_0 : i32, i32
  }
  func.func @transform_3(%arg0: i32) -> (i32, i32) {
    %c0_i32 = arith.constant 0 : i32
    %c0_i32_0 = arith.constant 0 : i32
    %c0_i32_1 = arith.constant 0 : i32
    return %c0_i32, %c0_i32_0 : i32, i32
  }
  func.func @transform_4(%arg0: i32) -> (i32, i32) {
    %c0_i32 = arith.constant 0 : i32
    %c0_i32_0 = arith.constant 0 : i32
    %c0_i32_1 = arith.constant 0 : i32
    return %c0_i32, %c0_i32_0 : i32, i32
  }
  func.func @transform_5(%arg0: i32) -> (i32, i32) {
    %c0_i32 = arith.constant 0 : i32
    %c0_i32_0 = arith.constant 0 : i32
    %c0_i32_1 = arith.constant 0 : i32
    return %c0_i32, %c0_i32_0 : i32, i32
  }
  func.func @transform_6(%arg0: i32) -> (i32, i32) {
    %c0_i32 = arith.constant 0 : i32
    %c0_i32_0 = arith.constant 0 : i32
    %c0_i32_1 = arith.constant 0 : i32
    return %c0_i32, %c0_i32_0 : i32, i32
  }
  func.func @transform_7(%arg0: i32) -> (i32, i32) {
    %c0_i32 = arith.constant 0 : i32
    %c0_i32_0 = arith.constant 0 : i32
    %c0_i32_1 = arith.constant 0 : i32
    return %c0_i32, %c0_i32_0 : i32, i32
  }
  func.func @transform_8(%arg0: i32) -> (i32, i32) {
    %c0_i32 = arith.constant 0 : i32
    %c0_i32_0 = arith.constant 0 : i32
    %c0_i32_1 = arith.constant 0 : i32
    return %c0_i32, %c0_i32_0 : i32, i32
  }
  func.func @transform_9(%arg0: i32) -> (i32, i32) {
    %c0_i32 = arith.constant 0 : i32
    %c0_i32_0 = arith.constant 0 : i32
    %c0_i32_1 = arith.constant 0 : i32
    return %c0_i32, %c0_i32_0 : i32, i32
  }
  func.func @transform_10(%arg0: i32) -> (i32, i32) {
    %c0_i32 = arith.constant 0 : i32
    %c0_i32_0 = arith.constant 0 : i32
    %c0_i32_1 = arith.constant 0 : i32
    return %c0_i32, %c0_i32_0 : i32, i32
  }
  func.func @transform_11(%arg0: i32) -> (i32, i32) {
    %c0_i32 = arith.constant 0 : i32
    %c0_i32_0 = arith.constant 0 : i32
    return %arg0, %c0_i32 : i32, i32
  }
  func.func @transform_12(%arg0: i32) -> (i32, i32) {
    %c0_i32 = arith.constant 0 : i32
    %c0_i32_0 = arith.constant 0 : i32
    return %arg0, %c0_i32 : i32, i32
  }
}

module attributes {stable_mosaic.version = 14 : i64} {
  func.func @_tc2_body(%arg0: memref<8x1024x128xf32, #tpu.memory_space<vmem>>, %arg1: memref<1024x128xf32, #tpu.memory_space<vmem>>, %arg2: memref<1024x128xf32, #tpu.memory_space<vmem>>, %arg3: memref<128x128xf32, #tpu.memory_space<vmem>>, %arg4: memref<1x128xf32, #tpu.memory_space<vmem>>, %arg5: memref<128x128xf32, #tpu.memory_space<vmem>>, %arg6: memref<1x128xf32, #tpu.memory_space<vmem>>, %arg7: memref<128x128xf32, #tpu.memory_space<vmem>>, %arg8: memref<1x128xf32, #tpu.memory_space<vmem>>, %arg9: memref<128x32xf32, #tpu.memory_space<vmem>>, %arg10: memref<1x32xf32, #tpu.memory_space<vmem>>, %arg11: memref<1x32xf32, #tpu.memory_space<vmem>>, %arg12: memref<128x32xf32, #tpu.memory_space<vmem>>, %arg13: memref<1x32xf32, #tpu.memory_space<vmem>>, %arg14: memref<1x32xf32, #tpu.memory_space<vmem>>, %arg15: memref<1024x128xf32, #tpu.memory_space<vmem>>) attributes {dimension_semantics = [], scalar_prefetch = 0 : i64, scratch_operands = 0 : i64, tpu.core_type = #tpu.core_type<tc>} {
    %get3A = arith.constant 0 : index
    %get3A_0 = arith.constant 0 : index
    %get3A_1 = vector.load %arg1[%get3A, %get3A_0] : memref<1024x128xf32, #tpu.memory_space<vmem>>, vector<1024x128xf32>
    %get3A_2 = arith.constant 0 : index
    %get3A_3 = arith.constant 0 : index
    %get3A_4 = vector.load %arg2[%get3A_2, %get3A_3] : memref<1024x128xf32, #tpu.memory_space<vmem>>, vector<1024x128xf32>
    %get3A_5 = arith.constant 0 : index
    %get3A_6 = arith.constant 0 : index
    %get3A_7 = vector.load %arg3[%get3A_5, %get3A_6] : memref<128x128xf32, #tpu.memory_space<vmem>>, vector<128x128xf32>
    %dot_general3A = arith.constant dense<0.000000e+00> : vector<1024x128xf32>
    %dot_general3A_8 = tpu.matmul %get3A_1, %get3A_7, %dot_general3A {dimension_numbers = #tpu.dot_dimension_numbers<[1], [0], [0], [1], [0, 0, 1, 1], [], []>, transpose_lhs_hint = false} : vector<1024x128xf32>, vector<128x128xf32>, vector<1024x128xf32> -> vector<1024x128xf32>
    %get3A_9 = arith.constant 0 : index
    %get3A_10 = arith.constant 0 : index
    %get3A_11 = vector.load %arg4[%get3A_9, %get3A_10] : memref<1x128xf32, #tpu.memory_space<vmem>>, vector<1x128xf32>
    %add3A = vector.broadcast %get3A_11 : vector<1x128xf32> to vector<1024x128xf32>
    %add3A_12 = arith.addf %dot_general3A_8, %add3A : vector<1024x128xf32>
    %get3A_13 = arith.constant 0 : index
    %get3A_14 = arith.constant 0 : index
    %get3A_15 = vector.load %arg5[%get3A_13, %get3A_14] : memref<128x128xf32, #tpu.memory_space<vmem>>, vector<128x128xf32>
    %dot_general3A_16 = arith.constant dense<0.000000e+00> : vector<1024x128xf32>
    %dot_general3A_17 = tpu.matmul %get3A_1, %get3A_15, %dot_general3A_16 {dimension_numbers = #tpu.dot_dimension_numbers<[1], [0], [0], [1], [0, 0, 1, 1], [], []>, transpose_lhs_hint = false} : vector<1024x128xf32>, vector<128x128xf32>, vector<1024x128xf32> -> vector<1024x128xf32>
    %get3A_18 = arith.constant 0 : index
    %get3A_19 = arith.constant 0 : index
    %get3A_20 = vector.load %arg6[%get3A_18, %get3A_19] : memref<1x128xf32, #tpu.memory_space<vmem>>, vector<1x128xf32>
    %add3A_21 = vector.broadcast %get3A_20 : vector<1x128xf32> to vector<1024x128xf32>
    %add3A_22 = arith.addf %dot_general3A_17, %add3A_21 : vector<1024x128xf32>
    %get3A_23 = arith.constant 0 : index
    %get3A_24 = arith.constant 0 : index
    %get3A_25 = vector.load %arg7[%get3A_23, %get3A_24] : memref<128x128xf32, #tpu.memory_space<vmem>>, vector<128x128xf32>
    %dot_general3A_26 = arith.constant dense<0.000000e+00> : vector<1024x128xf32>
    %dot_general3A_27 = tpu.matmul %get3A_4, %get3A_25, %dot_general3A_26 {dimension_numbers = #tpu.dot_dimension_numbers<[1], [0], [0], [1], [0, 0, 1, 1], [], []>, transpose_lhs_hint = false} : vector<1024x128xf32>, vector<128x128xf32>, vector<1024x128xf32> -> vector<1024x128xf32>
    %get3A_28 = arith.constant 0 : index
    %get3A_29 = arith.constant 0 : index
    %get3A_30 = vector.load %arg8[%get3A_28, %get3A_29] : memref<1x128xf32, #tpu.memory_space<vmem>>, vector<1x128xf32>
    %add3A_31 = vector.broadcast %get3A_30 : vector<1x128xf32> to vector<1024x128xf32>
    %add3A_32 = arith.addf %dot_general3A_27, %add3A_31 : vector<1024x128xf32>
    %get3A_33 = arith.constant 0 : index
    %get3A_34 = arith.constant 0 : index
    %get3A_35 = vector.load %arg5[%get3A_33, %get3A_34] : memref<128x128xf32, #tpu.memory_space<vmem>>, vector<128x128xf32>
    %dot_general3A_36 = arith.constant dense<0.000000e+00> : vector<1024x128xf32>
    %dot_general3A_37 = tpu.matmul %get3A_4, %get3A_35, %dot_general3A_36 {dimension_numbers = #tpu.dot_dimension_numbers<[1], [0], [0], [1], [0, 0, 1, 1], [], []>, transpose_lhs_hint = false} : vector<1024x128xf32>, vector<128x128xf32>, vector<1024x128xf32> -> vector<1024x128xf32>
    %get3A_38 = arith.constant 0 : index
    %get3A_39 = arith.constant 0 : index
    %get3A_40 = vector.load %arg6[%get3A_38, %get3A_39] : memref<1x128xf32, #tpu.memory_space<vmem>>, vector<1x128xf32>
    %add3A_41 = vector.broadcast %get3A_40 : vector<1x128xf32> to vector<1024x128xf32>
    %add3A_42 = arith.addf %dot_general3A_37, %add3A_41 : vector<1024x128xf32>
    %get3A_43 = arith.constant 0 : index
    %get3A_44 = arith.constant 0 : index
    %get3A_45 = arith.constant 0 : index
    %get3A_46 = vector.load %arg0[%get3A_43, %get3A_44, %get3A_45] : memref<8x1024x128xf32, #tpu.memory_space<vmem>>, vector<1x1024x128xf32>
    %get3A_47 = vector.shape_cast %get3A_46 : vector<1x1024x128xf32> to vector<1024x128xf32>
    %get3A_48 = arith.constant 1 : index
    %get3A_49 = arith.constant 0 : index
    %get3A_50 = arith.constant 0 : index
    %get3A_51 = vector.load %arg0[%get3A_48, %get3A_49, %get3A_50] : memref<8x1024x128xf32, #tpu.memory_space<vmem>>, vector<1x1024x128xf32>
    %get3A_52 = vector.shape_cast %get3A_51 : vector<1x1024x128xf32> to vector<1024x128xf32>
    %add3A_53 = arith.addf %get3A_47, %get3A_52 : vector<1024x128xf32>
    %add3A_54 = arith.addf %add3A_53, %add3A_12 : vector<1024x128xf32>
    %get3A_55 = arith.constant 2 : index
    %get3A_56 = arith.constant 0 : index
    %get3A_57 = arith.constant 0 : index
    %get3A_58 = vector.load %arg0[%get3A_55, %get3A_56, %get3A_57] : memref<8x1024x128xf32, #tpu.memory_space<vmem>>, vector<1x1024x128xf32>
    %get3A_59 = vector.shape_cast %get3A_58 : vector<1x1024x128xf32> to vector<1024x128xf32>
    %get3A_60 = arith.constant 3 : index
    %get3A_61 = arith.constant 0 : index
    %get3A_62 = arith.constant 0 : index
    %get3A_63 = vector.load %arg0[%get3A_60, %get3A_61, %get3A_62] : memref<8x1024x128xf32, #tpu.memory_space<vmem>>, vector<1x1024x128xf32>
    %get3A_64 = vector.shape_cast %get3A_63 : vector<1x1024x128xf32> to vector<1024x128xf32>
    %add3A_65 = arith.addf %get3A_59, %get3A_64 : vector<1024x128xf32>
    %add3A_66 = arith.addf %add3A_65, %add3A_22 : vector<1024x128xf32>
    %get3A_67 = arith.constant 4 : index
    %get3A_68 = arith.constant 0 : index
    %get3A_69 = arith.constant 0 : index
    %get3A_70 = vector.load %arg0[%get3A_67, %get3A_68, %get3A_69] : memref<8x1024x128xf32, #tpu.memory_space<vmem>>, vector<1x1024x128xf32>
    %get3A_71 = vector.shape_cast %get3A_70 : vector<1x1024x128xf32> to vector<1024x128xf32>
    %get3A_72 = arith.constant 5 : index
    %get3A_73 = arith.constant 0 : index
    %get3A_74 = arith.constant 0 : index
    %get3A_75 = vector.load %arg0[%get3A_72, %get3A_73, %get3A_74] : memref<8x1024x128xf32, #tpu.memory_space<vmem>>, vector<1x1024x128xf32>
    %get3A_76 = vector.shape_cast %get3A_75 : vector<1x1024x128xf32> to vector<1024x128xf32>
    %add3A_77 = arith.addf %get3A_71, %get3A_76 : vector<1024x128xf32>
    %add3A_78 = arith.addf %add3A_77, %add3A_32 : vector<1024x128xf32>
    %get3A_79 = arith.constant 6 : index
    %get3A_80 = arith.constant 0 : index
    %get3A_81 = arith.constant 0 : index
    %get3A_82 = vector.load %arg0[%get3A_79, %get3A_80, %get3A_81] : memref<8x1024x128xf32, #tpu.memory_space<vmem>>, vector<1x1024x128xf32>
    %get3A_83 = vector.shape_cast %get3A_82 : vector<1x1024x128xf32> to vector<1024x128xf32>
    %get3A_84 = arith.constant 7 : index
    %get3A_85 = arith.constant 0 : index
    %get3A_86 = arith.constant 0 : index
    %get3A_87 = vector.load %arg0[%get3A_84, %get3A_85, %get3A_86] : memref<8x1024x128xf32, #tpu.memory_space<vmem>>, vector<1x1024x128xf32>
    %get3A_88 = vector.shape_cast %get3A_87 : vector<1x1024x128xf32> to vector<1024x128xf32>
    %add3A_89 = arith.addf %get3A_83, %get3A_88 : vector<1024x128xf32>
    %add3A_90 = arith.addf %add3A_89, %add3A_42 : vector<1024x128xf32>
    %get3A_91 = arith.constant 0 : index
    %get3A_92 = arith.constant 0 : index
    %get3A_93 = vector.load %arg9[%get3A_91, %get3A_92] : memref<128x32xf32, #tpu.memory_space<vmem>>, vector<128x32xf32>
    %get3A_94 = arith.constant 0 : index
    %get3A_95 = arith.constant 0 : index
    %get3A_96 = vector.load %arg10[%get3A_94, %get3A_95] : memref<1x32xf32, #tpu.memory_space<vmem>>, vector<1x32xf32>
    %get3A_97 = arith.constant 0 : index
    %get3A_98 = arith.constant 0 : index
    %get3A_99 = vector.load %arg11[%get3A_97, %get3A_98] : memref<1x32xf32, #tpu.memory_space<vmem>>, vector<1x32xf32>
    %dot_general3A_100 = arith.constant dense<0.000000e+00> : vector<1024x32xf32>
    %dot_general3A_101 = tpu.matmul %add3A_54, %get3A_93, %dot_general3A_100 {dimension_numbers = #tpu.dot_dimension_numbers<[1], [0], [0], [1], [0, 0, 1, 1], [], []>, transpose_lhs_hint = false} : vector<1024x128xf32>, vector<128x32xf32>, vector<1024x32xf32> -> vector<1024x32xf32>
    %add3A_102 = vector.broadcast %get3A_96 : vector<1x32xf32> to vector<1024x32xf32>
    %add3A_103 = arith.addf %dot_general3A_101, %add3A_102 : vector<1024x32xf32>
    %tanh3A = math.tanh %add3A_103 : vector<1024x32xf32>
    %mul3A = vector.broadcast %get3A_99 : vector<1x32xf32> to vector<1024x32xf32>
    %mul3A_104 = arith.mulf %tanh3A, %mul3A : vector<1024x32xf32>
    %reduce_sum3A = arith.constant dense<0.000000e+00> : vector<1024xf32>
    %reduce_sum3A_105 = vector.multi_reduction <add>, %mul3A_104, %reduce_sum3A [1] : vector<1024x32xf32> to vector<1024xf32>
    %broadcast_in_dim3A = vector.shape_cast %reduce_sum3A_105 : vector<1024xf32> to vector<1024x1xf32>
    %dot_general3A_106 = arith.constant dense<0.000000e+00> : vector<1024x32xf32>
    %dot_general3A_107 = tpu.matmul %add3A_66, %get3A_93, %dot_general3A_106 {dimension_numbers = #tpu.dot_dimension_numbers<[1], [0], [0], [1], [0, 0, 1, 1], [], []>, transpose_lhs_hint = false} : vector<1024x128xf32>, vector<128x32xf32>, vector<1024x32xf32> -> vector<1024x32xf32>
    %add3A_108 = vector.broadcast %get3A_96 : vector<1x32xf32> to vector<1024x32xf32>
    %add3A_109 = arith.addf %dot_general3A_107, %add3A_108 : vector<1024x32xf32>
    %tanh3A_110 = math.tanh %add3A_109 : vector<1024x32xf32>
    %mul3A_111 = vector.broadcast %get3A_99 : vector<1x32xf32> to vector<1024x32xf32>
    %mul3A_112 = arith.mulf %tanh3A_110, %mul3A_111 : vector<1024x32xf32>
    %reduce_sum3A_113 = arith.constant dense<0.000000e+00> : vector<1024xf32>
    %reduce_sum3A_114 = vector.multi_reduction <add>, %mul3A_112, %reduce_sum3A_113 [1] : vector<1024x32xf32> to vector<1024xf32>
    %broadcast_in_dim3A_115 = vector.shape_cast %reduce_sum3A_114 : vector<1024xf32> to vector<1024x1xf32>
    %max3A = arith.maximumf %broadcast_in_dim3A, %broadcast_in_dim3A_115 : vector<1024x1xf32>
    %sub3A = arith.subf %broadcast_in_dim3A, %max3A : vector<1024x1xf32>
    %exp3A = math.exp %sub3A : vector<1024x1xf32>
    %sub3A_116 = arith.subf %broadcast_in_dim3A_115, %max3A : vector<1024x1xf32>
    %exp3A_117 = math.exp %sub3A_116 : vector<1024x1xf32>
    %add3A_118 = arith.addf %exp3A, %exp3A_117 : vector<1024x1xf32>
    %div3A = arith.divf %exp3A, %add3A_118 : vector<1024x1xf32>
    %mul3A_119 = vector.broadcast %div3A : vector<1024x1xf32> to vector<1024x128xf32>
    %mul3A_120 = arith.mulf %mul3A_119, %add3A_54 : vector<1024x128xf32>
    %sub3A_121 = arith.constant 1.000000e+00 : f32
    %sub3A_122 = vector.broadcast %sub3A_121 : f32 to vector<1024x1xf32>
    %sub3A_123 = arith.subf %sub3A_122, %div3A : vector<1024x1xf32>
    %mul3A_124 = vector.broadcast %sub3A_123 : vector<1024x1xf32> to vector<1024x128xf32>
    %mul3A_125 = arith.mulf %mul3A_124, %add3A_66 : vector<1024x128xf32>
    %add3A_126 = arith.addf %mul3A_120, %mul3A_125 : vector<1024x128xf32>
    %ge3A = arith.constant 0.000000e+00 : f32
    %ge3A_127 = vector.broadcast %ge3A : f32 to vector<1024x128xf32>
    %ge3A_128 = arith.cmpf oge, %add3A_126, %ge3A_127 : vector<1024x128xf32>
    %mul3A_129 = arith.constant 0.00999999977 : f32
    %mul3A_130 = vector.broadcast %mul3A_129 : f32 to vector<1024x128xf32>
    %mul3A_131 = arith.mulf %mul3A_130, %add3A_126 : vector<1024x128xf32>
    %select_n3A = arith.select %ge3A_128, %add3A_126, %mul3A_131 : vector<1024x128xi1>, vector<1024x128xf32>
    %get3A_132 = arith.constant 0 : index
    %get3A_133 = arith.constant 0 : index
    %get3A_134 = vector.load %arg12[%get3A_132, %get3A_133] : memref<128x32xf32, #tpu.memory_space<vmem>>, vector<128x32xf32>
    %get3A_135 = arith.constant 0 : index
    %get3A_136 = arith.constant 0 : index
    %get3A_137 = vector.load %arg13[%get3A_135, %get3A_136] : memref<1x32xf32, #tpu.memory_space<vmem>>, vector<1x32xf32>
    %get3A_138 = arith.constant 0 : index
    %get3A_139 = arith.constant 0 : index
    %get3A_140 = vector.load %arg14[%get3A_138, %get3A_139] : memref<1x32xf32, #tpu.memory_space<vmem>>, vector<1x32xf32>
    %dot_general3A_141 = arith.constant dense<0.000000e+00> : vector<1024x32xf32>
    %dot_general3A_142 = tpu.matmul %add3A_78, %get3A_134, %dot_general3A_141 {dimension_numbers = #tpu.dot_dimension_numbers<[1], [0], [0], [1], [0, 0, 1, 1], [], []>, transpose_lhs_hint = false} : vector<1024x128xf32>, vector<128x32xf32>, vector<1024x32xf32> -> vector<1024x32xf32>
    %add3A_143 = vector.broadcast %get3A_137 : vector<1x32xf32> to vector<1024x32xf32>
    %add3A_144 = arith.addf %dot_general3A_142, %add3A_143 : vector<1024x32xf32>
    %tanh3A_145 = math.tanh %add3A_144 : vector<1024x32xf32>
    %mul3A_146 = vector.broadcast %get3A_140 : vector<1x32xf32> to vector<1024x32xf32>
    %mul3A_147 = arith.mulf %tanh3A_145, %mul3A_146 : vector<1024x32xf32>
    %reduce_sum3A_148 = arith.constant dense<0.000000e+00> : vector<1024xf32>
    %reduce_sum3A_149 = vector.multi_reduction <add>, %mul3A_147, %reduce_sum3A_148 [1] : vector<1024x32xf32> to vector<1024xf32>
    %broadcast_in_dim3A_150 = vector.shape_cast %reduce_sum3A_149 : vector<1024xf32> to vector<1024x1xf32>
    %dot_general3A_151 = arith.constant dense<0.000000e+00> : vector<1024x32xf32>
    %dot_general3A_152 = tpu.matmul %add3A_90, %get3A_134, %dot_general3A_151 {dimension_numbers = #tpu.dot_dimension_numbers<[1], [0], [0], [1], [0, 0, 1, 1], [], []>, transpose_lhs_hint = false} : vector<1024x128xf32>, vector<128x32xf32>, vector<1024x32xf32> -> vector<1024x32xf32>
    %add3A_153 = vector.broadcast %get3A_137 : vector<1x32xf32> to vector<1024x32xf32>
    %add3A_154 = arith.addf %dot_general3A_152, %add3A_153 : vector<1024x32xf32>
    %tanh3A_155 = math.tanh %add3A_154 : vector<1024x32xf32>
    %mul3A_156 = vector.broadcast %get3A_140 : vector<1x32xf32> to vector<1024x32xf32>
    %mul3A_157 = arith.mulf %tanh3A_155, %mul3A_156 : vector<1024x32xf32>
    %reduce_sum3A_158 = arith.constant dense<0.000000e+00> : vector<1024xf32>
    %reduce_sum3A_159 = vector.multi_reduction <add>, %mul3A_157, %reduce_sum3A_158 [1] : vector<1024x32xf32> to vector<1024xf32>
    %broadcast_in_dim3A_160 = vector.shape_cast %reduce_sum3A_159 : vector<1024xf32> to vector<1024x1xf32>
    %max3A_161 = arith.maximumf %broadcast_in_dim3A_150, %broadcast_in_dim3A_160 : vector<1024x1xf32>
    %sub3A_162 = arith.subf %broadcast_in_dim3A_150, %max3A_161 : vector<1024x1xf32>
    %exp3A_163 = math.exp %sub3A_162 : vector<1024x1xf32>
    %sub3A_164 = arith.subf %broadcast_in_dim3A_160, %max3A_161 : vector<1024x1xf32>
    %exp3A_165 = math.exp %sub3A_164 : vector<1024x1xf32>
    %add3A_166 = arith.addf %exp3A_163, %exp3A_165 : vector<1024x1xf32>
    %div3A_167 = arith.divf %exp3A_163, %add3A_166 : vector<1024x1xf32>
    %mul3A_168 = vector.broadcast %div3A_167 : vector<1024x1xf32> to vector<1024x128xf32>
    %mul3A_169 = arith.mulf %mul3A_168, %add3A_78 : vector<1024x128xf32>
    %sub3A_170 = arith.constant 1.000000e+00 : f32
    %sub3A_171 = vector.broadcast %sub3A_170 : f32 to vector<1024x1xf32>
    %sub3A_172 = arith.subf %sub3A_171, %div3A_167 : vector<1024x1xf32>
    %mul3A_173 = vector.broadcast %sub3A_172 : vector<1024x1xf32> to vector<1024x128xf32>
    %mul3A_174 = arith.mulf %mul3A_173, %add3A_90 : vector<1024x128xf32>
    %add3A_175 = arith.addf %mul3A_169, %mul3A_174 : vector<1024x128xf32>
    %ge3A_176 = arith.constant 0.000000e+00 : f32
    %ge3A_177 = vector.broadcast %ge3A_176 : f32 to vector<1024x128xf32>
    %ge3A_178 = arith.cmpf oge, %add3A_175, %ge3A_177 : vector<1024x128xf32>
    %mul3A_179 = arith.constant 0.00999999977 : f32
    %mul3A_180 = vector.broadcast %mul3A_179 : f32 to vector<1024x128xf32>
    %mul3A_181 = arith.mulf %mul3A_180, %add3A_175 : vector<1024x128xf32>
    %select_n3A_182 = arith.select %ge3A_178, %add3A_175, %mul3A_181 : vector<1024x128xi1>, vector<1024x128xf32>
    %mul3A_183 = arith.mulf %get3A_1, %get3A_4 : vector<1024x128xf32>
    %mul3A_184 = arith.mulf %select_n3A, %select_n3A_182 : vector<1024x128xf32>
    %add3A_185 = arith.addf %mul3A_183, %mul3A_184 : vector<1024x128xf32>
    %reduce_sum3A_186 = arith.constant dense<0.000000e+00> : vector<1024xf32>
    %reduce_sum3A_187 = vector.multi_reduction <add>, %add3A_185, %reduce_sum3A_186 [1] : vector<1024x128xf32> to vector<1024xf32>
    %broadcast_in_dim3A_188 = vector.shape_cast %reduce_sum3A_187 : vector<1024xf32> to vector<1024x1xf32>
    %broadcast_in_dim3A_189 = vector.shape_cast %broadcast_in_dim3A_188 : vector<1024x1xf32> to vector<1024x1xf32>
    %broadcast_in_dim3A_190 = vector.broadcast %broadcast_in_dim3A_189 : vector<1024x1xf32> to vector<1024x128xf32>
    %swap3A = arith.constant 0 : index
    %swap3A_191 = arith.constant 0 : index
    %swap3A_192 = vector.load %arg15[%swap3A, %swap3A_191] : memref<1024x128xf32, #tpu.memory_space<vmem>>, vector<1024x128xf32>
    tpu.vector_store %arg15[%swap3A, %swap3A_191], %broadcast_in_dim3A_190 {strides = array<i32>} : memref<1024x128xf32, #tpu.memory_space<vmem>>, vector<1024x128xf32>,
    return
  }
}

</mosaic_0001>

<sc_bundles>
// kernel: kernel.5.cloned.1.call-start
scs
__scs_entry_jumppad:
0x0: {  	(pc) =	sbr.rel $0x88, $3  }
0x1: {  	(tag) =	ssettag $0x0;
	lr =	simm.s32 $0x1  }
0x2: {  	[smem:$0x3F85] =	sst lr;
	_ =	strace $0xD0000000  }
0x3: {  	_ = 	snop  }
0x4: {  	_ = 	snop  }
0x5: {  	_ = 	snop  }
0x6: {  	_ = 	snop  }
0x7: {  	_ = 	snop  }
__scs_overlays_trampoline_lowered:
0x8: {  	[smem:$0x3F94] =	sst s0  }
0x9: {  	[smem:$0x3F95] =	sst s1  }
0xa: {  	[smem:$0x3F96] =	sst s2  }
0xb: {  	[smem:$0x3F97] =	sst s3  }
0xc: {  	[smem:$0x3F98] =	sst s4  }
0xd: {  	[smem:$0x3F99] =	sst s5  }
0xe: {  	[smem:$0x3F9A] =	sst s6  }
0xf: {  	[smem:$0x3F9B] =	sst s7  }
0x10: {  	[smem:$0x3F9C] =	sst s8  }
0x11: {  	[smem:$0x3F9D] =	sst s9;
	s0 =	simm.s32 @!p0 $0x0  }
0x12: {  	s1 =	sld [smem:$0x3F83];
	s0 =	simm.s32 @p0 $0x1  }
0x13: {  	[smem:$0x3F9E] =	sst s0;
	s0 =	simm.s32 @!p1 $0x0  }
0x14: {  	s2 =	sld [smem:$0x3F82];
	s0 =	simm.s32 @p1 $0x1  }
0x15: {  	[smem:$0x3F9F] =	sst s0;
	s0 =	simm.s32 @!p2 $0x0  }
0x16: {  	s3 =	sld [smem:$0x3FDB];
	s0 =	simm.s32 @p2 $0x1  }
0x17: {  	s4 =	simm.s32 $0x1BF5;
	[smem:$0x3FA1] =	sst s0  }
0x18: {  	s0 =	sld [smem:$0x3F84];
	_ =	swait.ge [sflag:s4], $0x0  }
0x19: {  	s7 =	sld [smem:$0x3F85]  }
0x1a: {  	s8 =	sadd.s32 $0xFFFFE003, lr  }
0x1b: {  	s9 =	sadd.s32 $0xFFFFFEF7, lr;
	s5 =	simm.s32 $0xFFFFFFFF;
	p2 =	slt.u32 s8, $0xFFFFF086  }
0x1c: {  	p1 =	slt.u32 s9, $0xF7A;
	s5 =	simm.s32 @!p2 $0x0  }
0x1d: {  	s5 =	simm.s32 @p1 $0x1;
	p0 =	seq.s32 s7, s2  }
0x1e: {  	s7 =	smul.u32 @!p0 $0xF7A, s2;
	p2 =	seq.s32 @!p0 s5, $0x0  }
0x1f: {  	s9 =	smul.u32 $0xF7A, s1;
	s8 =	simm.s32 @!p0 $0x1BF5;
	p2 =	por !p2, p0  }
0x20: {  	[sflag:s8] =	ssyncset.s32 @!p0 $0xFFFFF086;
	s6 =	sadd.s32 @!p0 s3, s7;
	s7 =	simm.s32 @!p0 $0x108  }
0x21: {  	s3 =	sadd.s32 s3, s9;
	s6 =	sadd.s32 @!p0 $0x88, s6;
	s7 =	simm.s32 @p2 $0x1082  }
0x22: {  	[simem:s7], [sflag:s8] =	dma.local @!p0 [hbm:s6], $0xF7A  }
0x23: {  	s9 =	sor.u32 $0xD0000000, s2;
	s6 =	simm.s32 $0x108;
	_ =	swait.ge @!p0 [sflag:s8], $0x0  }
0x24: {  	s3 =	sadd.s32 $0x88, s3;
	s6 =	simm.s32 @!p1 $0x1082;
	[sflag:s4] =	ssyncset.s32 $0xFFFFF086  }
0x25: {  	[simem:s6], [sflag:s4] =	dma.local [hbm:s3], $0xF7A  }
0x26: {  	[smem:$0x3F85] =	sst s1;
	(tag) =	ssettag s2;
	_ =	strace s9  }
0x27: {  	s1 =	sld [smem:$0x3F95]  }
0x28: {  	s2 =	sld [smem:$0x3F96]  }
0x29: {  	s4 =	sld [smem:$0x3F98]  }
0x2a: {  	p0 =	seq.s32 s5, $0x0;
	s5 =	sld [smem:$0x3F99]  }
0x2b: {  	s6 =	sld [smem:$0x3F9A]  }
0x2c: {  	s7 =	sld [smem:$0x3F9B]  }
0x2d: {  	s3 =	simm.s32 $0x108;
	s8 =	sld [smem:$0x3F9C]  }
0x2e: {  	s3 =	simm.s32 @!p0 $0x1082;
	s9 =	sld [smem:$0x3F9D]  }
0x2f: {  	lr =	sadd.s32 s0, s3;
	s0 =	sld [smem:$0x3F94]  }
0x30: {  	s3 =	sld [smem:$0x3F97]  }
0x31: {  	[smem:$0x3FA0] =	sst s10  }
0x32: {  	s10 =	sld [smem:$0x3F9E];
	_ =	sdelay $0x3  }
0x33: {  	p0 =	seq.s32 s10, $0x1;
	s10 =	sld [smem:$0x3FA0];
	_ =	sdelay $0x3  }
0x34: {  	[smem:$0x3FA0] =	sst s10  }
0x35: {  	s10 =	sld [smem:$0x3F9F];
	_ =	sdelay $0x3  }
0x36: {  	p1 =	seq.s32 s10, $0x1;
	s10 =	sld [smem:$0x3FA0];
	_ =	sdelay $0x3  }
0x37: {  	[smem:$0x3FA0] =	sst s10  }
0x38: {  	s10 =	sld [smem:$0x3FA1]  }
0x39: {  	_ = 	snop;
	(pc) =	sbr.ind lr, $3  }
0x3a: {  	_ = 	snop  }
0x3b: {  	_ = 	snop  }
0x3c: {  	p2 =	seq.s32 s10, $0x1;
	s10 =	sld [smem:$0x3FA0]  }
0x3d: {  	_ =	shalt  }
0x3e: {  	_ =	shalt  }
0x3f: {  	_ =	shalt  }
0x40: {  	_ =	shalt  }
0x41: {  	_ =	shalt  }
0x42: {  	_ =	shalt  }
0x43: {  	_ =	shalt  }
0x44: {  	_ =	shalt  }
0x45: {  	_ =	shalt  }
0x46: {  	_ =	shalt  }
0x47: {  	_ =	shalt  }
0x48: {  	_ =	shalt  }
0x49: {  	_ =	shalt  }
0x4a: {  	_ =	shalt  }
0x4b: {  	_ =	shalt  }
0x4c: {  	_ =	shalt  }
0x4d: {  	_ =	shalt  }
0x4e: {  	_ =	shalt  }
0x4f: {  	_ =	shalt  }
0x50: {  	_ =	shalt  }
0x51: {  	_ =	shalt  }
0x52: {  	_ =	shalt  }
0x53: {  	_ =	shalt  }
0x54: {  	_ =	shalt  }
0x55: {  	_ =	shalt  }
0x56: {  	_ =	shalt  }
0x57: {  	_ =	shalt  }
0x58: {  	_ =	shalt  }
0x59: {  	_ =	shalt  }
0x5a: {  	_ =	shalt  }
0x5b: {  	_ =	shalt  }
0x5c: {  	_ =	shalt  }
0x5d: {  	_ =	shalt  }
0x5e: {  	_ =	shalt  }
0x5f: {  	_ =	shalt  }
0x60: {  	_ =	shalt  }
0x61: {  	_ =	shalt  }
0x62: {  	_ =	shalt  }
0x63: {  	_ =	shalt  }
0x64: {  	_ =	shalt  }
0x65: {  	_ =	shalt  }
0x66: {  	_ =	shalt  }
0x67: {  	_ =	shalt  }
0x68: {  	_ =	shalt  }
0x69: {  	_ =	shalt  }
0x6a: {  	_ =	shalt  }
0x6b: {  	_ =	shalt  }
0x6c: {  	_ =	shalt  }
0x6d: {  	_ =	shalt  }
0x6e: {  	_ =	shalt  }
0x6f: {  	_ =	shalt  }
0x70: {  	_ =	shalt  }
0x71: {  	_ =	shalt  }
0x72: {  	_ =	shalt  }
0x73: {  	_ =	shalt  }
0x74: {  	_ =	shalt  }
0x75: {  	_ =	shalt  }
0x76: {  	_ =	shalt  }
0x77: {  	_ =	shalt  }
0x78: {  	_ =	shalt  }
0x79: {  	_ =	shalt  }
0x7a: {  	_ =	shalt  }
0x7b: {  	_ =	shalt  }
0x7c: {  	_ =	shalt  }
0x7d: {  	_ =	shalt  }
0x7e: {  	_ =	shalt  }
0x7f: {  	_ =	shalt  }
0x80: {  	_ =	shalt  }
0x81: {  	_ =	shalt  }
0x82: {  	_ =	shalt  }
0x83: {  	_ =	shalt  }
0x84: {  	_ =	shalt  }
0x85: {  	_ =	shalt  }
0x86: {  	_ =	shalt  }
0x87: {  	_ =	shalt  }
.Lfunc_end0:
.L_simem_size_0:
called_computation_lowered:
.L_overlay_start_0:
0x88: {  	s2 =	sld [smem:$0x3FD9]  }
0x89: {  	s3 =	sld [smem:$0x3FFE];
	_ =	sdelay $0x1  }
0x8a: {  	s1 =	srdreg.scid  }
0x8b: {  	s0 =	sand.u32 $0x1, s1  }
0x8c: {  	s17 =	sshll.u32 s0, $0xA;
	s2 =	sadd.s32 s3, s2  }
0x8d: {  	s2 =	sadd.s32 s2, s17  }
0x8e: {  	[smem:$0x3FAC] =	sst s2  }
0x8f: {  	_ = 	snop  }
0x90: {  	s2 =	sld [smem:$0x3FC9]  }
0x91: {  	s18 =	sld [smem:$0x3FC8]  }
0x92: {  	s4 =	sld [smem:$0x3FC1]  }
0x93: {  	s5 =	sld [smem:$0x3FC0];
	(tm) =	ssettm $0x1  }
0x94: {  	s6 =	sld [smem:$0x3FFB];
	_ =	sdelay $0x3  }
0x95: {  	_ =	strace s6  }
0x96: {  	s6 =	sld [smem:$0x3FFC];
	_ =	sdelay $0x3  }
0x97: {  	_ =	strace s6  }
0x98: {  	s6 =	sld [smem:$0x3FFD];
	_ =	sdelay $0x3  }
0x99: {  	_ =	strace s6  }
0x9a: {  	_ =	strace $0x8FFFFFFF  }
0x9b: {  	s19 =	sld [smem:$0x3FDB];
	_ =	sdelay $0x1  }
0x9c: {  	s7 =	simm.s32 $_scs_section_size  }
0x9d: {  	s8 =	simm.s32 $_size__tile_overlayer_lowered;
	s9 =	simm.s32 $_tile_overlayer_lowered  }
0x9e: {  	s22 =	simm.s32 $0x1BFF;
	s21 =	sshll.u32 s9, $0x1;
	s6 =	sadd.s32 s7, s19  }
0x9f: {  	s10 =	simm.s32 $0x0;
	s20 =	sshll.u32 s8, $0x1;
	s8 =	sadd.s32 s21, s6  }
0xa0: {  	[timem:s10], [sflag:s22] =	dma.local [hbm:s8], s20  }
0xa1: {  	_ =	swait.ge [sflag:s22], s20  }
0xa2: {  	s7 =	ssub.s32 $0x0, s20;
	[sflag:s22] =	ssyncset.done $0x0  }
0xa3: {  	[sflag:s22] =	ssyncadd.s32 s7;
	_ =	sdelay $0x1  }
0xa4: {  	s23 =	simm.s32 $0x1B8B  }
0xa5: {  	_ =	swait.ge [sflag:s23], $0x1  }
0xa6: {  	[sflag:s23] =	ssyncset.done $0x0  }
0xa7: {  	s25 =	simm.s32 $0x1B8E;
	s24 =	sld [smem:$0x3FFE];
	[sflag:s23] =	ssyncadd.s32 $0xFFFFFFFF  }
0xa8: {  	s26 =	simm.s32 $execute0_lowered;
	[smem:$0x3FD2] =	sst s25  }
0xa9: {  	s8 =	sshll.u32 s26, $0x1;
	_ =	strace $0x80000046;
	[dreg:$0x1] =	wrdreg $0xFFFFFFFF  }
0xaa: {  	s28 =	simm.s32 $_size_execute0_lowered;
	s6 =	sadd.s32 s6, s8;
	[dreg:$0x0] =	wrdreg $0x0  }
0xab: {  	s8 =	sshll.u32 s28, $0x1;
	[dreg:$0x2] =	wrdreg s6  }
0xac: {  	[dreg:$0x3] =	wrdreg s8  }
0xad: {  	[dreg:$0x4] =	wrdreg $0xC0  }
0xae: {  	_ =	task [dreg:s10], $0x5FFFF  }
0xaf: {  	[dreg:$0x1] =	wrdreg $0xFFFFFFFF  }
0xb0: {  	[dreg:$0x0] =	wrdreg $0x60  }
0xb1: {  	[dreg:$0x2] =	wrdreg s24  }
0xb2: {  	[dreg:$0x3] =	wrdreg s2  }
0xb3: {  	[dreg:$0x4] =	wrdreg s18  }
0xb4: {  	[dreg:$0x5] =	wrdreg s4  }
0xb5: {  	[dreg:$0x6] =	wrdreg s5  }
0xb6: {  	[dreg:$0x7] =	wrdreg $0x191800  }
0xb7: {  	[dreg:$0x8] =	wrdreg $0x9  }
0xb8: {  	_ =	task.clear_ibuf [dreg:s10], $0x9FFFF;
	_ =	strace $0x90000046  }
0xb9: {  	s29 =	simm.s32 $0x9;
	_ =	strace $0x80000048  }
0xba: {  	_ =	swait.ge [sflag:s29], $0x1  }
0xbb: {  	[sflag:s29] =	ssyncadd.s32 $0xFFFFFFFF  }
0xbc: {  	_ =	strace $0x90000048  }
0xbd: {  	_ =	sfence  }
0xbe: {  	s30 =	sld [smem:$0x0];
	_ =	sdelay $0x2  }
0xbf: {  	s31 =	sshll.u32 s1, $0xD;
	s1 =	sshrl.u32 s1, $0x2  }
0xc0: {  	s3 =	sand.u32 $0x4000, s31;
	s1 =	sadd.s32 s1, s30  }
0xc1: {  	s0 =	sor.u32 s3, s0;
	s1 =	sshll.u32 s1, $0x11  }
0xc2: {  	s0 =	sor.u32 s1, s0  }
0xc3: {  	s0 =	sadd.s32 $0x8F2B, s0  }
0xc4: {  	[sflag:s0] =	ssyncadd.remote.s32 $0x1  }
0xc5: {  	_ =	sfence.sel $0xFFFF  }
0xc6: {  	[dreg:$0x0] =	wrdreg $0xFFFFFFFF;
	(pc) =	sbr.abs _section_cstart, $3  }
0xc7: {  	[dreg:$0x1] =	wrdreg $0xFFFFFFFF  }
0xc8: {  	_ =	task.clear_ibuf [dreg:s10], $0x2FFFF;
	_ =	strace $0x9FFFFFFF  }
0xc9: {  	(tm) =	ssettm $0x7FFFFFFF  }
tec
execute0_lowered:
.L_overlay_start_1:
0x0: {  	(tag) =	ssettag $0x1  }
0x1: {  	s2 =	srdreg.scid;
	s0 =	rddreg [dreg:$0x0];
	s1 =	simm.s32 $0x0  }
0x2: {  	s13 =	stileid.u32;
	s2 =	sand.u32 $0x1, s2;
	[smem:$0x7FF] =	sst s1  }
0x3: {  	s5 =	sadd.s32 $0x1E3400, s0;
	s24 =	sshll.u32 s13, $0x1;
	s6 =	sadd.s32 $0x1E7400, s0  }
0x4: {  	s19 =	sshll.u32 s13, $0x6;
	s3 =	sshll.u32 s2, $0xE;
	s7 =	ssub.s32 $0x2, s2  }
0x5: {  	s2 =	sor.u32 s2, s24;
	s8 =	sand.u32 $0x380, s19;
	s22 =	sor.u32 $0x10, s19  }
0x6: {  	s23 =	sor.u32 $0x20, s19;
	s24 =	sor.u32 $0x30, s19;
	s4 =	sadd.s32 s3, s0  }
0x7: {  	s25 =	sshrl.u32 s7, $0x1;
	s14 =	sshll.u32 s2, $0x5;
	[dreg:$0xf] =	wrdreg s22  }
0x8: {  	s8 =	sadd.s32 $0xC780, s8;
	s28 =	sshll.u32 s2, $0x9;
	[dreg:$0x10] =	wrdreg s23  }
0x9: {  	[dreg:$0x11] =	wrdreg s24;
	s3 =	ssub.s32 s7, s25;
	s26 =	sand.u32 $0x380, s14  }
0xa: {  	s9 =	sadd.s32 $0x1C3400, s4;
	s16 =	sadd.s32 s5, s28;
	[dreg:$0x7] =	wrdreg s14  }
0xb: {  	s15 =	sor.u32 $0x10, s14;
	s17 =	sadd.s32 s6, s28;
	[dreg:$0x9] =	wrdreg s16  }
0xc: {  	s10 =	sadd.s32 $0x1D3400, s4;
	s12 =	sshll.u32 s15, $0x4;
	[dreg:$0xc] =	wrdreg s17  }
0xd: {  	s25 =	sand.u32 $0x50, s22;
	[dreg:$0x8] =	wrdreg s15;
	s5 =	sadd.s32 s5, s12  }
0xe: {  	s7 =	sadd.s32 $0xC780, s26;
	s21 =	sadd.s32 s6, s12;
	[dreg:$0xa] =	wrdreg s5  }
0xf: {  	s16 =	sand.u32 $0x60, s14;
	s6 =	sor.u32 s25, s8;
	[dreg:$0xe] =	wrdreg s21  }
0x10: {  	s28 =	sand.u32 $0x70, s24;
	s5 =	sor.u32 s16, s7;
	[dreg:$0x12] =	wrdreg s6  }
0x11: {  	s18 =	sand.u32 $0x70, s15;
	s16 =	sor.u32 s28, s8;
	[dreg:$0xb] =	wrdreg s5  }
0x12: {  	s26 =	sand.u32 $0x60, s23;
	s5 =	sor.u32 s18, s7;
	[dreg:$0x14] =	wrdreg s16  }
0x13: {  	s21 =	sshll.u32 s22, $0x4;
	s7 =	sor.u32 s26, s8;
	[dreg:$0xd] =	wrdreg s5  }
0x14: {  	s22 =	sshll.u32 s23, $0x4;
	s12 =	sadd.s32 s21, s9;
	[dreg:$0x13] =	wrdreg s7  }
0x15: {  	s23 =	sshll.u32 s24, $0x4;
	s24 =	sadd.s32 s22, s9;
	[dreg:$0x16] =	wrdreg s12  }
0x16: {  	s26 =	sadd.s32 s21, s10;
	[dreg:$0x17] =	wrdreg s24  }
0x17: {  	s17 =	sadd.s32 $0x1CB400, s4;
	s28 =	sadd.s32 s22, s10;
	[dreg:$0x1a] =	wrdreg s26  }
0x18: {  	s15 =	sadd.s32 s21, s17;
	[dreg:$0x1b] =	wrdreg s28  }
0x19: {  	s29 =	sadd.s32 $0x22000, s0;
	s16 =	sadd.s32 s22, s17;
	[dreg:$0x1e] =	wrdreg s15  }
0x1a: {  	s30 =	sadd.s32 $0x25800, s0;
	s6 =	sadd.s32 s23, s17;
	[dreg:$0x1f] =	wrdreg s16  }
0x1b: {  	s31 =	sadd.s32 $0x39000, s0;
	s12 =	sadd.s32 s23, s10;
	[smem:$0x7EA] =	sst s6  }
0x1c: {  	s11 =	sand.u32 $0x40, s19;
	s5 =	sshll.u32 s13, $0xA;
	[dreg:$0x1c] =	wrdreg s12  }
0x1d: {  	s18 =	sadd.s32 s5, s9;
	s25 =	sadd.s32 s5, s10;
	s10 =	rddreg [dreg:$0x5]  }
0x1e: {  	s20 =	sor.u32 s11, s8;
	s9 =	sadd.s32 s23, s9;
	[dreg:$0x15] =	wrdreg s18  }
0x1f: {  	s4 =	sadd.s32 $0x1DB400, s4;
	s24 =	sadd.s32 $0x35800, s0;
	[dreg:$0x18] =	wrdreg s9  }
0x20: {  	s6 =	smul.u32 $0x5, s2;
	s14 =	sadd.s32 s5, s17;
	[dreg:$0x19] =	wrdreg s25  }
0x21: {  	s5 =	sadd.s32 s5, s4;
	s17 =	sadd.s32 s21, s4;
	[dreg:$0x1d] =	wrdreg s14  }
0x22: {  	s21 =	smul.u32 $0x1C0, s2;
	s12 =	sshll.u32 s13, $0xE;
	[smem:$0x7EB] =	sst s5  }
0x23: {  	s13 =	smax.u32 s3, $0x1;
	[smem:$0x7EC] =	sst s17;
	s18 =	sadd.s32 s22, s4  }
0x24: {  	s4 =	sadd.s32 s23, s4;
	s22 =	sadd.s32 $0x1B000, s0;
	[smem:$0x7ED] =	sst s18  }
0x25: {  	s23 =	sadd.s32 $0x1E800, s0;
	[smem:$0x7EE] =	sst s4;
	s25 =	sadd.s32 s22, s21  }
0x26: {  	s26 =	sadd.s32 s23, s21;
	s28 =	sadd.s32 $0xE0, s21;
	[smem:$0x7EF] =	sst s25  }
0x27: {  	s4 =	sadd.s32 s24, s21;
	s21 =	sadd.s32 $0x3C800, s0;
	[smem:$0x7F0] =	sst s26  }
0x28: {  	[smem:$0x7F1] =	sst s4;
	s5 =	sadd.s32 s22, s28;
	s9 =	sadd.s32 s23, s28  }
0x29: {  	s11 =	sadd.s32 s24, s28;
	s23 =	sadd.s32 $0xFFE00, s0;
	[smem:$0x7F2] =	sst s5  }
0x2a: {  	s24 =	sadd.s32 $0x2000, s0;
	s25 =	sadd.s32 $0xE800, s0;
	[smem:$0x7F3] =	sst s9  }
0x2b: {  	s26 =	sadd.s32 $0x29000, s0;
	s0 =	sadd.s32 s12, s10;
	[smem:$0x7F4] =	sst s11  }
0x2c: {  	s14 =	sadd.s32 $0x800, s0;
	_ =	strace $0x80000047;
	[smem:$0x7F5] =	sst s13  }
0x2d: {  	s7 =	simm.s32 $0x1;
	s15 =	sadd.s32 $0x1000, s0;
	[smem:$0x7F6] =	sst s14  }
0x2e: {  	s22 =	sshll.u32 s2, $0x1;
	s16 =	sadd.s32 $0x1800, s0;
	[smem:$0x7F7] =	sst s15  }
0x2f: {  	s4 =	simm.s32 $0x18100;
	s17 =	sadd.s32 $0x2000, s0;
	[smem:$0x7F8] =	sst s16  }
.Ltmp0:
0x30: {  	s18 =	sadd.s32 $0x2800, s0;
	[smem:$0x7F9] =	sst s17;
	(pc) =	sbr.rel .LBB2_1-.Ltmp0, $4  }
0x31: {  	s2 =	simm.s32 $0x18900;
	s28 =	sadd.s32 $0x3000, s0;
	[smem:$0x7FA] =	sst s18  }
0x32: {  	s12 =	simm.s32 $0x0;
	s5 =	simm.s32 $0xCB80;
	[smem:$0x7FB] =	sst s28  }
0x33: {  	v0 =	vimm.f32 $0.0e+00;
	vm0 =	vmmov $0xffff;
	[smem:$0x7FC] =	sst s0;
	s0 =	sadd.s32 $0x3800, s0;
	s15 =	simm.s32 $0xD580  }
0x34: {  	v1 =	vimm.s32 $0xFFFFFFFF;
	v2 =	vlaneseq.u32;
	v3 =	vimm.s32 $0x0;
	s16 =	simm.s32 $0xDF80;
	s17 =	simm.s32 $0x19100;
	[smem:$0x7FD] =	sst s0  }
.LBB2_39:
0x35: {  	[bflag:$0x0] =	sbarrier.arrive $0xFFFF  }
0x36: {  	v4 =	vld [tilespmem:s19+$0xC380];
	_ =	sdelay $0x7  }
0x37: {  	v4 =	vld.idx.msk [tilespmem:v4+s1+$0x0], $0xffff;
	_ =	sdelay $0x7  }
0x38: {  	[tilespmem:s4], [sflag:$0x1] =	stream.indirect_vreg.gather [spmem:s10], $0x80, v4, vm0, $0xb8;
	[tilespmem:$0x1D180] =	vst v63  }
0x39: {  	_ =	swait.ge [sflag:s7], $0x800  }
0x3a: {  	[sflag:s7] =	ssyncset.done $0x0  }
0x3b: {  	s0 =	rddreg [dreg:$0x1d];
	[sflag:s7] =	ssyncadd.s32 $0xFFFFF800  }
0x3c: {  	[hbm4b:s0+s1] =	stream.linear.scatter [tilespmem:s4], [sflag:$0x1], $0x800, $0x38;
	[tilespmem:$0x1D180] =	vst v63  }
0x3d: {  	_ =	swait.ge [sflag:s7], $0x800  }
0x3e: {  	[sflag:s7] =	ssyncset.done $0x0  }
0x3f: {  	s9 =	rddreg [dreg:$0xf];
	[sflag:s7] =	ssyncadd.s32 $0xFFFFF800  }
0x40: {  	v4 =	vld [tilespmem:s9+$0xC380];
	_ =	sdelay $0x7  }
0x41: {  	v4 =	vld.idx.msk [tilespmem:v4+s1+$0x0], $0xffff;
	_ =	sdelay $0x7  }
0x42: {  	[tilespmem:s4], [sflag:$0x1] =	stream.indirect_vreg.gather [spmem:s10], $0x80, v4, vm0, $0xb8;
	[tilespmem:$0x1D180] =	vst v63  }
0x43: {  	_ =	swait.ge [sflag:s7], $0x800  }
0x44: {  	[sflag:s7] =	ssyncset.done $0x0  }
0x45: {  	s11 =	rddreg [dreg:$0x1e];
	[sflag:s7] =	ssyncadd.s32 $0xFFFFF800  }
0x46: {  	[hbm4b:s11+s1] =	stream.linear.scatter [tilespmem:s4], [sflag:$0x1], $0x800, $0x38;
	[tilespmem:$0x1D180] =	vst v63  }
0x47: {  	_ =	swait.ge [sflag:s7], $0x800  }
0x48: {  	[sflag:s7] =	ssyncset.done $0x0  }
0x49: {  	s13 =	rddreg [dreg:$0x10];
	[sflag:s7] =	ssyncadd.s32 $0xFFFFF800  }
0x4a: {  	v4 =	vld [tilespmem:s13+$0xC380];
	_ =	sdelay $0x7  }
0x4b: {  	v4 =	vld.idx.msk [tilespmem:v4+s1+$0x0], $0xffff;
	_ =	sdelay $0x7  }
0x4c: {  	[tilespmem:s4], [sflag:$0x1] =	stream.indirect_vreg.gather [spmem:s10], $0x80, v4, vm0, $0xb8;
	[tilespmem:$0x1D180] =	vst v63  }
0x4d: {  	_ =	swait.ge [sflag:s7], $0x800  }
0x4e: {  	[sflag:s7] =	ssyncset.done $0x0  }
0x4f: {  	s14 =	rddreg [dreg:$0x1f];
	[sflag:s7] =	ssyncadd.s32 $0xFFFFF800  }
0x50: {  	[hbm4b:s14+s1] =	stream.linear.scatter [tilespmem:s4], [sflag:$0x1], $0x800, $0x38;
	[tilespmem:$0x1D180] =	vst v63  }
0x51: {  	_ =	swait.ge [sflag:s7], $0x800  }
0x52: {  	[sflag:s7] =	ssyncset.done $0x0  }
0x53: {  	s18 =	rddreg [dreg:$0x11];
	[sflag:s7] =	ssyncadd.s32 $0xFFFFF800  }
0x54: {  	v4 =	vld [tilespmem:s18+$0xC380];
	_ =	sdelay $0x7  }
0x55: {  	v4 =	vld.idx.msk [tilespmem:v4+s1+$0x0], $0xffff;
	_ =	sdelay $0x7  }
0x56: {  	[tilespmem:s4], [sflag:$0x1] =	stream.indirect_vreg.gather [spmem:s10], $0x80, v4, vm0, $0xb8;
	[tilespmem:$0x1D180] =	vst v63  }
0x57: {  	_ =	swait.ge [sflag:s7], $0x800  }
0x58: {  	s28 =	sld [smem:$0x7EA]  }
0x59: {  	[sflag:s7] =	ssyncset.done $0x0  }
0x5a: {  	[sflag:s7] =	ssyncadd.s32 $0xFFFFF800  }
0x5b: {  	[hbm4b:s28+s1] =	stream.linear.scatter [tilespmem:s4], [sflag:$0x1], $0x800, $0x38;
	[tilespmem:$0x1D180] =	vst v63  }
0x5c: {  	_ =	swait.ge [sflag:s7], $0x800  }
0x5d: {  	[sflag:s7] =	ssyncset.done $0x0  }
0x5e: {  	[sflag:s7] =	ssyncadd.s32 $0xFFFFF800  }
0x5f: {  	v4 =	vld [tilespmem:s20+$0x0];
	_ =	sdelay $0x4  }
0x60: {  	v4 =	vadd.s32 $0x61A8, v4;
	_ =	sdelay $0x4  }
0x61: {  	v4 =	vld.idx.msk [tilespmem:v4+s1+$0x0], $0xffff;
	_ =	sdelay $0x7  }
0x62: {  	[tilespmem:s4], [sflag:$0x1] =	stream.indirect_vreg.gather [spmem:s10], $0x80, v4, vm0, $0xb8;
	[tilespmem:$0x1D180] =	vst v63  }
0x63: {  	_ =	swait.ge [sflag:s7], $0x800  }
0x64: {  	s3 =	sld [smem:$0x7EB]  }
0x65: {  	[sflag:s7] =	ssyncset.done $0x0  }
0x66: {  	[sflag:s7] =	ssyncadd.s32 $0xFFFFF800  }
0x67: {  	[hbm4b:s3+s1] =	stream.linear.scatter [tilespmem:s4], [sflag:$0x1], $0x800, $0x38;
	[tilespmem:$0x1D180] =	vst v63  }
0x68: {  	_ =	swait.ge [sflag:s7], $0x800  }
0x69: {  	[sflag:s7] =	ssyncset.done $0x0  }
0x6a: {  	s8 =	rddreg [dreg:$0x12];
	[sflag:s7] =	ssyncadd.s32 $0xFFFFF800  }
0x6b: {  	v4 =	vld [tilespmem:s8+$0x0];
	_ =	sdelay $0x4  }
0x6c: {  	v4 =	vadd.s32 $0x61A8, v4;
	_ =	sdelay $0x4  }
0x6d: {  	v4 =	vld.idx.msk [tilespmem:v4+s1+$0x0], $0xffff;
	_ =	sdelay $0x7  }
0x6e: {  	[tilespmem:s4], [sflag:$0x1] =	stream.indirect_vreg.gather [spmem:s10], $0x80, v4, vm0, $0xb8;
	[tilespmem:$0x1D180] =	vst v63  }
0x6f: {  	_ =	swait.ge [sflag:s7], $0x800  }
0x70: {  	s9 =	sld [smem:$0x7EC]  }
0x71: {  	[sflag:s7] =	ssyncset.done $0x0  }
0x72: {  	[sflag:s7] =	ssyncadd.s32 $0xFFFFF800  }
0x73: {  	[hbm4b:s9+s1] =	stream.linear.scatter [tilespmem:s4], [sflag:$0x1], $0x800, $0x38;
	[tilespmem:$0x1D180] =	vst v63  }
0x74: {  	_ =	swait.ge [sflag:s7], $0x800  }
0x75: {  	[sflag:s7] =	ssyncset.done $0x0  }
0x76: {  	s11 =	rddreg [dreg:$0x13];
	[sflag:s7] =	ssyncadd.s32 $0xFFFFF800  }
0x77: {  	v4 =	vld [tilespmem:s11+$0x0];
	_ =	sdelay $0x4  }
0x78: {  	v4 =	vadd.s32 $0x61A8, v4;
	_ =	sdelay $0x4  }
0x79: {  	v4 =	vld.idx.msk [tilespmem:v4+s1+$0x0], $0xffff;
	_ =	sdelay $0x7  }
0x7a: {  	[tilespmem:s4], [sflag:$0x1] =	stream.indirect_vreg.gather [spmem:s10], $0x80, v4, vm0, $0xb8;
	[tilespmem:$0x1D180] =	vst v63  }
0x7b: {  	_ =	swait.ge [sflag:s7], $0x800  }
0x7c: {  	s13 =	sld [smem:$0x7ED]  }
0x7d: {  	[sflag:s7] =	ssyncset.done $0x0  }
0x7e: {  	[sflag:s7] =	ssyncadd.s32 $0xFFFFF800  }
0x7f: {  	[hbm4b:s13+s1] =	stream.linear.scatter [tilespmem:s4], [sflag:$0x1], $0x800, $0x38;
	[tilespmem:$0x1D180] =	vst v63  }
0x80: {  	_ =	swait.ge [sflag:s7], $0x800  }
0x81: {  	[sflag:s7] =	ssyncset.done $0x0  }
0x82: {  	s14 =	rddreg [dreg:$0x14];
	[sflag:s7] =	ssyncadd.s32 $0xFFFFF800  }
0x83: {  	v4 =	vld [tilespmem:s14+$0x0];
	_ =	sdelay $0x4  }
0x84: {  	v4 =	vadd.s32 $0x61A8, v4;
	_ =	sdelay $0x4  }
0x85: {  	v4 =	vld.idx.msk [tilespmem:v4+s1+$0x0], $0xffff;
	_ =	sdelay $0x7  }
0x86: {  	[tilespmem:s4], [sflag:$0x1] =	stream.indirect_vreg.gather [spmem:s10], $0x80, v4, vm0, $0xb8;
	[tilespmem:$0x1D180] =	vst v63  }
0x87: {  	_ =	swait.ge [sflag:s7], $0x800  }
0x88: {  	s18 =	sld [smem:$0x7EE]  }
0x89: {  	[sflag:s7] =	ssyncset.done $0x0  }
0x8a: {  	[sflag:s7] =	ssyncadd.s32 $0xFFFFF800  }
0x8b: {  	[hbm4b:s18+s1] =	stream.linear.scatter [tilespmem:s4], [sflag:$0x1], $0x800, $0x38;
	[tilespmem:$0x1D180] =	vst v63  }
0x8c: {  	_ =	swait.ge [sflag:s7], $0x800  }
0x8d: {  	s28 =	sld [smem:$0x7F5];
	_ =	sdelay $0x1  }
0x8e: {  	s12 =	sadd.s32 $0x1, s12  }
0x8f: {  	p0 =	sne.s32 s12, s28  }
.Ltmp1:
0x90: {  	_ = 	snop;
	(pc) =	sbr.rel @!p0 .LBB2_40-.Ltmp1, $3  }
0x91: {  	_ =	sdelay $0x1  }
0x92: {  	[sflag:s7] =	ssyncset.done $0x0  }
0x93: {  	[sflag:s7] =	ssyncadd.s32 $0xFFFFF800  }
.LBB2_1:
0x94: {  	s0 =	rddreg [dreg:$0x1];
	s3 =	simm.s32 $0xC380  }
0x95: {  	[tilespmem:s3], [sflag:$0x1] =	stream.linear.gather [hbm4b:s0+s1], $0x400, $0x38;
	[tilespmem:$0x1D180] =	vst v63  }
0x96: {  	_ =	swait.ge [sflag:s7], $0x400  }
0x97: {  	[sflag:s7] =	ssyncset.done $0x0  }
0x98: {  	[sflag:s7] =	ssyncadd.s32 $0xFFFFFC00  }
0x99: {  	s14 =	simm.s32 $0xC780;
	s13 =	rddreg [dreg:$0x2]  }
0x9a: {  	[tilespmem:s14], [sflag:$0x1] =	stream.linear.gather [hbm4b:s13+s1], $0x400, $0x38;
	[tilespmem:$0x1D180] =	vst v63  }
0x9b: {  	_ =	swait.ge [sflag:s7], $0x400  }
0x9c: {  	[sflag:s7] =	ssyncset.done $0x0  }
0x9d: {  	[sflag:s7] =	ssyncadd.s32 $0xFFFFFC00  }
0x9e: {  	[tilespmem:$0x18900] =	vst v0  }
0x9f: {  	[tilespmem:$0x18910] =	vst v0  }
0xa0: {  	[tilespmem:$0x18920] =	vst v0  }
0xa1: {  	[tilespmem:$0x18930] =	vst v0  }
0xa2: {  	[tilespmem:$0x18940] =	vst v0  }
0xa3: {  	[tilespmem:$0x18950] =	vst v0  }
0xa4: {  	[tilespmem:$0x18960] =	vst v0  }
0xa5: {  	[tilespmem:$0x18970] =	vst v0  }
0xa6: {  	[tilespmem:$0x18980] =	vst v0  }
0xa7: {  	[tilespmem:$0x18990] =	vst v0  }
0xa8: {  	[tilespmem:$0x189A0] =	vst v0  }
0xa9: {  	[tilespmem:$0x189B0] =	vst v0  }
0xaa: {  	[tilespmem:$0x189C0] =	vst v0  }
0xab: {  	[tilespmem:$0x189D0] =	vst v0  }
0xac: {  	[tilespmem:$0x189E0] =	vst v0  }
0xad: {  	[tilespmem:$0x189F0] =	vst v0  }
0xae: {  	[tilespmem:$0x18A00] =	vst v0  }
0xaf: {  	[tilespmem:$0x18A10] =	vst v0  }
0xb0: {  	[tilespmem:$0x18A20] =	vst v0  }
0xb1: {  	[tilespmem:$0x18A30] =	vst v0  }
0xb2: {  	[tilespmem:$0x18A40] =	vst v0  }
0xb3: {  	[tilespmem:$0x18A50] =	vst v0  }
0xb4: {  	[tilespmem:$0x18A60] =	vst v0  }
0xb5: {  	[tilespmem:$0x18A70] =	vst v0  }
0xb6: {  	[tilespmem:$0x18A80] =	vst v0  }
0xb7: {  	[tilespmem:$0x18A90] =	vst v0  }
0xb8: {  	[tilespmem:$0x18AA0] =	vst v0  }
0xb9: {  	[tilespmem:$0x18AB0] =	vst v0  }
0xba: {  	[tilespmem:$0x18AC0] =	vst v0  }
0xbb: {  	[tilespmem:$0x18AD0] =	vst v0  }
0xbc: {  	[tilespmem:$0x18AE0] =	vst v0  }
0xbd: {  	[tilespmem:$0x18AF0] =	vst v0  }
0xbe: {  	[tilespmem:$0x18B00] =	vst v0  }
0xbf: {  	[tilespmem:$0x18B10] =	vst v0  }
0xc0: {  	[tilespmem:$0x18B20] =	vst v0  }
0xc1: {  	[tilespmem:$0x18B30] =	vst v0  }
0xc2: {  	[tilespmem:$0x18B40] =	vst v0  }
0xc3: {  	[tilespmem:$0x18B50] =	vst v0  }
0xc4: {  	[tilespmem:$0x18B60] =	vst v0  }
0xc5: {  	[tilespmem:$0x18B70] =	vst v0  }
0xc6: {  	[tilespmem:$0x18B80] =	vst v0  }
0xc7: {  	[tilespmem:$0x18B90] =	vst v0  }
0xc8: {  	[tilespmem:$0x18BA0] =	vst v0  }
0xc9: {  	[tilespmem:$0x18BB0] =	vst v0  }
0xca: {  	[tilespmem:$0x18BC0] =	vst v0  }
0xcb: {  	[tilespmem:$0x18BD0] =	vst v0  }
0xcc: {  	[tilespmem:$0x18BE0] =	vst v0  }
0xcd: {  	[tilespmem:$0x18BF0] =	vst v0  }
0xce: {  	[tilespmem:$0x18C00] =	vst v0  }
0xcf: {  	[tilespmem:$0x18C10] =	vst v0  }
0xd0: {  	[tilespmem:$0x18C20] =	vst v0  }
0xd1: {  	[tilespmem:$0x18C30] =	vst v0  }
0xd2: {  	[tilespmem:$0x18C40] =	vst v0  }
0xd3: {  	[tilespmem:$0x18C50] =	vst v0  }
0xd4: {  	[tilespmem:$0x18C60] =	vst v0  }
0xd5: {  	[tilespmem:$0x18C70] =	vst v0  }
0xd6: {  	[tilespmem:$0x18C80] =	vst v0  }
0xd7: {  	[tilespmem:$0x18C90] =	vst v0  }
0xd8: {  	[tilespmem:$0x18CA0] =	vst v0  }
0xd9: {  	[tilespmem:$0x18CB0] =	vst v0  }
0xda: {  	[tilespmem:$0x18CC0] =	vst v0  }
0xdb: {  	[tilespmem:$0x18CD0] =	vst v0  }
0xdc: {  	[tilespmem:$0x18CE0] =	vst v0  }
0xdd: {  	[tilespmem:$0x18CF0] =	vst v0  }
0xde: {  	[tilespmem:$0x18D00] =	vst v0  }
0xdf: {  	[tilespmem:$0x18D10] =	vst v0  }
0xe0: {  	[tilespmem:$0x18D20] =	vst v0  }
0xe1: {  	[tilespmem:$0x18D30] =	vst v0  }
0xe2: {  	[tilespmem:$0x18D40] =	vst v0  }
0xe3: {  	[tilespmem:$0x18D50] =	vst v0  }
0xe4: {  	[tilespmem:$0x18D60] =	vst v0  }
0xe5: {  	[tilespmem:$0x18D70] =	vst v0  }
0xe6: {  	[tilespmem:$0x18D80] =	vst v0  }
0xe7: {  	[tilespmem:$0x18D90] =	vst v0  }
0xe8: {  	[tilespmem:$0x18DA0] =	vst v0  }
0xe9: {  	[tilespmem:$0x18DB0] =	vst v0  }
0xea: {  	[tilespmem:$0x18DC0] =	vst v0  }
0xeb: {  	[tilespmem:$0x18DD0] =	vst v0  }
0xec: {  	[tilespmem:$0x18DE0] =	vst v0  }
0xed: {  	[tilespmem:$0x18DF0] =	vst v0  }
0xee: {  	[tilespmem:$0x18E00] =	vst v0  }
0xef: {  	[tilespmem:$0x18E10] =	vst v0  }
0xf0: {  	[tilespmem:$0x18E20] =	vst v0  }
0xf1: {  	[tilespmem:$0x18E30] =	vst v0  }
0xf2: {  	[tilespmem:$0x18E40] =	vst v0  }
0xf3: {  	[tilespmem:$0x18E50] =	vst v0  }
0xf4: {  	[tilespmem:$0x18E60] =	vst v0  }
0xf5: {  	[tilespmem:$0x18E70] =	vst v0  }
0xf6: {  	[tilespmem:$0x18E80] =	vst v0  }
0xf7: {  	[tilespmem:$0x18E90] =	vst v0  }
0xf8: {  	[tilespmem:$0x18EA0] =	vst v0  }
0xf9: {  	[tilespmem:$0x18EB0] =	vst v0  }
0xfa: {  	[tilespmem:$0x18EC0] =	vst v0  }
0xfb: {  	[tilespmem:$0x18ED0] =	vst v0  }
0xfc: {  	[tilespmem:$0x18EE0] =	vst v0  }
0xfd: {  	[tilespmem:$0x18EF0] =	vst v0  }
0xfe: {  	[tilespmem:$0x18F00] =	vst v0  }
0xff: {  	[tilespmem:$0x18F10] =	vst v0  }
0x100: {  	[tilespmem:$0x18F20] =	vst v0  }
0x101: {  	[tilespmem:$0x18F30] =	vst v0  }
0x102: {  	[tilespmem:$0x18F40] =	vst v0  }
0x103: {  	[tilespmem:$0x18F50] =	vst v0  }
0x104: {  	[tilespmem:$0x18F60] =	vst v0  }
0x105: {  	[tilespmem:$0x18F70] =	vst v0  }
0x106: {  	[tilespmem:$0x18F80] =	vst v0  }
0x107: {  	[tilespmem:$0x18F90] =	vst v0  }
0x108: {  	[tilespmem:$0x18FA0] =	vst v0  }
0x109: {  	[tilespmem:$0x18FB0] =	vst v0  }
0x10a: {  	[tilespmem:$0x18FC0] =	vst v0  }
0x10b: {  	[tilespmem:$0x18FD0] =	vst v0  }
0x10c: {  	[tilespmem:$0x18FE0] =	vst v0  }
0x10d: {  	[tilespmem:$0x18FF0] =	vst v0  }
0x10e: {  	[tilespmem:$0x19000] =	vst v0  }
0x10f: {  	[tilespmem:$0x19010] =	vst v0  }
0x110: {  	[tilespmem:$0x19020] =	vst v0  }
0x111: {  	[tilespmem:$0x19030] =	vst v0  }
0x112: {  	[tilespmem:$0x19040] =	vst v0  }
0x113: {  	[tilespmem:$0x19050] =	vst v0  }
0x114: {  	[tilespmem:$0x19060] =	vst v0  }
0x115: {  	[tilespmem:$0x19070] =	vst v0  }
0x116: {  	[tilespmem:$0x19080] =	vst v0  }
0x117: {  	[tilespmem:$0x19090] =	vst v0  }
0x118: {  	[tilespmem:$0x190A0] =	vst v0  }
0x119: {  	[tilespmem:$0x190B0] =	vst v0  }
0x11a: {  	[tilespmem:$0x190C0] =	vst v0  }
0x11b: {  	[tilespmem:$0x190D0] =	vst v0  }
0x11c: {  	[tilespmem:$0x190E0] =	vst v0  }
0x11d: {  	s18 =	rddreg [dreg:$0x7];
	[tilespmem:$0x190F0] =	vst v0  }
0x11e: {  	v4 =	vld [tilespmem:s18+$0xC380];
	_ =	sdelay $0x6  }
0x11f: {  	s8 =	rddreg [dreg:$0x3]  }
0x120: {  	[tilespmem:s4], [sflag:$0x1] =	stream.indirect_vreg.gather [hbm4b:s8+s1], $0x80, v4, vm0, $0xb8;
	[tilespmem:$0x1D180] =	vst v63  }
0x121: {  	_ =	swait.ge [sflag:s7], $0x800  }
0x122: {  	[sflag:s7] =	ssyncset.done $0x0  }
0x123: {  	s28 =	rddreg [dreg:$0x9];
	[sflag:s7] =	ssyncadd.s32 $0xFFFFF800  }
0x124: {  	[hbm4b:s28+s1] =	stream.linear.scatter [tilespmem:s4], [sflag:$0x1], $0x800, $0x38;
	[tilespmem:$0x1D180] =	vst v63  }
0x125: {  	_ =	swait.ge [sflag:s7], $0x800  }
0x126: {  	[sflag:s7] =	ssyncset.done $0x0  }
0x127: {  	s0 =	rddreg [dreg:$0x8];
	[sflag:s7] =	ssyncadd.s32 $0xFFFFF800  }
0x128: {  	v4 =	vld [tilespmem:s0+$0xC380];
	_ =	sdelay $0x7  }
0x129: {  	[tilespmem:s4], [sflag:$0x1] =	stream.indirect_vreg.gather [hbm4b:s8+s1], $0x80, v4, vm0, $0xb8;
	[tilespmem:$0x1D180] =	vst v63  }
0x12a: {  	_ =	swait.ge [sflag:s7], $0x800  }
0x12b: {  	[sflag:s7] =	ssyncset.done $0x0  }
0x12c: {  	s9 =	rddreg [dreg:$0xa];
	[sflag:s7] =	ssyncadd.s32 $0xFFFFF800  }
0x12d: {  	[hbm4b:s9+s1] =	stream.linear.scatter [tilespmem:s4], [sflag:$0x1], $0x800, $0x38;
	[tilespmem:$0x1D180] =	vst v63  }
0x12e: {  	_ =	swait.ge [sflag:s7], $0x800  }
0x12f: {  	[sflag:s7] =	ssyncset.done $0x0  }
0x130: {  	s11 =	rddreg [dreg:$0xb];
	[sflag:s7] =	ssyncadd.s32 $0xFFFFF800  }
0x131: {  	v4 =	vld [tilespmem:s11+$0x0];
	_ =	sdelay $0x6  }
0x132: {  	s13 =	rddreg [dreg:$0x4]  }
0x133: {  	[tilespmem:s4], [sflag:$0x1] =	stream.indirect_vreg.gather [hbm4b:s13+s1], $0x80, v4, vm0, $0xb8;
	[tilespmem:$0x1D180] =	vst v63  }
0x134: {  	_ =	swait.ge [sflag:s7], $0x800  }
0x135: {  	[sflag:s7] =	ssyncset.done $0x0  }
0x136: {  	s14 =	rddreg [dreg:$0xc];
	[sflag:s7] =	ssyncadd.s32 $0xFFFFF800  }
0x137: {  	[hbm4b:s14+s1] =	stream.linear.scatter [tilespmem:s4], [sflag:$0x1], $0x800, $0x38;
	[tilespmem:$0x1D180] =	vst v63  }
0x138: {  	_ =	swait.ge [sflag:s7], $0x800  }
0x139: {  	[sflag:s7] =	ssyncset.done $0x0  }
0x13a: {  	s18 =	rddreg [dreg:$0xd];
	[sflag:s7] =	ssyncadd.s32 $0xFFFFF800  }
0x13b: {  	v4 =	vld [tilespmem:s18+$0x0];
	_ =	sdelay $0x7  }
0x13c: {  	[tilespmem:s4], [sflag:$0x1] =	stream.indirect_vreg.gather [hbm4b:s13+s1], $0x80, v4, vm0, $0xb8;
	[tilespmem:$0x1D180] =	vst v63  }
0x13d: {  	_ =	swait.ge [sflag:s7], $0x800  }
0x13e: {  	[sflag:s7] =	ssyncset.done $0x0  }
0x13f: {  	s28 =	rddreg [dreg:$0xe];
	[sflag:s7] =	ssyncadd.s32 $0xFFFFF800  }
0x140: {  	[hbm4b:s28+s1] =	stream.linear.scatter [tilespmem:s4], [sflag:$0x1], $0x800, $0x38;
	[tilespmem:$0x1D180] =	vst v63  }
0x141: {  	_ =	swait.ge [sflag:s7], $0x800  }
0x142: {  	[sflag:s7] =	ssyncset.done $0x0  }
0x143: {  	s3 =	simm.s32 $0x0;
	[sflag:s7] =	ssyncadd.s32 $0xFFFFF800  }
.LBB2_2:
0x144: {  	p0 =	sne.s32 s3, $0x18600  }
.Ltmp2:
0x145: {  	s8 =	sshra.s32 s3, $0x2;
	(pc) =	sbr.rel @p0 .LBB2_2-.Ltmp2, $4  }
0x146: {  	[tilespmem:s8+$0x0] =	vst v1  }
0x147: {  	[tilespmem:s8+$0x10] =	vst v1  }
0x148: {  	[tilespmem:s8+$0x20] =	vst v1  }
0x149: {  	s3 =	sadd.s32 $0x100, s3;
	[tilespmem:s8+$0x30] =	vst v1  }
0x14a: {  	s3 =	simm.s32 $0xC380  }
0x14b: {  	s8 =	simm.s32 $0x0;
	s9 =	simm.s32 $0x10;
	v4 =	vld [tilespmem:s3+$0x0]  }
.LBB2_4:
0x14c: {  	p0 =	sne.s32 s9, $0x3F0;
	_ =	sdelay $0x3  }
.Ltmp3:
0x14d: {  	(pc) =	sbr.rel @p0 .LBB2_4-.Ltmp3, $4  }
0x14e: {  	_ = 	snop  }
0x14f: {  	v5 =	vor.u32 s8, v2;
	s8 =	smov.u32 s9  }
0x150: {  	s3 =	sadd.s32 $0x10, s3;
	[tilespmem:v4+s1+$0x0] =	vst.idx.msk $0xffff, v5  }
0x151: {  	s9 =	sadd.s32 $0x10, s9;
	v4 =	vld [tilespmem:s3+$0x0]  }
0x152: {  	_ =	sdelay $0x6  }
0x153: {  	v5 =	vor.u32 s8, v2  }
0x154: {  	[tilespmem:v4+s1+$0x0] =	vst.idx.msk $0xffff, v5  }
0x155: {  	[bflag:$0x0] =	sbarrier.arrive $0xFFFF  }
0x156: {  	s0 =	sld [smem:$0x7FC];
	_ =	sdelay $0x2  }
0x157: {  	[spmem:s0] =	stream.linear.scatter [tilespmem:s2], [sflag:$0x1], $0x800, $0x38;
	[tilespmem:$0x1D180] =	vst v63  }
0x158: {  	_ =	swait.ge [sflag:s7], $0x800  }
0x159: {  	s13 =	sld [smem:$0x7F6]  }
0x15a: {  	[sflag:s7] =	ssyncset.done $0x0  }
0x15b: {  	[sflag:s7] =	ssyncadd.s32 $0xFFFFF800  }
0x15c: {  	[spmem:s13] =	stream.linear.scatter [tilespmem:s2], [sflag:$0x1], $0x800, $0x38;
	[tilespmem:$0x1D180] =	vst v63  }
0x15d: {  	_ =	swait.ge [sflag:s7], $0x800  }
0x15e: {  	s14 =	sld [smem:$0x7F7]  }
0x15f: {  	[sflag:s7] =	ssyncset.done $0x0  }
0x160: {  	[sflag:s7] =	ssyncadd.s32 $0xFFFFF800  }
0x161: {  	[spmem:s14] =	stream.linear.scatter [tilespmem:s2], [sflag:$0x1], $0x800, $0x38;
	[tilespmem:$0x1D180] =	vst v63  }
0x162: {  	_ =	swait.ge [sflag:s7], $0x800  }
0x163: {  	s18 =	sld [smem:$0x7F8]  }
0x164: {  	[sflag:s7] =	ssyncset.done $0x0  }
0x165: {  	[sflag:s7] =	ssyncadd.s32 $0xFFFFF800  }
0x166: {  	[spmem:s18] =	stream.linear.scatter [tilespmem:s2], [sflag:$0x1], $0x800, $0x38;
	[tilespmem:$0x1D180] =	vst v63  }
0x167: {  	_ =	swait.ge [sflag:s7], $0x800  }
0x168: {  	s28 =	sld [smem:$0x7F9]  }
0x169: {  	[sflag:s7] =	ssyncset.done $0x0  }
0x16a: {  	[sflag:s7] =	ssyncadd.s32 $0xFFFFF800  }
0x16b: {  	[spmem:s28] =	stream.linear.scatter [tilespmem:s2], [sflag:$0x1], $0x800, $0x38;
	[tilespmem:$0x1D180] =	vst v63  }
0x16c: {  	_ =	swait.ge [sflag:s7], $0x800  }
0x16d: {  	s3 =	sld [smem:$0x7FA]  }
0x16e: {  	[sflag:s7] =	ssyncset.done $0x0  }
0x16f: {  	[sflag:s7] =	ssyncadd.s32 $0xFFFFF800  }
0x170: {  	[spmem:s3] =	stream.linear.scatter [tilespmem:s2], [sflag:$0x1], $0x800, $0x38;
	[tilespmem:$0x1D180] =	vst v63  }
0x171: {  	_ =	swait.ge [sflag:s7], $0x800  }
0x172: {  	s8 =	sld [smem:$0x7FB]  }
0x173: {  	[sflag:s7] =	ssyncset.done $0x0  }
0x174: {  	[sflag:s7] =	ssyncadd.s32 $0xFFFFF800  }
0x175: {  	[spmem:s8] =	stream.linear.scatter [tilespmem:s2], [sflag:$0x1], $0x800, $0x38;
	[tilespmem:$0x1D180] =	vst v63  }
0x176: {  	_ =	swait.ge [sflag:s7], $0x800  }
0x177: {  	s9 =	sld [smem:$0x7FD]  }
0x178: {  	[sflag:s7] =	ssyncset.done $0x0  }
0x179: {  	[sflag:s7] =	ssyncadd.s32 $0xFFFFF800  }
0x17a: {  	[spmem:s9] =	stream.linear.scatter [tilespmem:s2], [sflag:$0x1], $0x800, $0x38;
	[tilespmem:$0x1D180] =	vst v63  }
0x17b: {  	_ =	swait.ge [sflag:s7], $0x800  }
0x17c: {  	[sflag:s7] =	ssyncset.done $0x0  }
0x17d: {  	[sflag:s7] =	ssyncadd.s32 $0xFFFFF800  }
0x17e: {  	[bflag:$0x0] =	sbarrier.arrive $0xFFFF  }
0x17f: {  	s11 =	sld [smem:$0x7EF];
	_ =	sdelay $0x1  }
0x180: {  	s3 =	simm.s32 $0x0  }
0x181: {  	[tilespmem:s5], [sflag:$0x1] =	stream.linear.gather [hbm4b:s11+s3], $0x700, $0x38;
	[tilespmem:$0x1D180] =	vst v63  }
0x182: {  	_ =	swait.ge [sflag:s7], $0x700  }
0x183: {  	s13 =	sld [smem:$0x7F0]  }
0x184: {  	[sflag:s7] =	ssyncset.done $0x0  }
0x185: {  	[sflag:s7] =	ssyncadd.s32 $0xFFFFF900  }
0x186: {  	[tilespmem:s15], [sflag:$0x1] =	stream.linear.gather [hbm4b:s13+s3], $0x700, $0x38;
	[tilespmem:$0x1D180] =	vst v63  }
0x187: {  	_ =	swait.ge [sflag:s7], $0x700  }
0x188: {  	s14 =	sld [smem:$0x7F1]  }
0x189: {  	[sflag:s7] =	ssyncset.done $0x0  }
0x18a: {  	[sflag:s7] =	ssyncadd.s32 $0xFFFFF900  }
0x18b: {  	[tilespmem:s16], [sflag:$0x1] =	stream.linear.gather [hbm4b:s14+s3], $0x700, $0x38;
	[tilespmem:$0x1D180] =	vst v63  }
0x18c: {  	_ =	swait.ge [sflag:s7], $0x700  }
0x18d: {  	[sflag:s7] =	ssyncset.done $0x0  }
0x18e: {  	s18 =	simm.s32 $0x0;
	[sflag:s7] =	ssyncadd.s32 $0xFFFFF900  }
0x18f: {  	v4 =	vld [tilespmem:s18+$0xCB80];
	_ =	sdelay $0x7  }
0x190: {  	v4 =	vld.idx.msk [tilespmem:v4+s1+$0x0], $0xffff;
	_ =	sdelay $0x4  }
0x191: {  	vm1 =	vgt.s32 v4, $0xFFFFFFFF  }
0x192: {  	v5 =	vsel vm1, $0x1, v3  }
0x193: {  	(xrf0) =	vadd.scan.msk.s32 $0xffff, v5;
	_ =	sdelay $0x5  }
0x194: {  	v5, _, _ =	vpop (xrf0)  }
0x195: {  	(v2sf) =	vpush v5, $0xF;
	_ =	sdelay $0xe  }
0x196: {  	s9 =	spop (v2sf)  }
0x197: {  	p0 =	slt.s32 s9, $0x1  }
0x198: {  	vm1 =	vgt.s32 @!p0 v4, $0xFFFFFFFF  }
0x199: {  	s11 =	simm.s32 @!p0 $0x0;
	[tilespmem:s3+$0xE980] =	vst.msk @!p0 vm1, v4  }
0x19a: {  	v4 =	vld @!p0 [tilespmem:s11+$0xD580];
	_ =	sdelay $0x4  }
0x19b: {  	[tilespmem:s3+$0x11C00] =	vst.msk @!p0 vm1, v4  }
0x19c: {  	v4 =	vld @!p0 [tilespmem:s11+$0xDF80];
	_ =	sdelay $0x4  }
0x19d: {  	[tilespmem:s3+$0x14E80] =	vst.msk @!p0 vm1, v4  }
0x19e: {  	v4 =	vld [tilespmem:s18+$0xCB90];
	_ =	sdelay $0x7  }
0x19f: {  	v4 =	vld.idx.msk [tilespmem:v4+s1+$0x0], $0xffff;
	_ =	sdelay $0x4  }
0x1a0: {  	vm1 =	vgt.s32 v4, $0xFFFFFFFF  }
0x1a1: {  	v5 =	vsel vm1, $0x1, v3  }
0x1a2: {  	(xrf0) =	vadd.scan.msk.s32 $0xffff, v5;
	_ =	sdelay $0x5  }
0x1a3: {  	v5, _, _ =	vpop (xrf0)  }
0x1a4: {  	(v2sf) =	vpush v5, $0xF;
	_ =	sdelay $0xe  }
0x1a5: {  	s28 =	spop (v2sf)  }
0x1a6: {  	p1 =	slt.s32 s28, $0x1  }
0x1a7: {  	s8 =	sadd.s32 $0x0, s9;
	vm1 =	vgt.s32 @!p1 v4, $0xFFFFFFFF  }
0x1a8: {  	s11 =	simm.s32 @!p1 $0x0;
	[tilespmem:s8+$0xE980] =	vst.msk @!p1 vm1, v4  }
0x1a9: {  	v4 =	vld @!p1 [tilespmem:s11+$0xD590];
	_ =	sdelay $0x4  }
0x1aa: {  	[tilespmem:s8+$0x11C00] =	vst.msk @!p1 vm1, v4  }
0x1ab: {  	s13 =	simm.s32 $0x80;
	s9 =	simm.s32 $0x100;
	s3 =	sadd.s32 s8, s28;
	v4 =	vld @!p1 [tilespmem:s11+$0xDF90]  }
.LBB2_6:
0x1ac: {  	_ =	sdelay $0x3  }
0x1ad: {  	s11 =	sshra.s32 s13, $0x2;
	s14 =	smov.u32 s9;
	s9 =	sadd.s32 $0x80, s9;
	[tilespmem:s8+$0x14E80] =	vst.msk @!p1 vm1, v4  }
0x1ae: {  	p0 =	sne.s32 s9, $0x1C00;
	v4 =	vld [tilespmem:s11+$0xCB80];
	_ =	sdelay $0x7  }
0x1af: {  	v4 =	vld.idx.msk [tilespmem:v4+s1+$0x0], $0xffff;
	_ =	sdelay $0x5  }
0x1b0: {  	vm1 =	vgt.s32 v4, $0xFFFFFFFF  }
0x1b1: {  	v5 =	vsel vm1, $0x1, v3  }
0x1b2: {  	(xrf0) =	vadd.scan.msk.s32 $0xffff, v5;
	_ =	sdelay $0x5  }
0x1b3: {  	v5, _, _ =	vpop (xrf0)  }
0x1b4: {  	(v2sf) =	vpush v5, $0xF;
	_ =	sdelay $0xe  }
0x1b5: {  	s8 =	spop (v2sf)  }
0x1b6: {  	p1 =	slt.s32 s8, $0x1  }
0x1b7: {  	vm1 =	vgt.s32 @!p1 v4, $0xFFFFFFFF  }
0x1b8: {  	s18 =	sshra.s32 @!p1 s13, $0x2;
	[tilespmem:s3+$0xE980] =	vst.msk @!p1 vm1, v4  }
0x1b9: {  	v4 =	vld @!p1 [tilespmem:s18+$0xD580];
	_ =	sdelay $0x4  }
0x1ba: {  	[tilespmem:s3+$0x11C00] =	vst.msk @!p1 vm1, v4  }
0x1bb: {  	v4 =	vld @!p1 [tilespmem:s18+$0xDF80];
	_ =	sdelay $0x4  }
0x1bc: {  	[tilespmem:s3+$0x14E80] =	vst.msk @!p1 vm1, v4  }
0x1bd: {  	v4 =	vld [tilespmem:s11+$0xCB90];
	_ =	sdelay $0x7  }
0x1be: {  	v4 =	vld.idx.msk [tilespmem:v4+s1+$0x0], $0xffff;
	_ =	sdelay $0x5  }
0x1bf: {  	vm1 =	vgt.s32 v4, $0xFFFFFFFF  }
0x1c0: {  	v5 =	vsel vm1, $0x1, v3  }
0x1c1: {  	(xrf0) =	vadd.scan.msk.s32 $0xffff, v5;
	_ =	sdelay $0x5  }
0x1c2: {  	v5, _, _ =	vpop (xrf0)  }
0x1c3: {  	(v2sf) =	vpush v5, $0xF;
	_ =	sdelay $0xe  }
0x1c4: {  	s8 =	sadd.s32 s3, s8;
	s3 =	spop (v2sf)  }
0x1c5: {  	p1 =	slt.s32 s3, $0x1;
	s3 =	sadd.s32 s8, s3  }
0x1c6: {  	vm1 =	vgt.s32 @!p1 v4, $0xFFFFFFFF  }
0x1c7: {  	s11 =	sshra.s32 @!p1 s13, $0x2;
	s13 =	smov.u32 s14;
	[tilespmem:s8+$0xE980] =	vst.msk @!p1 vm1, v4  }
0x1c8: {  	v4 =	vld @!p1 [tilespmem:s11+$0xD590];
	_ =	sdelay $0x1  }
.Ltmp4:
0x1c9: {  	(pc) =	sbr.rel @p0 .LBB2_6-.Ltmp4, $3  }
0x1ca: {  	_ =	sdelay $0x1  }
0x1cb: {  	[tilespmem:s8+$0x11C00] =	vst.msk @!p1 vm1, v4  }
0x1cc: {  	v4 =	vld @!p1 [tilespmem:s11+$0xDF90]  }
0x1cd: {  	_ =	sdelay $0x3  }
0x1ce: {  	s9 =	sshra.s32 s13, $0x2;
	[tilespmem:s8+$0x14E80] =	vst.msk @!p1 vm1, v4  }
0x1cf: {  	v4 =	vld [tilespmem:s9+$0xCB80];
	_ =	sdelay $0x7  }
0x1d0: {  	v4 =	vld.idx.msk [tilespmem:v4+s1+$0x0], $0xffff;
	_ =	sdelay $0x4  }
0x1d1: {  	vm1 =	vgt.s32 v4, $0xFFFFFFFF  }
0x1d2: {  	v5 =	vsel vm1, $0x1, v3  }
0x1d3: {  	(xrf0) =	vadd.scan.msk.s32 $0xffff, v5;
	_ =	sdelay $0x5  }
0x1d4: {  	v5, _, _ =	vpop (xrf0)  }
0x1d5: {  	(v2sf) =	vpush v5, $0xF;
	_ =	sdelay $0xe  }
0x1d6: {  	s0 =	spop (v2sf)  }
0x1d7: {  	p0 =	slt.s32 s0, $0x1  }
0x1d8: {  	vm1 =	vgt.s32 @!p0 v4, $0xFFFFFFFF  }
0x1d9: {  	s11 =	sshra.s32 @!p0 s13, $0x2;
	[tilespmem:s3+$0xE980] =	vst.msk @!p0 vm1, v4  }
0x1da: {  	v4 =	vld @!p0 [tilespmem:s11+$0xD580];
	_ =	sdelay $0x4  }
0x1db: {  	[tilespmem:s3+$0x11C00] =	vst.msk @!p0 vm1, v4  }
0x1dc: {  	v4 =	vld @!p0 [tilespmem:s11+$0xDF80];
	_ =	sdelay $0x4  }
0x1dd: {  	[tilespmem:s3+$0x14E80] =	vst.msk @!p0 vm1, v4  }
0x1de: {  	v4 =	vld [tilespmem:s9+$0xCB90];
	_ =	sdelay $0x7  }
0x1df: {  	v4 =	vld.idx.msk [tilespmem:v4+s1+$0x0], $0xffff;
	_ =	sdelay $0x4  }
0x1e0: {  	vm1 =	vgt.s32 v4, $0xFFFFFFFF  }
0x1e1: {  	v5 =	vsel vm1, $0x1, v3  }
0x1e2: {  	(xrf0) =	vadd.scan.msk.s32 $0xffff, v5;
	_ =	sdelay $0x5  }
0x1e3: {  	v5, _, _ =	vpop (xrf0)  }
0x1e4: {  	(v2sf) =	vpush v5, $0xF;
	_ =	sdelay $0xe  }
0x1e5: {  	s9 =	spop (v2sf)  }
0x1e6: {  	p0 =	slt.s32 s9, $0x1  }
0x1e7: {  	s3 =	sadd.s32 s3, s0;
	vm1 =	vgt.s32 @!p0 v4, $0xFFFFFFFF  }
0x1e8: {  	s8 =	sshra.s32 @!p0 s13, $0x2;
	[tilespmem:s3+$0xE980] =	vst.msk @!p0 vm1, v4  }
0x1e9: {  	v4 =	vld @!p0 [tilespmem:s8+$0xD590];
	_ =	sdelay $0x4  }
0x1ea: {  	[tilespmem:s3+$0x11C00] =	vst.msk @!p0 vm1, v4  }
0x1eb: {  	v4 =	vld @!p0 [tilespmem:s8+$0xDF90];
	_ =	sdelay $0x2  }
0x1ec: {  	s0 =	sld [smem:$0x7F2];
	_ =	sdelay $0x1  }
0x1ed: {  	s11 =	simm.s32 $0x0;
	[tilespmem:s3+$0x14E80] =	vst.msk @!p0 vm1, v4  }
0x1ee: {  	[tilespmem:s5], [sflag:$0x1] =	stream.linear.gather [hbm4b:s0+s11], $0x700, $0x38;
	[tilespmem:$0x1D180] =	vst v63  }
0x1ef: {  	_ =	swait.ge [sflag:s7], $0x700  }
0x1f0: {  	s13 =	sld [smem:$0x7F3]  }
0x1f1: {  	[sflag:s7] =	ssyncset.done $0x0  }
0x1f2: {  	[sflag:s7] =	ssyncadd.s32 $0xFFFFF900  }
0x1f3: {  	[tilespmem:s15], [sflag:$0x1] =	stream.linear.gather [hbm4b:s13+s11], $0x700, $0x38;
	[tilespmem:$0x1D180] =	vst v63  }
0x1f4: {  	_ =	swait.ge [sflag:s7], $0x700  }
0x1f5: {  	s14 =	sld [smem:$0x7F4]  }
0x1f6: {  	[sflag:s7] =	ssyncset.done $0x0  }
0x1f7: {  	[sflag:s7] =	ssyncadd.s32 $0xFFFFF900  }
0x1f8: {  	[tilespmem:s16], [sflag:$0x1] =	stream.linear.gather [hbm4b:s14+s11], $0x700, $0x38;
	[tilespmem:$0x1D180] =	vst v63  }
0x1f9: {  	_ =	swait.ge [sflag:s7], $0x700  }
0x1fa: {  	[sflag:s7] =	ssyncset.done $0x0  }
0x1fb: {  	s18 =	simm.s32 $0x0;
	[sflag:s7] =	ssyncadd.s32 $0xFFFFF900  }
0x1fc: {  	v4 =	vld [tilespmem:s18+$0xCB80];
	_ =	sdelay $0x7  }
0x1fd: {  	v4 =	vld.idx.msk [tilespmem:v4+s1+$0x0], $0xffff;
	_ =	sdelay $0x4  }
0x1fe: {  	vm1 =	vgt.s32 v4, $0xFFFFFFFF  }
0x1ff: {  	v5 =	vsel vm1, $0x1, v3  }
0x200: {  	(xrf0) =	vadd.scan.msk.s32 $0xffff, v5;
	_ =	sdelay $0x5  }
0x201: {  	v5, _, _ =	vpop (xrf0)  }
0x202: {  	(v2sf) =	vpush v5, $0xF;
	_ =	sdelay $0xe  }
0x203: {  	s28 =	spop (v2sf)  }
0x204: {  	p0 =	slt.s32 s28, $0x1  }
0x205: {  	s3 =	sadd.s32 s3, s9;
	vm1 =	vgt.s32 @!p0 v4, $0xFFFFFFFF  }
0x206: {  	s9 =	simm.s32 @!p0 $0x0;
	[tilespmem:s3+$0xE980] =	vst.msk @!p0 vm1, v4  }
0x207: {  	v4 =	vld @!p0 [tilespmem:s9+$0xD580];
	_ =	sdelay $0x4  }
0x208: {  	[tilespmem:s3+$0x11C00] =	vst.msk @!p0 vm1, v4  }
0x209: {  	v4 =	vld @!p0 [tilespmem:s9+$0xDF80];
	_ =	sdelay $0x4  }
0x20a: {  	[tilespmem:s3+$0x14E80] =	vst.msk @!p0 vm1, v4  }
0x20b: {  	v4 =	vld [tilespmem:s18+$0xCB90];
	_ =	sdelay $0x7  }
0x20c: {  	v4 =	vld.idx.msk [tilespmem:v4+s1+$0x0], $0xffff;
	_ =	sdelay $0x4  }
0x20d: {  	vm1 =	vgt.s32 v4, $0xFFFFFFFF  }
0x20e: {  	v5 =	vsel vm1, $0x1, v3  }
0x20f: {  	(xrf0) =	vadd.scan.msk.s32 $0xffff, v5;
	_ =	sdelay $0x5  }
0x210: {  	v5, _, _ =	vpop (xrf0)  }
0x211: {  	(v2sf) =	vpush v5, $0xF;
	_ =	sdelay $0xe  }
0x212: {  	s14 =	spop (v2sf)  }
0x213: {  	p1 =	slt.s32 s14, $0x1  }
0x214: {  	s8 =	sadd.s32 s3, s28;
	vm1 =	vgt.s32 @!p1 v4, $0xFFFFFFFF  }
0x215: {  	s11 =	simm.s32 @!p1 $0x0;
	[tilespmem:s8+$0xE980] =	vst.msk @!p1 vm1, v4  }
0x216: {  	v4 =	vld @!p1 [tilespmem:s11+$0xD590];
	_ =	sdelay $0x4  }
0x217: {  	[tilespmem:s8+$0x11C00] =	vst.msk @!p1 vm1, v4  }
0x218: {  	s13 =	simm.s32 $0x80;
	s9 =	simm.s32 $0x100;
	s3 =	sadd.s32 s8, s14;
	v4 =	vld @!p1 [tilespmem:s11+$0xDF90]  }
.LBB2_8:
0x219: {  	_ =	sdelay $0x3  }
0x21a: {  	s11 =	sshra.s32 s13, $0x2;
	s14 =	smov.u32 s9;
	s9 =	sadd.s32 $0x80, s9;
	[tilespmem:s8+$0x14E80] =	vst.msk @!p1 vm1, v4  }
0x21b: {  	p0 =	sne.s32 s9, $0x1C00;
	v4 =	vld [tilespmem:s11+$0xCB80];
	_ =	sdelay $0x7  }
0x21c: {  	v4 =	vld.idx.msk [tilespmem:v4+s1+$0x0], $0xffff;
	_ =	sdelay $0x5  }
0x21d: {  	vm1 =	vgt.s32 v4, $0xFFFFFFFF  }
0x21e: {  	v5 =	vsel vm1, $0x1, v3  }
0x21f: {  	(xrf0) =	vadd.scan.msk.s32 $0xffff, v5;
	_ =	sdelay $0x5  }
0x220: {  	v5, _, _ =	vpop (xrf0)  }
0x221: {  	(v2sf) =	vpush v5, $0xF;
	_ =	sdelay $0xe  }
0x222: {  	s8 =	spop (v2sf)  }
0x223: {  	p1 =	slt.s32 s8, $0x1  }
0x224: {  	vm1 =	vgt.s32 @!p1 v4, $0xFFFFFFFF  }
0x225: {  	s18 =	sshra.s32 @!p1 s13, $0x2;
	[tilespmem:s3+$0xE980] =	vst.msk @!p1 vm1, v4  }
0x226: {  	v4 =	vld @!p1 [tilespmem:s18+$0xD580];
	_ =	sdelay $0x4  }
0x227: {  	[tilespmem:s3+$0x11C00] =	vst.msk @!p1 vm1, v4  }
0x228: {  	v4 =	vld @!p1 [tilespmem:s18+$0xDF80];
	_ =	sdelay $0x4  }
0x229: {  	[tilespmem:s3+$0x14E80] =	vst.msk @!p1 vm1, v4  }
0x22a: {  	v4 =	vld [tilespmem:s11+$0xCB90];
	_ =	sdelay $0x7  }
0x22b: {  	v4 =	vld.idx.msk [tilespmem:v4+s1+$0x0], $0xffff;
	_ =	sdelay $0x5  }
0x22c: {  	vm1 =	vgt.s32 v4, $0xFFFFFFFF  }
0x22d: {  	v5 =	vsel vm1, $0x1, v3  }
0x22e: {  	(xrf0) =	vadd.scan.msk.s32 $0xffff, v5;
	_ =	sdelay $0x5  }
0x22f: {  	v5, _, _ =	vpop (xrf0)  }
0x230: {  	(v2sf) =	vpush v5, $0xF;
	_ =	sdelay $0xe  }
0x231: {  	s8 =	sadd.s32 s3, s8;
	s3 =	spop (v2sf)  }
0x232: {  	p1 =	slt.s32 s3, $0x1;
	s3 =	sadd.s32 s8, s3  }
0x233: {  	vm1 =	vgt.s32 @!p1 v4, $0xFFFFFFFF  }
0x234: {  	s11 =	sshra.s32 @!p1 s13, $0x2;
	s13 =	smov.u32 s14;
	[tilespmem:s8+$0xE980] =	vst.msk @!p1 vm1, v4  }
0x235: {  	v4 =	vld @!p1 [tilespmem:s11+$0xD590];
	_ =	sdelay $0x1  }
.Ltmp5:
0x236: {  	(pc) =	sbr.rel @p0 .LBB2_8-.Ltmp5, $3  }
0x237: {  	_ =	sdelay $0x1  }
0x238: {  	[tilespmem:s8+$0x11C00] =	vst.msk @!p1 vm1, v4  }
0x239: {  	v4 =	vld @!p1 [tilespmem:s11+$0xDF90]  }
0x23a: {  	_ =	sdelay $0x3  }
0x23b: {  	s9 =	sshra.s32 s13, $0x2;
	[tilespmem:s8+$0x14E80] =	vst.msk @!p1 vm1, v4  }
0x23c: {  	v4 =	vld [tilespmem:s9+$0xCB80];
	_ =	sdelay $0x7  }
0x23d: {  	v4 =	vld.idx.msk [tilespmem:v4+s1+$0x0], $0xffff;
	_ =	sdelay $0x4  }
0x23e: {  	vm1 =	vgt.s32 v4, $0xFFFFFFFF  }
0x23f: {  	v5 =	vsel vm1, $0x1, v3  }
0x240: {  	(xrf0) =	vadd.scan.msk.s32 $0xffff, v5;
	_ =	sdelay $0x5  }
0x241: {  	v5, _, _ =	vpop (xrf0)  }
0x242: {  	(v2sf) =	vpush v5, $0xF;
	_ =	sdelay $0xe  }
0x243: {  	s18 =	spop (v2sf)  }
0x244: {  	p0 =	slt.s32 s18, $0x1  }
0x245: {  	vm1 =	vgt.s32 @!p0 v4, $0xFFFFFFFF  }
0x246: {  	s11 =	sshra.s32 @!p0 s13, $0x2;
	[tilespmem:s3+$0xE980] =	vst.msk @!p0 vm1, v4  }
0x247: {  	v4 =	vld @!p0 [tilespmem:s11+$0xD580];
	_ =	sdelay $0x4  }
0x248: {  	[tilespmem:s3+$0x11C00] =	vst.msk @!p0 vm1, v4  }
0x249: {  	v4 =	vld @!p0 [tilespmem:s11+$0xDF80];
	_ =	sdelay $0x4  }
0x24a: {  	[tilespmem:s3+$0x14E80] =	vst.msk @!p0 vm1, v4  }
0x24b: {  	v4 =	vld [tilespmem:s9+$0xCB90];
	_ =	sdelay $0x7  }
0x24c: {  	v4 =	vld.idx.msk [tilespmem:v4+s1+$0x0], $0xffff;
	_ =	sdelay $0x4  }
0x24d: {  	vm1 =	vgt.s32 v4, $0xFFFFFFFF  }
0x24e: {  	v5 =	vsel vm1, $0x1, v3  }
0x24f: {  	(xrf0) =	vadd.scan.msk.s32 $0xffff, v5;
	_ =	sdelay $0x5  }
0x250: {  	v5, _, _ =	vpop (xrf0)  }
0x251: {  	(v2sf) =	vpush v5, $0xF;
	_ =	sdelay $0xe  }
0x252: {  	s28 =	spop (v2sf)  }
0x253: {  	p0 =	slt.s32 s28, $0x1  }
0x254: {  	s3 =	sadd.s32 s3, s18;
	vm1 =	vgt.s32 @!p0 v4, $0xFFFFFFFF  }
0x255: {  	s8 =	sshra.s32 @!p0 s13, $0x2;
	[tilespmem:s3+$0xE980] =	vst.msk @!p0 vm1, v4  }
0x256: {  	v4 =	vld @!p0 [tilespmem:s8+$0xD590];
	_ =	sdelay $0x3  }
0x257: {  	s9 =	sadd.s32 s3, s28  }
0x258: {  	s0 =	sadd.s32 $0xF, s9;
	[tilespmem:s3+$0x11C00] =	vst.msk @!p0 vm1, v4  }
0x259: {  	s13 =	sand.u32 $0xF, s0;
	v4 =	vld @!p0 [tilespmem:s8+$0xDF90]  }
0x25a: {  	s14 =	sshra.s32 s0, $0x1F;
	p6 =	slt.s32 s0, $0x1;
	p2 =	sne.s32 s13, $0x0  }
0x25b: {  	s18 =	sshrl.u32 s14, $0x1C;
	p1 =	por !p6, !p2  }
0x25c: {  	s11 =	simm.s32 $0x1;
	p1 =	por !p1, !p1;
	s8 =	sadd.s32 s18, s0  }
0x25d: {  	s11 =	simm.s32 @!p1 $0x0;
	s28 =	sshra.s32 s8, $0x4  }
0x25e: {  	[tilespmem:s3+$0x14E80] =	vst.msk @!p0 vm1, v4;
	s3 =	ssub.s32 s28, s11  }
0x25f: {  	p0 =	slt.s32 s3, $0x1  }
.Ltmp6:
0x260: {  	_ = 	snop;
	(pc) =	sbr.rel @p0 .LBB2_13-.Ltmp6, $4  }
0x261: {  	_ = 	snop  }
0x262: {  	[tilespmem:s9+$0xE980] =	vst v3  }
0x263: {  	[tilespmem:s9+$0x11C00] =	vst v3  }
0x264: {  	s11 =	simm.s32 $0x0;
	[tilespmem:s9+$0x14E80] =	vst v0;
	s9 =	simm.s32 $0x0  }
.LBB2_10:
0x265: {  	s8 =	sshll.u32 s11, $0x4  }
0x266: {  	v5 =	vld [tilespmem:s8+$0x11C00];
	_ =	sdelay $0x1  }
0x267: {  	v6 =	vld [tilespmem:s8+$0x14E80];
	_ =	sdelay $0x4  }
0x268: {  	v4 =	vld [tilespmem:s8+$0xE980];
	[tilespmem:$0x19100] =	vst v6  }
0x269: {  	[tilespmem:s4], [sflag:$0x1] =	stream.indirect_vreg.gather [hbm4b:s23+s9], $0x80, v5, vm0, $0xb8;
	[tilespmem:$0x1D180] =	vst v63  }
0x26a: {  	_ =	swait.ge [sflag:s7], $0x800  }
0x26b: {  	v5 =	vmov s9;
	[sflag:s7] =	ssyncset.done $0x0  }
0x26c: {  	s13 =	simm.s32 $0x18140;
	[sflag:s7] =	ssyncadd.s32 $0xFFFFF800  }
0x26d: {  	v9 =	vld [tilespmem:s13+$0x30]  }
0x26e: {  	v12 =	vld [tilespmem:s13+$0x10]  }
0x26f: {  	v10 =	vld [tilespmem:s13+$0xFFFFFFC0]  }
0x270: {  	v6 =	vld.idx.msk [tilespmem:v5+s17+$0x0], $0xffff  }
0x271: {  	v14 =	vld [tilespmem:s13+$0xFFFFFFE0]  }
0x272: {  	v7 =	vld [tilespmem:s13+$0x20]  }
0x273: {  	v8 =	vld [tilespmem:s13+$0xFFFFFFD0]  }
0x274: {  	v5 =	vld [tilespmem:s13+$0xFFFFFFF0]  }
0x275: {  	v13 =	vmul.f32 v9, v6;
	v9 =	vld [tilespmem:s13+$0x0]  }
0x276: {  	v11 =	vmul.f32 v10, v6  }
0x277: {  	s14 =	simm.s32 $0x18140;
	s8 =	simm.s32 $0x1;
	v10 =	vmul.f32 v14, v6;
	v12 =	vmul.f32 v12, v6  }
.LBB2_11:
0x278: {  	p0 =	sne.s32 s8, $0xF  }
0x279: {  	v8 =	vmul.f32 v8, v6;
	v7 =	vmul.f32 v7, v6;
	[tilespmem:s13+$0x30] =	vst v13;
	s14 =	sadd.s32 $0x80, s14;
	s18 =	smov.u32 s8;
	s8 =	sadd.s32 $0x1, s8  }
0x27a: {  	[tilespmem:s13+$0xFFFFFFC0] =	vst v11;
	v11 =	vmul.f32 v5, v6;
	v6 =	vmul.f32 v9, v6  }
0x27b: {  	[tilespmem:s13+$0x10] =	vst v12  }
0x27c: {  	v9 =	vmov s18;
	[tilespmem:s13+$0xFFFFFFE0] =	vst v10  }
0x27d: {  	v5 =	vld [tilespmem:s14+$0xFFFFFFF0];
	[tilespmem:s13+$0xFFFFFFF0] =	vst v11  }
0x27e: {  	v10 =	vld [tilespmem:s14+$0x30];
	[tilespmem:s13+$0x0] =	vst v6  }
0x27f: {  	v12 =	vld [tilespmem:s14+$0x10];
	[tilespmem:s13+$0x20] =	vst v7  }
0x280: {  	v11 =	vld [tilespmem:s14+$0xFFFFFFC0];
	[tilespmem:s13+$0xFFFFFFD0] =	vst v8;
	s13 =	smov.u32 s14  }
0x281: {  	v6 =	vld.idx.msk [tilespmem:v9+s17+$0x0], $0xffff  }
0x282: {  	v14 =	vld [tilespmem:s14+$0xFFFFFFE0]  }
0x283: {  	v7 =	vld [tilespmem:s14+$0x20]  }
.Ltmp7:
0x284: {  	v8 =	vld [tilespmem:s14+$0xFFFFFFD0];
	(pc) =	sbr.rel @p0 .LBB2_11-.Ltmp7, $3  }
0x285: {  	v9 =	vld [tilespmem:s14+$0x0];
	_ =	sdelay $0x1  }
0x286: {  	v11 =	vmul.f32 v11, v6;
	v13 =	vmul.f32 v10, v6  }
0x287: {  	v12 =	vmul.f32 v12, v6;
	v10 =	vmul.f32 v14, v6  }
0x288: {  	[tilespmem:s13+$0x30] =	vst v13  }
0x289: {  	[tilespmem:s13+$0xFFFFFFC0] =	vst v11  }
0x28a: {  	v5 =	vmul.f32 v5, v6;
	[tilespmem:s13+$0x10] =	vst v12  }
0x28b: {  	v7 =	vmul.f32 v7, v6;
	[tilespmem:s13+$0xFFFFFFE0] =	vst v10  }
0x28c: {  	v9 =	vmul.f32 v9, v6;
	[tilespmem:s13+$0xFFFFFFF0] =	vst v5  }
0x28d: {  	s11 =	sadd.s32 $0x1, s11;
	v5 =	vmul.f32 v8, v6;
	[tilespmem:s13+$0x20] =	vst v7  }
0x28e: {  	p0 =	sne.s32 s11, s3;
	[tilespmem:s13+$0x0] =	vst v9  }
.Ltmp8:
0x28f: {  	[tilespmem:s13+$0xFFFFFFD0] =	vst v5;
	(pc) =	sbr.rel @p0 .LBB2_10-.Ltmp8, $4  }
0x290: {  	[spmem:s10] =	stream.indirect_vreg.scatter.add.f32 [tilespmem:s4], [sflag:$0x1], $0x80, v4, vm0, $0xb8;
	[tilespmem:$0x1D180] =	vst v63  }
0x291: {  	_ =	swait.ge [sflag:s7], $0x800  }
0x292: {  	[sflag:s7] =	ssyncset.done $0x0  }
0x293: {  	[sflag:s7] =	ssyncadd.s32 $0xFFFFF800  }
.LBB2_13:
0x294: {  	[bflag:$0x0] =	sbarrier.arrive $0xFFFF  }
0x295: {  	v4 =	vld [tilespmem:s19+$0xC380];
	_ =	sdelay $0x6  }
0x296: {  	s3 =	simm.s32 $0x0  }
0x297: {  	v4 =	vld.idx.msk [tilespmem:v4+s3+$0x0], $0xffff;
	_ =	sdelay $0x7  }
0x298: {  	[tilespmem:s4], [sflag:$0x1] =	stream.indirect_vreg.gather [spmem:s10], $0x80, v4, vm0, $0xb8;
	[tilespmem:$0x1D180] =	vst v63  }
0x299: {  	_ =	swait.ge [sflag:s7], $0x800  }
0x29a: {  	[sflag:s7] =	ssyncset.done $0x0  }
0x29b: {  	s0 =	rddreg [dreg:$0x15];
	[sflag:s7] =	ssyncadd.s32 $0xFFFFF800  }
0x29c: {  	[hbm4b:s0+s3] =	stream.linear.scatter [tilespmem:s4], [sflag:$0x1], $0x800, $0x38;
	[tilespmem:$0x1D180] =	vst v63  }
0x29d: {  	_ =	swait.ge [sflag:s7], $0x800  }
0x29e: {  	[sflag:s7] =	ssyncset.done $0x0  }
0x29f: {  	s9 =	rddreg [dreg:$0xf];
	[sflag:s7] =	ssyncadd.s32 $0xFFFFF800  }
0x2a0: {  	v4 =	vld [tilespmem:s9+$0xC380];
	_ =	sdelay $0x7  }
0x2a1: {  	v4 =	vld.idx.msk [tilespmem:v4+s3+$0x0], $0xffff;
	_ =	sdelay $0x7  }
0x2a2: {  	[tilespmem:s4], [sflag:$0x1] =	stream.indirect_vreg.gather [spmem:s10], $0x80, v4, vm0, $0xb8;
	[tilespmem:$0x1D180] =	vst v63  }
0x2a3: {  	_ =	swait.ge [sflag:s7], $0x800  }
0x2a4: {  	[sflag:s7] =	ssyncset.done $0x0  }
0x2a5: {  	s11 =	rddreg [dreg:$0x16];
	[sflag:s7] =	ssyncadd.s32 $0xFFFFF800  }
0x2a6: {  	[hbm4b:s11+s3] =	stream.linear.scatter [tilespmem:s4], [sflag:$0x1], $0x800, $0x38;
	[tilespmem:$0x1D180] =	vst v63  }
0x2a7: {  	_ =	swait.ge [sflag:s7], $0x800  }
0x2a8: {  	[sflag:s7] =	ssyncset.done $0x0  }
0x2a9: {  	s13 =	rddreg [dreg:$0x10];
	[sflag:s7] =	ssyncadd.s32 $0xFFFFF800  }
0x2aa: {  	v4 =	vld [tilespmem:s13+$0xC380];
	_ =	sdelay $0x7  }
0x2ab: {  	v4 =	vld.idx.msk [tilespmem:v4+s3+$0x0], $0xffff;
	_ =	sdelay $0x7  }
0x2ac: {  	[tilespmem:s4], [sflag:$0x1] =	stream.indirect_vreg.gather [spmem:s10], $0x80, v4, vm0, $0xb8;
	[tilespmem:$0x1D180] =	vst v63  }
0x2ad: {  	_ =	swait.ge [sflag:s7], $0x800  }
0x2ae: {  	[sflag:s7] =	ssyncset.done $0x0  }
0x2af: {  	s14 =	rddreg [dreg:$0x17];
	[sflag:s7] =	ssyncadd.s32 $0xFFFFF800  }
0x2b0: {  	[hbm4b:s14+s3] =	stream.linear.scatter [tilespmem:s4], [sflag:$0x1], $0x800, $0x38;
	[tilespmem:$0x1D180] =	vst v63  }
0x2b1: {  	_ =	swait.ge [sflag:s7], $0x800  }
0x2b2: {  	[sflag:s7] =	ssyncset.done $0x0  }
0x2b3: {  	s18 =	rddreg [dreg:$0x11];
	[sflag:s7] =	ssyncadd.s32 $0xFFFFF800  }
0x2b4: {  	v4 =	vld [tilespmem:s18+$0xC380];
	_ =	sdelay $0x7  }
0x2b5: {  	v4 =	vld.idx.msk [tilespmem:v4+s3+$0x0], $0xffff;
	_ =	sdelay $0x7  }
0x2b6: {  	[tilespmem:s4], [sflag:$0x1] =	stream.indirect_vreg.gather [spmem:s10], $0x80, v4, vm0, $0xb8;
	[tilespmem:$0x1D180] =	vst v63  }
0x2b7: {  	_ =	swait.ge [sflag:s7], $0x800  }
0x2b8: {  	[sflag:s7] =	ssyncset.done $0x0  }
0x2b9: {  	s28 =	rddreg [dreg:$0x18];
	[sflag:s7] =	ssyncadd.s32 $0xFFFFF800  }
0x2ba: {  	[hbm4b:s28+s3] =	stream.linear.scatter [tilespmem:s4], [sflag:$0x1], $0x800, $0x38;
	[tilespmem:$0x1D180] =	vst v63  }
0x2bb: {  	_ =	swait.ge [sflag:s7], $0x800  }
0x2bc: {  	[sflag:s7] =	ssyncset.done $0x0  }
0x2bd: {  	s8 =	simm.s32 $0x0;
	s9 =	simm.s32 $0x100;
	[sflag:s7] =	ssyncadd.s32 $0xFFFFF800  }
.LBB2_14:
0x2be: {  	p0 =	sne.s32 s9, $0x18600;
	[tilespmem:s8+$0x30] =	vst v1;
	s11 =	smov.u32 s9;
	s9 =	sadd.s32 $0x100, s9  }
.Ltmp9:
0x2bf: {  	[tilespmem:s8+$0x20] =	vst v1;
	(pc) =	sbr.rel @p0 .LBB2_14-.Ltmp9, $3  }
0x2c0: {  	[tilespmem:s8+$0x0] =	vst v1  }
0x2c1: {  	[tilespmem:s8+$0x10] =	vst v1;
	_ =	sdelay $0x1  }
0x2c2: {  	s8 =	sshra.s32 s11, $0x2  }
0x2c3: {  	[tilespmem:s8+$0x30] =	vst v1  }
0x2c4: {  	[tilespmem:s8+$0x20] =	vst v1  }
0x2c5: {  	[tilespmem:s8+$0x0] =	vst v1  }
0x2c6: {  	[tilespmem:s8+$0x10] =	vst v1;
	s9 =	sand.u32 $0x3F0, s3;
	s8 =	simm.s32 $0x10  }
.LBB2_16:
0x2c7: {  	p0 =	sne.s32 s8, $0x3F0;
	v4 =	vld [tilespmem:s9+$0xC780];
	_ =	sdelay $0x3  }
.Ltmp10:
0x2c8: {  	(pc) =	sbr.rel @p0 .LBB2_16-.Ltmp10, $3  }
0x2c9: {  	_ =	sdelay $0x1  }
0x2ca: {  	v5 =	vor.u32 s3, v2;
	s3 =	smov.u32 s8  }
0x2cb: {  	s8 =	sadd.s32 $0x10, s8;
	s9 =	sand.u32 $0x3F0, s3;
	[tilespmem:v4+s1+$0x0] =	vst.idx.msk $0xffff, v5  }
0x2cc: {  	v4 =	vld [tilespmem:s9+$0xC780];
	_ =	sdelay $0x6  }
0x2cd: {  	v5 =	vor.u32 s3, v2  }
0x2ce: {  	[tilespmem:v4+s1+$0x0] =	vst.idx.msk $0xffff, v5  }
0x2cf: {  	[bflag:$0x0] =	sbarrier.arrive $0xFFFF  }
0x2d0: {  	s0 =	sld [smem:$0x7FC];
	_ =	sdelay $0x2  }
0x2d1: {  	[spmem:s0] =	stream.linear.scatter [tilespmem:s2], [sflag:$0x1], $0x800, $0x38;
	[tilespmem:$0x1D180] =	vst v63  }
0x2d2: {  	_ =	swait.ge [sflag:s7], $0x800  }
0x2d3: {  	s8 =	sld [smem:$0x7F6]  }
0x2d4: {  	[sflag:s7] =	ssyncset.done $0x0  }
0x2d5: {  	[sflag:s7] =	ssyncadd.s32 $0xFFFFF800  }
0x2d6: {  	[spmem:s8] =	stream.linear.scatter [tilespmem:s2], [sflag:$0x1], $0x800, $0x38;
	[tilespmem:$0x1D180] =	vst v63  }
0x2d7: {  	_ =	swait.ge [sflag:s7], $0x800  }
0x2d8: {  	s9 =	sld [smem:$0x7F7]  }
0x2d9: {  	[sflag:s7] =	ssyncset.done $0x0  }
0x2da: {  	[sflag:s7] =	ssyncadd.s32 $0xFFFFF800  }
0x2db: {  	[spmem:s9] =	stream.linear.scatter [tilespmem:s2], [sflag:$0x1], $0x800, $0x38;
	[tilespmem:$0x1D180] =	vst v63  }
0x2dc: {  	_ =	swait.ge [sflag:s7], $0x800  }
0x2dd: {  	s11 =	sld [smem:$0x7F8]  }
0x2de: {  	[sflag:s7] =	ssyncset.done $0x0  }
0x2df: {  	[sflag:s7] =	ssyncadd.s32 $0xFFFFF800  }
0x2e0: {  	[spmem:s11] =	stream.linear.scatter [tilespmem:s2], [sflag:$0x1], $0x800, $0x38;
	[tilespmem:$0x1D180] =	vst v63  }
0x2e1: {  	_ =	swait.ge [sflag:s7], $0x800  }
0x2e2: {  	s13 =	sld [smem:$0x7F9]  }
0x2e3: {  	[sflag:s7] =	ssyncset.done $0x0  }
0x2e4: {  	[sflag:s7] =	ssyncadd.s32 $0xFFFFF800  }
0x2e5: {  	[spmem:s13] =	stream.linear.scatter [tilespmem:s2], [sflag:$0x1], $0x800, $0x38;
	[tilespmem:$0x1D180] =	vst v63  }
0x2e6: {  	_ =	swait.ge [sflag:s7], $0x800  }
0x2e7: {  	s14 =	sld [smem:$0x7FA]  }
0x2e8: {  	[sflag:s7] =	ssyncset.done $0x0  }
0x2e9: {  	[sflag:s7] =	ssyncadd.s32 $0xFFFFF800  }
0x2ea: {  	[spmem:s14] =	stream.linear.scatter [tilespmem:s2], [sflag:$0x1], $0x800, $0x38;
	[tilespmem:$0x1D180] =	vst v63  }
0x2eb: {  	_ =	swait.ge [sflag:s7], $0x800  }
0x2ec: {  	s18 =	sld [smem:$0x7FB]  }
0x2ed: {  	[sflag:s7] =	ssyncset.done $0x0  }
0x2ee: {  	[sflag:s7] =	ssyncadd.s32 $0xFFFFF800  }
0x2ef: {  	[spmem:s18] =	stream.linear.scatter [tilespmem:s2], [sflag:$0x1], $0x800, $0x38;
	[tilespmem:$0x1D180] =	vst v63  }
0x2f0: {  	_ =	swait.ge [sflag:s7], $0x800  }
0x2f1: {  	s28 =	sld [smem:$0x7FD]  }
0x2f2: {  	[sflag:s7] =	ssyncset.done $0x0  }
0x2f3: {  	[sflag:s7] =	ssyncadd.s32 $0xFFFFF800  }
0x2f4: {  	[spmem:s28] =	stream.linear.scatter [tilespmem:s2], [sflag:$0x1], $0x800, $0x38;
	[tilespmem:$0x1D180] =	vst v63  }
0x2f5: {  	_ =	swait.ge [sflag:s7], $0x800  }
0x2f6: {  	[sflag:s7] =	ssyncset.done $0x0  }
0x2f7: {  	p1 =	por $0x1, $0x1;
	s3 =	simm.s32 $0x0;
	[sflag:s7] =	ssyncadd.s32 $0xFFFFF800  }
0x2f8: {  	s8 =	simm.s32 $0x0;
	s13 =	simm.s32 $0x0;
	[bflag:$0x0] =	sbarrier.arrive $0xFFFF  }
.LBB2_18:
0x2f9: {  	s3 =	sor.u32 s22, s3  }
0x2fa: {  	s3 =	smul.u32 $0xE0, s3;
	_ =	sdelay $0x1  }
0x2fb: {  	s9 =	sadd.s32 s29, s3  }
0x2fc: {  	[tilespmem:s5], [sflag:$0x1] =	stream.linear.gather [hbm4b:s9+s13], $0x700, $0x38;
	[tilespmem:$0x1D180] =	vst v63  }
0x2fd: {  	_ =	swait.ge [sflag:s7], $0x700  }
0x2fe: {  	[sflag:s7] =	ssyncset.done $0x0  }
0x2ff: {  	s11 =	sadd.s32 s30, s3;
	[sflag:s7] =	ssyncadd.s32 $0xFFFFF900  }
0x300: {  	[tilespmem:s15], [sflag:$0x1] =	stream.linear.gather [hbm4b:s11+s13], $0x700, $0x38;
	[tilespmem:$0x1D180] =	vst v63  }
0x301: {  	_ =	swait.ge [sflag:s7], $0x700  }
0x302: {  	[sflag:s7] =	ssyncset.done $0x0  }
0x303: {  	s3 =	sadd.s32 s31, s3;
	[sflag:s7] =	ssyncadd.s32 $0xFFFFF900  }
0x304: {  	[tilespmem:s16], [sflag:$0x1] =	stream.linear.gather [hbm4b:s3+s13], $0x700, $0x38;
	[tilespmem:$0x1D180] =	vst v63  }
0x305: {  	_ =	swait.ge [sflag:s7], $0x700  }
0x306: {  	[sflag:s7] =	ssyncset.done $0x0  }
0x307: {  	s14 =	simm.s32 $0x0;
	[sflag:s7] =	ssyncadd.s32 $0xFFFFF900  }
0x308: {  	v4 =	vld [tilespmem:s14+$0xCB80];
	_ =	sdelay $0x7  }
0x309: {  	v4 =	vld.idx.msk [tilespmem:v4+s1+$0x0], $0xffff;
	_ =	sdelay $0x4  }
0x30a: {  	vm1 =	vgt.s32 v4, $0xFFFFFFFF  }
0x30b: {  	v5 =	vsel vm1, $0x1, v3  }
0x30c: {  	(xrf0) =	vadd.scan.msk.s32 $0xffff, v5;
	_ =	sdelay $0x5  }
0x30d: {  	v5, _, _ =	vpop (xrf0)  }
0x30e: {  	(v2sf) =	vpush v5, $0xF;
	_ =	sdelay $0xe  }
0x30f: {  	s18 =	spop (v2sf)  }
0x310: {  	p0 =	slt.s32 s18, $0x1  }
0x311: {  	vm1 =	vgt.s32 @!p0 v4, $0xFFFFFFFF  }
0x312: {  	s11 =	simm.s32 @!p0 $0x0;
	[tilespmem:s8+$0xE980] =	vst.msk @!p0 vm1, v4  }
0x313: {  	v4 =	vld @!p0 [tilespmem:s11+$0xD580];
	_ =	sdelay $0x4  }
0x314: {  	v4 =	vadd.s32 @!p0 $0x61A8, v4  }
0x315: {  	[tilespmem:s8+$0x11C00] =	vst.msk @!p0 vm1, v4  }
0x316: {  	v4 =	vld @!p0 [tilespmem:s11+$0xDF80];
	_ =	sdelay $0x4  }
0x317: {  	[tilespmem:s8+$0x14E80] =	vst.msk @!p0 vm1, v4  }
0x318: {  	v4 =	vld [tilespmem:s14+$0xCB90];
	_ =	sdelay $0x7  }
0x319: {  	v4 =	vld.idx.msk [tilespmem:v4+s1+$0x0], $0xffff;
	_ =	sdelay $0x4  }
0x31a: {  	vm1 =	vgt.s32 v4, $0xFFFFFFFF  }
0x31b: {  	v5 =	vsel vm1, $0x1, v3  }
0x31c: {  	(xrf0) =	vadd.scan.msk.s32 $0xffff, v5;
	_ =	sdelay $0x5  }
0x31d: {  	v5, _, _ =	vpop (xrf0)  }
0x31e: {  	(v2sf) =	vpush v5, $0xF;
	_ =	sdelay $0xe  }
0x31f: {  	s28 =	spop (v2sf)  }
0x320: {  	p2 =	slt.s32 s28, $0x1  }
0x321: {  	s8 =	sadd.s32 s8, s18;
	vm1 =	vgt.s32 @!p2 v4, $0xFFFFFFFF  }
0x322: {  	s11 =	simm.s32 @!p2 $0x0;
	[tilespmem:s8+$0xE980] =	vst.msk @!p2 vm1, v4  }
0x323: {  	v4 =	vld @!p2 [tilespmem:s11+$0xD590];
	_ =	sdelay $0x4  }
0x324: {  	v4 =	vadd.s32 @!p2 $0x61A8, v4  }
0x325: {  	s9 =	simm.s32 $0x100;
	[tilespmem:s8+$0x11C00] =	vst.msk @!p2 vm1, v4  }
0x326: {  	p0 =	por p1, p1;
	s14 =	simm.s32 $0x80;
	s3 =	sadd.s32 s8, s28;
	v4 =	vld @!p2 [tilespmem:s11+$0xDF90]  }
.LBB2_19:
0x327: {  	_ =	sdelay $0x3  }
0x328: {  	s11 =	sshra.s32 s14, $0x2;
	s28 =	smov.u32 s9;
	s9 =	sadd.s32 $0x80, s9;
	[tilespmem:s8+$0x14E80] =	vst.msk @!p2 vm1, v4  }
0x329: {  	p1 =	sne.s32 s9, $0x1C00;
	v4 =	vld [tilespmem:s11+$0xCB80];
	_ =	sdelay $0x7  }
0x32a: {  	v4 =	vld.idx.msk [tilespmem:v4+s1+$0x0], $0xffff;
	_ =	sdelay $0x5  }
0x32b: {  	vm1 =	vgt.s32 v4, $0xFFFFFFFF  }
0x32c: {  	v5 =	vsel vm1, $0x1, v3  }
0x32d: {  	(xrf0) =	vadd.scan.msk.s32 $0xffff, v5;
	_ =	sdelay $0x5  }
0x32e: {  	v5, _, _ =	vpop (xrf0)  }
0x32f: {  	(v2sf) =	vpush v5, $0xF;
	_ =	sdelay $0xe  }
0x330: {  	s8 =	spop (v2sf)  }
0x331: {  	p2 =	slt.s32 s8, $0x1  }
0x332: {  	vm1 =	vgt.s32 @!p2 v4, $0xFFFFFFFF  }
0x333: {  	s18 =	sshra.s32 @!p2 s14, $0x2;
	[tilespmem:s3+$0xE980] =	vst.msk @!p2 vm1, v4  }
0x334: {  	v4 =	vld @!p2 [tilespmem:s18+$0xD580];
	_ =	sdelay $0x4  }
0x335: {  	v4 =	vadd.s32 @!p2 $0x61A8, v4  }
0x336: {  	[tilespmem:s3+$0x11C00] =	vst.msk @!p2 vm1, v4  }
0x337: {  	v4 =	vld @!p2 [tilespmem:s18+$0xDF80];
	_ =	sdelay $0x4  }
0x338: {  	[tilespmem:s3+$0x14E80] =	vst.msk @!p2 vm1, v4  }
0x339: {  	v4 =	vld [tilespmem:s11+$0xCB90];
	_ =	sdelay $0x7  }
0x33a: {  	v4 =	vld.idx.msk [tilespmem:v4+s1+$0x0], $0xffff;
	_ =	sdelay $0x5  }
0x33b: {  	vm1 =	vgt.s32 v4, $0xFFFFFFFF  }
0x33c: {  	v5 =	vsel vm1, $0x1, v3  }
0x33d: {  	(xrf0) =	vadd.scan.msk.s32 $0xffff, v5;
	_ =	sdelay $0x5  }
0x33e: {  	v5, _, _ =	vpop (xrf0)  }
0x33f: {  	(v2sf) =	vpush v5, $0xF;
	_ =	sdelay $0xe  }
0x340: {  	s8 =	sadd.s32 s3, s8;
	s3 =	spop (v2sf)  }
0x341: {  	p2 =	slt.s32 s3, $0x1;
	s3 =	sadd.s32 s8, s3  }
0x342: {  	vm1 =	vgt.s32 @!p2 v4, $0xFFFFFFFF  }
0x343: {  	s11 =	sshra.s32 @!p2 s14, $0x2;
	s14 =	smov.u32 s28;
	[tilespmem:s8+$0xE980] =	vst.msk @!p2 vm1, v4  }
0x344: {  	v4 =	vld @!p2 [tilespmem:s11+$0xD590];
	_ =	sdelay $0x2  }
.Ltmp11:
0x345: {  	(pc) =	sbr.rel @p1 .LBB2_19-.Ltmp11, $4  }
0x346: {  	_ = 	snop  }
0x347: {  	v4 =	vadd.s32 @!p2 $0x61A8, v4  }
0x348: {  	[tilespmem:s8+$0x11C00] =	vst.msk @!p2 vm1, v4  }
0x349: {  	v4 =	vld @!p2 [tilespmem:s11+$0xDF90]  }
0x34a: {  	_ =	sdelay $0x3  }
0x34b: {  	s9 =	sshra.s32 s14, $0x2;
	[tilespmem:s8+$0x14E80] =	vst.msk @!p2 vm1, v4  }
0x34c: {  	v4 =	vld [tilespmem:s9+$0xCB80];
	_ =	sdelay $0x7  }
0x34d: {  	v4 =	vld.idx.msk [tilespmem:v4+s1+$0x0], $0xffff;
	_ =	sdelay $0x4  }
0x34e: {  	vm1 =	vgt.s32 v4, $0xFFFFFFFF  }
0x34f: {  	v5 =	vsel vm1, $0x1, v3  }
0x350: {  	(xrf0) =	vadd.scan.msk.s32 $0xffff, v5;
	_ =	sdelay $0x5  }
0x351: {  	v5, _, _ =	vpop (xrf0)  }
0x352: {  	(v2sf) =	vpush v5, $0xF;
	_ =	sdelay $0xe  }
0x353: {  	s18 =	spop (v2sf)  }
0x354: {  	p1 =	slt.s32 s18, $0x1  }
0x355: {  	vm1 =	vgt.s32 @!p1 v4, $0xFFFFFFFF  }
0x356: {  	s11 =	sshra.s32 @!p1 s14, $0x2;
	[tilespmem:s3+$0xE980] =	vst.msk @!p1 vm1, v4  }
0x357: {  	v4 =	vld @!p1 [tilespmem:s11+$0xD580];
	_ =	sdelay $0x4  }
0x358: {  	v4 =	vadd.s32 @!p1 $0x61A8, v4  }
0x359: {  	[tilespmem:s3+$0x11C00] =	vst.msk @!p1 vm1, v4  }
0x35a: {  	v4 =	vld @!p1 [tilespmem:s11+$0xDF80];
	_ =	sdelay $0x4  }
0x35b: {  	[tilespmem:s3+$0x14E80] =	vst.msk @!p1 vm1, v4  }
0x35c: {  	v4 =	vld [tilespmem:s9+$0xCB90];
	_ =	sdelay $0x7  }
0x35d: {  	v4 =	vld.idx.msk [tilespmem:v4+s1+$0x0], $0xffff;
	_ =	sdelay $0x4  }
0x35e: {  	vm1 =	vgt.s32 v4, $0xFFFFFFFF  }
0x35f: {  	v5 =	vsel vm1, $0x1, v3  }
0x360: {  	(xrf0) =	vadd.scan.msk.s32 $0xffff, v5;
	_ =	sdelay $0x5  }
0x361: {  	v5, _, _ =	vpop (xrf0)  }
0x362: {  	(v2sf) =	vpush v5, $0xF;
	_ =	sdelay $0xe  }
0x363: {  	s28 =	spop (v2sf)  }
0x364: {  	p1 =	slt.s32 s28, $0x1  }
0x365: {  	s3 =	sadd.s32 s3, s18;
	vm1 =	vgt.s32 @!p1 v4, $0xFFFFFFFF  }
0x366: {  	s8 =	sshra.s32 @!p1 s14, $0x2;
	[tilespmem:s3+$0xE980] =	vst.msk @!p1 vm1, v4  }
0x367: {  	v4 =	vld @!p1 [tilespmem:s8+$0xD590];
	_ =	sdelay $0x4  }
0x368: {  	v4 =	vadd.s32 @!p1 $0x61A8, v4  }
0x369: {  	[tilespmem:s3+$0x11C00] =	vst.msk @!p1 vm1, v4  }
0x36a: {  	v4 =	vld @!p1 [tilespmem:s8+$0xDF90]  }
.Ltmp12:
0x36b: {  	_ = 	snop;
	(pc) =	sbr.rel @p0 .LBB2_18-.Ltmp12, $2  }
0x36c: {  	_ =	sdelay $0x2  }
0x36d: {  	s8 =	sadd.s32 s3, s28;
	[tilespmem:s3+$0x14E80] =	vst.msk @!p1 vm1, v4;
	s3 =	simm.s32 $0x1;
	p1 =	por $0x0, $0x0  }
0x36e: {  	s3 =	sadd.s32 $0xF, s8  }
0x36f: {  	s9 =	sand.u32 $0xF, s3  }
0x370: {  	s28 =	sshra.s32 s3, $0x1F;
	p1 =	slt.s32 s3, $0x1;
	p0 =	sne.s32 s9, $0x0  }
0x371: {  	s9 =	sshrl.u32 s28, $0x1C;
	p0 =	por !p1, !p0  }
0x372: {  	s3 =	sadd.s32 s9, s3;
	s9 =	simm.s32 $0x1;
	p0 =	por !p0, !p0  }
0x373: {  	s3 =	sshra.s32 s3, $0x4;
	s9 =	simm.s32 @!p0 $0x0  }
0x374: {  	s3 =	ssub.s32 s3, s9  }
0x375: {  	p0 =	slt.s32 s3, $0x1  }
.Ltmp13:
0x376: {  	_ = 	snop;
	(pc) =	sbr.rel @p0 .LBB2_25-.Ltmp13, $4  }
0x377: {  	_ = 	snop  }
0x378: {  	[tilespmem:s8+$0xE980] =	vst v3  }
0x379: {  	[tilespmem:s8+$0x11C00] =	vst v3  }
0x37a: {  	[tilespmem:s8+$0x14E80] =	vst v0;
	s11 =	simm.s32 $0x0;
	s9 =	simm.s32 $0x0  }
.LBB2_22:
0x37b: {  	s8 =	sshll.u32 s11, $0x4  }
0x37c: {  	v5 =	vld [tilespmem:s8+$0x11C00];
	_ =	sdelay $0x1  }
0x37d: {  	v6 =	vld [tilespmem:s8+$0x14E80];
	_ =	sdelay $0x4  }
0x37e: {  	v4 =	vld [tilespmem:s8+$0xE980];
	[tilespmem:$0x19100] =	vst v6  }
0x37f: {  	[tilespmem:s4], [sflag:$0x1] =	stream.indirect_vreg.gather [hbm4b:s23+s9], $0x80, v5, vm0, $0xb8;
	[tilespmem:$0x1D180] =	vst v63  }
0x380: {  	_ =	swait.ge [sflag:s7], $0x800  }
0x381: {  	v5 =	vmov s9;
	[sflag:s7] =	ssyncset.done $0x0  }
0x382: {  	s13 =	simm.s32 $0x18140;
	[sflag:s7] =	ssyncadd.s32 $0xFFFFF800  }
0x383: {  	v9 =	vld [tilespmem:s13+$0x30]  }
0x384: {  	v12 =	vld [tilespmem:s13+$0x10]  }
0x385: {  	v10 =	vld [tilespmem:s13+$0xFFFFFFC0]  }
0x386: {  	v6 =	vld.idx.msk [tilespmem:v5+s17+$0x0], $0xffff  }
0x387: {  	v14 =	vld [tilespmem:s13+$0xFFFFFFE0]  }
0x388: {  	v7 =	vld [tilespmem:s13+$0x20]  }
0x389: {  	v8 =	vld [tilespmem:s13+$0xFFFFFFD0]  }
0x38a: {  	v5 =	vld [tilespmem:s13+$0xFFFFFFF0]  }
0x38b: {  	v13 =	vmul.f32 v9, v6;
	v9 =	vld [tilespmem:s13+$0x0]  }
0x38c: {  	v11 =	vmul.f32 v10, v6  }
0x38d: {  	s14 =	simm.s32 $0x18140;
	s8 =	simm.s32 $0x1;
	v10 =	vmul.f32 v14, v6;
	v12 =	vmul.f32 v12, v6  }
.LBB2_23:
0x38e: {  	p0 =	sne.s32 s8, $0xF  }
0x38f: {  	v8 =	vmul.f32 v8, v6;
	v7 =	vmul.f32 v7, v6;
	[tilespmem:s13+$0x30] =	vst v13;
	s14 =	sadd.s32 $0x80, s14;
	s18 =	smov.u32 s8;
	s8 =	sadd.s32 $0x1, s8  }
0x390: {  	[tilespmem:s13+$0xFFFFFFC0] =	vst v11;
	v11 =	vmul.f32 v5, v6;
	v6 =	vmul.f32 v9, v6  }
0x391: {  	[tilespmem:s13+$0x10] =	vst v12  }
0x392: {  	v9 =	vmov s18;
	[tilespmem:s13+$0xFFFFFFE0] =	vst v10  }
0x393: {  	v5 =	vld [tilespmem:s14+$0xFFFFFFF0];
	[tilespmem:s13+$0xFFFFFFF0] =	vst v11  }
0x394: {  	v10 =	vld [tilespmem:s14+$0x30];
	[tilespmem:s13+$0x0] =	vst v6  }
0x395: {  	v12 =	vld [tilespmem:s14+$0x10];
	[tilespmem:s13+$0x20] =	vst v7  }
0x396: {  	v11 =	vld [tilespmem:s14+$0xFFFFFFC0];
	[tilespmem:s13+$0xFFFFFFD0] =	vst v8;
	s13 =	smov.u32 s14  }
0x397: {  	v6 =	vld.idx.msk [tilespmem:v9+s17+$0x0], $0xffff  }
0x398: {  	v14 =	vld [tilespmem:s14+$0xFFFFFFE0]  }
0x399: {  	v7 =	vld [tilespmem:s14+$0x20]  }
.Ltmp14:
0x39a: {  	v8 =	vld [tilespmem:s14+$0xFFFFFFD0];
	(pc) =	sbr.rel @p0 .LBB2_23-.Ltmp14, $3  }
0x39b: {  	v9 =	vld [tilespmem:s14+$0x0];
	_ =	sdelay $0x1  }
0x39c: {  	v11 =	vmul.f32 v11, v6;
	v13 =	vmul.f32 v10, v6  }
0x39d: {  	v12 =	vmul.f32 v12, v6;
	v10 =	vmul.f32 v14, v6  }
0x39e: {  	[tilespmem:s13+$0x30] =	vst v13  }
0x39f: {  	[tilespmem:s13+$0xFFFFFFC0] =	vst v11  }
0x3a0: {  	v5 =	vmul.f32 v5, v6;
	[tilespmem:s13+$0x10] =	vst v12  }
0x3a1: {  	v7 =	vmul.f32 v7, v6;
	[tilespmem:s13+$0xFFFFFFE0] =	vst v10  }
0x3a2: {  	v9 =	vmul.f32 v9, v6;
	[tilespmem:s13+$0xFFFFFFF0] =	vst v5  }
0x3a3: {  	s11 =	sadd.s32 $0x1, s11;
	v5 =	vmul.f32 v8, v6;
	[tilespmem:s13+$0x20] =	vst v7  }
0x3a4: {  	p0 =	sne.s32 s11, s3;
	[tilespmem:s13+$0x0] =	vst v9  }
.Ltmp15:
0x3a5: {  	[tilespmem:s13+$0xFFFFFFD0] =	vst v5;
	(pc) =	sbr.rel @p0 .LBB2_22-.Ltmp15, $4  }
0x3a6: {  	[spmem:s10] =	stream.indirect_vreg.scatter.add.f32 [tilespmem:s4], [sflag:$0x1], $0x80, v4, vm0, $0xb8;
	[tilespmem:$0x1D180] =	vst v63  }
0x3a7: {  	_ =	swait.ge [sflag:s7], $0x800  }
0x3a8: {  	[sflag:s7] =	ssyncset.done $0x0  }
0x3a9: {  	[sflag:s7] =	ssyncadd.s32 $0xFFFFF800  }
.LBB2_25:
0x3aa: {  	[bflag:$0x0] =	sbarrier.arrive $0xFFFF  }
0x3ab: {  	v4 =	vld [tilespmem:s20+$0x0];
	_ =	sdelay $0x6  }
0x3ac: {  	s3 =	simm.s32 $0x0  }
0x3ad: {  	v4 =	vld.idx.msk [tilespmem:v4+s3+$0x0], $0xffff;
	_ =	sdelay $0x7  }
0x3ae: {  	[tilespmem:s4], [sflag:$0x1] =	stream.indirect_vreg.gather [spmem:s10], $0x80, v4, vm0, $0xb8;
	[tilespmem:$0x1D180] =	vst v63  }
0x3af: {  	_ =	swait.ge [sflag:s7], $0x800  }
0x3b0: {  	[sflag:s7] =	ssyncset.done $0x0  }
0x3b1: {  	s8 =	rddreg [dreg:$0x19];
	[sflag:s7] =	ssyncadd.s32 $0xFFFFF800  }
0x3b2: {  	[hbm4b:s8+s3] =	stream.linear.scatter [tilespmem:s4], [sflag:$0x1], $0x800, $0x38;
	[tilespmem:$0x1D180] =	vst v63  }
0x3b3: {  	_ =	swait.ge [sflag:s7], $0x800  }
0x3b4: {  	[sflag:s7] =	ssyncset.done $0x0  }
0x3b5: {  	s11 =	rddreg [dreg:$0x12];
	[sflag:s7] =	ssyncadd.s32 $0xFFFFF800  }
0x3b6: {  	v4 =	vld [tilespmem:s11+$0x0];
	_ =	sdelay $0x7  }
0x3b7: {  	v4 =	vld.idx.msk [tilespmem:v4+s3+$0x0], $0xffff;
	_ =	sdelay $0x7  }
0x3b8: {  	[tilespmem:s4], [sflag:$0x1] =	stream.indirect_vreg.gather [spmem:s10], $0x80, v4, vm0, $0xb8;
	[tilespmem:$0x1D180] =	vst v63  }
0x3b9: {  	_ =	swait.ge [sflag:s7], $0x800  }
0x3ba: {  	[sflag:s7] =	ssyncset.done $0x0  }
0x3bb: {  	s13 =	rddreg [dreg:$0x1a];
	[sflag:s7] =	ssyncadd.s32 $0xFFFFF800  }
0x3bc: {  	[hbm4b:s13+s3] =	stream.linear.scatter [tilespmem:s4], [sflag:$0x1], $0x800, $0x38;
	[tilespmem:$0x1D180] =	vst v63  }
0x3bd: {  	_ =	swait.ge [sflag:s7], $0x800  }
0x3be: {  	[sflag:s7] =	ssyncset.done $0x0  }
0x3bf: {  	s14 =	rddreg [dreg:$0x13];
	[sflag:s7] =	ssyncadd.s32 $0xFFFFF800  }
0x3c0: {  	v4 =	vld [tilespmem:s14+$0x0];
	_ =	sdelay $0x7  }
0x3c1: {  	v4 =	vld.idx.msk [tilespmem:v4+s3+$0x0], $0xffff;
	_ =	sdelay $0x7  }
0x3c2: {  	[tilespmem:s4], [sflag:$0x1] =	stream.indirect_vreg.gather [spmem:s10], $0x80, v4, vm0, $0xb8;
	[tilespmem:$0x1D180] =	vst v63  }
0x3c3: {  	_ =	swait.ge [sflag:s7], $0x800  }
0x3c4: {  	[sflag:s7] =	ssyncset.done $0x0  }
0x3c5: {  	s18 =	rddreg [dreg:$0x1b];
	[sflag:s7] =	ssyncadd.s32 $0xFFFFF800  }
0x3c6: {  	[hbm4b:s18+s3] =	stream.linear.scatter [tilespmem:s4], [sflag:$0x1], $0x800, $0x38;
	[tilespmem:$0x1D180] =	vst v63  }
0x3c7: {  	_ =	swait.ge [sflag:s7], $0x800  }
0x3c8: {  	[sflag:s7] =	ssyncset.done $0x0  }
0x3c9: {  	s0 =	smov.u32 s20;
	s20 =	rddreg [dreg:$0x14];
	[sflag:s7] =	ssyncadd.s32 $0xFFFFF800  }
0x3ca: {  	v4 =	vld [tilespmem:s20+$0x0];
	_ =	sdelay $0x7  }
0x3cb: {  	v4 =	vld.idx.msk [tilespmem:v4+s3+$0x0], $0xffff;
	_ =	sdelay $0x7  }
0x3cc: {  	[tilespmem:s4], [sflag:$0x1] =	stream.indirect_vreg.gather [spmem:s10], $0x80, v4, vm0, $0xb8;
	[tilespmem:$0x1D180] =	vst v63  }
0x3cd: {  	_ =	swait.ge [sflag:s7], $0x800  }
0x3ce: {  	[sflag:s7] =	ssyncset.done $0x0  }
0x3cf: {  	s28 =	rddreg [dreg:$0x1c];
	[sflag:s7] =	ssyncadd.s32 $0xFFFFF800  }
0x3d0: {  	[hbm4b:s28+s3] =	stream.linear.scatter [tilespmem:s4], [sflag:$0x1], $0x800, $0x38;
	[tilespmem:$0x1D180] =	vst v63  }
0x3d1: {  	_ =	swait.ge [sflag:s7], $0x800  }
0x3d2: {  	[sflag:s7] =	ssyncset.done $0x0  }
0x3d3: {  	s8 =	simm.s32 $0x0;
	[sflag:s7] =	ssyncadd.s32 $0xFFFFF800  }
.LBB2_26:
0x3d4: {  	p0 =	sne.s32 s8, $0x30D00  }
.Ltmp16:
0x3d5: {  	s9 =	sshra.s32 s8, $0x2;
	(pc) =	sbr.rel @p0 .LBB2_26-.Ltmp16, $4  }
0x3d6: {  	[tilespmem:s9+$0x0] =	vst v1  }
0x3d7: {  	[tilespmem:s9+$0x10] =	vst v1  }
0x3d8: {  	[tilespmem:s9+$0x20] =	vst v1  }
0x3d9: {  	s8 =	sadd.s32 $0x100, s8;
	[tilespmem:s9+$0x30] =	vst v1  }
0x3da: {  	s8 =	simm.s32 $0xC380  }
0x3db: {  	s20 =	smov.u32 s19;
	s9 =	simm.s32 $0x10;
	v4 =	vld [tilespmem:s8+$0x0]  }
.LBB2_28:
0x3dc: {  	p0 =	sne.s32 s9, $0x3F0;
	_ =	sdelay $0x3  }
.Ltmp17:
0x3dd: {  	(pc) =	sbr.rel @p0 .LBB2_28-.Ltmp17, $4  }
0x3de: {  	_ = 	snop  }
0x3df: {  	v5 =	vor.u32 s3, v2;
	s11 =	simm.s32 $0x0;
	s3 =	smov.u32 s9  }
0x3e0: {  	s8 =	sadd.s32 $0x10, s8;
	[tilespmem:v4+s11+$0x0] =	vst.idx.msk $0xffff, v5  }
0x3e1: {  	s9 =	sadd.s32 $0x10, s9;
	v4 =	vld [tilespmem:s8+$0x0]  }
0x3e2: {  	_ =	sdelay $0x5  }
0x3e3: {  	s8 =	simm.s32 $0x400  }
0x3e4: {  	v5 =	vor.u32 s3, v2;
	s9 =	sand.u32 $0x70, s11;
	s28 =	sand.u32 $0x780, s8  }
0x3e5: {  	s3 =	sor.u32 s9, s28;
	[tilespmem:v4+s11+$0x0] =	vst.idx.msk $0xffff, v5  }
0x3e6: {  	v4 =	vld [tilespmem:s3+$0xC380];
	_ =	sdelay $0x4  }
0x3e7: {  	v4 =	vadd.s32 $0x61A8, v4;
	_ =	sdelay $0x2  }
0x3e8: {  	s9 =	simm.s32 $0x10;
	s11 =	simm.s32 $0x410;
	s3 =	simm.s32 $0x20  }
.LBB2_30:
0x3e9: {  	p0 =	sne.s32 s3, $0x3F0;
	s13 =	sand.u32 $0x780, s11;
	s9 =	sand.u32 $0x70, s9;
	v5 =	vor.u32 s8, v2  }
0x3ea: {  	s8 =	smov.u32 s11;
	s13 =	sor.u32 s9, s13;
	[tilespmem:v4+s1+$0x0] =	vst.idx.msk $0xffff, v5;
	s9 =	smov.u32 s3  }
0x3eb: {  	v4 =	vld [tilespmem:s13+$0xC380];
	_ =	sdelay $0x3  }
.Ltmp18:
0x3ec: {  	(pc) =	sbr.rel @p0 .LBB2_30-.Ltmp18, $2  }
0x3ed: {  	v4 =	vadd.s32 $0x61A8, v4;
	_ =	sdelay $0x2  }
0x3ee: {  	s3 =	sadd.s32 $0x10, s3;
	s11 =	sadd.s32 $0x400, s9  }
0x3ef: {  	_ =	sdelay $0x2  }
0x3f0: {  	s3 =	sand.u32 $0x780, s11;
	s9 =	sand.u32 $0x70, s9;
	v5 =	vor.u32 s8, v2  }
0x3f1: {  	s3 =	sor.u32 s9, s3;
	[tilespmem:v4+s1+$0x0] =	vst.idx.msk $0xffff, v5  }
0x3f2: {  	v4 =	vld [tilespmem:s3+$0xC380];
	_ =	sdelay $0x4  }
0x3f3: {  	v4 =	vadd.s32 $0x61A8, v4;
	_ =	sdelay $0x3  }
0x3f4: {  	v5 =	vor.u32 s11, v2  }
0x3f5: {  	[tilespmem:v4+s1+$0x0] =	vst.idx.msk $0xffff, v5  }
0x3f6: {  	[bflag:$0x0] =	sbarrier.arrive $0xFFFF  }
0x3f7: {  	s8 =	sld [smem:$0x7FC];
	_ =	sdelay $0x2  }
0x3f8: {  	[spmem:s8] =	stream.linear.scatter [tilespmem:s2], [sflag:$0x1], $0x800, $0x38;
	[tilespmem:$0x1D180] =	vst v63  }
0x3f9: {  	_ =	swait.ge [sflag:s7], $0x800  }
0x3fa: {  	s9 =	sld [smem:$0x7F6]  }
0x3fb: {  	[sflag:s7] =	ssyncset.done $0x0  }
0x3fc: {  	[sflag:s7] =	ssyncadd.s32 $0xFFFFF800  }
0x3fd: {  	[spmem:s9] =	stream.linear.scatter [tilespmem:s2], [sflag:$0x1], $0x800, $0x38;
	[tilespmem:$0x1D180] =	vst v63  }
0x3fe: {  	_ =	swait.ge [sflag:s7], $0x800  }
0x3ff: {  	s11 =	sld [smem:$0x7F7]  }
0x400: {  	[sflag:s7] =	ssyncset.done $0x0  }
0x401: {  	[sflag:s7] =	ssyncadd.s32 $0xFFFFF800  }
0x402: {  	[spmem:s11] =	stream.linear.scatter [tilespmem:s2], [sflag:$0x1], $0x800, $0x38;
	[tilespmem:$0x1D180] =	vst v63  }
0x403: {  	_ =	swait.ge [sflag:s7], $0x800  }
0x404: {  	s13 =	sld [smem:$0x7F8]  }
0x405: {  	[sflag:s7] =	ssyncset.done $0x0  }
0x406: {  	[sflag:s7] =	ssyncadd.s32 $0xFFFFF800  }
0x407: {  	[spmem:s13] =	stream.linear.scatter [tilespmem:s2], [sflag:$0x1], $0x800, $0x38;
	[tilespmem:$0x1D180] =	vst v63  }
0x408: {  	_ =	swait.ge [sflag:s7], $0x800  }
0x409: {  	s14 =	sld [smem:$0x7F9]  }
0x40a: {  	[sflag:s7] =	ssyncset.done $0x0  }
0x40b: {  	[sflag:s7] =	ssyncadd.s32 $0xFFFFF800  }
0x40c: {  	[spmem:s14] =	stream.linear.scatter [tilespmem:s2], [sflag:$0x1], $0x800, $0x38;
	[tilespmem:$0x1D180] =	vst v63  }
0x40d: {  	_ =	swait.ge [sflag:s7], $0x800  }
0x40e: {  	s18 =	sld [smem:$0x7FA]  }
0x40f: {  	[sflag:s7] =	ssyncset.done $0x0  }
0x410: {  	[sflag:s7] =	ssyncadd.s32 $0xFFFFF800  }
0x411: {  	[spmem:s18] =	stream.linear.scatter [tilespmem:s2], [sflag:$0x1], $0x800, $0x38;
	[tilespmem:$0x1D180] =	vst v63  }
0x412: {  	_ =	swait.ge [sflag:s7], $0x800  }
0x413: {  	s19 =	sld [smem:$0x7FB]  }
0x414: {  	[sflag:s7] =	ssyncset.done $0x0  }
0x415: {  	[sflag:s7] =	ssyncadd.s32 $0xFFFFF800  }
0x416: {  	[spmem:s19] =	stream.linear.scatter [tilespmem:s2], [sflag:$0x1], $0x800, $0x38;
	[tilespmem:$0x1D180] =	vst v63  }
0x417: {  	_ =	swait.ge [sflag:s7], $0x800  }
0x418: {  	s28 =	sld [smem:$0x7FD]  }
0x419: {  	[sflag:s7] =	ssyncset.done $0x0  }
0x41a: {  	[sflag:s7] =	ssyncadd.s32 $0xFFFFF800  }
0x41b: {  	[spmem:s28] =	stream.linear.scatter [tilespmem:s2], [sflag:$0x1], $0x800, $0x38;
	[tilespmem:$0x1D180] =	vst v63  }
0x41c: {  	_ =	swait.ge [sflag:s7], $0x800  }
0x41d: {  	[sflag:s7] =	ssyncset.done $0x0  }
0x41e: {  	s8 =	simm.s32 $0x0;
	[sflag:s7] =	ssyncadd.s32 $0xFFFFF800  }
0x41f: {  	s13 =	simm.s32 $0x0;
	s14 =	simm.s32 $0x0;
	[bflag:$0x0] =	sbarrier.arrive $0xFFFF  }
.LBB2_32:
0x420: {  	s3 =	sadd.s32 s6, s14  }
0x421: {  	s3 =	smul.u32 $0x140, s3;
	_ =	sdelay $0x1  }
0x422: {  	s9 =	sadd.s32 s24, s3  }
0x423: {  	[tilespmem:s5], [sflag:$0x1] =	stream.linear.gather [hbm4b:s9+s13], $0xA00, $0x38;
	[tilespmem:$0x1D180] =	vst v63  }
0x424: {  	_ =	swait.ge [sflag:s7], $0xA00  }
0x425: {  	[sflag:s7] =	ssyncset.done $0x0  }
0x426: {  	s19 =	sadd.s32 s25, s3;
	[sflag:s7] =	ssyncadd.s32 $0xFFFFF600  }
0x427: {  	[tilespmem:s15], [sflag:$0x1] =	stream.linear.gather [hbm4b:s19+s13], $0xA00, $0x38;
	[tilespmem:$0x1D180] =	vst v63  }
0x428: {  	_ =	swait.ge [sflag:s7], $0xA00  }
0x429: {  	[sflag:s7] =	ssyncset.done $0x0  }
0x42a: {  	s3 =	sadd.s32 s26, s3;
	[sflag:s7] =	ssyncadd.s32 $0xFFFFF600  }
0x42b: {  	[tilespmem:s16], [sflag:$0x1] =	stream.linear.gather [hbm4b:s3+s13], $0xA00, $0x38;
	[tilespmem:$0x1D180] =	vst v63  }
0x42c: {  	_ =	swait.ge [sflag:s7], $0xA00  }
0x42d: {  	[sflag:s7] =	ssyncset.done $0x0  }
0x42e: {  	s9 =	simm.s32 $0x0;
	[sflag:s7] =	ssyncadd.s32 $0xFFFFF600  }
0x42f: {  	v4 =	vld [tilespmem:s9+$0xCB80];
	_ =	sdelay $0x7  }
0x430: {  	v4 =	vld.idx.msk [tilespmem:v4+s1+$0x0], $0xffff;
	_ =	sdelay $0x4  }
0x431: {  	vm1 =	vgt.s32 v4, $0xFFFFFFFF  }
0x432: {  	v5 =	vsel vm1, $0x1, v3  }
0x433: {  	(xrf0) =	vadd.scan.msk.s32 $0xffff, v5;
	_ =	sdelay $0x5  }
0x434: {  	v5, _, _ =	vpop (xrf0)  }
0x435: {  	(v2sf) =	vpush v5, $0xF;
	_ =	sdelay $0xe  }
0x436: {  	s18 =	spop (v2sf)  }
0x437: {  	p0 =	slt.s32 s18, $0x1  }
0x438: {  	vm1 =	vgt.s32 @!p0 v4, $0xFFFFFFFF  }
0x439: {  	s11 =	simm.s32 @!p0 $0x0;
	[tilespmem:s8+$0xE980] =	vst.msk @!p0 vm1, v4  }
0x43a: {  	v4 =	vld @!p0 [tilespmem:s11+$0xD580];
	_ =	sdelay $0x4  }
0x43b: {  	[tilespmem:s8+$0x11C00] =	vst.msk @!p0 vm1, v4  }
0x43c: {  	v4 =	vld @!p0 [tilespmem:s11+$0xDF80];
	_ =	sdelay $0x4  }
0x43d: {  	[tilespmem:s8+$0x14E80] =	vst.msk @!p0 vm1, v4  }
0x43e: {  	v4 =	vld [tilespmem:s9+$0xCB90];
	_ =	sdelay $0x7  }
0x43f: {  	v4 =	vld.idx.msk [tilespmem:v4+s1+$0x0], $0xffff;
	_ =	sdelay $0x4  }
0x440: {  	vm1 =	vgt.s32 v4, $0xFFFFFFFF  }
0x441: {  	v5 =	vsel vm1, $0x1, v3  }
0x442: {  	(xrf0) =	vadd.scan.msk.s32 $0xffff, v5;
	_ =	sdelay $0x5  }
0x443: {  	v5, _, _ =	vpop (xrf0)  }
0x444: {  	(v2sf) =	vpush v5, $0xF;
	_ =	sdelay $0xe  }
0x445: {  	s19 =	spop (v2sf)  }
0x446: {  	p1 =	slt.s32 s19, $0x1  }
0x447: {  	s18 =	sadd.s32 s8, s18;
	vm1 =	vgt.s32 @!p1 v4, $0xFFFFFFFF  }
0x448: {  	s8 =	simm.s32 @!p1 $0x0;
	[tilespmem:s18+$0xE980] =	vst.msk @!p1 vm1, v4  }
0x449: {  	v4 =	vld @!p1 [tilespmem:s8+$0xD590];
	_ =	sdelay $0x4  }
0x44a: {  	[tilespmem:s18+$0x11C00] =	vst.msk @!p1 vm1, v4  }
0x44b: {  	s28 =	simm.s32 $0x100;
	s3 =	simm.s32 $0x80;
	s9 =	sadd.s32 s18, s19;
	v4 =	vld @!p1 [tilespmem:s8+$0xDF90]  }
.LBB2_33:
0x44c: {  	_ =	sdelay $0x3  }
0x44d: {  	s8 =	sshra.s32 s3, $0x2;
	s11 =	smov.u32 s28;
	s28 =	sadd.s32 $0x80, s28;
	[tilespmem:s18+$0x14E80] =	vst.msk @!p1 vm1, v4  }
0x44e: {  	p0 =	sne.s32 s28, $0x2800;
	v4 =	vld [tilespmem:s8+$0xCB80];
	_ =	sdelay $0x7  }
0x44f: {  	v4 =	vld.idx.msk [tilespmem:v4+s1+$0x0], $0xffff;
	_ =	sdelay $0x5  }
0x450: {  	vm1 =	vgt.s32 v4, $0xFFFFFFFF  }
0x451: {  	v5 =	vsel vm1, $0x1, v3  }
0x452: {  	(xrf0) =	vadd.scan.msk.s32 $0xffff, v5;
	_ =	sdelay $0x5  }
0x453: {  	v5, _, _ =	vpop (xrf0)  }
0x454: {  	(v2sf) =	vpush v5, $0xF;
	_ =	sdelay $0xe  }
0x455: {  	s18 =	spop (v2sf)  }
0x456: {  	p1 =	slt.s32 s18, $0x1  }
0x457: {  	vm1 =	vgt.s32 @!p1 v4, $0xFFFFFFFF  }
0x458: {  	s19 =	sshra.s32 @!p1 s3, $0x2;
	[tilespmem:s9+$0xE980] =	vst.msk @!p1 vm1, v4  }
0x459: {  	v4 =	vld @!p1 [tilespmem:s19+$0xD580];
	_ =	sdelay $0x4  }
0x45a: {  	[tilespmem:s9+$0x11C00] =	vst.msk @!p1 vm1, v4  }
0x45b: {  	v4 =	vld @!p1 [tilespmem:s19+$0xDF80];
	_ =	sdelay $0x4  }
0x45c: {  	[tilespmem:s9+$0x14E80] =	vst.msk @!p1 vm1, v4  }
0x45d: {  	v4 =	vld [tilespmem:s8+$0xCB90];
	_ =	sdelay $0x7  }
0x45e: {  	v4 =	vld.idx.msk [tilespmem:v4+s1+$0x0], $0xffff;
	_ =	sdelay $0x5  }
0x45f: {  	vm1 =	vgt.s32 v4, $0xFFFFFFFF  }
0x460: {  	v5 =	vsel vm1, $0x1, v3  }
0x461: {  	(xrf0) =	vadd.scan.msk.s32 $0xffff, v5;
	_ =	sdelay $0x5  }
0x462: {  	v5, _, _ =	vpop (xrf0)  }
0x463: {  	(v2sf) =	vpush v5, $0xF;
	_ =	sdelay $0xe  }
0x464: {  	s18 =	sadd.s32 s9, s18;
	s8 =	spop (v2sf)  }
0x465: {  	p1 =	slt.s32 s8, $0x1;
	s9 =	sadd.s32 s18, s8  }
0x466: {  	vm1 =	vgt.s32 @!p1 v4, $0xFFFFFFFF  }
0x467: {  	s8 =	sshra.s32 @!p1 s3, $0x2;
	s3 =	smov.u32 s11;
	[tilespmem:s18+$0xE980] =	vst.msk @!p1 vm1, v4  }
0x468: {  	v4 =	vld @!p1 [tilespmem:s8+$0xD590];
	_ =	sdelay $0x1  }
.Ltmp19:
0x469: {  	(pc) =	sbr.rel @p0 .LBB2_33-.Ltmp19, $3  }
0x46a: {  	_ =	sdelay $0x1  }
0x46b: {  	[tilespmem:s18+$0x11C00] =	vst.msk @!p1 vm1, v4  }
0x46c: {  	v4 =	vld @!p1 [tilespmem:s8+$0xDF90]  }
0x46d: {  	_ =	sdelay $0x3  }
0x46e: {  	s8 =	sshra.s32 s3, $0x2;
	[tilespmem:s18+$0x14E80] =	vst.msk @!p1 vm1, v4  }
0x46f: {  	v4 =	vld [tilespmem:s8+$0xCB80];
	_ =	sdelay $0x7  }
0x470: {  	v4 =	vld.idx.msk [tilespmem:v4+s1+$0x0], $0xffff;
	_ =	sdelay $0x4  }
0x471: {  	vm1 =	vgt.s32 v4, $0xFFFFFFFF  }
0x472: {  	v5 =	vsel vm1, $0x1, v3  }
0x473: {  	(xrf0) =	vadd.scan.msk.s32 $0xffff, v5;
	_ =	sdelay $0x5  }
0x474: {  	v5, _, _ =	vpop (xrf0)  }
0x475: {  	(v2sf) =	vpush v5, $0xF;
	_ =	sdelay $0xe  }
0x476: {  	s11 =	spop (v2sf)  }
0x477: {  	p0 =	slt.s32 s11, $0x1  }
0x478: {  	vm1 =	vgt.s32 @!p0 v4, $0xFFFFFFFF  }
0x479: {  	s18 =	sshra.s32 @!p0 s3, $0x2;
	[tilespmem:s9+$0xE980] =	vst.msk @!p0 vm1, v4  }
0x47a: {  	v4 =	vld @!p0 [tilespmem:s18+$0xD580];
	_ =	sdelay $0x4  }
0x47b: {  	[tilespmem:s9+$0x11C00] =	vst.msk @!p0 vm1, v4  }
0x47c: {  	v4 =	vld @!p0 [tilespmem:s18+$0xDF80];
	_ =	sdelay $0x4  }
0x47d: {  	[tilespmem:s9+$0x14E80] =	vst.msk @!p0 vm1, v4  }
0x47e: {  	v4 =	vld [tilespmem:s8+$0xCB90];
	_ =	sdelay $0x7  }
0x47f: {  	v4 =	vld.idx.msk [tilespmem:v4+s1+$0x0], $0xffff;
	_ =	sdelay $0x4  }
0x480: {  	vm1 =	vgt.s32 v4, $0xFFFFFFFF  }
0x481: {  	v5 =	vsel vm1, $0x1, v3  }
0x482: {  	(xrf0) =	vadd.scan.msk.s32 $0xffff, v5;
	_ =	sdelay $0x5  }
0x483: {  	v5, _, _ =	vpop (xrf0)  }
0x484: {  	(v2sf) =	vpush v5, $0xF;
	_ =	sdelay $0xe  }
0x485: {  	s28 =	spop (v2sf)  }
0x486: {  	p0 =	slt.s32 s28, $0x1  }
0x487: {  	s9 =	sadd.s32 s9, s11;
	vm1 =	vgt.s32 @!p0 v4, $0xFFFFFFFF  }
0x488: {  	s3 =	sshra.s32 @!p0 s3, $0x2;
	[tilespmem:s9+$0xE980] =	vst.msk @!p0 vm1, v4  }
0x489: {  	v4 =	vld @!p0 [tilespmem:s3+$0xD590];
	_ =	sdelay $0x4  }
0x48a: {  	s14 =	sadd.s32 $0x1, s14;
	[tilespmem:s9+$0x11C00] =	vst.msk @!p0 vm1, v4  }
0x48b: {  	p1 =	sne.s32 s14, $0x5;
	v4 =	vld @!p0 [tilespmem:s3+$0xDF90]  }
.Ltmp20:
0x48c: {  	_ = 	snop;
	(pc) =	sbr.rel @p1 .LBB2_32-.Ltmp20, $2  }
0x48d: {  	_ =	sdelay $0x2  }
0x48e: {  	s8 =	sadd.s32 s9, s28;
	[tilespmem:s9+$0x14E80] =	vst.msk @!p0 vm1, v4  }
0x48f: {  	s3 =	sadd.s32 $0xF, s8  }
0x490: {  	s9 =	sand.u32 $0xF, s3  }
0x491: {  	s28 =	sshra.s32 s3, $0x1F;
	p1 =	slt.s32 s3, $0x1;
	p0 =	sne.s32 s9, $0x0  }
0x492: {  	s9 =	sshrl.u32 s28, $0x1C;
	p0 =	por !p1, !p0  }
0x493: {  	s3 =	sadd.s32 s9, s3;
	s9 =	simm.s32 $0x1;
	p0 =	por !p0, !p0  }
0x494: {  	s3 =	sshra.s32 s3, $0x4;
	s9 =	simm.s32 @!p0 $0x0  }
0x495: {  	s3 =	ssub.s32 s3, s9  }
0x496: {  	p0 =	slt.s32 s3, $0x1  }
.Ltmp21:
0x497: {  	_ = 	snop;
	(pc) =	sbr.rel @p0 .LBB2_39-.Ltmp21, $4  }
0x498: {  	_ = 	snop  }
0x499: {  	[tilespmem:s8+$0xE980] =	vst v3  }
0x49a: {  	[tilespmem:s8+$0x11C00] =	vst v3;
	s11 =	simm.s32 $0x0  }
0x49b: {  	[tilespmem:s8+$0x14E80] =	vst v0;
	s19 =	smov.u32 s20;
	s20 =	smov.u32 s0;
	s9 =	simm.s32 $0x0  }
.LBB2_36:
0x49c: {  	s8 =	sshll.u32 s11, $0x4  }
0x49d: {  	v5 =	vld [tilespmem:s8+$0x11C00];
	_ =	sdelay $0x1  }
0x49e: {  	v6 =	vld [tilespmem:s8+$0x14E80];
	_ =	sdelay $0x4  }
0x49f: {  	v4 =	vld [tilespmem:s8+$0xE980];
	[tilespmem:$0x19100] =	vst v6  }
0x4a0: {  	[tilespmem:s4], [sflag:$0x1] =	stream.indirect_vreg.gather [hbm4b:s21+s9], $0x80, v5, vm0, $0xb8;
	[tilespmem:$0x1D180] =	vst v63  }
0x4a1: {  	_ =	swait.ge [sflag:s7], $0x800  }
0x4a2: {  	v5 =	vmov s9;
	[sflag:s7] =	ssyncset.done $0x0  }
0x4a3: {  	s13 =	simm.s32 $0x18140;
	[sflag:s7] =	ssyncadd.s32 $0xFFFFF800  }
0x4a4: {  	v9 =	vld [tilespmem:s13+$0x30]  }
0x4a5: {  	v12 =	vld [tilespmem:s13+$0x10]  }
0x4a6: {  	v10 =	vld [tilespmem:s13+$0xFFFFFFC0]  }
0x4a7: {  	v6 =	vld.idx.msk [tilespmem:v5+s17+$0x0], $0xffff  }
0x4a8: {  	v14 =	vld [tilespmem:s13+$0xFFFFFFE0]  }
0x4a9: {  	v7 =	vld [tilespmem:s13+$0x20]  }
0x4aa: {  	v8 =	vld [tilespmem:s13+$0xFFFFFFD0]  }
0x4ab: {  	v5 =	vld [tilespmem:s13+$0xFFFFFFF0]  }
0x4ac: {  	v13 =	vmul.f32 v9, v6;
	v9 =	vld [tilespmem:s13+$0x0]  }
0x4ad: {  	v11 =	vmul.f32 v10, v6  }
0x4ae: {  	s14 =	simm.s32 $0x18140;
	s8 =	simm.s32 $0x1;
	v10 =	vmul.f32 v14, v6;
	v12 =	vmul.f32 v12, v6  }
.LBB2_37:
0x4af: {  	p0 =	sne.s32 s8, $0xF  }
0x4b0: {  	v8 =	vmul.f32 v8, v6;
	v7 =	vmul.f32 v7, v6;
	[tilespmem:s13+$0x30] =	vst v13;
	s14 =	sadd.s32 $0x80, s14;
	s18 =	smov.u32 s8;
	s8 =	sadd.s32 $0x1, s8  }
0x4b1: {  	[tilespmem:s13+$0xFFFFFFC0] =	vst v11;
	v11 =	vmul.f32 v5, v6;
	v6 =	vmul.f32 v9, v6  }
0x4b2: {  	[tilespmem:s13+$0x10] =	vst v12  }
0x4b3: {  	v9 =	vmov s18;
	[tilespmem:s13+$0xFFFFFFE0] =	vst v10  }
0x4b4: {  	v5 =	vld [tilespmem:s14+$0xFFFFFFF0];
	[tilespmem:s13+$0xFFFFFFF0] =	vst v11  }
0x4b5: {  	v10 =	vld [tilespmem:s14+$0x30];
	[tilespmem:s13+$0x0] =	vst v6  }
0x4b6: {  	v12 =	vld [tilespmem:s14+$0x10];
	[tilespmem:s13+$0x20] =	vst v7  }
0x4b7: {  	v11 =	vld [tilespmem:s14+$0xFFFFFFC0];
	[tilespmem:s13+$0xFFFFFFD0] =	vst v8;
	s13 =	smov.u32 s14  }
0x4b8: {  	v6 =	vld.idx.msk [tilespmem:v9+s17+$0x0], $0xffff  }
0x4b9: {  	v14 =	vld [tilespmem:s14+$0xFFFFFFE0]  }
0x4ba: {  	v7 =	vld [tilespmem:s14+$0x20]  }
.Ltmp22:
0x4bb: {  	v8 =	vld [tilespmem:s14+$0xFFFFFFD0];
	(pc) =	sbr.rel @p0 .LBB2_37-.Ltmp22, $3  }
0x4bc: {  	v9 =	vld [tilespmem:s14+$0x0];
	_ =	sdelay $0x1  }
0x4bd: {  	v11 =	vmul.f32 v11, v6;
	v13 =	vmul.f32 v10, v6  }
0x4be: {  	v12 =	vmul.f32 v12, v6;
	v10 =	vmul.f32 v14, v6  }
0x4bf: {  	[tilespmem:s13+$0x30] =	vst v13  }
0x4c0: {  	[tilespmem:s13+$0xFFFFFFC0] =	vst v11  }
0x4c1: {  	v5 =	vmul.f32 v5, v6;
	[tilespmem:s13+$0x10] =	vst v12  }
0x4c2: {  	v7 =	vmul.f32 v7, v6;
	[tilespmem:s13+$0xFFFFFFE0] =	vst v10  }
0x4c3: {  	v9 =	vmul.f32 v9, v6;
	[tilespmem:s13+$0xFFFFFFF0] =	vst v5  }
0x4c4: {  	v5 =	vmul.f32 v8, v6;
	[tilespmem:s13+$0x20] =	vst v7  }
0x4c5: {  	s11 =	sadd.s32 $0x1, s11;
	[tilespmem:s13+$0x0] =	vst v9  }
0x4c6: {  	p0 =	sne.s32 s11, s3;
	[tilespmem:s13+$0xFFFFFFD0] =	vst v5  }
0x4c7: {  	[spmem:s10] =	stream.indirect_vreg.scatter.add.f32 [tilespmem:s4], [sflag:$0x1], $0x80, v4, vm0, $0xb8;
	[tilespmem:$0x1D180] =	vst v63  }
.Ltmp23:
0x4c8: {  	_ = 	snop;
	(pc) =	sbr.rel @p0 .LBB2_36-.Ltmp23, $4  }
.Ltmp24:
0x4c9: {  	_ = 	snop;
	(pc) =	sbr.rel @!p0 .LBB2_39-.Ltmp24, $4  }
0x4ca: {  	_ =	swait.ge [sflag:s7], $0x800  }
0x4cb: {  	[sflag:s7] =	ssyncset.done $0x0  }
0x4cc: {  	[sflag:s7] =	ssyncadd.s32 $0xFFFFF800  }
0x4cd: {  	_ = 	snop  }
.LBB2_40:
0x4ce: {  	_ =	sfence.sel $0x180000  }
0x4cf: {  	[bflag:$0x0] =	sbarrier.arrive $0xFFFF  }
0x4d0: {  	_ =	strace $0x90000047  }
0x4d1: {  	s0 =	stileid.u32;
	[bflag:$0x2] =	sbarrier.arrive $0xFFFF  }
0x4d2: {  	p0 =	sne.s32 s0, $0x0;
	s0 =	rddreg [dreg:$0x6]  }
0x4d3: {  	s0 =	sadd.s32 @!p0 $0x100000, s0  }
0x4d4: {  	[sflag:s0] =	ssyncadd.tile.s32 @!p0 $0x1;
	_ =	shalt  }
.Lfunc_end2:
_tile_overlayer_lowered:
.L_overlay_start_2:
0x4d5: {  	(tag) =	ssettag $0x2  }
0x4d6: {  	s0 =	rddreg [dreg:$0x0];
	s2 =	stileid.u32  }
0x4d7: {  	s1 =	rddreg [dreg:$0x1];
	p0 =	sne.s32 s2, $0x0  }
0x4d8: {  	s3 =	rddreg [dreg:$0x2];
	[bflag:$0x3] =	sbarrier.arrive $0xFFFF;
	s2 =	simm.s32 @!p0 $0x1C01  }
0x4d9: {  	[timem:s3], [sflag:s2] =	dma.local @!p0 [hbm:s0], s1  }
0x4da: {  	s0 =	simm.s32 @!p0 $0x1  }
0x4db: {  	_ =	swait.ge @!p0 [sflag:s0], s1  }
0x4dc: {  	s1 =	ssub.s32 @!p0 $0x0, s1;
	[sflag:s0] =	ssyncset.done @!p0 $0x0  }
0x4dd: {  	[sflag:s0] =	ssyncadd.s32 @!p0 s1  }
0x4de: {  	[bflag:$0x3] =	sbarrier.arrive $0xFFFF  }
0x4df: {  	_ =	shalt  }

</sc_bundles>
